<compile_context>
chip_gen: v7x
topology: tpu7x:2x2x1
jax: 0.10.2.dev20260603
libtpu: 0.0.44.dev20260713+nightly
codegen_flags: <defaults>
</compile_context>

<pallas_src>
import functools

import jax
import jax.numpy as jnp
from jax import lax
from jax.experimental import pallas as pl
from jax.experimental.pallas import tpu as pltpu
from jax.experimental.pallas import tpu_sc as plsc

N = 10000
E = 160000
D = 256
H = 256
NLAYERS = 10
Z = 64

NC = 2
NS = 16
HALF = 128
CHUNK = 128
EPAD = 163840
CPS = EPAD // (NS * CHUNK)
NP = 10240
ROWS_PS = NP // NS


def _sc_agg(h2, srcw, dstw):
    mesh = plsc.VectorSubcoreMesh(
        core_axis_name="c", subcore_axis_name="s", num_cores=NC, num_subcores=NS
    )

    @functools.partial(
        pl.kernel,
        out_type=jax.ShapeDtypeStruct((2 * NP, HALF), jnp.float32),
        mesh=mesh,
        scratch_types=[
            pltpu.VMEM((CPS, CHUNK), jnp.int32),
            pltpu.VMEM((CPS, CHUNK), jnp.int32),
            pltpu.VMEM((CHUNK, HALF), jnp.float32),
            pltpu.SemaphoreType.DMA,
            pltpu.VMEM_SHARED((NP, HALF), jnp.float32),
        ],
    )
    def k(h2_hbm, src_hbm, dst_hbm, out_hbm, sidx, didx, rows, gsem, aggsh):
        c = lax.axis_index("c")
        s = lax.axis_index("s")
        pltpu.sync_copy(src_hbm.at[c, s], sidx)
        pltpu.sync_copy(dst_hbm.at[s], didx)
        pltpu.sync_copy(
            h2_hbm.at[pl.ds(c * NP + s * ROWS_PS, ROWS_PS)],
            aggsh.at[pl.ds(s * ROWS_PS, ROWS_PS)],
        )
        plsc.subcore_barrier()

        def chunk(j, carry):
            pltpu.async_copy(h2_hbm.at[sidx.at[j]], rows, gsem).wait()
            pltpu.sync_copy(rows, aggsh.at[didx.at[j]], add=True)
            return carry

        lax.fori_loop(0, CPS, chunk, 0)
        plsc.subcore_barrier()
        pltpu.sync_copy(
            aggsh.at[pl.ds(s * ROWS_PS, ROWS_PS)],
            out_hbm.at[pl.ds(c * NP + s * ROWS_PS, ROWS_PS)],
        )

    return k(h2, srcw, dstw)


def _mlp(m2, w1, b1, w2, b2, relu):
    R = 1280
    G = NP // R

    def body(m_ref, w1_ref, b1_ref, w2_ref, b2_ref, out_ref):
        m = jnp.concatenate([m_ref[0], m_ref[1]], axis=1)
        t = jnp.dot(m, w1_ref[...], preferred_element_type=jnp.float32) + b1_ref[...]
        t = jnp.maximum(t, 0.0)
        h = jnp.dot(t, w2_ref[...], preferred_element_type=jnp.float32) + b2_ref[...]
        if relu:
            h = jnp.maximum(h, 0.0)
        out_ref[0] = h[:, :HALF]
        out_ref[1] = h[:, HALF:]

    return pl.pallas_call(
        body,
        grid=(G,),
        in_specs=[
            pl.BlockSpec((2, R, HALF), lambda i: (0, i, 0)),
            pl.BlockSpec((H, H), lambda i: (0, 0)),
            pl.BlockSpec((1, H), lambda i: (0, 0)),
            pl.BlockSpec((H, H), lambda i: (0, 0)),
            pl.BlockSpec((1, H), lambda i: (0, 0)),
        ],
        out_specs=pl.BlockSpec((2, R, HALF), lambda i: (0, i, 0)),
        out_shape=jax.ShapeDtypeStruct((2, NP, HALF), jnp.float32),
    )(m2, w1, b1, w2, b2)


def _heads(h2, wcat, bcat):
    R = 1280
    G = NP // R

    def body(h_ref, w_ref, b_ref, out_ref):
        h = jnp.concatenate([h_ref[0], h_ref[1]], axis=1)
        y = jnp.dot(h, w_ref[...], preferred_element_type=jnp.float32) + b_ref[...]
        mean = y[:, :Z]
        x = y[:, Z:]
        sp = jnp.maximum(x, 0.0) + jnp.log(1.0 + jnp.exp(-jnp.abs(x)))
        out_ref[...] = jnp.concatenate([mean, sp], axis=1)

    return pl.pallas_call(
        body,
        grid=(G,),
        in_specs=[
            pl.BlockSpec((2, R, HALF), lambda i: (0, i, 0)),
            pl.BlockSpec((H, 2 * Z), lambda i: (0, 0)),
            pl.BlockSpec((1, 2 * Z), lambda i: (0, 0)),
        ],
        out_specs=pl.BlockSpec((R, 2 * Z), lambda i: (i, 0)),
        out_shape=jax.ShapeDtypeStruct((NP, 2 * Z), jnp.float32),
    )(h2, wcat, bcat)


def kernel(x, edge_list, W1, b1, W2, b2, Wm, bm, Ws, bs):
    src = edge_list[0].astype(jnp.int32)
    dst = edge_list[1].astype(jnp.int32)
    order = jnp.argsort(dst)
    src = src[order]
    dst = dst[order]
    pad = EPAD - E
    src_p = jnp.concatenate([src, jnp.zeros((pad,), jnp.int32)]).reshape(NS, CPS, CHUNK)
    dst_p = jnp.concatenate([dst, jnp.full((pad,), N, jnp.int32)]).reshape(NS, CPS, CHUNK)
    srcw = jnp.stack([src_p, src_p + NP])
    zpad = jnp.zeros((NP - N, HALF), jnp.float32)
    h2 = jnp.concatenate([x[:, :HALF], zpad, x[:, HALF:], zpad], axis=0)

    b1r = b1.reshape(NLAYERS, 1, H)
    b2r = b2.reshape(NLAYERS, 1, H)
    for i in range(NLAYERS):
        m2 = _sc_agg(h2, srcw, dst_p)
        h2 = _mlp(
            m2.reshape(2, NP, HALF), W1[i], b1r[i], W2[i], b2r[i],
            relu=(i < NLAYERS - 1),
        ).reshape(2 * NP, HALF)

    wcat = jnp.concatenate([Wm, Ws], axis=1)
    bcat = jnp.concatenate([bm, bs]).reshape(1, 2 * Z)
    y = _heads(h2.reshape(2, NP, HALF), wcat, bcat)
    return y[:N, :Z], y[:N, Z:]

# --- scband reference (transcript-rebuilt; emitter-appended) ---
"""Pipeline reference for scband-encoder-57157424775321 (READ-ONLY COPY).

The authoritative reference and input builder live on the scoring server;
editing this copy changes nothing except your own understanding.
"""

import jax, jax.numpy as jnp
import numpy as np

N = 10000   # nodes
E = 160000  # edges
D = 256     # in_features
H = 256     # hidden_dim
L = 10      # n_gin_layers
Z = 64      # latent_dim


def setup_inputs(seed: int = 0) -> dict:
    key = jax.random.key(seed)
    ks = jax.random.split(key, 12)
    x = jax.random.normal(ks[0], (N, D), dtype=jnp.float32)
    edge_list = jax.random.randint(ks[1], (2, E), 0, N, dtype=jnp.int32)
    # GIN MLP params per layer: Linear(D->H), ReLU, Linear(H->H). D == H so stack.
    W1 = jax.random.normal(ks[2], (L, D, H), dtype=jnp.float32) * (1.0 / np.sqrt(D))
    b1 = jnp.zeros((L, H), dtype=jnp.float32)
    W2 = jax.random.normal(ks[3], (L, H, H), dtype=jnp.float32) * (1.0 / np.sqrt(H))
    b2 = jnp.zeros((L, H), dtype=jnp.float32)
    Wm = jax.random.normal(ks[4], (H, Z), dtype=jnp.float32) * (1.0 / np.sqrt(H))
    bm = jnp.zeros((Z,), dtype=jnp.float32)
    Ws = jax.random.normal(ks[5], (H, Z), dtype=jnp.float32) * (1.0 / np.sqrt(H))
    bs = jnp.zeros((Z,), dtype=jnp.float32)
    return {"x": x, "edge_list": edge_list, "W1": W1, "b1": b1, "W2": W2,
            "b2": b2, "Wm": Wm, "bm": bm, "Ws": Ws, "bs": bs}


def reference(x, edge_list, W1, b1, W2, b2, Wm, bm, Ws, bs):
    # PyG-style GIN (eps=0, sum aggregation, MLP [D,H,H] with ReLU between),
    # ReLU + dropout (eval mode -> identity) after every layer except the last.
    src = edge_list[0]
    dst = edge_list[1]
    h = x
    for i in range(L):
        agg = jnp.zeros_like(h).at[dst].add(h[src])  # scatter-add of neighbor feats
        m = h + agg  # (1 + eps) * x + sum_j x_j, eps = 0
        m = jnp.maximum(jnp.dot(m, W1[i]) + b1[i], 0.0)
        h = jnp.dot(m, W2[i]) + b2[i]
        if i < L - 1:
            h = jnp.maximum(h, 0.0)  # act; dropout p=0.2 is identity in eval
    mean = jnp.dot(h, Wm) + bm
    std = jax.nn.softplus(jnp.dot(h, Ws) + bs)
    return (mean, std)

if __name__ == "__main__":
    import jax
    _d = setup_inputs()
    print(jax.jit(kernel)(*tuple(_d.values())))

</pallas_src>

<mosaic_0001>
#map = affine_map<(d0, d1) -> (0, 0)>
#map1 = affine_map<(d0, d1) -> (0, 0, 0, 0)>
#map2 = affine_map<(d0, d1) -> (0, 0, 0)>
module attributes {stable_mosaic.version = 14 : i64} {
  func.func @k(%arg0: i32, %arg1: i32, %arg2: memref<20480x128xf32, #tpu.memory_space<hbm>>, %arg3: memref<2x16x80x128xi32, #tpu.memory_space<hbm>>, %arg4: memref<16x80x128xi32, #tpu.memory_space<hbm>>, %arg5: memref<20480x128xf32, #tpu.memory_space<hbm>>, %arg6: memref<80x128xi32, #tpu.memory_space<vmem>>, %arg7: memref<80x128xi32, #tpu.memory_space<vmem>>, %arg8: memref<128x128xf32, #tpu.memory_space<vmem>>, %arg9: memref<!tpu.dma_semaphore, #tpu.memory_space<semaphore_mem>>, %arg10: memref<10240x128xf32, #tpu.memory_space<vmem_shared>>) attributes {dimension_semantics = [#tpu.dimension_semantics<core_parallel>, #tpu.dimension_semantics<subcore_parallel>], iteration_bounds = array<i64: 2, 16>, scalar_prefetch = 0 : i64, scratch_operands = 5 : i64, tpu.core_type = #tpu.core_type<sc_vector_subcore>, window_params = [{transform_indices = #map}, {transform_indices = #map1}, {transform_indices = #map2}, {transform_indices = #map}]} {
    "tpu.region"() ({
      %run_scoped3A = tpu.sem_alloc : memref<!tpu.dma_semaphore, #tpu.memory_space<semaphore_mem>>
      %dma_start3A = arith.constant 0 : i32
      %dma_start3A_18 = arith.constant 0 : i32
      %dma_start3A_19 = tpu.memref_slice %arg3[%arg0, %arg1, %dma_start3A, %dma_start3A_18] : memref<2x16x80x128xi32, #tpu.memory_space<hbm>> -> memref<1x1x80x128xi32, #tpu.memory_space<hbm>>
      %dma_start3A_20 = tpu.memref_squeeze %dma_start3A_19 : memref<1x1x80x128xi32, #tpu.memory_space<hbm>> -> memref<80x128xi32, #tpu.memory_space<hbm>>
      %dma_start3A_21 = arith.constant 0 : i32
      %dma_start3A_22 = arith.constant 0 : i32
      %dma_start3A_23 = tpu.memref_slice %arg3[%arg0, %arg1, %dma_start3A_21, %dma_start3A_22] : memref<2x16x80x128xi32, #tpu.memory_space<hbm>> -> memref<1x1x80x128xi32, #tpu.memory_space<hbm>>
      %dma_start3A_24 = tpu.memref_squeeze %dma_start3A_23 : memref<1x1x80x128xi32, #tpu.memory_space<hbm>> -> memref<80x128xi32, #tpu.memory_space<hbm>>
      tpu.enqueue_dma source(%dma_start3A_24 : memref<80x128xi32, #tpu.memory_space<hbm>>) target(%arg6 : memref<80x128xi32, #tpu.memory_space<vmem>>) target_semaphore(%run_scoped3A : memref<!tpu.dma_semaphore, #tpu.memory_space<semaphore_mem>>)
      %dma_wait3A = arith.constant 0 : i32
      %dma_wait3A_25 = arith.constant 0 : i32
      %dma_wait3A_26 = tpu.memref_slice %arg3[%arg0, %arg1, %dma_wait3A, %dma_wait3A_25] : memref<2x16x80x128xi32, #tpu.memory_space<hbm>> -> memref<1x1x80x128xi32, #tpu.memory_space<hbm>>
      %dma_wait3A_27 = tpu.memref_squeeze %dma_wait3A_26 : memref<1x1x80x128xi32, #tpu.memory_space<hbm>> -> memref<80x128xi32, #tpu.memory_space<hbm>>
      %dma_wait3A_28 = arith.constant 0 : i32
      %dma_wait3A_29 = arith.constant 0 : i32
      %dma_wait3A_30 = tpu.memref_slice %arg3[%arg0, %arg1, %dma_wait3A_28, %dma_wait3A_29] : memref<2x16x80x128xi32, #tpu.memory_space<hbm>> -> memref<1x1x80x128xi32, #tpu.memory_space<hbm>>
      %dma_wait3A_31 = tpu.memref_squeeze %dma_wait3A_30 : memref<1x1x80x128xi32, #tpu.memory_space<hbm>> -> memref<80x128xi32, #tpu.memory_space<hbm>>
      tpu.wait_dma2 semaphore(%run_scoped3A : memref<!tpu.dma_semaphore, #tpu.memory_space<semaphore_mem>>) src(%dma_wait3A_31 : memref<80x128xi32, #tpu.memory_space<hbm>>) dst(%arg6 : memref<80x128xi32, #tpu.memory_space<vmem>>)
      tpu.yield
    }) : () -> ()
    "tpu.region"() ({
      %run_scoped3A = tpu.sem_alloc : memref<!tpu.dma_semaphore, #tpu.memory_space<semaphore_mem>>
      %dma_start3A = arith.constant 0 : i32
      %dma_start3A_18 = arith.constant 0 : i32
      %dma_start3A_19 = tpu.memref_slice %arg4[%arg1, %dma_start3A, %dma_start3A_18] : memref<16x80x128xi32, #tpu.memory_space<hbm>> -> memref<1x80x128xi32, #tpu.memory_space<hbm>>
      %dma_start3A_20 = tpu.memref_squeeze %dma_start3A_19 : memref<1x80x128xi32, #tpu.memory_space<hbm>> -> memref<80x128xi32, #tpu.memory_space<hbm>>
      %dma_start3A_21 = arith.constant 0 : i32
      %dma_start3A_22 = arith.constant 0 : i32
      %dma_start3A_23 = tpu.memref_slice %arg4[%arg1, %dma_start3A_21, %dma_start3A_22] : memref<16x80x128xi32, #tpu.memory_space<hbm>> -> memref<1x80x128xi32, #tpu.memory_space<hbm>>
      %dma_start3A_24 = tpu.memref_squeeze %dma_start3A_23 : memref<1x80x128xi32, #tpu.memory_space<hbm>> -> memref<80x128xi32, #tpu.memory_space<hbm>>
      tpu.enqueue_dma source(%dma_start3A_24 : memref<80x128xi32, #tpu.memory_space<hbm>>) target(%arg7 : memref<80x128xi32, #tpu.memory_space<vmem>>) target_semaphore(%run_scoped3A : memref<!tpu.dma_semaphore, #tpu.memory_space<semaphore_mem>>)
      %dma_wait3A = arith.constant 0 : i32
      %dma_wait3A_25 = arith.constant 0 : i32
      %dma_wait3A_26 = tpu.memref_slice %arg4[%arg1, %dma_wait3A, %dma_wait3A_25] : memref<16x80x128xi32, #tpu.memory_space<hbm>> -> memref<1x80x128xi32, #tpu.memory_space<hbm>>
      %dma_wait3A_27 = tpu.memref_squeeze %dma_wait3A_26 : memref<1x80x128xi32, #tpu.memory_space<hbm>> -> memref<80x128xi32, #tpu.memory_space<hbm>>
      %dma_wait3A_28 = arith.constant 0 : i32
      %dma_wait3A_29 = arith.constant 0 : i32
      %dma_wait3A_30 = tpu.memref_slice %arg4[%arg1, %dma_wait3A_28, %dma_wait3A_29] : memref<16x80x128xi32, #tpu.memory_space<hbm>> -> memref<1x80x128xi32, #tpu.memory_space<hbm>>
      %dma_wait3A_31 = tpu.memref_squeeze %dma_wait3A_30 : memref<1x80x128xi32, #tpu.memory_space<hbm>> -> memref<80x128xi32, #tpu.memory_space<hbm>>
      tpu.wait_dma2 semaphore(%run_scoped3A : memref<!tpu.dma_semaphore, #tpu.memory_space<semaphore_mem>>) src(%dma_wait3A_31 : memref<80x128xi32, #tpu.memory_space<hbm>>) dst(%arg7 : memref<80x128xi32, #tpu.memory_space<vmem>>)
      tpu.yield
    }) : () -> ()
    %mul3A = arith.constant 10240 : i32
    %mul3A_0 = arith.muli %arg0, %mul3A : i32
    %mul3A_1 = arith.constant 640 : i32
    %mul3A_2 = arith.muli %arg1, %mul3A_1 : i32
    %add3A = arith.addi %mul3A_0, %mul3A_2 : i32
    %mul3A_3 = arith.constant 640 : i32
    %mul3A_4 = arith.muli %arg1, %mul3A_3 : i32
    "tpu.region"() ({
      %run_scoped3A = tpu.sem_alloc : memref<!tpu.dma_semaphore, #tpu.memory_space<semaphore_mem>>
      %dma_start3A = arith.constant 0 : i32
      %dma_start3A_18 = tpu.memref_slice %arg10[%mul3A_4, %dma_start3A] : memref<10240x128xf32, #tpu.memory_space<vmem_shared>> -> memref<640x128xf32, #tpu.memory_space<vmem_shared>>
      %dma_start3A_19 = arith.constant 0 : i32
      %dma_start3A_20 = tpu.memref_slice %arg2[%add3A, %dma_start3A_19] : memref<20480x128xf32, #tpu.memory_space<hbm>> -> memref<640x128xf32, #tpu.memory_space<hbm>>
      tpu.enqueue_dma source(%dma_start3A_20 : memref<640x128xf32, #tpu.memory_space<hbm>>) target(%dma_start3A_18 : memref<640x128xf32, #tpu.memory_space<vmem_shared>>) target_semaphore(%run_scoped3A : memref<!tpu.dma_semaphore, #tpu.memory_space<semaphore_mem>>)
      %dma_wait3A = arith.constant 0 : i32
      %dma_wait3A_21 = tpu.memref_slice %arg10[%mul3A_4, %dma_wait3A] : memref<10240x128xf32, #tpu.memory_space<vmem_shared>> -> memref<640x128xf32, #tpu.memory_space<vmem_shared>>
      %dma_wait3A_22 = arith.constant 0 : i32
      %dma_wait3A_23 = tpu.memref_slice %arg2[%add3A, %dma_wait3A_22] : memref<20480x128xf32, #tpu.memory_space<hbm>> -> memref<640x128xf32, #tpu.memory_space<hbm>>
      tpu.wait_dma2 semaphore(%run_scoped3A : memref<!tpu.dma_semaphore, #tpu.memory_space<semaphore_mem>>) src(%dma_wait3A_23 : memref<640x128xf32, #tpu.memory_space<hbm>>) dst(%dma_wait3A_21 : memref<640x128xf32, #tpu.memory_space<vmem_shared>>)
      tpu.yield
    }) : () -> ()
    %barrier3A = arith.constant 0 : index
    tpu.barrier barrier_id(%barrier3A)
    %scan3A = arith.constant 0 : i32
    %scan3A_5 = arith.constant 0 : i32
    %scan3A_6 = arith.constant 80 : i32
    %scan3A_7 = arith.addi %scan3A_5, %scan3A_6 : i32
    %scan3A_8 = arith.constant 1 : i32
    scf.for %scan3A_18 = %scan3A_5 to %scan3A_7 step %scan3A_8  : i32 {
      %dma_start3A = arith.constant 0 : i32
      %dma_start3A_19 = tpu.memref_slice %arg6[%scan3A_18, %dma_start3A] : memref<80x128xi32, #tpu.memory_space<vmem>> -> memref<1x128xi32, #tpu.memory_space<vmem>>
      %dma_start3A_20 = tpu.memref_squeeze %dma_start3A_19 : memref<1x128xi32, #tpu.memory_space<vmem>> -> memref<128xi32, #tpu.memory_space<vmem>>
      %dma_start3A_21 = arith.constant 0 : i32
      %dma_start3A_22 = arith.constant 0 : i32
      %dma_start3A_23 = tpu.memref_slice %arg2[%dma_start3A_21, %dma_start3A_22] : memref<20480x128xf32, #tpu.memory_space<hbm>> -> memref<20480x128xf32, #tpu.memory_space<hbm>>
      tpu.enqueue_indirect_dma source(%dma_start3A_23 : memref<20480x128xf32, #tpu.memory_space<hbm>>) target(%arg8 : memref<128x128xf32, #tpu.memory_space<vmem>>) offsets(%dma_start3A_20 : memref<128xi32, #tpu.memory_space<vmem>>) semaphore(%arg9 : memref<!tpu.dma_semaphore, #tpu.memory_space<semaphore_mem>>)
      %dma_wait3A = arith.constant 0 : i32
      %dma_wait3A_24 = tpu.memref_slice %arg6[%scan3A_18, %dma_wait3A] : memref<80x128xi32, #tpu.memory_space<vmem>> -> memref<1x128xi32, #tpu.memory_space<vmem>>
      %dma_wait3A_25 = tpu.memref_squeeze %dma_wait3A_24 : memref<1x128xi32, #tpu.memory_space<vmem>> -> memref<128xi32, #tpu.memory_space<vmem>>
      %dma_wait3A_26 = arith.constant 0 : i32
      %dma_wait3A_27 = arith.constant 0 : i32
      %dma_wait3A_28 = tpu.memref_slice %arg2[%dma_wait3A_26, %dma_wait3A_27] : memref<20480x128xf32, #tpu.memory_space<hbm>> -> memref<20480x128xf32, #tpu.memory_space<hbm>>
      tpu.wait_indirect_dma semaphore(%arg9 : memref<!tpu.dma_semaphore, #tpu.memory_space<semaphore_mem>>) src(%dma_wait3A_28 : memref<20480x128xf32, #tpu.memory_space<hbm>>) dst(%arg8 : memref<128x128xf32, #tpu.memory_space<vmem>>)
      "tpu.region"() ({
        %run_scoped3A = tpu.sem_alloc : memref<!tpu.dma_semaphore, #tpu.memory_space<semaphore_mem>>
        %dma_start3A_29 = arith.constant 0 : i32
        %dma_start3A_30 = tpu.memref_slice %arg7[%scan3A_18, %dma_start3A_29] : memref<80x128xi32, #tpu.memory_space<vmem>> -> memref<1x128xi32, #tpu.memory_space<vmem>>
        %dma_start3A_31 = tpu.memref_squeeze %dma_start3A_30 : memref<1x128xi32, #tpu.memory_space<vmem>> -> memref<128xi32, #tpu.memory_space<vmem>>
        %dma_start3A_32 = arith.constant 0 : i32
        %dma_start3A_33 = arith.constant 0 : i32
        %dma_start3A_34 = tpu.memref_slice %arg10[%dma_start3A_32, %dma_start3A_33] : memref<10240x128xf32, #tpu.memory_space<vmem_shared>> -> memref<10240x128xf32, #tpu.memory_space<vmem_shared>>
        tpu.enqueue_indirect_dma source(%arg8 : memref<128x128xf32, #tpu.memory_space<vmem>>) target(%dma_start3A_34 : memref<10240x128xf32, #tpu.memory_space<vmem_shared>>) offsets(%dma_start3A_31 : memref<128xi32, #tpu.memory_space<vmem>>) semaphore(%run_scoped3A : memref<!tpu.dma_semaphore, #tpu.memory_space<semaphore_mem>>) {add = true}
        %dma_wait3A_35 = arith.constant 0 : i32
        %dma_wait3A_36 = tpu.memref_slice %arg7[%scan3A_18, %dma_wait3A_35] : memref<80x128xi32, #tpu.memory_space<vmem>> -> memref<1x128xi32, #tpu.memory_space<vmem>>
        %dma_wait3A_37 = tpu.memref_squeeze %dma_wait3A_36 : memref<1x128xi32, #tpu.memory_space<vmem>> -> memref<128xi32, #tpu.memory_space<vmem>>
        %dma_wait3A_38 = arith.constant 0 : i32
        %dma_wait3A_39 = arith.constant 0 : i32
        %dma_wait3A_40 = tpu.memref_slice %arg10[%dma_wait3A_38, %dma_wait3A_39] : memref<10240x128xf32, #tpu.memory_space<vmem_shared>> -> memref<10240x128xf32, #tpu.memory_space<vmem_shared>>
        tpu.wait_indirect_dma semaphore(%run_scoped3A : memref<!tpu.dma_semaphore, #tpu.memory_space<semaphore_mem>>) src(%arg8 : memref<128x128xf32, #tpu.memory_space<vmem>>) dst(%dma_wait3A_40 : memref<10240x128xf32, #tpu.memory_space<vmem_shared>>)
        tpu.yield
      }) : () -> ()
    }
    %scan3A_9 = arith.constant 80 : i32
    %barrier3A_10 = arith.constant 0 : index
    tpu.barrier barrier_id(%barrier3A_10)
    %mul3A_11 = arith.constant 640 : i32
    %mul3A_12 = arith.muli %arg1, %mul3A_11 : i32
    %mul3A_13 = arith.constant 10240 : i32
    %mul3A_14 = arith.muli %arg0, %mul3A_13 : i32
    %mul3A_15 = arith.constant 640 : i32
    %mul3A_16 = arith.muli %arg1, %mul3A_15 : i32
    %add3A_17 = arith.addi %mul3A_14, %mul3A_16 : i32
    "tpu.region"() ({
      %run_scoped3A = tpu.sem_alloc : memref<!tpu.dma_semaphore, #tpu.memory_space<semaphore_mem>>
      %dma_start3A = arith.constant 0 : i32
      %dma_start3A_18 = tpu.memref_slice %arg5[%add3A_17, %dma_start3A] : memref<20480x128xf32, #tpu.memory_space<hbm>> -> memref<640x128xf32, #tpu.memory_space<hbm>>
      %dma_start3A_19 = arith.constant 0 : i32
      %dma_start3A_20 = tpu.memref_slice %arg10[%mul3A_12, %dma_start3A_19] : memref<10240x128xf32, #tpu.memory_space<vmem_shared>> -> memref<640x128xf32, #tpu.memory_space<vmem_shared>>
      tpu.enqueue_dma source(%dma_start3A_20 : memref<640x128xf32, #tpu.memory_space<vmem_shared>>) target(%dma_start3A_18 : memref<640x128xf32, #tpu.memory_space<hbm>>) target_semaphore(%run_scoped3A : memref<!tpu.dma_semaphore, #tpu.memory_space<semaphore_mem>>)
      %dma_wait3A = arith.constant 0 : i32
      %dma_wait3A_21 = tpu.memref_slice %arg5[%add3A_17, %dma_wait3A] : memref<20480x128xf32, #tpu.memory_space<hbm>> -> memref<640x128xf32, #tpu.memory_space<hbm>>
      %dma_wait3A_22 = arith.constant 0 : i32
      %dma_wait3A_23 = tpu.memref_slice %arg10[%mul3A_12, %dma_wait3A_22] : memref<10240x128xf32, #tpu.memory_space<vmem_shared>> -> memref<640x128xf32, #tpu.memory_space<vmem_shared>>
      tpu.wait_dma2 semaphore(%run_scoped3A : memref<!tpu.dma_semaphore, #tpu.memory_space<semaphore_mem>>) src(%dma_wait3A_23 : memref<640x128xf32, #tpu.memory_space<vmem_shared>>) dst(%dma_wait3A_21 : memref<640x128xf32, #tpu.memory_space<hbm>>)
      tpu.yield
    }) : () -> ()
    return
  }
}

#map = affine_map<(d0, d1) -> (0, 0)>
#map1 = affine_map<(d0, d1) -> (0, 0, 0, 0)>
#map2 = affine_map<(d0, d1) -> (0, 0, 0)>
module attributes {stable_mosaic.version = 14 : i64} {
  func.func @k(%arg0: i32, %arg1: i32, %arg2: memref<20480x128xf32, #tpu.memory_space<hbm>>, %arg3: memref<2x16x80x128xi32, #tpu.memory_space<hbm>>, %arg4: memref<16x80x128xi32, #tpu.memory_space<hbm>>, %arg5: memref<20480x128xf32, #tpu.memory_space<hbm>>, %arg6: memref<80x128xi32, #tpu.memory_space<vmem>>, %arg7: memref<80x128xi32, #tpu.memory_space<vmem>>, %arg8: memref<128x128xf32, #tpu.memory_space<vmem>>, %arg9: memref<!tpu.dma_semaphore, #tpu.memory_space<semaphore_mem>>, %arg10: memref<10240x128xf32, #tpu.memory_space<vmem_shared>>) attributes {dimension_semantics = [#tpu.dimension_semantics<core_parallel>, #tpu.dimension_semantics<subcore_parallel>], iteration_bounds = array<i64: 2, 16>, scalar_prefetch = 0 : i64, scratch_operands = 5 : i64, tpu.core_type = #tpu.core_type<sc_vector_subcore>, window_params = [{transform_indices = #map}, {transform_indices = #map1}, {transform_indices = #map2}, {transform_indices = #map}]} {
    "tpu.region"() ({
      %run_scoped3A = tpu.sem_alloc : memref<!tpu.dma_semaphore, #tpu.memory_space<semaphore_mem>>
      %dma_start3A = arith.constant 0 : i32
      %dma_start3A_18 = arith.constant 0 : i32
      %dma_start3A_19 = tpu.memref_slice %arg3[%arg0, %arg1, %dma_start3A, %dma_start3A_18] : memref<2x16x80x128xi32, #tpu.memory_space<hbm>> -> memref<1x1x80x128xi32, #tpu.memory_space<hbm>>
      %dma_start3A_20 = tpu.memref_squeeze %dma_start3A_19 : memref<1x1x80x128xi32, #tpu.memory_space<hbm>> -> memref<80x128xi32, #tpu.memory_space<hbm>>
      %dma_start3A_21 = arith.constant 0 : i32
      %dma_start3A_22 = arith.constant 0 : i32
      %dma_start3A_23 = tpu.memref_slice %arg3[%arg0, %arg1, %dma_start3A_21, %dma_start3A_22] : memref<2x16x80x128xi32, #tpu.memory_space<hbm>> -> memref<1x1x80x128xi32, #tpu.memory_space<hbm>>
      %dma_start3A_24 = tpu.memref_squeeze %dma_start3A_23 : memref<1x1x80x128xi32, #tpu.memory_space<hbm>> -> memref<80x128xi32, #tpu.memory_space<hbm>>
      tpu.enqueue_dma source(%dma_start3A_24 : memref<80x128xi32, #tpu.memory_space<hbm>>) target(%arg6 : memref<80x128xi32, #tpu.memory_space<vmem>>) target_semaphore(%run_scoped3A : memref<!tpu.dma_semaphore, #tpu.memory_space<semaphore_mem>>)
      %dma_wait3A = arith.constant 0 : i32
      %dma_wait3A_25 = arith.constant 0 : i32
      %dma_wait3A_26 = tpu.memref_slice %arg3[%arg0, %arg1, %dma_wait3A, %dma_wait3A_25] : memref<2x16x80x128xi32, #tpu.memory_space<hbm>> -> memref<1x1x80x128xi32, #tpu.memory_space<hbm>>
      %dma_wait3A_27 = tpu.memref_squeeze %dma_wait3A_26 : memref<1x1x80x128xi32, #tpu.memory_space<hbm>> -> memref<80x128xi32, #tpu.memory_space<hbm>>
      %dma_wait3A_28 = arith.constant 0 : i32
      %dma_wait3A_29 = arith.constant 0 : i32
      %dma_wait3A_30 = tpu.memref_slice %arg3[%arg0, %arg1, %dma_wait3A_28, %dma_wait3A_29] : memref<2x16x80x128xi32, #tpu.memory_space<hbm>> -> memref<1x1x80x128xi32, #tpu.memory_space<hbm>>
      %dma_wait3A_31 = tpu.memref_squeeze %dma_wait3A_30 : memref<1x1x80x128xi32, #tpu.memory_space<hbm>> -> memref<80x128xi32, #tpu.memory_space<hbm>>
      tpu.wait_dma2 semaphore(%run_scoped3A : memref<!tpu.dma_semaphore, #tpu.memory_space<semaphore_mem>>) src(%dma_wait3A_31 : memref<80x128xi32, #tpu.memory_space<hbm>>) dst(%arg6 : memref<80x128xi32, #tpu.memory_space<vmem>>)
      tpu.yield
    }) : () -> ()
    "tpu.region"() ({
      %run_scoped3A = tpu.sem_alloc : memref<!tpu.dma_semaphore, #tpu.memory_space<semaphore_mem>>
      %dma_start3A = arith.constant 0 : i32
      %dma_start3A_18 = arith.constant 0 : i32
      %dma_start3A_19 = tpu.memref_slice %arg4[%arg1, %dma_start3A, %dma_start3A_18] : memref<16x80x128xi32, #tpu.memory_space<hbm>> -> memref<1x80x128xi32, #tpu.memory_space<hbm>>
      %dma_start3A_20 = tpu.memref_squeeze %dma_start3A_19 : memref<1x80x128xi32, #tpu.memory_space<hbm>> -> memref<80x128xi32, #tpu.memory_space<hbm>>
      %dma_start3A_21 = arith.constant 0 : i32
      %dma_start3A_22 = arith.constant 0 : i32
      %dma_start3A_23 = tpu.memref_slice %arg4[%arg1, %dma_start3A_21, %dma_start3A_22] : memref<16x80x128xi32, #tpu.memory_space<hbm>> -> memref<1x80x128xi32, #tpu.memory_space<hbm>>
      %dma_start3A_24 = tpu.memref_squeeze %dma_start3A_23 : memref<1x80x128xi32, #tpu.memory_space<hbm>> -> memref<80x128xi32, #tpu.memory_space<hbm>>
      tpu.enqueue_dma source(%dma_start3A_24 : memref<80x128xi32, #tpu.memory_space<hbm>>) target(%arg7 : memref<80x128xi32, #tpu.memory_space<vmem>>) target_semaphore(%run_scoped3A : memref<!tpu.dma_semaphore, #tpu.memory_space<semaphore_mem>>)
      %dma_wait3A = arith.constant 0 : i32
      %dma_wait3A_25 = arith.constant 0 : i32
      %dma_wait3A_26 = tpu.memref_slice %arg4[%arg1, %dma_wait3A, %dma_wait3A_25] : memref<16x80x128xi32, #tpu.memory_space<hbm>> -> memref<1x80x128xi32, #tpu.memory_space<hbm>>
      %dma_wait3A_27 = tpu.memref_squeeze %dma_wait3A_26 : memref<1x80x128xi32, #tpu.memory_space<hbm>> -> memref<80x128xi32, #tpu.memory_space<hbm>>
      %dma_wait3A_28 = arith.constant 0 : i32
      %dma_wait3A_29 = arith.constant 0 : i32
      %dma_wait3A_30 = tpu.memref_slice %arg4[%arg1, %dma_wait3A_28, %dma_wait3A_29] : memref<16x80x128xi32, #tpu.memory_space<hbm>> -> memref<1x80x128xi32, #tpu.memory_space<hbm>>
      %dma_wait3A_31 = tpu.memref_squeeze %dma_wait3A_30 : memref<1x80x128xi32, #tpu.memory_space<hbm>> -> memref<80x128xi32, #tpu.memory_space<hbm>>
      tpu.wait_dma2 semaphore(%run_scoped3A : memref<!tpu.dma_semaphore, #tpu.memory_space<semaphore_mem>>) src(%dma_wait3A_31 : memref<80x128xi32, #tpu.memory_space<hbm>>) dst(%arg7 : memref<80x128xi32, #tpu.memory_space<vmem>>)
      tpu.yield
    }) : () -> ()
    %mul3A = arith.constant 10240 : i32
    %mul3A_0 = arith.muli %arg0, %mul3A : i32
    %mul3A_1 = arith.constant 640 : i32
    %mul3A_2 = arith.muli %arg1, %mul3A_1 : i32
    %add3A = arith.addi %mul3A_0, %mul3A_2 : i32
    %mul3A_3 = arith.constant 640 : i32
    %mul3A_4 = arith.muli %arg1, %mul3A_3 : i32
    "tpu.region"() ({
      %run_scoped3A = tpu.sem_alloc : memref<!tpu.dma_semaphore, #tpu.memory_space<semaphore_mem>>
      %dma_start3A = arith.constant 0 : i32
      %dma_start3A_18 = tpu.memref_slice %arg10[%mul3A_4, %dma_start3A] : memref<10240x128xf32, #tpu.memory_space<vmem_shared>> -> memref<640x128xf32, #tpu.memory_space<vmem_shared>>
      %dma_start3A_19 = arith.constant 0 : i32
      %dma_start3A_20 = tpu.memref_slice %arg2[%add3A, %dma_start3A_19] : memref<20480x128xf32, #tpu.memory_space<hbm>> -> memref<640x128xf32, #tpu.memory_space<hbm>>
      tpu.enqueue_dma source(%dma_start3A_20 : memref<640x128xf32, #tpu.memory_space<hbm>>) target(%dma_start3A_18 : memref<640x128xf32, #tpu.memory_space<vmem_shared>>) target_semaphore(%run_scoped3A : memref<!tpu.dma_semaphore, #tpu.memory_space<semaphore_mem>>)
      %dma_wait3A = arith.constant 0 : i32
      %dma_wait3A_21 = tpu.memref_slice %arg10[%mul3A_4, %dma_wait3A] : memref<10240x128xf32, #tpu.memory_space<vmem_shared>> -> memref<640x128xf32, #tpu.memory_space<vmem_shared>>
      %dma_wait3A_22 = arith.constant 0 : i32
      %dma_wait3A_23 = tpu.memref_slice %arg2[%add3A, %dma_wait3A_22] : memref<20480x128xf32, #tpu.memory_space<hbm>> -> memref<640x128xf32, #tpu.memory_space<hbm>>
      tpu.wait_dma2 semaphore(%run_scoped3A : memref<!tpu.dma_semaphore, #tpu.memory_space<semaphore_mem>>) src(%dma_wait3A_23 : memref<640x128xf32, #tpu.memory_space<hbm>>) dst(%dma_wait3A_21 : memref<640x128xf32, #tpu.memory_space<vmem_shared>>)
      tpu.yield
    }) : () -> ()
    %barrier3A = arith.constant 0 : index
    tpu.barrier barrier_id(%barrier3A)
    %scan3A = arith.constant 0 : i32
    %scan3A_5 = arith.constant 0 : i32
    %scan3A_6 = arith.constant 80 : i32
    %scan3A_7 = arith.addi %scan3A_5, %scan3A_6 : i32
    %scan3A_8 = arith.constant 1 : i32
    scf.for %scan3A_18 = %scan3A_5 to %scan3A_7 step %scan3A_8  : i32 {
      %dma_start3A = arith.constant 0 : i32
      %dma_start3A_19 = tpu.memref_slice %arg6[%scan3A_18, %dma_start3A] : memref<80x128xi32, #tpu.memory_space<vmem>> -> memref<1x128xi32, #tpu.memory_space<vmem>>
      %dma_start3A_20 = tpu.memref_squeeze %dma_start3A_19 : memref<1x128xi32, #tpu.memory_space<vmem>> -> memref<128xi32, #tpu.memory_space<vmem>>
      %dma_start3A_21 = arith.constant 0 : i32
      %dma_start3A_22 = arith.constant 0 : i32
      %dma_start3A_23 = tpu.memref_slice %arg2[%dma_start3A_21, %dma_start3A_22] : memref<20480x128xf32, #tpu.memory_space<hbm>> -> memref<20480x128xf32, #tpu.memory_space<hbm>>
      tpu.enqueue_indirect_dma source(%dma_start3A_23 : memref<20480x128xf32, #tpu.memory_space<hbm>>) target(%arg8 : memref<128x128xf32, #tpu.memory_space<vmem>>) offsets(%dma_start3A_20 : memref<128xi32, #tpu.memory_space<vmem>>) semaphore(%arg9 : memref<!tpu.dma_semaphore, #tpu.memory_space<semaphore_mem>>)
      %dma_wait3A = arith.constant 0 : i32
      %dma_wait3A_24 = tpu.memref_slice %arg6[%scan3A_18, %dma_wait3A] : memref<80x128xi32, #tpu.memory_space<vmem>> -> memref<1x128xi32, #tpu.memory_space<vmem>>
      %dma_wait3A_25 = tpu.memref_squeeze %dma_wait3A_24 : memref<1x128xi32, #tpu.memory_space<vmem>> -> memref<128xi32, #tpu.memory_space<vmem>>
      %dma_wait3A_26 = arith.constant 0 : i32
      %dma_wait3A_27 = arith.constant 0 : i32
      %dma_wait3A_28 = tpu.memref_slice %arg2[%dma_wait3A_26, %dma_wait3A_27] : memref<20480x128xf32, #tpu.memory_space<hbm>> -> memref<20480x128xf32, #tpu.memory_space<hbm>>
      tpu.wait_indirect_dma semaphore(%arg9 : memref<!tpu.dma_semaphore, #tpu.memory_space<semaphore_mem>>) src(%dma_wait3A_28 : memref<20480x128xf32, #tpu.memory_space<hbm>>) dst(%arg8 : memref<128x128xf32, #tpu.memory_space<vmem>>)
      "tpu.region"() ({
        %run_scoped3A = tpu.sem_alloc : memref<!tpu.dma_semaphore, #tpu.memory_space<semaphore_mem>>
        %dma_start3A_29 = arith.constant 0 : i32
        %dma_start3A_30 = tpu.memref_slice %arg7[%scan3A_18, %dma_start3A_29] : memref<80x128xi32, #tpu.memory_space<vmem>> -> memref<1x128xi32, #tpu.memory_space<vmem>>
        %dma_start3A_31 = tpu.memref_squeeze %dma_start3A_30 : memref<1x128xi32, #tpu.memory_space<vmem>> -> memref<128xi32, #tpu.memory_space<vmem>>
        %dma_start3A_32 = arith.constant 0 : i32
        %dma_start3A_33 = arith.constant 0 : i32
        %dma_start3A_34 = tpu.memref_slice %arg10[%dma_start3A_32, %dma_start3A_33] : memref<10240x128xf32, #tpu.memory_space<vmem_shared>> -> memref<10240x128xf32, #tpu.memory_space<vmem_shared>>
        tpu.enqueue_indirect_dma source(%arg8 : memref<128x128xf32, #tpu.memory_space<vmem>>) target(%dma_start3A_34 : memref<10240x128xf32, #tpu.memory_space<vmem_shared>>) offsets(%dma_start3A_31 : memref<128xi32, #tpu.memory_space<vmem>>) semaphore(%run_scoped3A : memref<!tpu.dma_semaphore, #tpu.memory_space<semaphore_mem>>) {add = true}
        %dma_wait3A_35 = arith.constant 0 : i32
        %dma_wait3A_36 = tpu.memref_slice %arg7[%scan3A_18, %dma_wait3A_35] : memref<80x128xi32, #tpu.memory_space<vmem>> -> memref<1x128xi32, #tpu.memory_space<vmem>>
        %dma_wait3A_37 = tpu.memref_squeeze %dma_wait3A_36 : memref<1x128xi32, #tpu.memory_space<vmem>> -> memref<128xi32, #tpu.memory_space<vmem>>
        %dma_wait3A_38 = arith.constant 0 : i32
        %dma_wait3A_39 = arith.constant 0 : i32
        %dma_wait3A_40 = tpu.memref_slice %arg10[%dma_wait3A_38, %dma_wait3A_39] : memref<10240x128xf32, #tpu.memory_space<vmem_shared>> -> memref<10240x128xf32, #tpu.memory_space<vmem_shared>>
        tpu.wait_indirect_dma semaphore(%run_scoped3A : memref<!tpu.dma_semaphore, #tpu.memory_space<semaphore_mem>>) src(%arg8 : memref<128x128xf32, #tpu.memory_space<vmem>>) dst(%dma_wait3A_40 : memref<10240x128xf32, #tpu.memory_space<vmem_shared>>)
        tpu.yield
      }) : () -> ()
    }
    %scan3A_9 = arith.constant 80 : i32
    %barrier3A_10 = arith.constant 0 : index
    tpu.barrier barrier_id(%barrier3A_10)
    %mul3A_11 = arith.constant 640 : i32
    %mul3A_12 = arith.muli %arg1, %mul3A_11 : i32
    %mul3A_13 = arith.constant 10240 : i32
    %mul3A_14 = arith.muli %arg0, %mul3A_13 : i32
    %mul3A_15 = arith.constant 640 : i32
    %mul3A_16 = arith.muli %arg1, %mul3A_15 : i32
    %add3A_17 = arith.addi %mul3A_14, %mul3A_16 : i32
    "tpu.region"() ({
      %run_scoped3A = tpu.sem_alloc : memref<!tpu.dma_semaphore, #tpu.memory_space<semaphore_mem>>
      %dma_start3A = arith.constant 0 : i32
      %dma_start3A_18 = tpu.memref_slice %arg5[%add3A_17, %dma_start3A] : memref<20480x128xf32, #tpu.memory_space<hbm>> -> memref<640x128xf32, #tpu.memory_space<hbm>>
      %dma_start3A_19 = arith.constant 0 : i32
      %dma_start3A_20 = tpu.memref_slice %arg10[%mul3A_12, %dma_start3A_19] : memref<10240x128xf32, #tpu.memory_space<vmem_shared>> -> memref<640x128xf32, #tpu.memory_space<vmem_shared>>
      tpu.enqueue_dma source(%dma_start3A_20 : memref<640x128xf32, #tpu.memory_space<vmem_shared>>) target(%dma_start3A_18 : memref<640x128xf32, #tpu.memory_space<hbm>>) target_semaphore(%run_scoped3A : memref<!tpu.dma_semaphore, #tpu.memory_space<semaphore_mem>>)
      %dma_wait3A = arith.constant 0 : i32
      %dma_wait3A_21 = tpu.memref_slice %arg5[%add3A_17, %dma_wait3A] : memref<20480x128xf32, #tpu.memory_space<hbm>> -> memref<640x128xf32, #tpu.memory_space<hbm>>
      %dma_wait3A_22 = arith.constant 0 : i32
      %dma_wait3A_23 = tpu.memref_slice %arg10[%mul3A_12, %dma_wait3A_22] : memref<10240x128xf32, #tpu.memory_space<vmem_shared>> -> memref<640x128xf32, #tpu.memory_space<vmem_shared>>
      tpu.wait_dma2 semaphore(%run_scoped3A : memref<!tpu.dma_semaphore, #tpu.memory_space<semaphore_mem>>) src(%dma_wait3A_23 : memref<640x128xf32, #tpu.memory_space<vmem_shared>>) dst(%dma_wait3A_21 : memref<640x128xf32, #tpu.memory_space<hbm>>)
      tpu.yield
    }) : () -> ()
    return
  }
}

#map = affine_map<(d0, d1) -> (0, 0)>
#map1 = affine_map<(d0, d1) -> (0, 0, 0, 0)>
#map2 = affine_map<(d0, d1) -> (0, 0, 0)>
module attributes {stable_mosaic.version = 14 : i64} {
  func.func @k(%arg0: i32, %arg1: i32, %arg2: memref<20480x128xf32, #tpu.memory_space<hbm>>, %arg3: memref<2x16x80x128xi32, #tpu.memory_space<hbm>>, %arg4: memref<16x80x128xi32, #tpu.memory_space<hbm>>, %arg5: memref<20480x128xf32, #tpu.memory_space<hbm>>, %arg6: memref<80x128xi32, #tpu.memory_space<vmem>>, %arg7: memref<80x128xi32, #tpu.memory_space<vmem>>, %arg8: memref<128x128xf32, #tpu.memory_space<vmem>>, %arg9: memref<!tpu.dma_semaphore, #tpu.memory_space<semaphore_mem>>, %arg10: memref<10240x128xf32, #tpu.memory_space<vmem_shared>>) attributes {dimension_semantics = [#tpu.dimension_semantics<core_parallel>, #tpu.dimension_semantics<subcore_parallel>], iteration_bounds = array<i64: 2, 16>, scalar_prefetch = 0 : i64, scratch_operands = 5 : i64, tpu.core_type = #tpu.core_type<sc_vector_subcore>, window_params = [{transform_indices = #map}, {transform_indices = #map1}, {transform_indices = #map2}, {transform_indices = #map}]} {
    "tpu.region"() ({
      %run_scoped3A = tpu.sem_alloc : memref<!tpu.dma_semaphore, #tpu.memory_space<semaphore_mem>>
      %dma_start3A = arith.constant 0 : i32
      %dma_start3A_18 = arith.constant 0 : i32
      %dma_start3A_19 = tpu.memref_slice %arg3[%arg0, %arg1, %dma_start3A, %dma_start3A_18] : memref<2x16x80x128xi32, #tpu.memory_space<hbm>> -> memref<1x1x80x128xi32, #tpu.memory_space<hbm>>
      %dma_start3A_20 = tpu.memref_squeeze %dma_start3A_19 : memref<1x1x80x128xi32, #tpu.memory_space<hbm>> -> memref<80x128xi32, #tpu.memory_space<hbm>>
      %dma_start3A_21 = arith.constant 0 : i32
      %dma_start3A_22 = arith.constant 0 : i32
      %dma_start3A_23 = tpu.memref_slice %arg3[%arg0, %arg1, %dma_start3A_21, %dma_start3A_22] : memref<2x16x80x128xi32, #tpu.memory_space<hbm>> -> memref<1x1x80x128xi32, #tpu.memory_space<hbm>>
      %dma_start3A_24 = tpu.memref_squeeze %dma_start3A_23 : memref<1x1x80x128xi32, #tpu.memory_space<hbm>> -> memref<80x128xi32, #tpu.memory_space<hbm>>
      tpu.enqueue_dma source(%dma_start3A_24 : memref<80x128xi32, #tpu.memory_space<hbm>>) target(%arg6 : memref<80x128xi32, #tpu.memory_space<vmem>>) target_semaphore(%run_scoped3A : memref<!tpu.dma_semaphore, #tpu.memory_space<semaphore_mem>>)
      %dma_wait3A = arith.constant 0 : i32
      %dma_wait3A_25 = arith.constant 0 : i32
      %dma_wait3A_26 = tpu.memref_slice %arg3[%arg0, %arg1, %dma_wait3A, %dma_wait3A_25] : memref<2x16x80x128xi32, #tpu.memory_space<hbm>> -> memref<1x1x80x128xi32, #tpu.memory_space<hbm>>
      %dma_wait3A_27 = tpu.memref_squeeze %dma_wait3A_26 : memref<1x1x80x128xi32, #tpu.memory_space<hbm>> -> memref<80x128xi32, #tpu.memory_space<hbm>>
      %dma_wait3A_28 = arith.constant 0 : i32
      %dma_wait3A_29 = arith.constant 0 : i32
      %dma_wait3A_30 = tpu.memref_slice %arg3[%arg0, %arg1, %dma_wait3A_28, %dma_wait3A_29] : memref<2x16x80x128xi32, #tpu.memory_space<hbm>> -> memref<1x1x80x128xi32, #tpu.memory_space<hbm>>
      %dma_wait3A_31 = tpu.memref_squeeze %dma_wait3A_30 : memref<1x1x80x128xi32, #tpu.memory_space<hbm>> -> memref<80x128xi32, #tpu.memory_space<hbm>>
      tpu.wait_dma2 semaphore(%run_scoped3A : memref<!tpu.dma_semaphore, #tpu.memory_space<semaphore_mem>>) src(%dma_wait3A_31 : memref<80x128xi32, #tpu.memory_space<hbm>>) dst(%arg6 : memref<80x128xi32, #tpu.memory_space<vmem>>)
      tpu.yield
    }) : () -> ()
    "tpu.region"() ({
      %run_scoped3A = tpu.sem_alloc : memref<!tpu.dma_semaphore, #tpu.memory_space<semaphore_mem>>
      %dma_start3A = arith.constant 0 : i32
      %dma_start3A_18 = arith.constant 0 : i32
      %dma_start3A_19 = tpu.memref_slice %arg4[%arg1, %dma_start3A, %dma_start3A_18] : memref<16x80x128xi32, #tpu.memory_space<hbm>> -> memref<1x80x128xi32, #tpu.memory_space<hbm>>
      %dma_start3A_20 = tpu.memref_squeeze %dma_start3A_19 : memref<1x80x128xi32, #tpu.memory_space<hbm>> -> memref<80x128xi32, #tpu.memory_space<hbm>>
      %dma_start3A_21 = arith.constant 0 : i32
      %dma_start3A_22 = arith.constant 0 : i32
      %dma_start3A_23 = tpu.memref_slice %arg4[%arg1, %dma_start3A_21, %dma_start3A_22] : memref<16x80x128xi32, #tpu.memory_space<hbm>> -> memref<1x80x128xi32, #tpu.memory_space<hbm>>
      %dma_start3A_24 = tpu.memref_squeeze %dma_start3A_23 : memref<1x80x128xi32, #tpu.memory_space<hbm>> -> memref<80x128xi32, #tpu.memory_space<hbm>>
      tpu.enqueue_dma source(%dma_start3A_24 : memref<80x128xi32, #tpu.memory_space<hbm>>) target(%arg7 : memref<80x128xi32, #tpu.memory_space<vmem>>) target_semaphore(%run_scoped3A : memref<!tpu.dma_semaphore, #tpu.memory_space<semaphore_mem>>)
      %dma_wait3A = arith.constant 0 : i32
      %dma_wait3A_25 = arith.constant 0 : i32
      %dma_wait3A_26 = tpu.memref_slice %arg4[%arg1, %dma_wait3A, %dma_wait3A_25] : memref<16x80x128xi32, #tpu.memory_space<hbm>> -> memref<1x80x128xi32, #tpu.memory_space<hbm>>
      %dma_wait3A_27 = tpu.memref_squeeze %dma_wait3A_26 : memref<1x80x128xi32, #tpu.memory_space<hbm>> -> memref<80x128xi32, #tpu.memory_space<hbm>>
      %dma_wait3A_28 = arith.constant 0 : i32
      %dma_wait3A_29 = arith.constant 0 : i32
      %dma_wait3A_30 = tpu.memref_slice %arg4[%arg1, %dma_wait3A_28, %dma_wait3A_29] : memref<16x80x128xi32, #tpu.memory_space<hbm>> -> memref<1x80x128xi32, #tpu.memory_space<hbm>>
      %dma_wait3A_31 = tpu.memref_squeeze %dma_wait3A_30 : memref<1x80x128xi32, #tpu.memory_space<hbm>> -> memref<80x128xi32, #tpu.memory_space<hbm>>
      tpu.wait_dma2 semaphore(%run_scoped3A : memref<!tpu.dma_semaphore, #tpu.memory_space<semaphore_mem>>) src(%dma_wait3A_31 : memref<80x128xi32, #tpu.memory_space<hbm>>) dst(%arg7 : memref<80x128xi32, #tpu.memory_space<vmem>>)
      tpu.yield
    }) : () -> ()
    %mul3A = arith.constant 10240 : i32
    %mul3A_0 = arith.muli %arg0, %mul3A : i32
    %mul3A_1 = arith.constant 640 : i32
    %mul3A_2 = arith.muli %arg1, %mul3A_1 : i32
    %add3A = arith.addi %mul3A_0, %mul3A_2 : i32
    %mul3A_3 = arith.constant 640 : i32
    %mul3A_4 = arith.muli %arg1, %mul3A_3 : i32
    "tpu.region"() ({
      %run_scoped3A = tpu.sem_alloc : memref<!tpu.dma_semaphore, #tpu.memory_space<semaphore_mem>>
      %dma_start3A = arith.constant 0 : i32
      %dma_start3A_18 = tpu.memref_slice %arg10[%mul3A_4, %dma_start3A] : memref<10240x128xf32, #tpu.memory_space<vmem_shared>> -> memref<640x128xf32, #tpu.memory_space<vmem_shared>>
      %dma_start3A_19 = arith.constant 0 : i32
      %dma_start3A_20 = tpu.memref_slice %arg2[%add3A, %dma_start3A_19] : memref<20480x128xf32, #tpu.memory_space<hbm>> -> memref<640x128xf32, #tpu.memory_space<hbm>>
      tpu.enqueue_dma source(%dma_start3A_20 : memref<640x128xf32, #tpu.memory_space<hbm>>) target(%dma_start3A_18 : memref<640x128xf32, #tpu.memory_space<vmem_shared>>) target_semaphore(%run_scoped3A : memref<!tpu.dma_semaphore, #tpu.memory_space<semaphore_mem>>)
      %dma_wait3A = arith.constant 0 : i32
      %dma_wait3A_21 = tpu.memref_slice %arg10[%mul3A_4, %dma_wait3A] : memref<10240x128xf32, #tpu.memory_space<vmem_shared>> -> memref<640x128xf32, #tpu.memory_space<vmem_shared>>
      %dma_wait3A_22 = arith.constant 0 : i32
      %dma_wait3A_23 = tpu.memref_slice %arg2[%add3A, %dma_wait3A_22] : memref<20480x128xf32, #tpu.memory_space<hbm>> -> memref<640x128xf32, #tpu.memory_space<hbm>>
      tpu.wait_dma2 semaphore(%run_scoped3A : memref<!tpu.dma_semaphore, #tpu.memory_space<semaphore_mem>>) src(%dma_wait3A_23 : memref<640x128xf32, #tpu.memory_space<hbm>>) dst(%dma_wait3A_21 : memref<640x128xf32, #tpu.memory_space<vmem_shared>>)
      tpu.yield
    }) : () -> ()
    %barrier3A = arith.constant 0 : index
    tpu.barrier barrier_id(%barrier3A)
    %scan3A = arith.constant 0 : i32
    %scan3A_5 = arith.constant 0 : i32
    %scan3A_6 = arith.constant 80 : i32
    %scan3A_7 = arith.addi %scan3A_5, %scan3A_6 : i32
    %scan3A_8 = arith.constant 1 : i32
    scf.for %scan3A_18 = %scan3A_5 to %scan3A_7 step %scan3A_8  : i32 {
      %dma_start3A = arith.constant 0 : i32
      %dma_start3A_19 = tpu.memref_slice %arg6[%scan3A_18, %dma_start3A] : memref<80x128xi32, #tpu.memory_space<vmem>> -> memref<1x128xi32, #tpu.memory_space<vmem>>
      %dma_start3A_20 = tpu.memref_squeeze %dma_start3A_19 : memref<1x128xi32, #tpu.memory_space<vmem>> -> memref<128xi32, #tpu.memory_space<vmem>>
      %dma_start3A_21 = arith.constant 0 : i32
      %dma_start3A_22 = arith.constant 0 : i32
      %dma_start3A_23 = tpu.memref_slice %arg2[%dma_start3A_21, %dma_start3A_22] : memref<20480x128xf32, #tpu.memory_space<hbm>> -> memref<20480x128xf32, #tpu.memory_space<hbm>>
      tpu.enqueue_indirect_dma source(%dma_start3A_23 : memref<20480x128xf32, #tpu.memory_space<hbm>>) target(%arg8 : memref<128x128xf32, #tpu.memory_space<vmem>>) offsets(%dma_start3A_20 : memref<128xi32, #tpu.memory_space<vmem>>) semaphore(%arg9 : memref<!tpu.dma_semaphore, #tpu.memory_space<semaphore_mem>>)
      %dma_wait3A = arith.constant 0 : i32
      %dma_wait3A_24 = tpu.memref_slice %arg6[%scan3A_18, %dma_wait3A] : memref<80x128xi32, #tpu.memory_space<vmem>> -> memref<1x128xi32, #tpu.memory_space<vmem>>
      %dma_wait3A_25 = tpu.memref_squeeze %dma_wait3A_24 : memref<1x128xi32, #tpu.memory_space<vmem>> -> memref<128xi32, #tpu.memory_space<vmem>>
      %dma_wait3A_26 = arith.constant 0 : i32
      %dma_wait3A_27 = arith.constant 0 : i32
      %dma_wait3A_28 = tpu.memref_slice %arg2[%dma_wait3A_26, %dma_wait3A_27] : memref<20480x128xf32, #tpu.memory_space<hbm>> -> memref<20480x128xf32, #tpu.memory_space<hbm>>
      tpu.wait_indirect_dma semaphore(%arg9 : memref<!tpu.dma_semaphore, #tpu.memory_space<semaphore_mem>>) src(%dma_wait3A_28 : memref<20480x128xf32, #tpu.memory_space<hbm>>) dst(%arg8 : memref<128x128xf32, #tpu.memory_space<vmem>>)
      "tpu.region"() ({
        %run_scoped3A = tpu.sem_alloc : memref<!tpu.dma_semaphore, #tpu.memory_space<semaphore_mem>>
        %dma_start3A_29 = arith.constant 0 : i32
        %dma_start3A_30 = tpu.memref_slice %arg7[%scan3A_18, %dma_start3A_29] : memref<80x128xi32, #tpu.memory_space<vmem>> -> memref<1x128xi32, #tpu.memory_space<vmem>>
        %dma_start3A_31 = tpu.memref_squeeze %dma_start3A_30 : memref<1x128xi32, #tpu.memory_space<vmem>> -> memref<128xi32, #tpu.memory_space<vmem>>
        %dma_start3A_32 = arith.constant 0 : i32
        %dma_start3A_33 = arith.constant 0 : i32
        %dma_start3A_34 = tpu.memref_slice %arg10[%dma_start3A_32, %dma_start3A_33] : memref<10240x128xf32, #tpu.memory_space<vmem_shared>> -> memref<10240x128xf32, #tpu.memory_space<vmem_shared>>
        tpu.enqueue_indirect_dma source(%arg8 : memref<128x128xf32, #tpu.memory_space<vmem>>) target(%dma_start3A_34 : memref<10240x128xf32, #tpu.memory_space<vmem_shared>>) offsets(%dma_start3A_31 : memref<128xi32, #tpu.memory_space<vmem>>) semaphore(%run_scoped3A : memref<!tpu.dma_semaphore, #tpu.memory_space<semaphore_mem>>) {add = true}
        %dma_wait3A_35 = arith.constant 0 : i32
        %dma_wait3A_36 = tpu.memref_slice %arg7[%scan3A_18, %dma_wait3A_35] : memref<80x128xi32, #tpu.memory_space<vmem>> -> memref<1x128xi32, #tpu.memory_space<vmem>>
        %dma_wait3A_37 = tpu.memref_squeeze %dma_wait3A_36 : memref<1x128xi32, #tpu.memory_space<vmem>> -> memref<128xi32, #tpu.memory_space<vmem>>
        %dma_wait3A_38 = arith.constant 0 : i32
        %dma_wait3A_39 = arith.constant 0 : i32
        %dma_wait3A_40 = tpu.memref_slice %arg10[%dma_wait3A_38, %dma_wait3A_39] : memref<10240x128xf32, #tpu.memory_space<vmem_shared>> -> memref<10240x128xf32, #tpu.memory_space<vmem_shared>>
        tpu.wait_indirect_dma semaphore(%run_scoped3A : memref<!tpu.dma_semaphore, #tpu.memory_space<semaphore_mem>>) src(%arg8 : memref<128x128xf32, #tpu.memory_space<vmem>>) dst(%dma_wait3A_40 : memref<10240x128xf32, #tpu.memory_space<vmem_shared>>)
        tpu.yield
      }) : () -> ()
    }
    %scan3A_9 = arith.constant 80 : i32
    %barrier3A_10 = arith.constant 0 : index
    tpu.barrier barrier_id(%barrier3A_10)
    %mul3A_11 = arith.constant 640 : i32
    %mul3A_12 = arith.muli %arg1, %mul3A_11 : i32
    %mul3A_13 = arith.constant 10240 : i32
    %mul3A_14 = arith.muli %arg0, %mul3A_13 : i32
    %mul3A_15 = arith.constant 640 : i32
    %mul3A_16 = arith.muli %arg1, %mul3A_15 : i32
    %add3A_17 = arith.addi %mul3A_14, %mul3A_16 : i32
    "tpu.region"() ({
      %run_scoped3A = tpu.sem_alloc : memref<!tpu.dma_semaphore, #tpu.memory_space<semaphore_mem>>
      %dma_start3A = arith.constant 0 : i32
      %dma_start3A_18 = tpu.memref_slice %arg5[%add3A_17, %dma_start3A] : memref<20480x128xf32, #tpu.memory_space<hbm>> -> memref<640x128xf32, #tpu.memory_space<hbm>>
      %dma_start3A_19 = arith.constant 0 : i32
      %dma_start3A_20 = tpu.memref_slice %arg10[%mul3A_12, %dma_start3A_19] : memref<10240x128xf32, #tpu.memory_space<vmem_shared>> -> memref<640x128xf32, #tpu.memory_space<vmem_shared>>
      tpu.enqueue_dma source(%dma_start3A_20 : memref<640x128xf32, #tpu.memory_space<vmem_shared>>) target(%dma_start3A_18 : memref<640x128xf32, #tpu.memory_space<hbm>>) target_semaphore(%run_scoped3A : memref<!tpu.dma_semaphore, #tpu.memory_space<semaphore_mem>>)
      %dma_wait3A = arith.constant 0 : i32
      %dma_wait3A_21 = tpu.memref_slice %arg5[%add3A_17, %dma_wait3A] : memref<20480x128xf32, #tpu.memory_space<hbm>> -> memref<640x128xf32, #tpu.memory_space<hbm>>
      %dma_wait3A_22 = arith.constant 0 : i32
      %dma_wait3A_23 = tpu.memref_slice %arg10[%mul3A_12, %dma_wait3A_22] : memref<10240x128xf32, #tpu.memory_space<vmem_shared>> -> memref<640x128xf32, #tpu.memory_space<vmem_shared>>
      tpu.wait_dma2 semaphore(%run_scoped3A : memref<!tpu.dma_semaphore, #tpu.memory_space<semaphore_mem>>) src(%dma_wait3A_23 : memref<640x128xf32, #tpu.memory_space<vmem_shared>>) dst(%dma_wait3A_21 : memref<640x128xf32, #tpu.memory_space<hbm>>)
      tpu.yield
    }) : () -> ()
    return
  }
}

#map = affine_map<(d0, d1) -> (0, 0)>
#map1 = affine_map<(d0, d1) -> (0, 0, 0, 0)>
#map2 = affine_map<(d0, d1) -> (0, 0, 0)>
module attributes {stable_mosaic.version = 14 : i64} {
  func.func @k(%arg0: i32, %arg1: i32, %arg2: memref<20480x128xf32, #tpu.memory_space<hbm>>, %arg3: memref<2x16x80x128xi32, #tpu.memory_space<hbm>>, %arg4: memref<16x80x128xi32, #tpu.memory_space<hbm>>, %arg5: memref<20480x128xf32, #tpu.memory_space<hbm>>, %arg6: memref<80x128xi32, #tpu.memory_space<vmem>>, %arg7: memref<80x128xi32, #tpu.memory_space<vmem>>, %arg8: memref<128x128xf32, #tpu.memory_space<vmem>>, %arg9: memref<!tpu.dma_semaphore, #tpu.memory_space<semaphore_mem>>, %arg10: memref<10240x128xf32, #tpu.memory_space<vmem_shared>>) attributes {dimension_semantics = [#tpu.dimension_semantics<core_parallel>, #tpu.dimension_semantics<subcore_parallel>], iteration_bounds = array<i64: 2, 16>, scalar_prefetch = 0 : i64, scratch_operands = 5 : i64, tpu.core_type = #tpu.core_type<sc_vector_subcore>, window_params = [{transform_indices = #map}, {transform_indices = #map1}, {transform_indices = #map2}, {transform_indices = #map}]} {
    "tpu.region"() ({
      %run_scoped3A = tpu.sem_alloc : memref<!tpu.dma_semaphore, #tpu.memory_space<semaphore_mem>>
      %dma_start3A = arith.constant 0 : i32
      %dma_start3A_18 = arith.constant 0 : i32
      %dma_start3A_19 = tpu.memref_slice %arg3[%arg0, %arg1, %dma_start3A, %dma_start3A_18] : memref<2x16x80x128xi32, #tpu.memory_space<hbm>> -> memref<1x1x80x128xi32, #tpu.memory_space<hbm>>
      %dma_start3A_20 = tpu.memref_squeeze %dma_start3A_19 : memref<1x1x80x128xi32, #tpu.memory_space<hbm>> -> memref<80x128xi32, #tpu.memory_space<hbm>>
      %dma_start3A_21 = arith.constant 0 : i32
      %dma_start3A_22 = arith.constant 0 : i32
      %dma_start3A_23 = tpu.memref_slice %arg3[%arg0, %arg1, %dma_start3A_21, %dma_start3A_22] : memref<2x16x80x128xi32, #tpu.memory_space<hbm>> -> memref<1x1x80x128xi32, #tpu.memory_space<hbm>>
      %dma_start3A_24 = tpu.memref_squeeze %dma_start3A_23 : memref<1x1x80x128xi32, #tpu.memory_space<hbm>> -> memref<80x128xi32, #tpu.memory_space<hbm>>
      tpu.enqueue_dma source(%dma_start3A_24 : memref<80x128xi32, #tpu.memory_space<hbm>>) target(%arg6 : memref<80x128xi32, #tpu.memory_space<vmem>>) target_semaphore(%run_scoped3A : memref<!tpu.dma_semaphore, #tpu.memory_space<semaphore_mem>>)
      %dma_wait3A = arith.constant 0 : i32
      %dma_wait3A_25 = arith.constant 0 : i32
      %dma_wait3A_26 = tpu.memref_slice %arg3[%arg0, %arg1, %dma_wait3A, %dma_wait3A_25] : memref<2x16x80x128xi32, #tpu.memory_space<hbm>> -> memref<1x1x80x128xi32, #tpu.memory_space<hbm>>
      %dma_wait3A_27 = tpu.memref_squeeze %dma_wait3A_26 : memref<1x1x80x128xi32, #tpu.memory_space<hbm>> -> memref<80x128xi32, #tpu.memory_space<hbm>>
      %dma_wait3A_28 = arith.constant 0 : i32
      %dma_wait3A_29 = arith.constant 0 : i32
      %dma_wait3A_30 = tpu.memref_slice %arg3[%arg0, %arg1, %dma_wait3A_28, %dma_wait3A_29] : memref<2x16x80x128xi32, #tpu.memory_space<hbm>> -> memref<1x1x80x128xi32, #tpu.memory_space<hbm>>
      %dma_wait3A_31 = tpu.memref_squeeze %dma_wait3A_30 : memref<1x1x80x128xi32, #tpu.memory_space<hbm>> -> memref<80x128xi32, #tpu.memory_space<hbm>>
      tpu.wait_dma2 semaphore(%run_scoped3A : memref<!tpu.dma_semaphore, #tpu.memory_space<semaphore_mem>>) src(%dma_wait3A_31 : memref<80x128xi32, #tpu.memory_space<hbm>>) dst(%arg6 : memref<80x128xi32, #tpu.memory_space<vmem>>)
      tpu.yield
    }) : () -> ()
    "tpu.region"() ({
      %run_scoped3A = tpu.sem_alloc : memref<!tpu.dma_semaphore, #tpu.memory_space<semaphore_mem>>
      %dma_start3A = arith.constant 0 : i32
      %dma_start3A_18 = arith.constant 0 : i32
      %dma_start3A_19 = tpu.memref_slice %arg4[%arg1, %dma_start3A, %dma_start3A_18] : memref<16x80x128xi32, #tpu.memory_space<hbm>> -> memref<1x80x128xi32, #tpu.memory_space<hbm>>
      %dma_start3A_20 = tpu.memref_squeeze %dma_start3A_19 : memref<1x80x128xi32, #tpu.memory_space<hbm>> -> memref<80x128xi32, #tpu.memory_space<hbm>>
      %dma_start3A_21 = arith.constant 0 : i32
      %dma_start3A_22 = arith.constant 0 : i32
      %dma_start3A_23 = tpu.memref_slice %arg4[%arg1, %dma_start3A_21, %dma_start3A_22] : memref<16x80x128xi32, #tpu.memory_space<hbm>> -> memref<1x80x128xi32, #tpu.memory_space<hbm>>
      %dma_start3A_24 = tpu.memref_squeeze %dma_start3A_23 : memref<1x80x128xi32, #tpu.memory_space<hbm>> -> memref<80x128xi32, #tpu.memory_space<hbm>>
      tpu.enqueue_dma source(%dma_start3A_24 : memref<80x128xi32, #tpu.memory_space<hbm>>) target(%arg7 : memref<80x128xi32, #tpu.memory_space<vmem>>) target_semaphore(%run_scoped3A : memref<!tpu.dma_semaphore, #tpu.memory_space<semaphore_mem>>)
      %dma_wait3A = arith.constant 0 : i32
      %dma_wait3A_25 = arith.constant 0 : i32
      %dma_wait3A_26 = tpu.memref_slice %arg4[%arg1, %dma_wait3A, %dma_wait3A_25] : memref<16x80x128xi32, #tpu.memory_space<hbm>> -> memref<1x80x128xi32, #tpu.memory_space<hbm>>
      %dma_wait3A_27 = tpu.memref_squeeze %dma_wait3A_26 : memref<1x80x128xi32, #tpu.memory_space<hbm>> -> memref<80x128xi32, #tpu.memory_space<hbm>>
      %dma_wait3A_28 = arith.constant 0 : i32
      %dma_wait3A_29 = arith.constant 0 : i32
      %dma_wait3A_30 = tpu.memref_slice %arg4[%arg1, %dma_wait3A_28, %dma_wait3A_29] : memref<16x80x128xi32, #tpu.memory_space<hbm>> -> memref<1x80x128xi32, #tpu.memory_space<hbm>>
      %dma_wait3A_31 = tpu.memref_squeeze %dma_wait3A_30 : memref<1x80x128xi32, #tpu.memory_space<hbm>> -> memref<80x128xi32, #tpu.memory_space<hbm>>
      tpu.wait_dma2 semaphore(%run_scoped3A : memref<!tpu.dma_semaphore, #tpu.memory_space<semaphore_mem>>) src(%dma_wait3A_31 : memref<80x128xi32, #tpu.memory_space<hbm>>) dst(%arg7 : memref<80x128xi32, #tpu.memory_space<vmem>>)
      tpu.yield
    }) : () -> ()
    %mul3A = arith.constant 10240 : i32
    %mul3A_0 = arith.muli %arg0, %mul3A : i32
    %mul3A_1 = arith.constant 640 : i32
    %mul3A_2 = arith.muli %arg1, %mul3A_1 : i32
    %add3A = arith.addi %mul3A_0, %mul3A_2 : i32
    %mul3A_3 = arith.constant 640 : i32
    %mul3A_4 = arith.muli %arg1, %mul3A_3 : i32
    "tpu.region"() ({
      %run_scoped3A = tpu.sem_alloc : memref<!tpu.dma_semaphore, #tpu.memory_space<semaphore_mem>>
      %dma_start3A = arith.constant 0 : i32
      %dma_start3A_18 = tpu.memref_slice %arg10[%mul3A_4, %dma_start3A] : memref<10240x128xf32, #tpu.memory_space<vmem_shared>> -> memref<640x128xf32, #tpu.memory_space<vmem_shared>>
      %dma_start3A_19 = arith.constant 0 : i32
      %dma_start3A_20 = tpu.memref_slice %arg2[%add3A, %dma_start3A_19] : memref<20480x128xf32, #tpu.memory_space<hbm>> -> memref<640x128xf32, #tpu.memory_space<hbm>>
      tpu.enqueue_dma source(%dma_start3A_20 : memref<640x128xf32, #tpu.memory_space<hbm>>) target(%dma_start3A_18 : memref<640x128xf32, #tpu.memory_space<vmem_shared>>) target_semaphore(%run_scoped3A : memref<!tpu.dma_semaphore, #tpu.memory_space<semaphore_mem>>)
      %dma_wait3A = arith.constant 0 : i32
      %dma_wait3A_21 = tpu.memref_slice %arg10[%mul3A_4, %dma_wait3A] : memref<10240x128xf32, #tpu.memory_space<vmem_shared>> -> memref<640x128xf32, #tpu.memory_space<vmem_shared>>
      %dma_wait3A_22 = arith.constant 0 : i32
      %dma_wait3A_23 = tpu.memref_slice %arg2[%add3A, %dma_wait3A_22] : memref<20480x128xf32, #tpu.memory_space<hbm>> -> memref<640x128xf32, #tpu.memory_space<hbm>>
      tpu.wait_dma2 semaphore(%run_scoped3A : memref<!tpu.dma_semaphore, #tpu.memory_space<semaphore_mem>>) src(%dma_wait3A_23 : memref<640x128xf32, #tpu.memory_space<hbm>>) dst(%dma_wait3A_21 : memref<640x128xf32, #tpu.memory_space<vmem_shared>>)
      tpu.yield
    }) : () -> ()
    %barrier3A = arith.constant 0 : index
    tpu.barrier barrier_id(%barrier3A)
    %scan3A = arith.constant 0 : i32
    %scan3A_5 = arith.constant 0 : i32
    %scan3A_6 = arith.constant 80 : i32
    %scan3A_7 = arith.addi %scan3A_5, %scan3A_6 : i32
    %scan3A_8 = arith.constant 1 : i32
    scf.for %scan3A_18 = %scan3A_5 to %scan3A_7 step %scan3A_8  : i32 {
      %dma_start3A = arith.constant 0 : i32
      %dma_start3A_19 = tpu.memref_slice %arg6[%scan3A_18, %dma_start3A] : memref<80x128xi32, #tpu.memory_space<vmem>> -> memref<1x128xi32, #tpu.memory_space<vmem>>
      %dma_start3A_20 = tpu.memref_squeeze %dma_start3A_19 : memref<1x128xi32, #tpu.memory_space<vmem>> -> memref<128xi32, #tpu.memory_space<vmem>>
      %dma_start3A_21 = arith.constant 0 : i32
      %dma_start3A_22 = arith.constant 0 : i32
      %dma_start3A_23 = tpu.memref_slice %arg2[%dma_start3A_21, %dma_start3A_22] : memref<20480x128xf32, #tpu.memory_space<hbm>> -> memref<20480x128xf32, #tpu.memory_space<hbm>>
      tpu.enqueue_indirect_dma source(%dma_start3A_23 : memref<20480x128xf32, #tpu.memory_space<hbm>>) target(%arg8 : memref<128x128xf32, #tpu.memory_space<vmem>>) offsets(%dma_start3A_20 : memref<128xi32, #tpu.memory_space<vmem>>) semaphore(%arg9 : memref<!tpu.dma_semaphore, #tpu.memory_space<semaphore_mem>>)
      %dma_wait3A = arith.constant 0 : i32
      %dma_wait3A_24 = tpu.memref_slice %arg6[%scan3A_18, %dma_wait3A] : memref<80x128xi32, #tpu.memory_space<vmem>> -> memref<1x128xi32, #tpu.memory_space<vmem>>
      %dma_wait3A_25 = tpu.memref_squeeze %dma_wait3A_24 : memref<1x128xi32, #tpu.memory_space<vmem>> -> memref<128xi32, #tpu.memory_space<vmem>>
      %dma_wait3A_26 = arith.constant 0 : i32
      %dma_wait3A_27 = arith.constant 0 : i32
      %dma_wait3A_28 = tpu.memref_slice %arg2[%dma_wait3A_26, %dma_wait3A_27] : memref<20480x128xf32, #tpu.memory_space<hbm>> -> memref<20480x128xf32, #tpu.memory_space<hbm>>
      tpu.wait_indirect_dma semaphore(%arg9 : memref<!tpu.dma_semaphore, #tpu.memory_space<semaphore_mem>>) src(%dma_wait3A_28 : memref<20480x128xf32, #tpu.memory_space<hbm>>) dst(%arg8 : memref<128x128xf32, #tpu.memory_space<vmem>>)
      "tpu.region"() ({
        %run_scoped3A = tpu.sem_alloc : memref<!tpu.dma_semaphore, #tpu.memory_space<semaphore_mem>>
        %dma_start3A_29 = arith.constant 0 : i32
        %dma_start3A_30 = tpu.memref_slice %arg7[%scan3A_18, %dma_start3A_29] : memref<80x128xi32, #tpu.memory_space<vmem>> -> memref<1x128xi32, #tpu.memory_space<vmem>>
        %dma_start3A_31 = tpu.memref_squeeze %dma_start3A_30 : memref<1x128xi32, #tpu.memory_space<vmem>> -> memref<128xi32, #tpu.memory_space<vmem>>
        %dma_start3A_32 = arith.constant 0 : i32
        %dma_start3A_33 = arith.constant 0 : i32
        %dma_start3A_34 = tpu.memref_slice %arg10[%dma_start3A_32, %dma_start3A_33] : memref<10240x128xf32, #tpu.memory_space<vmem_shared>> -> memref<10240x128xf32, #tpu.memory_space<vmem_shared>>
        tpu.enqueue_indirect_dma source(%arg8 : memref<128x128xf32, #tpu.memory_space<vmem>>) target(%dma_start3A_34 : memref<10240x128xf32, #tpu.memory_space<vmem_shared>>) offsets(%dma_start3A_31 : memref<128xi32, #tpu.memory_space<vmem>>) semaphore(%run_scoped3A : memref<!tpu.dma_semaphore, #tpu.memory_space<semaphore_mem>>) {add = true}
        %dma_wait3A_35 = arith.constant 0 : i32
        %dma_wait3A_36 = tpu.memref_slice %arg7[%scan3A_18, %dma_wait3A_35] : memref<80x128xi32, #tpu.memory_space<vmem>> -> memref<1x128xi32, #tpu.memory_space<vmem>>
        %dma_wait3A_37 = tpu.memref_squeeze %dma_wait3A_36 : memref<1x128xi32, #tpu.memory_space<vmem>> -> memref<128xi32, #tpu.memory_space<vmem>>
        %dma_wait3A_38 = arith.constant 0 : i32
        %dma_wait3A_39 = arith.constant 0 : i32
        %dma_wait3A_40 = tpu.memref_slice %arg10[%dma_wait3A_38, %dma_wait3A_39] : memref<10240x128xf32, #tpu.memory_space<vmem_shared>> -> memref<10240x128xf32, #tpu.memory_space<vmem_shared>>
        tpu.wait_indirect_dma semaphore(%run_scoped3A : memref<!tpu.dma_semaphore, #tpu.memory_space<semaphore_mem>>) src(%arg8 : memref<128x128xf32, #tpu.memory_space<vmem>>) dst(%dma_wait3A_40 : memref<10240x128xf32, #tpu.memory_space<vmem_shared>>)
        tpu.yield
      }) : () -> ()
    }
    %scan3A_9 = arith.constant 80 : i32
    %barrier3A_10 = arith.constant 0 : index
    tpu.barrier barrier_id(%barrier3A_10)
    %mul3A_11 = arith.constant 640 : i32
    %mul3A_12 = arith.muli %arg1, %mul3A_11 : i32
    %mul3A_13 = arith.constant 10240 : i32
    %mul3A_14 = arith.muli %arg0, %mul3A_13 : i32
    %mul3A_15 = arith.constant 640 : i32
    %mul3A_16 = arith.muli %arg1, %mul3A_15 : i32
    %add3A_17 = arith.addi %mul3A_14, %mul3A_16 : i32
    "tpu.region"() ({
      %run_scoped3A = tpu.sem_alloc : memref<!tpu.dma_semaphore, #tpu.memory_space<semaphore_mem>>
      %dma_start3A = arith.constant 0 : i32
      %dma_start3A_18 = tpu.memref_slice %arg5[%add3A_17, %dma_start3A] : memref<20480x128xf32, #tpu.memory_space<hbm>> -> memref<640x128xf32, #tpu.memory_space<hbm>>
      %dma_start3A_19 = arith.constant 0 : i32
      %dma_start3A_20 = tpu.memref_slice %arg10[%mul3A_12, %dma_start3A_19] : memref<10240x128xf32, #tpu.memory_space<vmem_shared>> -> memref<640x128xf32, #tpu.memory_space<vmem_shared>>
      tpu.enqueue_dma source(%dma_start3A_20 : memref<640x128xf32, #tpu.memory_space<vmem_shared>>) target(%dma_start3A_18 : memref<640x128xf32, #tpu.memory_space<hbm>>) target_semaphore(%run_scoped3A : memref<!tpu.dma_semaphore, #tpu.memory_space<semaphore_mem>>)
      %dma_wait3A = arith.constant 0 : i32
      %dma_wait3A_21 = tpu.memref_slice %arg5[%add3A_17, %dma_wait3A] : memref<20480x128xf32, #tpu.memory_space<hbm>> -> memref<640x128xf32, #tpu.memory_space<hbm>>
      %dma_wait3A_22 = arith.constant 0 : i32
      %dma_wait3A_23 = tpu.memref_slice %arg10[%mul3A_12, %dma_wait3A_22] : memref<10240x128xf32, #tpu.memory_space<vmem_shared>> -> memref<640x128xf32, #tpu.memory_space<vmem_shared>>
      tpu.wait_dma2 semaphore(%run_scoped3A : memref<!tpu.dma_semaphore, #tpu.memory_space<semaphore_mem>>) src(%dma_wait3A_23 : memref<640x128xf32, #tpu.memory_space<vmem_shared>>) dst(%dma_wait3A_21 : memref<640x128xf32, #tpu.memory_space<hbm>>)
      tpu.yield
    }) : () -> ()
    return
  }
}

#map = affine_map<(d0, d1) -> (0, 0)>
#map1 = affine_map<(d0, d1) -> (0, 0, 0, 0)>
#map2 = affine_map<(d0, d1) -> (0, 0, 0)>
module attributes {stable_mosaic.version = 14 : i64} {
  func.func @k(%arg0: i32, %arg1: i32, %arg2: memref<20480x128xf32, #tpu.memory_space<hbm>>, %arg3: memref<2x16x80x128xi32, #tpu.memory_space<hbm>>, %arg4: memref<16x80x128xi32, #tpu.memory_space<hbm>>, %arg5: memref<20480x128xf32, #tpu.memory_space<hbm>>, %arg6: memref<80x128xi32, #tpu.memory_space<vmem>>, %arg7: memref<80x128xi32, #tpu.memory_space<vmem>>, %arg8: memref<128x128xf32, #tpu.memory_space<vmem>>, %arg9: memref<!tpu.dma_semaphore, #tpu.memory_space<semaphore_mem>>, %arg10: memref<10240x128xf32, #tpu.memory_space<vmem_shared>>) attributes {dimension_semantics = [#tpu.dimension_semantics<core_parallel>, #tpu.dimension_semantics<subcore_parallel>], iteration_bounds = array<i64: 2, 16>, scalar_prefetch = 0 : i64, scratch_operands = 5 : i64, tpu.core_type = #tpu.core_type<sc_vector_subcore>, window_params = [{transform_indices = #map}, {transform_indices = #map1}, {transform_indices = #map2}, {transform_indices = #map}]} {
    "tpu.region"() ({
      %run_scoped3A = tpu.sem_alloc : memref<!tpu.dma_semaphore, #tpu.memory_space<semaphore_mem>>
      %dma_start3A = arith.constant 0 : i32
      %dma_start3A_18 = arith.constant 0 : i32
      %dma_start3A_19 = tpu.memref_slice %arg3[%arg0, %arg1, %dma_start3A, %dma_start3A_18] : memref<2x16x80x128xi32, #tpu.memory_space<hbm>> -> memref<1x1x80x128xi32, #tpu.memory_space<hbm>>
      %dma_start3A_20 = tpu.memref_squeeze %dma_start3A_19 : memref<1x1x80x128xi32, #tpu.memory_space<hbm>> -> memref<80x128xi32, #tpu.memory_space<hbm>>
      %dma_start3A_21 = arith.constant 0 : i32
      %dma_start3A_22 = arith.constant 0 : i32
      %dma_start3A_23 = tpu.memref_slice %arg3[%arg0, %arg1, %dma_start3A_21, %dma_start3A_22] : memref<2x16x80x128xi32, #tpu.memory_space<hbm>> -> memref<1x1x80x128xi32, #tpu.memory_space<hbm>>
      %dma_start3A_24 = tpu.memref_squeeze %dma_start3A_23 : memref<1x1x80x128xi32, #tpu.memory_space<hbm>> -> memref<80x128xi32, #tpu.memory_space<hbm>>
      tpu.enqueue_dma source(%dma_start3A_24 : memref<80x128xi32, #tpu.memory_space<hbm>>) target(%arg6 : memref<80x128xi32, #tpu.memory_space<vmem>>) target_semaphore(%run_scoped3A : memref<!tpu.dma_semaphore, #tpu.memory_space<semaphore_mem>>)
      %dma_wait3A = arith.constant 0 : i32
      %dma_wait3A_25 = arith.constant 0 : i32
      %dma_wait3A_26 = tpu.memref_slice %arg3[%arg0, %arg1, %dma_wait3A, %dma_wait3A_25] : memref<2x16x80x128xi32, #tpu.memory_space<hbm>> -> memref<1x1x80x128xi32, #tpu.memory_space<hbm>>
      %dma_wait3A_27 = tpu.memref_squeeze %dma_wait3A_26 : memref<1x1x80x128xi32, #tpu.memory_space<hbm>> -> memref<80x128xi32, #tpu.memory_space<hbm>>
      %dma_wait3A_28 = arith.constant 0 : i32
      %dma_wait3A_29 = arith.constant 0 : i32
      %dma_wait3A_30 = tpu.memref_slice %arg3[%arg0, %arg1, %dma_wait3A_28, %dma_wait3A_29] : memref<2x16x80x128xi32, #tpu.memory_space<hbm>> -> memref<1x1x80x128xi32, #tpu.memory_space<hbm>>
      %dma_wait3A_31 = tpu.memref_squeeze %dma_wait3A_30 : memref<1x1x80x128xi32, #tpu.memory_space<hbm>> -> memref<80x128xi32, #tpu.memory_space<hbm>>
      tpu.wait_dma2 semaphore(%run_scoped3A : memref<!tpu.dma_semaphore, #tpu.memory_space<semaphore_mem>>) src(%dma_wait3A_31 : memref<80x128xi32, #tpu.memory_space<hbm>>) dst(%arg6 : memref<80x128xi32, #tpu.memory_space<vmem>>)
      tpu.yield
    }) : () -> ()
    "tpu.region"() ({
      %run_scoped3A = tpu.sem_alloc : memref<!tpu.dma_semaphore, #tpu.memory_space<semaphore_mem>>
      %dma_start3A = arith.constant 0 : i32
      %dma_start3A_18 = arith.constant 0 : i32
      %dma_start3A_19 = tpu.memref_slice %arg4[%arg1, %dma_start3A, %dma_start3A_18] : memref<16x80x128xi32, #tpu.memory_space<hbm>> -> memref<1x80x128xi32, #tpu.memory_space<hbm>>
      %dma_start3A_20 = tpu.memref_squeeze %dma_start3A_19 : memref<1x80x128xi32, #tpu.memory_space<hbm>> -> memref<80x128xi32, #tpu.memory_space<hbm>>
      %dma_start3A_21 = arith.constant 0 : i32
      %dma_start3A_22 = arith.constant 0 : i32
      %dma_start3A_23 = tpu.memref_slice %arg4[%arg1, %dma_start3A_21, %dma_start3A_22] : memref<16x80x128xi32, #tpu.memory_space<hbm>> -> memref<1x80x128xi32, #tpu.memory_space<hbm>>
      %dma_start3A_24 = tpu.memref_squeeze %dma_start3A_23 : memref<1x80x128xi32, #tpu.memory_space<hbm>> -> memref<80x128xi32, #tpu.memory_space<hbm>>
      tpu.enqueue_dma source(%dma_start3A_24 : memref<80x128xi32, #tpu.memory_space<hbm>>) target(%arg7 : memref<80x128xi32, #tpu.memory_space<vmem>>) target_semaphore(%run_scoped3A : memref<!tpu.dma_semaphore, #tpu.memory_space<semaphore_mem>>)
      %dma_wait3A = arith.constant 0 : i32
      %dma_wait3A_25 = arith.constant 0 : i32
      %dma_wait3A_26 = tpu.memref_slice %arg4[%arg1, %dma_wait3A, %dma_wait3A_25] : memref<16x80x128xi32, #tpu.memory_space<hbm>> -> memref<1x80x128xi32, #tpu.memory_space<hbm>>
      %dma_wait3A_27 = tpu.memref_squeeze %dma_wait3A_26 : memref<1x80x128xi32, #tpu.memory_space<hbm>> -> memref<80x128xi32, #tpu.memory_space<hbm>>
      %dma_wait3A_28 = arith.constant 0 : i32
      %dma_wait3A_29 = arith.constant 0 : i32
      %dma_wait3A_30 = tpu.memref_slice %arg4[%arg1, %dma_wait3A_28, %dma_wait3A_29] : memref<16x80x128xi32, #tpu.memory_space<hbm>> -> memref<1x80x128xi32, #tpu.memory_space<hbm>>
      %dma_wait3A_31 = tpu.memref_squeeze %dma_wait3A_30 : memref<1x80x128xi32, #tpu.memory_space<hbm>> -> memref<80x128xi32, #tpu.memory_space<hbm>>
      tpu.wait_dma2 semaphore(%run_scoped3A : memref<!tpu.dma_semaphore, #tpu.memory_space<semaphore_mem>>) src(%dma_wait3A_31 : memref<80x128xi32, #tpu.memory_space<hbm>>) dst(%arg7 : memref<80x128xi32, #tpu.memory_space<vmem>>)
      tpu.yield
    }) : () -> ()
    %mul3A = arith.constant 10240 : i32
    %mul3A_0 = arith.muli %arg0, %mul3A : i32
    %mul3A_1 = arith.constant 640 : i32
    %mul3A_2 = arith.muli %arg1, %mul3A_1 : i32
    %add3A = arith.addi %mul3A_0, %mul3A_2 : i32
    %mul3A_3 = arith.constant 640 : i32
    %mul3A_4 = arith.muli %arg1, %mul3A_3 : i32
    "tpu.region"() ({
      %run_scoped3A = tpu.sem_alloc : memref<!tpu.dma_semaphore, #tpu.memory_space<semaphore_mem>>
      %dma_start3A = arith.constant 0 : i32
      %dma_start3A_18 = tpu.memref_slice %arg10[%mul3A_4, %dma_start3A] : memref<10240x128xf32, #tpu.memory_space<vmem_shared>> -> memref<640x128xf32, #tpu.memory_space<vmem_shared>>
      %dma_start3A_19 = arith.constant 0 : i32
      %dma_start3A_20 = tpu.memref_slice %arg2[%add3A, %dma_start3A_19] : memref<20480x128xf32, #tpu.memory_space<hbm>> -> memref<640x128xf32, #tpu.memory_space<hbm>>
      tpu.enqueue_dma source(%dma_start3A_20 : memref<640x128xf32, #tpu.memory_space<hbm>>) target(%dma_start3A_18 : memref<640x128xf32, #tpu.memory_space<vmem_shared>>) target_semaphore(%run_scoped3A : memref<!tpu.dma_semaphore, #tpu.memory_space<semaphore_mem>>)
      %dma_wait3A = arith.constant 0 : i32
      %dma_wait3A_21 = tpu.memref_slice %arg10[%mul3A_4, %dma_wait3A] : memref<10240x128xf32, #tpu.memory_space<vmem_shared>> -> memref<640x128xf32, #tpu.memory_space<vmem_shared>>
      %dma_wait3A_22 = arith.constant 0 : i32
      %dma_wait3A_23 = tpu.memref_slice %arg2[%add3A, %dma_wait3A_22] : memref<20480x128xf32, #tpu.memory_space<hbm>> -> memref<640x128xf32, #tpu.memory_space<hbm>>
      tpu.wait_dma2 semaphore(%run_scoped3A : memref<!tpu.dma_semaphore, #tpu.memory_space<semaphore_mem>>) src(%dma_wait3A_23 : memref<640x128xf32, #tpu.memory_space<hbm>>) dst(%dma_wait3A_21 : memref<640x128xf32, #tpu.memory_space<vmem_shared>>)
      tpu.yield
    }) : () -> ()
    %barrier3A = arith.constant 0 : index
    tpu.barrier barrier_id(%barrier3A)
    %scan3A = arith.constant 0 : i32
    %scan3A_5 = arith.constant 0 : i32
    %scan3A_6 = arith.constant 80 : i32
    %scan3A_7 = arith.addi %scan3A_5, %scan3A_6 : i32
    %scan3A_8 = arith.constant 1 : i32
    scf.for %scan3A_18 = %scan3A_5 to %scan3A_7 step %scan3A_8  : i32 {
      %dma_start3A = arith.constant 0 : i32
      %dma_start3A_19 = tpu.memref_slice %arg6[%scan3A_18, %dma_start3A] : memref<80x128xi32, #tpu.memory_space<vmem>> -> memref<1x128xi32, #tpu.memory_space<vmem>>
      %dma_start3A_20 = tpu.memref_squeeze %dma_start3A_19 : memref<1x128xi32, #tpu.memory_space<vmem>> -> memref<128xi32, #tpu.memory_space<vmem>>
      %dma_start3A_21 = arith.constant 0 : i32
      %dma_start3A_22 = arith.constant 0 : i32
      %dma_start3A_23 = tpu.memref_slice %arg2[%dma_start3A_21, %dma_start3A_22] : memref<20480x128xf32, #tpu.memory_space<hbm>> -> memref<20480x128xf32, #tpu.memory_space<hbm>>
      tpu.enqueue_indirect_dma source(%dma_start3A_23 : memref<20480x128xf32, #tpu.memory_space<hbm>>) target(%arg8 : memref<128x128xf32, #tpu.memory_space<vmem>>) offsets(%dma_start3A_20 : memref<128xi32, #tpu.memory_space<vmem>>) semaphore(%arg9 : memref<!tpu.dma_semaphore, #tpu.memory_space<semaphore_mem>>)
      %dma_wait3A = arith.constant 0 : i32
      %dma_wait3A_24 = tpu.memref_slice %arg6[%scan3A_18, %dma_wait3A] : memref<80x128xi32, #tpu.memory_space<vmem>> -> memref<1x128xi32, #tpu.memory_space<vmem>>
      %dma_wait3A_25 = tpu.memref_squeeze %dma_wait3A_24 : memref<1x128xi32, #tpu.memory_space<vmem>> -> memref<128xi32, #tpu.memory_space<vmem>>
      %dma_wait3A_26 = arith.constant 0 : i32
      %dma_wait3A_27 = arith.constant 0 : i32
      %dma_wait3A_28 = tpu.memref_slice %arg2[%dma_wait3A_26, %dma_wait3A_27] : memref<20480x128xf32, #tpu.memory_space<hbm>> -> memref<20480x128xf32, #tpu.memory_space<hbm>>
      tpu.wait_indirect_dma semaphore(%arg9 : memref<!tpu.dma_semaphore, #tpu.memory_space<semaphore_mem>>) src(%dma_wait3A_28 : memref<20480x128xf32, #tpu.memory_space<hbm>>) dst(%arg8 : memref<128x128xf32, #tpu.memory_space<vmem>>)
      "tpu.region"() ({
        %run_scoped3A = tpu.sem_alloc : memref<!tpu.dma_semaphore, #tpu.memory_space<semaphore_mem>>
        %dma_start3A_29 = arith.constant 0 : i32
        %dma_start3A_30 = tpu.memref_slice %arg7[%scan3A_18, %dma_start3A_29] : memref<80x128xi32, #tpu.memory_space<vmem>> -> memref<1x128xi32, #tpu.memory_space<vmem>>
        %dma_start3A_31 = tpu.memref_squeeze %dma_start3A_30 : memref<1x128xi32, #tpu.memory_space<vmem>> -> memref<128xi32, #tpu.memory_space<vmem>>
        %dma_start3A_32 = arith.constant 0 : i32
        %dma_start3A_33 = arith.constant 0 : i32
        %dma_start3A_34 = tpu.memref_slice %arg10[%dma_start3A_32, %dma_start3A_33] : memref<10240x128xf32, #tpu.memory_space<vmem_shared>> -> memref<10240x128xf32, #tpu.memory_space<vmem_shared>>
        tpu.enqueue_indirect_dma source(%arg8 : memref<128x128xf32, #tpu.memory_space<vmem>>) target(%dma_start3A_34 : memref<10240x128xf32, #tpu.memory_space<vmem_shared>>) offsets(%dma_start3A_31 : memref<128xi32, #tpu.memory_space<vmem>>) semaphore(%run_scoped3A : memref<!tpu.dma_semaphore, #tpu.memory_space<semaphore_mem>>) {add = true}
        %dma_wait3A_35 = arith.constant 0 : i32
        %dma_wait3A_36 = tpu.memref_slice %arg7[%scan3A_18, %dma_wait3A_35] : memref<80x128xi32, #tpu.memory_space<vmem>> -> memref<1x128xi32, #tpu.memory_space<vmem>>
        %dma_wait3A_37 = tpu.memref_squeeze %dma_wait3A_36 : memref<1x128xi32, #tpu.memory_space<vmem>> -> memref<128xi32, #tpu.memory_space<vmem>>
        %dma_wait3A_38 = arith.constant 0 : i32
        %dma_wait3A_39 = arith.constant 0 : i32
        %dma_wait3A_40 = tpu.memref_slice %arg10[%dma_wait3A_38, %dma_wait3A_39] : memref<10240x128xf32, #tpu.memory_space<vmem_shared>> -> memref<10240x128xf32, #tpu.memory_space<vmem_shared>>
        tpu.wait_indirect_dma semaphore(%run_scoped3A : memref<!tpu.dma_semaphore, #tpu.memory_space<semaphore_mem>>) src(%arg8 : memref<128x128xf32, #tpu.memory_space<vmem>>) dst(%dma_wait3A_40 : memref<10240x128xf32, #tpu.memory_space<vmem_shared>>)
        tpu.yield
      }) : () -> ()
    }
    %scan3A_9 = arith.constant 80 : i32
    %barrier3A_10 = arith.constant 0 : index
    tpu.barrier barrier_id(%barrier3A_10)
    %mul3A_11 = arith.constant 640 : i32
    %mul3A_12 = arith.muli %arg1, %mul3A_11 : i32
    %mul3A_13 = arith.constant 10240 : i32
    %mul3A_14 = arith.muli %arg0, %mul3A_13 : i32
    %mul3A_15 = arith.constant 640 : i32
    %mul3A_16 = arith.muli %arg1, %mul3A_15 : i32
    %add3A_17 = arith.addi %mul3A_14, %mul3A_16 : i32
    "tpu.region"() ({
      %run_scoped3A = tpu.sem_alloc : memref<!tpu.dma_semaphore, #tpu.memory_space<semaphore_mem>>
      %dma_start3A = arith.constant 0 : i32
      %dma_start3A_18 = tpu.memref_slice %arg5[%add3A_17, %dma_start3A] : memref<20480x128xf32, #tpu.memory_space<hbm>> -> memref<640x128xf32, #tpu.memory_space<hbm>>
      %dma_start3A_19 = arith.constant 0 : i32
      %dma_start3A_20 = tpu.memref_slice %arg10[%mul3A_12, %dma_start3A_19] : memref<10240x128xf32, #tpu.memory_space<vmem_shared>> -> memref<640x128xf32, #tpu.memory_space<vmem_shared>>
      tpu.enqueue_dma source(%dma_start3A_20 : memref<640x128xf32, #tpu.memory_space<vmem_shared>>) target(%dma_start3A_18 : memref<640x128xf32, #tpu.memory_space<hbm>>) target_semaphore(%run_scoped3A : memref<!tpu.dma_semaphore, #tpu.memory_space<semaphore_mem>>)
      %dma_wait3A = arith.constant 0 : i32
      %dma_wait3A_21 = tpu.memref_slice %arg5[%add3A_17, %dma_wait3A] : memref<20480x128xf32, #tpu.memory_space<hbm>> -> memref<640x128xf32, #tpu.memory_space<hbm>>
      %dma_wait3A_22 = arith.constant 0 : i32
      %dma_wait3A_23 = tpu.memref_slice %arg10[%mul3A_12, %dma_wait3A_22] : memref<10240x128xf32, #tpu.memory_space<vmem_shared>> -> memref<640x128xf32, #tpu.memory_space<vmem_shared>>
      tpu.wait_dma2 semaphore(%run_scoped3A : memref<!tpu.dma_semaphore, #tpu.memory_space<semaphore_mem>>) src(%dma_wait3A_23 : memref<640x128xf32, #tpu.memory_space<vmem_shared>>) dst(%dma_wait3A_21 : memref<640x128xf32, #tpu.memory_space<hbm>>)
      tpu.yield
    }) : () -> ()
    return
  }
}

#map = affine_map<(d0, d1) -> (0, 0)>
#map1 = affine_map<(d0, d1) -> (0, 0, 0, 0)>
#map2 = affine_map<(d0, d1) -> (0, 0, 0)>
module attributes {stable_mosaic.version = 14 : i64} {
  func.func @k(%arg0: i32, %arg1: i32, %arg2: memref<20480x128xf32, #tpu.memory_space<hbm>>, %arg3: memref<2x16x80x128xi32, #tpu.memory_space<hbm>>, %arg4: memref<16x80x128xi32, #tpu.memory_space<hbm>>, %arg5: memref<20480x128xf32, #tpu.memory_space<hbm>>, %arg6: memref<80x128xi32, #tpu.memory_space<vmem>>, %arg7: memref<80x128xi32, #tpu.memory_space<vmem>>, %arg8: memref<128x128xf32, #tpu.memory_space<vmem>>, %arg9: memref<!tpu.dma_semaphore, #tpu.memory_space<semaphore_mem>>, %arg10: memref<10240x128xf32, #tpu.memory_space<vmem_shared>>) attributes {dimension_semantics = [#tpu.dimension_semantics<core_parallel>, #tpu.dimension_semantics<subcore_parallel>], iteration_bounds = array<i64: 2, 16>, scalar_prefetch = 0 : i64, scratch_operands = 5 : i64, tpu.core_type = #tpu.core_type<sc_vector_subcore>, window_params = [{transform_indices = #map}, {transform_indices = #map1}, {transform_indices = #map2}, {transform_indices = #map}]} {
    "tpu.region"() ({
      %run_scoped3A = tpu.sem_alloc : memref<!tpu.dma_semaphore, #tpu.memory_space<semaphore_mem>>
      %dma_start3A = arith.constant 0 : i32
      %dma_start3A_18 = arith.constant 0 : i32
      %dma_start3A_19 = tpu.memref_slice %arg3[%arg0, %arg1, %dma_start3A, %dma_start3A_18] : memref<2x16x80x128xi32, #tpu.memory_space<hbm>> -> memref<1x1x80x128xi32, #tpu.memory_space<hbm>>
      %dma_start3A_20 = tpu.memref_squeeze %dma_start3A_19 : memref<1x1x80x128xi32, #tpu.memory_space<hbm>> -> memref<80x128xi32, #tpu.memory_space<hbm>>
      %dma_start3A_21 = arith.constant 0 : i32
      %dma_start3A_22 = arith.constant 0 : i32
      %dma_start3A_23 = tpu.memref_slice %arg3[%arg0, %arg1, %dma_start3A_21, %dma_start3A_22] : memref<2x16x80x128xi32, #tpu.memory_space<hbm>> -> memref<1x1x80x128xi32, #tpu.memory_space<hbm>>
      %dma_start3A_24 = tpu.memref_squeeze %dma_start3A_23 : memref<1x1x80x128xi32, #tpu.memory_space<hbm>> -> memref<80x128xi32, #tpu.memory_space<hbm>>
      tpu.enqueue_dma source(%dma_start3A_24 : memref<80x128xi32, #tpu.memory_space<hbm>>) target(%arg6 : memref<80x128xi32, #tpu.memory_space<vmem>>) target_semaphore(%run_scoped3A : memref<!tpu.dma_semaphore, #tpu.memory_space<semaphore_mem>>)
      %dma_wait3A = arith.constant 0 : i32
      %dma_wait3A_25 = arith.constant 0 : i32
      %dma_wait3A_26 = tpu.memref_slice %arg3[%arg0, %arg1, %dma_wait3A, %dma_wait3A_25] : memref<2x16x80x128xi32, #tpu.memory_space<hbm>> -> memref<1x1x80x128xi32, #tpu.memory_space<hbm>>
      %dma_wait3A_27 = tpu.memref_squeeze %dma_wait3A_26 : memref<1x1x80x128xi32, #tpu.memory_space<hbm>> -> memref<80x128xi32, #tpu.memory_space<hbm>>
      %dma_wait3A_28 = arith.constant 0 : i32
      %dma_wait3A_29 = arith.constant 0 : i32
      %dma_wait3A_30 = tpu.memref_slice %arg3[%arg0, %arg1, %dma_wait3A_28, %dma_wait3A_29] : memref<2x16x80x128xi32, #tpu.memory_space<hbm>> -> memref<1x1x80x128xi32, #tpu.memory_space<hbm>>
      %dma_wait3A_31 = tpu.memref_squeeze %dma_wait3A_30 : memref<1x1x80x128xi32, #tpu.memory_space<hbm>> -> memref<80x128xi32, #tpu.memory_space<hbm>>
      tpu.wait_dma2 semaphore(%run_scoped3A : memref<!tpu.dma_semaphore, #tpu.memory_space<semaphore_mem>>) src(%dma_wait3A_31 : memref<80x128xi32, #tpu.memory_space<hbm>>) dst(%arg6 : memref<80x128xi32, #tpu.memory_space<vmem>>)
      tpu.yield
    }) : () -> ()
    "tpu.region"() ({
      %run_scoped3A = tpu.sem_alloc : memref<!tpu.dma_semaphore, #tpu.memory_space<semaphore_mem>>
      %dma_start3A = arith.constant 0 : i32
      %dma_start3A_18 = arith.constant 0 : i32
      %dma_start3A_19 = tpu.memref_slice %arg4[%arg1, %dma_start3A, %dma_start3A_18] : memref<16x80x128xi32, #tpu.memory_space<hbm>> -> memref<1x80x128xi32, #tpu.memory_space<hbm>>
      %dma_start3A_20 = tpu.memref_squeeze %dma_start3A_19 : memref<1x80x128xi32, #tpu.memory_space<hbm>> -> memref<80x128xi32, #tpu.memory_space<hbm>>
      %dma_start3A_21 = arith.constant 0 : i32
      %dma_start3A_22 = arith.constant 0 : i32
      %dma_start3A_23 = tpu.memref_slice %arg4[%arg1, %dma_start3A_21, %dma_start3A_22] : memref<16x80x128xi32, #tpu.memory_space<hbm>> -> memref<1x80x128xi32, #tpu.memory_space<hbm>>
      %dma_start3A_24 = tpu.memref_squeeze %dma_start3A_23 : memref<1x80x128xi32, #tpu.memory_space<hbm>> -> memref<80x128xi32, #tpu.memory_space<hbm>>
      tpu.enqueue_dma source(%dma_start3A_24 : memref<80x128xi32, #tpu.memory_space<hbm>>) target(%arg7 : memref<80x128xi32, #tpu.memory_space<vmem>>) target_semaphore(%run_scoped3A : memref<!tpu.dma_semaphore, #tpu.memory_space<semaphore_mem>>)
      %dma_wait3A = arith.constant 0 : i32
      %dma_wait3A_25 = arith.constant 0 : i32
      %dma_wait3A_26 = tpu.memref_slice %arg4[%arg1, %dma_wait3A, %dma_wait3A_25] : memref<16x80x128xi32, #tpu.memory_space<hbm>> -> memref<1x80x128xi32, #tpu.memory_space<hbm>>
      %dma_wait3A_27 = tpu.memref_squeeze %dma_wait3A_26 : memref<1x80x128xi32, #tpu.memory_space<hbm>> -> memref<80x128xi32, #tpu.memory_space<hbm>>
      %dma_wait3A_28 = arith.constant 0 : i32
      %dma_wait3A_29 = arith.constant 0 : i32
      %dma_wait3A_30 = tpu.memref_slice %arg4[%arg1, %dma_wait3A_28, %dma_wait3A_29] : memref<16x80x128xi32, #tpu.memory_space<hbm>> -> memref<1x80x128xi32, #tpu.memory_space<hbm>>
      %dma_wait3A_31 = tpu.memref_squeeze %dma_wait3A_30 : memref<1x80x128xi32, #tpu.memory_space<hbm>> -> memref<80x128xi32, #tpu.memory_space<hbm>>
      tpu.wait_dma2 semaphore(%run_scoped3A : memref<!tpu.dma_semaphore, #tpu.memory_space<semaphore_mem>>) src(%dma_wait3A_31 : memref<80x128xi32, #tpu.memory_space<hbm>>) dst(%arg7 : memref<80x128xi32, #tpu.memory_space<vmem>>)
      tpu.yield
    }) : () -> ()
    %mul3A = arith.constant 10240 : i32
    %mul3A_0 = arith.muli %arg0, %mul3A : i32
    %mul3A_1 = arith.constant 640 : i32
    %mul3A_2 = arith.muli %arg1, %mul3A_1 : i32
    %add3A = arith.addi %mul3A_0, %mul3A_2 : i32
    %mul3A_3 = arith.constant 640 : i32
    %mul3A_4 = arith.muli %arg1, %mul3A_3 : i32
    "tpu.region"() ({
      %run_scoped3A = tpu.sem_alloc : memref<!tpu.dma_semaphore, #tpu.memory_space<semaphore_mem>>
      %dma_start3A = arith.constant 0 : i32
      %dma_start3A_18 = tpu.memref_slice %arg10[%mul3A_4, %dma_start3A] : memref<10240x128xf32, #tpu.memory_space<vmem_shared>> -> memref<640x128xf32, #tpu.memory_space<vmem_shared>>
      %dma_start3A_19 = arith.constant 0 : i32
      %dma_start3A_20 = tpu.memref_slice %arg2[%add3A, %dma_start3A_19] : memref<20480x128xf32, #tpu.memory_space<hbm>> -> memref<640x128xf32, #tpu.memory_space<hbm>>
      tpu.enqueue_dma source(%dma_start3A_20 : memref<640x128xf32, #tpu.memory_space<hbm>>) target(%dma_start3A_18 : memref<640x128xf32, #tpu.memory_space<vmem_shared>>) target_semaphore(%run_scoped3A : memref<!tpu.dma_semaphore, #tpu.memory_space<semaphore_mem>>)
      %dma_wait3A = arith.constant 0 : i32
      %dma_wait3A_21 = tpu.memref_slice %arg10[%mul3A_4, %dma_wait3A] : memref<10240x128xf32, #tpu.memory_space<vmem_shared>> -> memref<640x128xf32, #tpu.memory_space<vmem_shared>>
      %dma_wait3A_22 = arith.constant 0 : i32
      %dma_wait3A_23 = tpu.memref_slice %arg2[%add3A, %dma_wait3A_22] : memref<20480x128xf32, #tpu.memory_space<hbm>> -> memref<640x128xf32, #tpu.memory_space<hbm>>
      tpu.wait_dma2 semaphore(%run_scoped3A : memref<!tpu.dma_semaphore, #tpu.memory_space<semaphore_mem>>) src(%dma_wait3A_23 : memref<640x128xf32, #tpu.memory_space<hbm>>) dst(%dma_wait3A_21 : memref<640x128xf32, #tpu.memory_space<vmem_shared>>)
      tpu.yield
    }) : () -> ()
    %barrier3A = arith.constant 0 : index
    tpu.barrier barrier_id(%barrier3A)
    %scan3A = arith.constant 0 : i32
    %scan3A_5 = arith.constant 0 : i32
    %scan3A_6 = arith.constant 80 : i32
    %scan3A_7 = arith.addi %scan3A_5, %scan3A_6 : i32
    %scan3A_8 = arith.constant 1 : i32
    scf.for %scan3A_18 = %scan3A_5 to %scan3A_7 step %scan3A_8  : i32 {
      %dma_start3A = arith.constant 0 : i32
      %dma_start3A_19 = tpu.memref_slice %arg6[%scan3A_18, %dma_start3A] : memref<80x128xi32, #tpu.memory_space<vmem>> -> memref<1x128xi32, #tpu.memory_space<vmem>>
      %dma_start3A_20 = tpu.memref_squeeze %dma_start3A_19 : memref<1x128xi32, #tpu.memory_space<vmem>> -> memref<128xi32, #tpu.memory_space<vmem>>
      %dma_start3A_21 = arith.constant 0 : i32
      %dma_start3A_22 = arith.constant 0 : i32
      %dma_start3A_23 = tpu.memref_slice %arg2[%dma_start3A_21, %dma_start3A_22] : memref<20480x128xf32, #tpu.memory_space<hbm>> -> memref<20480x128xf32, #tpu.memory_space<hbm>>
      tpu.enqueue_indirect_dma source(%dma_start3A_23 : memref<20480x128xf32, #tpu.memory_space<hbm>>) target(%arg8 : memref<128x128xf32, #tpu.memory_space<vmem>>) offsets(%dma_start3A_20 : memref<128xi32, #tpu.memory_space<vmem>>) semaphore(%arg9 : memref<!tpu.dma_semaphore, #tpu.memory_space<semaphore_mem>>)
      %dma_wait3A = arith.constant 0 : i32
      %dma_wait3A_24 = tpu.memref_slice %arg6[%scan3A_18, %dma_wait3A] : memref<80x128xi32, #tpu.memory_space<vmem>> -> memref<1x128xi32, #tpu.memory_space<vmem>>
      %dma_wait3A_25 = tpu.memref_squeeze %dma_wait3A_24 : memref<1x128xi32, #tpu.memory_space<vmem>> -> memref<128xi32, #tpu.memory_space<vmem>>
      %dma_wait3A_26 = arith.constant 0 : i32
      %dma_wait3A_27 = arith.constant 0 : i32
      %dma_wait3A_28 = tpu.memref_slice %arg2[%dma_wait3A_26, %dma_wait3A_27] : memref<20480x128xf32, #tpu.memory_space<hbm>> -> memref<20480x128xf32, #tpu.memory_space<hbm>>
      tpu.wait_indirect_dma semaphore(%arg9 : memref<!tpu.dma_semaphore, #tpu.memory_space<semaphore_mem>>) src(%dma_wait3A_28 : memref<20480x128xf32, #tpu.memory_space<hbm>>) dst(%arg8 : memref<128x128xf32, #tpu.memory_space<vmem>>)
      "tpu.region"() ({
        %run_scoped3A = tpu.sem_alloc : memref<!tpu.dma_semaphore, #tpu.memory_space<semaphore_mem>>
        %dma_start3A_29 = arith.constant 0 : i32
        %dma_start3A_30 = tpu.memref_slice %arg7[%scan3A_18, %dma_start3A_29] : memref<80x128xi32, #tpu.memory_space<vmem>> -> memref<1x128xi32, #tpu.memory_space<vmem>>
        %dma_start3A_31 = tpu.memref_squeeze %dma_start3A_30 : memref<1x128xi32, #tpu.memory_space<vmem>> -> memref<128xi32, #tpu.memory_space<vmem>>
        %dma_start3A_32 = arith.constant 0 : i32
        %dma_start3A_33 = arith.constant 0 : i32
        %dma_start3A_34 = tpu.memref_slice %arg10[%dma_start3A_32, %dma_start3A_33] : memref<10240x128xf32, #tpu.memory_space<vmem_shared>> -> memref<10240x128xf32, #tpu.memory_space<vmem_shared>>
        tpu.enqueue_indirect_dma source(%arg8 : memref<128x128xf32, #tpu.memory_space<vmem>>) target(%dma_start3A_34 : memref<10240x128xf32, #tpu.memory_space<vmem_shared>>) offsets(%dma_start3A_31 : memref<128xi32, #tpu.memory_space<vmem>>) semaphore(%run_scoped3A : memref<!tpu.dma_semaphore, #tpu.memory_space<semaphore_mem>>) {add = true}
        %dma_wait3A_35 = arith.constant 0 : i32
        %dma_wait3A_36 = tpu.memref_slice %arg7[%scan3A_18, %dma_wait3A_35] : memref<80x128xi32, #tpu.memory_space<vmem>> -> memref<1x128xi32, #tpu.memory_space<vmem>>
        %dma_wait3A_37 = tpu.memref_squeeze %dma_wait3A_36 : memref<1x128xi32, #tpu.memory_space<vmem>> -> memref<128xi32, #tpu.memory_space<vmem>>
        %dma_wait3A_38 = arith.constant 0 : i32
        %dma_wait3A_39 = arith.constant 0 : i32
        %dma_wait3A_40 = tpu.memref_slice %arg10[%dma_wait3A_38, %dma_wait3A_39] : memref<10240x128xf32, #tpu.memory_space<vmem_shared>> -> memref<10240x128xf32, #tpu.memory_space<vmem_shared>>
        tpu.wait_indirect_dma semaphore(%run_scoped3A : memref<!tpu.dma_semaphore, #tpu.memory_space<semaphore_mem>>) src(%arg8 : memref<128x128xf32, #tpu.memory_space<vmem>>) dst(%dma_wait3A_40 : memref<10240x128xf32, #tpu.memory_space<vmem_shared>>)
        tpu.yield
      }) : () -> ()
    }
    %scan3A_9 = arith.constant 80 : i32
    %barrier3A_10 = arith.constant 0 : index
    tpu.barrier barrier_id(%barrier3A_10)
    %mul3A_11 = arith.constant 640 : i32
    %mul3A_12 = arith.muli %arg1, %mul3A_11 : i32
    %mul3A_13 = arith.constant 10240 : i32
    %mul3A_14 = arith.muli %arg0, %mul3A_13 : i32
    %mul3A_15 = arith.constant 640 : i32
    %mul3A_16 = arith.muli %arg1, %mul3A_15 : i32
    %add3A_17 = arith.addi %mul3A_14, %mul3A_16 : i32
    "tpu.region"() ({
      %run_scoped3A = tpu.sem_alloc : memref<!tpu.dma_semaphore, #tpu.memory_space<semaphore_mem>>
      %dma_start3A = arith.constant 0 : i32
      %dma_start3A_18 = tpu.memref_slice %arg5[%add3A_17, %dma_start3A] : memref<20480x128xf32, #tpu.memory_space<hbm>> -> memref<640x128xf32, #tpu.memory_space<hbm>>
      %dma_start3A_19 = arith.constant 0 : i32
      %dma_start3A_20 = tpu.memref_slice %arg10[%mul3A_12, %dma_start3A_19] : memref<10240x128xf32, #tpu.memory_space<vmem_shared>> -> memref<640x128xf32, #tpu.memory_space<vmem_shared>>
      tpu.enqueue_dma source(%dma_start3A_20 : memref<640x128xf32, #tpu.memory_space<vmem_shared>>) target(%dma_start3A_18 : memref<640x128xf32, #tpu.memory_space<hbm>>) target_semaphore(%run_scoped3A : memref<!tpu.dma_semaphore, #tpu.memory_space<semaphore_mem>>)
      %dma_wait3A = arith.constant 0 : i32
      %dma_wait3A_21 = tpu.memref_slice %arg5[%add3A_17, %dma_wait3A] : memref<20480x128xf32, #tpu.memory_space<hbm>> -> memref<640x128xf32, #tpu.memory_space<hbm>>
      %dma_wait3A_22 = arith.constant 0 : i32
      %dma_wait3A_23 = tpu.memref_slice %arg10[%mul3A_12, %dma_wait3A_22] : memref<10240x128xf32, #tpu.memory_space<vmem_shared>> -> memref<640x128xf32, #tpu.memory_space<vmem_shared>>
      tpu.wait_dma2 semaphore(%run_scoped3A : memref<!tpu.dma_semaphore, #tpu.memory_space<semaphore_mem>>) src(%dma_wait3A_23 : memref<640x128xf32, #tpu.memory_space<vmem_shared>>) dst(%dma_wait3A_21 : memref<640x128xf32, #tpu.memory_space<hbm>>)
      tpu.yield
    }) : () -> ()
    return
  }
}

#map = affine_map<(d0, d1) -> (0, 0)>
#map1 = affine_map<(d0, d1) -> (0, 0, 0, 0)>
#map2 = affine_map<(d0, d1) -> (0, 0, 0)>
module attributes {stable_mosaic.version = 14 : i64} {
  func.func @k(%arg0: i32, %arg1: i32, %arg2: memref<20480x128xf32, #tpu.memory_space<hbm>>, %arg3: memref<2x16x80x128xi32, #tpu.memory_space<hbm>>, %arg4: memref<16x80x128xi32, #tpu.memory_space<hbm>>, %arg5: memref<20480x128xf32, #tpu.memory_space<hbm>>, %arg6: memref<80x128xi32, #tpu.memory_space<vmem>>, %arg7: memref<80x128xi32, #tpu.memory_space<vmem>>, %arg8: memref<128x128xf32, #tpu.memory_space<vmem>>, %arg9: memref<!tpu.dma_semaphore, #tpu.memory_space<semaphore_mem>>, %arg10: memref<10240x128xf32, #tpu.memory_space<vmem_shared>>) attributes {dimension_semantics = [#tpu.dimension_semantics<core_parallel>, #tpu.dimension_semantics<subcore_parallel>], iteration_bounds = array<i64: 2, 16>, scalar_prefetch = 0 : i64, scratch_operands = 5 : i64, tpu.core_type = #tpu.core_type<sc_vector_subcore>, window_params = [{transform_indices = #map}, {transform_indices = #map1}, {transform_indices = #map2}, {transform_indices = #map}]} {
    "tpu.region"() ({
      %run_scoped3A = tpu.sem_alloc : memref<!tpu.dma_semaphore, #tpu.memory_space<semaphore_mem>>
      %dma_start3A = arith.constant 0 : i32
      %dma_start3A_18 = arith.constant 0 : i32
      %dma_start3A_19 = tpu.memref_slice %arg3[%arg0, %arg1, %dma_start3A, %dma_start3A_18] : memref<2x16x80x128xi32, #tpu.memory_space<hbm>> -> memref<1x1x80x128xi32, #tpu.memory_space<hbm>>
      %dma_start3A_20 = tpu.memref_squeeze %dma_start3A_19 : memref<1x1x80x128xi32, #tpu.memory_space<hbm>> -> memref<80x128xi32, #tpu.memory_space<hbm>>
      %dma_start3A_21 = arith.constant 0 : i32
      %dma_start3A_22 = arith.constant 0 : i32
      %dma_start3A_23 = tpu.memref_slice %arg3[%arg0, %arg1, %dma_start3A_21, %dma_start3A_22] : memref<2x16x80x128xi32, #tpu.memory_space<hbm>> -> memref<1x1x80x128xi32, #tpu.memory_space<hbm>>
      %dma_start3A_24 = tpu.memref_squeeze %dma_start3A_23 : memref<1x1x80x128xi32, #tpu.memory_space<hbm>> -> memref<80x128xi32, #tpu.memory_space<hbm>>
      tpu.enqueue_dma source(%dma_start3A_24 : memref<80x128xi32, #tpu.memory_space<hbm>>) target(%arg6 : memref<80x128xi32, #tpu.memory_space<vmem>>) target_semaphore(%run_scoped3A : memref<!tpu.dma_semaphore, #tpu.memory_space<semaphore_mem>>)
      %dma_wait3A = arith.constant 0 : i32
      %dma_wait3A_25 = arith.constant 0 : i32
      %dma_wait3A_26 = tpu.memref_slice %arg3[%arg0, %arg1, %dma_wait3A, %dma_wait3A_25] : memref<2x16x80x128xi32, #tpu.memory_space<hbm>> -> memref<1x1x80x128xi32, #tpu.memory_space<hbm>>
      %dma_wait3A_27 = tpu.memref_squeeze %dma_wait3A_26 : memref<1x1x80x128xi32, #tpu.memory_space<hbm>> -> memref<80x128xi32, #tpu.memory_space<hbm>>
      %dma_wait3A_28 = arith.constant 0 : i32
      %dma_wait3A_29 = arith.constant 0 : i32
      %dma_wait3A_30 = tpu.memref_slice %arg3[%arg0, %arg1, %dma_wait3A_28, %dma_wait3A_29] : memref<2x16x80x128xi32, #tpu.memory_space<hbm>> -> memref<1x1x80x128xi32, #tpu.memory_space<hbm>>
      %dma_wait3A_31 = tpu.memref_squeeze %dma_wait3A_30 : memref<1x1x80x128xi32, #tpu.memory_space<hbm>> -> memref<80x128xi32, #tpu.memory_space<hbm>>
      tpu.wait_dma2 semaphore(%run_scoped3A : memref<!tpu.dma_semaphore, #tpu.memory_space<semaphore_mem>>) src(%dma_wait3A_31 : memref<80x128xi32, #tpu.memory_space<hbm>>) dst(%arg6 : memref<80x128xi32, #tpu.memory_space<vmem>>)
      tpu.yield
    }) : () -> ()
    "tpu.region"() ({
      %run_scoped3A = tpu.sem_alloc : memref<!tpu.dma_semaphore, #tpu.memory_space<semaphore_mem>>
      %dma_start3A = arith.constant 0 : i32
      %dma_start3A_18 = arith.constant 0 : i32
      %dma_start3A_19 = tpu.memref_slice %arg4[%arg1, %dma_start3A, %dma_start3A_18] : memref<16x80x128xi32, #tpu.memory_space<hbm>> -> memref<1x80x128xi32, #tpu.memory_space<hbm>>
      %dma_start3A_20 = tpu.memref_squeeze %dma_start3A_19 : memref<1x80x128xi32, #tpu.memory_space<hbm>> -> memref<80x128xi32, #tpu.memory_space<hbm>>
      %dma_start3A_21 = arith.constant 0 : i32
      %dma_start3A_22 = arith.constant 0 : i32
      %dma_start3A_23 = tpu.memref_slice %arg4[%arg1, %dma_start3A_21, %dma_start3A_22] : memref<16x80x128xi32, #tpu.memory_space<hbm>> -> memref<1x80x128xi32, #tpu.memory_space<hbm>>
      %dma_start3A_24 = tpu.memref_squeeze %dma_start3A_23 : memref<1x80x128xi32, #tpu.memory_space<hbm>> -> memref<80x128xi32, #tpu.memory_space<hbm>>
      tpu.enqueue_dma source(%dma_start3A_24 : memref<80x128xi32, #tpu.memory_space<hbm>>) target(%arg7 : memref<80x128xi32, #tpu.memory_space<vmem>>) target_semaphore(%run_scoped3A : memref<!tpu.dma_semaphore, #tpu.memory_space<semaphore_mem>>)
      %dma_wait3A = arith.constant 0 : i32
      %dma_wait3A_25 = arith.constant 0 : i32
      %dma_wait3A_26 = tpu.memref_slice %arg4[%arg1, %dma_wait3A, %dma_wait3A_25] : memref<16x80x128xi32, #tpu.memory_space<hbm>> -> memref<1x80x128xi32, #tpu.memory_space<hbm>>
      %dma_wait3A_27 = tpu.memref_squeeze %dma_wait3A_26 : memref<1x80x128xi32, #tpu.memory_space<hbm>> -> memref<80x128xi32, #tpu.memory_space<hbm>>
      %dma_wait3A_28 = arith.constant 0 : i32
      %dma_wait3A_29 = arith.constant 0 : i32
      %dma_wait3A_30 = tpu.memref_slice %arg4[%arg1, %dma_wait3A_28, %dma_wait3A_29] : memref<16x80x128xi32, #tpu.memory_space<hbm>> -> memref<1x80x128xi32, #tpu.memory_space<hbm>>
      %dma_wait3A_31 = tpu.memref_squeeze %dma_wait3A_30 : memref<1x80x128xi32, #tpu.memory_space<hbm>> -> memref<80x128xi32, #tpu.memory_space<hbm>>
      tpu.wait_dma2 semaphore(%run_scoped3A : memref<!tpu.dma_semaphore, #tpu.memory_space<semaphore_mem>>) src(%dma_wait3A_31 : memref<80x128xi32, #tpu.memory_space<hbm>>) dst(%arg7 : memref<80x128xi32, #tpu.memory_space<vmem>>)
      tpu.yield
    }) : () -> ()
    %mul3A = arith.constant 10240 : i32
    %mul3A_0 = arith.muli %arg0, %mul3A : i32
    %mul3A_1 = arith.constant 640 : i32
    %mul3A_2 = arith.muli %arg1, %mul3A_1 : i32
    %add3A = arith.addi %mul3A_0, %mul3A_2 : i32
    %mul3A_3 = arith.constant 640 : i32
    %mul3A_4 = arith.muli %arg1, %mul3A_3 : i32
    "tpu.region"() ({
      %run_scoped3A = tpu.sem_alloc : memref<!tpu.dma_semaphore, #tpu.memory_space<semaphore_mem>>
      %dma_start3A = arith.constant 0 : i32
      %dma_start3A_18 = tpu.memref_slice %arg10[%mul3A_4, %dma_start3A] : memref<10240x128xf32, #tpu.memory_space<vmem_shared>> -> memref<640x128xf32, #tpu.memory_space<vmem_shared>>
      %dma_start3A_19 = arith.constant 0 : i32
      %dma_start3A_20 = tpu.memref_slice %arg2[%add3A, %dma_start3A_19] : memref<20480x128xf32, #tpu.memory_space<hbm>> -> memref<640x128xf32, #tpu.memory_space<hbm>>
      tpu.enqueue_dma source(%dma_start3A_20 : memref<640x128xf32, #tpu.memory_space<hbm>>) target(%dma_start3A_18 : memref<640x128xf32, #tpu.memory_space<vmem_shared>>) target_semaphore(%run_scoped3A : memref<!tpu.dma_semaphore, #tpu.memory_space<semaphore_mem>>)
      %dma_wait3A = arith.constant 0 : i32
      %dma_wait3A_21 = tpu.memref_slice %arg10[%mul3A_4, %dma_wait3A] : memref<10240x128xf32, #tpu.memory_space<vmem_shared>> -> memref<640x128xf32, #tpu.memory_space<vmem_shared>>
      %dma_wait3A_22 = arith.constant 0 : i32
      %dma_wait3A_23 = tpu.memref_slice %arg2[%add3A, %dma_wait3A_22] : memref<20480x128xf32, #tpu.memory_space<hbm>> -> memref<640x128xf32, #tpu.memory_space<hbm>>
      tpu.wait_dma2 semaphore(%run_scoped3A : memref<!tpu.dma_semaphore, #tpu.memory_space<semaphore_mem>>) src(%dma_wait3A_23 : memref<640x128xf32, #tpu.memory_space<hbm>>) dst(%dma_wait3A_21 : memref<640x128xf32, #tpu.memory_space<vmem_shared>>)
      tpu.yield
    }) : () -> ()
    %barrier3A = arith.constant 0 : index
    tpu.barrier barrier_id(%barrier3A)
    %scan3A = arith.constant 0 : i32
    %scan3A_5 = arith.constant 0 : i32
    %scan3A_6 = arith.constant 80 : i32
    %scan3A_7 = arith.addi %scan3A_5, %scan3A_6 : i32
    %scan3A_8 = arith.constant 1 : i32
    scf.for %scan3A_18 = %scan3A_5 to %scan3A_7 step %scan3A_8  : i32 {
      %dma_start3A = arith.constant 0 : i32
      %dma_start3A_19 = tpu.memref_slice %arg6[%scan3A_18, %dma_start3A] : memref<80x128xi32, #tpu.memory_space<vmem>> -> memref<1x128xi32, #tpu.memory_space<vmem>>
      %dma_start3A_20 = tpu.memref_squeeze %dma_start3A_19 : memref<1x128xi32, #tpu.memory_space<vmem>> -> memref<128xi32, #tpu.memory_space<vmem>>
      %dma_start3A_21 = arith.constant 0 : i32
      %dma_start3A_22 = arith.constant 0 : i32
      %dma_start3A_23 = tpu.memref_slice %arg2[%dma_start3A_21, %dma_start3A_22] : memref<20480x128xf32, #tpu.memory_space<hbm>> -> memref<20480x128xf32, #tpu.memory_space<hbm>>
      tpu.enqueue_indirect_dma source(%dma_start3A_23 : memref<20480x128xf32, #tpu.memory_space<hbm>>) target(%arg8 : memref<128x128xf32, #tpu.memory_space<vmem>>) offsets(%dma_start3A_20 : memref<128xi32, #tpu.memory_space<vmem>>) semaphore(%arg9 : memref<!tpu.dma_semaphore, #tpu.memory_space<semaphore_mem>>)
      %dma_wait3A = arith.constant 0 : i32
      %dma_wait3A_24 = tpu.memref_slice %arg6[%scan3A_18, %dma_wait3A] : memref<80x128xi32, #tpu.memory_space<vmem>> -> memref<1x128xi32, #tpu.memory_space<vmem>>
      %dma_wait3A_25 = tpu.memref_squeeze %dma_wait3A_24 : memref<1x128xi32, #tpu.memory_space<vmem>> -> memref<128xi32, #tpu.memory_space<vmem>>
      %dma_wait3A_26 = arith.constant 0 : i32
      %dma_wait3A_27 = arith.constant 0 : i32
      %dma_wait3A_28 = tpu.memref_slice %arg2[%dma_wait3A_26, %dma_wait3A_27] : memref<20480x128xf32, #tpu.memory_space<hbm>> -> memref<20480x128xf32, #tpu.memory_space<hbm>>
      tpu.wait_indirect_dma semaphore(%arg9 : memref<!tpu.dma_semaphore, #tpu.memory_space<semaphore_mem>>) src(%dma_wait3A_28 : memref<20480x128xf32, #tpu.memory_space<hbm>>) dst(%arg8 : memref<128x128xf32, #tpu.memory_space<vmem>>)
      "tpu.region"() ({
        %run_scoped3A = tpu.sem_alloc : memref<!tpu.dma_semaphore, #tpu.memory_space<semaphore_mem>>
        %dma_start3A_29 = arith.constant 0 : i32
        %dma_start3A_30 = tpu.memref_slice %arg7[%scan3A_18, %dma_start3A_29] : memref<80x128xi32, #tpu.memory_space<vmem>> -> memref<1x128xi32, #tpu.memory_space<vmem>>
        %dma_start3A_31 = tpu.memref_squeeze %dma_start3A_30 : memref<1x128xi32, #tpu.memory_space<vmem>> -> memref<128xi32, #tpu.memory_space<vmem>>
        %dma_start3A_32 = arith.constant 0 : i32
        %dma_start3A_33 = arith.constant 0 : i32
        %dma_start3A_34 = tpu.memref_slice %arg10[%dma_start3A_32, %dma_start3A_33] : memref<10240x128xf32, #tpu.memory_space<vmem_shared>> -> memref<10240x128xf32, #tpu.memory_space<vmem_shared>>
        tpu.enqueue_indirect_dma source(%arg8 : memref<128x128xf32, #tpu.memory_space<vmem>>) target(%dma_start3A_34 : memref<10240x128xf32, #tpu.memory_space<vmem_shared>>) offsets(%dma_start3A_31 : memref<128xi32, #tpu.memory_space<vmem>>) semaphore(%run_scoped3A : memref<!tpu.dma_semaphore, #tpu.memory_space<semaphore_mem>>) {add = true}
        %dma_wait3A_35 = arith.constant 0 : i32
        %dma_wait3A_36 = tpu.memref_slice %arg7[%scan3A_18, %dma_wait3A_35] : memref<80x128xi32, #tpu.memory_space<vmem>> -> memref<1x128xi32, #tpu.memory_space<vmem>>
        %dma_wait3A_37 = tpu.memref_squeeze %dma_wait3A_36 : memref<1x128xi32, #tpu.memory_space<vmem>> -> memref<128xi32, #tpu.memory_space<vmem>>
        %dma_wait3A_38 = arith.constant 0 : i32
        %dma_wait3A_39 = arith.constant 0 : i32
        %dma_wait3A_40 = tpu.memref_slice %arg10[%dma_wait3A_38, %dma_wait3A_39] : memref<10240x128xf32, #tpu.memory_space<vmem_shared>> -> memref<10240x128xf32, #tpu.memory_space<vmem_shared>>
        tpu.wait_indirect_dma semaphore(%run_scoped3A : memref<!tpu.dma_semaphore, #tpu.memory_space<semaphore_mem>>) src(%arg8 : memref<128x128xf32, #tpu.memory_space<vmem>>) dst(%dma_wait3A_40 : memref<10240x128xf32, #tpu.memory_space<vmem_shared>>)
        tpu.yield
      }) : () -> ()
    }
    %scan3A_9 = arith.constant 80 : i32
    %barrier3A_10 = arith.constant 0 : index
    tpu.barrier barrier_id(%barrier3A_10)
    %mul3A_11 = arith.constant 640 : i32
    %mul3A_12 = arith.muli %arg1, %mul3A_11 : i32
    %mul3A_13 = arith.constant 10240 : i32
    %mul3A_14 = arith.muli %arg0, %mul3A_13 : i32
    %mul3A_15 = arith.constant 640 : i32
    %mul3A_16 = arith.muli %arg1, %mul3A_15 : i32
    %add3A_17 = arith.addi %mul3A_14, %mul3A_16 : i32
    "tpu.region"() ({
      %run_scoped3A = tpu.sem_alloc : memref<!tpu.dma_semaphore, #tpu.memory_space<semaphore_mem>>
      %dma_start3A = arith.constant 0 : i32
      %dma_start3A_18 = tpu.memref_slice %arg5[%add3A_17, %dma_start3A] : memref<20480x128xf32, #tpu.memory_space<hbm>> -> memref<640x128xf32, #tpu.memory_space<hbm>>
      %dma_start3A_19 = arith.constant 0 : i32
      %dma_start3A_20 = tpu.memref_slice %arg10[%mul3A_12, %dma_start3A_19] : memref<10240x128xf32, #tpu.memory_space<vmem_shared>> -> memref<640x128xf32, #tpu.memory_space<vmem_shared>>
      tpu.enqueue_dma source(%dma_start3A_20 : memref<640x128xf32, #tpu.memory_space<vmem_shared>>) target(%dma_start3A_18 : memref<640x128xf32, #tpu.memory_space<hbm>>) target_semaphore(%run_scoped3A : memref<!tpu.dma_semaphore, #tpu.memory_space<semaphore_mem>>)
      %dma_wait3A = arith.constant 0 : i32
      %dma_wait3A_21 = tpu.memref_slice %arg5[%add3A_17, %dma_wait3A] : memref<20480x128xf32, #tpu.memory_space<hbm>> -> memref<640x128xf32, #tpu.memory_space<hbm>>
      %dma_wait3A_22 = arith.constant 0 : i32
      %dma_wait3A_23 = tpu.memref_slice %arg10[%mul3A_12, %dma_wait3A_22] : memref<10240x128xf32, #tpu.memory_space<vmem_shared>> -> memref<640x128xf32, #tpu.memory_space<vmem_shared>>
      tpu.wait_dma2 semaphore(%run_scoped3A : memref<!tpu.dma_semaphore, #tpu.memory_space<semaphore_mem>>) src(%dma_wait3A_23 : memref<640x128xf32, #tpu.memory_space<vmem_shared>>) dst(%dma_wait3A_21 : memref<640x128xf32, #tpu.memory_space<hbm>>)
      tpu.yield
    }) : () -> ()
    return
  }
}

#map = affine_map<(d0, d1) -> (0, 0)>
#map1 = affine_map<(d0, d1) -> (0, 0, 0, 0)>
#map2 = affine_map<(d0, d1) -> (0, 0, 0)>
module attributes {stable_mosaic.version = 14 : i64} {
  func.func @k(%arg0: i32, %arg1: i32, %arg2: memref<20480x128xf32, #tpu.memory_space<hbm>>, %arg3: memref<2x16x80x128xi32, #tpu.memory_space<hbm>>, %arg4: memref<16x80x128xi32, #tpu.memory_space<hbm>>, %arg5: memref<20480x128xf32, #tpu.memory_space<hbm>>, %arg6: memref<80x128xi32, #tpu.memory_space<vmem>>, %arg7: memref<80x128xi32, #tpu.memory_space<vmem>>, %arg8: memref<128x128xf32, #tpu.memory_space<vmem>>, %arg9: memref<!tpu.dma_semaphore, #tpu.memory_space<semaphore_mem>>, %arg10: memref<10240x128xf32, #tpu.memory_space<vmem_shared>>) attributes {dimension_semantics = [#tpu.dimension_semantics<core_parallel>, #tpu.dimension_semantics<subcore_parallel>], iteration_bounds = array<i64: 2, 16>, scalar_prefetch = 0 : i64, scratch_operands = 5 : i64, tpu.core_type = #tpu.core_type<sc_vector_subcore>, window_params = [{transform_indices = #map}, {transform_indices = #map1}, {transform_indices = #map2}, {transform_indices = #map}]} {
    "tpu.region"() ({
      %run_scoped3A = tpu.sem_alloc : memref<!tpu.dma_semaphore, #tpu.memory_space<semaphore_mem>>
      %dma_start3A = arith.constant 0 : i32
      %dma_start3A_18 = arith.constant 0 : i32
      %dma_start3A_19 = tpu.memref_slice %arg3[%arg0, %arg1, %dma_start3A, %dma_start3A_18] : memref<2x16x80x128xi32, #tpu.memory_space<hbm>> -> memref<1x1x80x128xi32, #tpu.memory_space<hbm>>
      %dma_start3A_20 = tpu.memref_squeeze %dma_start3A_19 : memref<1x1x80x128xi32, #tpu.memory_space<hbm>> -> memref<80x128xi32, #tpu.memory_space<hbm>>
      %dma_start3A_21 = arith.constant 0 : i32
      %dma_start3A_22 = arith.constant 0 : i32
      %dma_start3A_23 = tpu.memref_slice %arg3[%arg0, %arg1, %dma_start3A_21, %dma_start3A_22] : memref<2x16x80x128xi32, #tpu.memory_space<hbm>> -> memref<1x1x80x128xi32, #tpu.memory_space<hbm>>
      %dma_start3A_24 = tpu.memref_squeeze %dma_start3A_23 : memref<1x1x80x128xi32, #tpu.memory_space<hbm>> -> memref<80x128xi32, #tpu.memory_space<hbm>>
      tpu.enqueue_dma source(%dma_start3A_24 : memref<80x128xi32, #tpu.memory_space<hbm>>) target(%arg6 : memref<80x128xi32, #tpu.memory_space<vmem>>) target_semaphore(%run_scoped3A : memref<!tpu.dma_semaphore, #tpu.memory_space<semaphore_mem>>)
      %dma_wait3A = arith.constant 0 : i32
      %dma_wait3A_25 = arith.constant 0 : i32
      %dma_wait3A_26 = tpu.memref_slice %arg3[%arg0, %arg1, %dma_wait3A, %dma_wait3A_25] : memref<2x16x80x128xi32, #tpu.memory_space<hbm>> -> memref<1x1x80x128xi32, #tpu.memory_space<hbm>>
      %dma_wait3A_27 = tpu.memref_squeeze %dma_wait3A_26 : memref<1x1x80x128xi32, #tpu.memory_space<hbm>> -> memref<80x128xi32, #tpu.memory_space<hbm>>
      %dma_wait3A_28 = arith.constant 0 : i32
      %dma_wait3A_29 = arith.constant 0 : i32
      %dma_wait3A_30 = tpu.memref_slice %arg3[%arg0, %arg1, %dma_wait3A_28, %dma_wait3A_29] : memref<2x16x80x128xi32, #tpu.memory_space<hbm>> -> memref<1x1x80x128xi32, #tpu.memory_space<hbm>>
      %dma_wait3A_31 = tpu.memref_squeeze %dma_wait3A_30 : memref<1x1x80x128xi32, #tpu.memory_space<hbm>> -> memref<80x128xi32, #tpu.memory_space<hbm>>
      tpu.wait_dma2 semaphore(%run_scoped3A : memref<!tpu.dma_semaphore, #tpu.memory_space<semaphore_mem>>) src(%dma_wait3A_31 : memref<80x128xi32, #tpu.memory_space<hbm>>) dst(%arg6 : memref<80x128xi32, #tpu.memory_space<vmem>>)
      tpu.yield
    }) : () -> ()
    "tpu.region"() ({
      %run_scoped3A = tpu.sem_alloc : memref<!tpu.dma_semaphore, #tpu.memory_space<semaphore_mem>>
      %dma_start3A = arith.constant 0 : i32
      %dma_start3A_18 = arith.constant 0 : i32
      %dma_start3A_19 = tpu.memref_slice %arg4[%arg1, %dma_start3A, %dma_start3A_18] : memref<16x80x128xi32, #tpu.memory_space<hbm>> -> memref<1x80x128xi32, #tpu.memory_space<hbm>>
      %dma_start3A_20 = tpu.memref_squeeze %dma_start3A_19 : memref<1x80x128xi32, #tpu.memory_space<hbm>> -> memref<80x128xi32, #tpu.memory_space<hbm>>
      %dma_start3A_21 = arith.constant 0 : i32
      %dma_start3A_22 = arith.constant 0 : i32
      %dma_start3A_23 = tpu.memref_slice %arg4[%arg1, %dma_start3A_21, %dma_start3A_22] : memref<16x80x128xi32, #tpu.memory_space<hbm>> -> memref<1x80x128xi32, #tpu.memory_space<hbm>>
      %dma_start3A_24 = tpu.memref_squeeze %dma_start3A_23 : memref<1x80x128xi32, #tpu.memory_space<hbm>> -> memref<80x128xi32, #tpu.memory_space<hbm>>
      tpu.enqueue_dma source(%dma_start3A_24 : memref<80x128xi32, #tpu.memory_space<hbm>>) target(%arg7 : memref<80x128xi32, #tpu.memory_space<vmem>>) target_semaphore(%run_scoped3A : memref<!tpu.dma_semaphore, #tpu.memory_space<semaphore_mem>>)
      %dma_wait3A = arith.constant 0 : i32
      %dma_wait3A_25 = arith.constant 0 : i32
      %dma_wait3A_26 = tpu.memref_slice %arg4[%arg1, %dma_wait3A, %dma_wait3A_25] : memref<16x80x128xi32, #tpu.memory_space<hbm>> -> memref<1x80x128xi32, #tpu.memory_space<hbm>>
      %dma_wait3A_27 = tpu.memref_squeeze %dma_wait3A_26 : memref<1x80x128xi32, #tpu.memory_space<hbm>> -> memref<80x128xi32, #tpu.memory_space<hbm>>
      %dma_wait3A_28 = arith.constant 0 : i32
      %dma_wait3A_29 = arith.constant 0 : i32
      %dma_wait3A_30 = tpu.memref_slice %arg4[%arg1, %dma_wait3A_28, %dma_wait3A_29] : memref<16x80x128xi32, #tpu.memory_space<hbm>> -> memref<1x80x128xi32, #tpu.memory_space<hbm>>
      %dma_wait3A_31 = tpu.memref_squeeze %dma_wait3A_30 : memref<1x80x128xi32, #tpu.memory_space<hbm>> -> memref<80x128xi32, #tpu.memory_space<hbm>>
      tpu.wait_dma2 semaphore(%run_scoped3A : memref<!tpu.dma_semaphore, #tpu.memory_space<semaphore_mem>>) src(%dma_wait3A_31 : memref<80x128xi32, #tpu.memory_space<hbm>>) dst(%arg7 : memref<80x128xi32, #tpu.memory_space<vmem>>)
      tpu.yield
    }) : () -> ()
    %mul3A = arith.constant 10240 : i32
    %mul3A_0 = arith.muli %arg0, %mul3A : i32
    %mul3A_1 = arith.constant 640 : i32
    %mul3A_2 = arith.muli %arg1, %mul3A_1 : i32
    %add3A = arith.addi %mul3A_0, %mul3A_2 : i32
    %mul3A_3 = arith.constant 640 : i32
    %mul3A_4 = arith.muli %arg1, %mul3A_3 : i32
    "tpu.region"() ({
      %run_scoped3A = tpu.sem_alloc : memref<!tpu.dma_semaphore, #tpu.memory_space<semaphore_mem>>
      %dma_start3A = arith.constant 0 : i32
      %dma_start3A_18 = tpu.memref_slice %arg10[%mul3A_4, %dma_start3A] : memref<10240x128xf32, #tpu.memory_space<vmem_shared>> -> memref<640x128xf32, #tpu.memory_space<vmem_shared>>
      %dma_start3A_19 = arith.constant 0 : i32
      %dma_start3A_20 = tpu.memref_slice %arg2[%add3A, %dma_start3A_19] : memref<20480x128xf32, #tpu.memory_space<hbm>> -> memref<640x128xf32, #tpu.memory_space<hbm>>
      tpu.enqueue_dma source(%dma_start3A_20 : memref<640x128xf32, #tpu.memory_space<hbm>>) target(%dma_start3A_18 : memref<640x128xf32, #tpu.memory_space<vmem_shared>>) target_semaphore(%run_scoped3A : memref<!tpu.dma_semaphore, #tpu.memory_space<semaphore_mem>>)
      %dma_wait3A = arith.constant 0 : i32
      %dma_wait3A_21 = tpu.memref_slice %arg10[%mul3A_4, %dma_wait3A] : memref<10240x128xf32, #tpu.memory_space<vmem_shared>> -> memref<640x128xf32, #tpu.memory_space<vmem_shared>>
      %dma_wait3A_22 = arith.constant 0 : i32
      %dma_wait3A_23 = tpu.memref_slice %arg2[%add3A, %dma_wait3A_22] : memref<20480x128xf32, #tpu.memory_space<hbm>> -> memref<640x128xf32, #tpu.memory_space<hbm>>
      tpu.wait_dma2 semaphore(%run_scoped3A : memref<!tpu.dma_semaphore, #tpu.memory_space<semaphore_mem>>) src(%dma_wait3A_23 : memref<640x128xf32, #tpu.memory_space<hbm>>) dst(%dma_wait3A_21 : memref<640x128xf32, #tpu.memory_space<vmem_shared>>)
      tpu.yield
    }) : () -> ()
    %barrier3A = arith.constant 0 : index
    tpu.barrier barrier_id(%barrier3A)
    %scan3A = arith.constant 0 : i32
    %scan3A_5 = arith.constant 0 : i32
    %scan3A_6 = arith.constant 80 : i32
    %scan3A_7 = arith.addi %scan3A_5, %scan3A_6 : i32
    %scan3A_8 = arith.constant 1 : i32
    scf.for %scan3A_18 = %scan3A_5 to %scan3A_7 step %scan3A_8  : i32 {
      %dma_start3A = arith.constant 0 : i32
      %dma_start3A_19 = tpu.memref_slice %arg6[%scan3A_18, %dma_start3A] : memref<80x128xi32, #tpu.memory_space<vmem>> -> memref<1x128xi32, #tpu.memory_space<vmem>>
      %dma_start3A_20 = tpu.memref_squeeze %dma_start3A_19 : memref<1x128xi32, #tpu.memory_space<vmem>> -> memref<128xi32, #tpu.memory_space<vmem>>
      %dma_start3A_21 = arith.constant 0 : i32
      %dma_start3A_22 = arith.constant 0 : i32
      %dma_start3A_23 = tpu.memref_slice %arg2[%dma_start3A_21, %dma_start3A_22] : memref<20480x128xf32, #tpu.memory_space<hbm>> -> memref<20480x128xf32, #tpu.memory_space<hbm>>
      tpu.enqueue_indirect_dma source(%dma_start3A_23 : memref<20480x128xf32, #tpu.memory_space<hbm>>) target(%arg8 : memref<128x128xf32, #tpu.memory_space<vmem>>) offsets(%dma_start3A_20 : memref<128xi32, #tpu.memory_space<vmem>>) semaphore(%arg9 : memref<!tpu.dma_semaphore, #tpu.memory_space<semaphore_mem>>)
      %dma_wait3A = arith.constant 0 : i32
      %dma_wait3A_24 = tpu.memref_slice %arg6[%scan3A_18, %dma_wait3A] : memref<80x128xi32, #tpu.memory_space<vmem>> -> memref<1x128xi32, #tpu.memory_space<vmem>>
      %dma_wait3A_25 = tpu.memref_squeeze %dma_wait3A_24 : memref<1x128xi32, #tpu.memory_space<vmem>> -> memref<128xi32, #tpu.memory_space<vmem>>
      %dma_wait3A_26 = arith.constant 0 : i32
      %dma_wait3A_27 = arith.constant 0 : i32
      %dma_wait3A_28 = tpu.memref_slice %arg2[%dma_wait3A_26, %dma_wait3A_27] : memref<20480x128xf32, #tpu.memory_space<hbm>> -> memref<20480x128xf32, #tpu.memory_space<hbm>>
      tpu.wait_indirect_dma semaphore(%arg9 : memref<!tpu.dma_semaphore, #tpu.memory_space<semaphore_mem>>) src(%dma_wait3A_28 : memref<20480x128xf32, #tpu.memory_space<hbm>>) dst(%arg8 : memref<128x128xf32, #tpu.memory_space<vmem>>)
      "tpu.region"() ({
        %run_scoped3A = tpu.sem_alloc : memref<!tpu.dma_semaphore, #tpu.memory_space<semaphore_mem>>
        %dma_start3A_29 = arith.constant 0 : i32
        %dma_start3A_30 = tpu.memref_slice %arg7[%scan3A_18, %dma_start3A_29] : memref<80x128xi32, #tpu.memory_space<vmem>> -> memref<1x128xi32, #tpu.memory_space<vmem>>
        %dma_start3A_31 = tpu.memref_squeeze %dma_start3A_30 : memref<1x128xi32, #tpu.memory_space<vmem>> -> memref<128xi32, #tpu.memory_space<vmem>>
        %dma_start3A_32 = arith.constant 0 : i32
        %dma_start3A_33 = arith.constant 0 : i32
        %dma_start3A_34 = tpu.memref_slice %arg10[%dma_start3A_32, %dma_start3A_33] : memref<10240x128xf32, #tpu.memory_space<vmem_shared>> -> memref<10240x128xf32, #tpu.memory_space<vmem_shared>>
        tpu.enqueue_indirect_dma source(%arg8 : memref<128x128xf32, #tpu.memory_space<vmem>>) target(%dma_start3A_34 : memref<10240x128xf32, #tpu.memory_space<vmem_shared>>) offsets(%dma_start3A_31 : memref<128xi32, #tpu.memory_space<vmem>>) semaphore(%run_scoped3A : memref<!tpu.dma_semaphore, #tpu.memory_space<semaphore_mem>>) {add = true}
        %dma_wait3A_35 = arith.constant 0 : i32
        %dma_wait3A_36 = tpu.memref_slice %arg7[%scan3A_18, %dma_wait3A_35] : memref<80x128xi32, #tpu.memory_space<vmem>> -> memref<1x128xi32, #tpu.memory_space<vmem>>
        %dma_wait3A_37 = tpu.memref_squeeze %dma_wait3A_36 : memref<1x128xi32, #tpu.memory_space<vmem>> -> memref<128xi32, #tpu.memory_space<vmem>>
        %dma_wait3A_38 = arith.constant 0 : i32
        %dma_wait3A_39 = arith.constant 0 : i32
        %dma_wait3A_40 = tpu.memref_slice %arg10[%dma_wait3A_38, %dma_wait3A_39] : memref<10240x128xf32, #tpu.memory_space<vmem_shared>> -> memref<10240x128xf32, #tpu.memory_space<vmem_shared>>
        tpu.wait_indirect_dma semaphore(%run_scoped3A : memref<!tpu.dma_semaphore, #tpu.memory_space<semaphore_mem>>) src(%arg8 : memref<128x128xf32, #tpu.memory_space<vmem>>) dst(%dma_wait3A_40 : memref<10240x128xf32, #tpu.memory_space<vmem_shared>>)
        tpu.yield
      }) : () -> ()
    }
    %scan3A_9 = arith.constant 80 : i32
    %barrier3A_10 = arith.constant 0 : index
    tpu.barrier barrier_id(%barrier3A_10)
    %mul3A_11 = arith.constant 640 : i32
    %mul3A_12 = arith.muli %arg1, %mul3A_11 : i32
    %mul3A_13 = arith.constant 10240 : i32
    %mul3A_14 = arith.muli %arg0, %mul3A_13 : i32
    %mul3A_15 = arith.constant 640 : i32
    %mul3A_16 = arith.muli %arg1, %mul3A_15 : i32
    %add3A_17 = arith.addi %mul3A_14, %mul3A_16 : i32
    "tpu.region"() ({
      %run_scoped3A = tpu.sem_alloc : memref<!tpu.dma_semaphore, #tpu.memory_space<semaphore_mem>>
      %dma_start3A = arith.constant 0 : i32
      %dma_start3A_18 = tpu.memref_slice %arg5[%add3A_17, %dma_start3A] : memref<20480x128xf32, #tpu.memory_space<hbm>> -> memref<640x128xf32, #tpu.memory_space<hbm>>
      %dma_start3A_19 = arith.constant 0 : i32
      %dma_start3A_20 = tpu.memref_slice %arg10[%mul3A_12, %dma_start3A_19] : memref<10240x128xf32, #tpu.memory_space<vmem_shared>> -> memref<640x128xf32, #tpu.memory_space<vmem_shared>>
      tpu.enqueue_dma source(%dma_start3A_20 : memref<640x128xf32, #tpu.memory_space<vmem_shared>>) target(%dma_start3A_18 : memref<640x128xf32, #tpu.memory_space<hbm>>) target_semaphore(%run_scoped3A : memref<!tpu.dma_semaphore, #tpu.memory_space<semaphore_mem>>)
      %dma_wait3A = arith.constant 0 : i32
      %dma_wait3A_21 = tpu.memref_slice %arg5[%add3A_17, %dma_wait3A] : memref<20480x128xf32, #tpu.memory_space<hbm>> -> memref<640x128xf32, #tpu.memory_space<hbm>>
      %dma_wait3A_22 = arith.constant 0 : i32
      %dma_wait3A_23 = tpu.memref_slice %arg10[%mul3A_12, %dma_wait3A_22] : memref<10240x128xf32, #tpu.memory_space<vmem_shared>> -> memref<640x128xf32, #tpu.memory_space<vmem_shared>>
      tpu.wait_dma2 semaphore(%run_scoped3A : memref<!tpu.dma_semaphore, #tpu.memory_space<semaphore_mem>>) src(%dma_wait3A_23 : memref<640x128xf32, #tpu.memory_space<vmem_shared>>) dst(%dma_wait3A_21 : memref<640x128xf32, #tpu.memory_space<hbm>>)
      tpu.yield
    }) : () -> ()
    return
  }
}

#map = affine_map<(d0, d1) -> (0, 0)>
#map1 = affine_map<(d0, d1) -> (0, 0, 0, 0)>
#map2 = affine_map<(d0, d1) -> (0, 0, 0)>
module attributes {stable_mosaic.version = 14 : i64} {
  func.func @k(%arg0: i32, %arg1: i32, %arg2: memref<20480x128xf32, #tpu.memory_space<hbm>>, %arg3: memref<2x16x80x128xi32, #tpu.memory_space<hbm>>, %arg4: memref<16x80x128xi32, #tpu.memory_space<hbm>>, %arg5: memref<20480x128xf32, #tpu.memory_space<hbm>>, %arg6: memref<80x128xi32, #tpu.memory_space<vmem>>, %arg7: memref<80x128xi32, #tpu.memory_space<vmem>>, %arg8: memref<128x128xf32, #tpu.memory_space<vmem>>, %arg9: memref<!tpu.dma_semaphore, #tpu.memory_space<semaphore_mem>>, %arg10: memref<10240x128xf32, #tpu.memory_space<vmem_shared>>) attributes {dimension_semantics = [#tpu.dimension_semantics<core_parallel>, #tpu.dimension_semantics<subcore_parallel>], iteration_bounds = array<i64: 2, 16>, scalar_prefetch = 0 : i64, scratch_operands = 5 : i64, tpu.core_type = #tpu.core_type<sc_vector_subcore>, window_params = [{transform_indices = #map}, {transform_indices = #map1}, {transform_indices = #map2}, {transform_indices = #map}]} {
    "tpu.region"() ({
      %run_scoped3A = tpu.sem_alloc : memref<!tpu.dma_semaphore, #tpu.memory_space<semaphore_mem>>
      %dma_start3A = arith.constant 0 : i32
      %dma_start3A_18 = arith.constant 0 : i32
      %dma_start3A_19 = tpu.memref_slice %arg3[%arg0, %arg1, %dma_start3A, %dma_start3A_18] : memref<2x16x80x128xi32, #tpu.memory_space<hbm>> -> memref<1x1x80x128xi32, #tpu.memory_space<hbm>>
      %dma_start3A_20 = tpu.memref_squeeze %dma_start3A_19 : memref<1x1x80x128xi32, #tpu.memory_space<hbm>> -> memref<80x128xi32, #tpu.memory_space<hbm>>
      %dma_start3A_21 = arith.constant 0 : i32
      %dma_start3A_22 = arith.constant 0 : i32
      %dma_start3A_23 = tpu.memref_slice %arg3[%arg0, %arg1, %dma_start3A_21, %dma_start3A_22] : memref<2x16x80x128xi32, #tpu.memory_space<hbm>> -> memref<1x1x80x128xi32, #tpu.memory_space<hbm>>
      %dma_start3A_24 = tpu.memref_squeeze %dma_start3A_23 : memref<1x1x80x128xi32, #tpu.memory_space<hbm>> -> memref<80x128xi32, #tpu.memory_space<hbm>>
      tpu.enqueue_dma source(%dma_start3A_24 : memref<80x128xi32, #tpu.memory_space<hbm>>) target(%arg6 : memref<80x128xi32, #tpu.memory_space<vmem>>) target_semaphore(%run_scoped3A : memref<!tpu.dma_semaphore, #tpu.memory_space<semaphore_mem>>)
      %dma_wait3A = arith.constant 0 : i32
      %dma_wait3A_25 = arith.constant 0 : i32
      %dma_wait3A_26 = tpu.memref_slice %arg3[%arg0, %arg1, %dma_wait3A, %dma_wait3A_25] : memref<2x16x80x128xi32, #tpu.memory_space<hbm>> -> memref<1x1x80x128xi32, #tpu.memory_space<hbm>>
      %dma_wait3A_27 = tpu.memref_squeeze %dma_wait3A_26 : memref<1x1x80x128xi32, #tpu.memory_space<hbm>> -> memref<80x128xi32, #tpu.memory_space<hbm>>
      %dma_wait3A_28 = arith.constant 0 : i32
      %dma_wait3A_29 = arith.constant 0 : i32
      %dma_wait3A_30 = tpu.memref_slice %arg3[%arg0, %arg1, %dma_wait3A_28, %dma_wait3A_29] : memref<2x16x80x128xi32, #tpu.memory_space<hbm>> -> memref<1x1x80x128xi32, #tpu.memory_space<hbm>>
      %dma_wait3A_31 = tpu.memref_squeeze %dma_wait3A_30 : memref<1x1x80x128xi32, #tpu.memory_space<hbm>> -> memref<80x128xi32, #tpu.memory_space<hbm>>
      tpu.wait_dma2 semaphore(%run_scoped3A : memref<!tpu.dma_semaphore, #tpu.memory_space<semaphore_mem>>) src(%dma_wait3A_31 : memref<80x128xi32, #tpu.memory_space<hbm>>) dst(%arg6 : memref<80x128xi32, #tpu.memory_space<vmem>>)
      tpu.yield
    }) : () -> ()
    "tpu.region"() ({
      %run_scoped3A = tpu.sem_alloc : memref<!tpu.dma_semaphore, #tpu.memory_space<semaphore_mem>>
      %dma_start3A = arith.constant 0 : i32
      %dma_start3A_18 = arith.constant 0 : i32
      %dma_start3A_19 = tpu.memref_slice %arg4[%arg1, %dma_start3A, %dma_start3A_18] : memref<16x80x128xi32, #tpu.memory_space<hbm>> -> memref<1x80x128xi32, #tpu.memory_space<hbm>>
      %dma_start3A_20 = tpu.memref_squeeze %dma_start3A_19 : memref<1x80x128xi32, #tpu.memory_space<hbm>> -> memref<80x128xi32, #tpu.memory_space<hbm>>
      %dma_start3A_21 = arith.constant 0 : i32
      %dma_start3A_22 = arith.constant 0 : i32
      %dma_start3A_23 = tpu.memref_slice %arg4[%arg1, %dma_start3A_21, %dma_start3A_22] : memref<16x80x128xi32, #tpu.memory_space<hbm>> -> memref<1x80x128xi32, #tpu.memory_space<hbm>>
      %dma_start3A_24 = tpu.memref_squeeze %dma_start3A_23 : memref<1x80x128xi32, #tpu.memory_space<hbm>> -> memref<80x128xi32, #tpu.memory_space<hbm>>
      tpu.enqueue_dma source(%dma_start3A_24 : memref<80x128xi32, #tpu.memory_space<hbm>>) target(%arg7 : memref<80x128xi32, #tpu.memory_space<vmem>>) target_semaphore(%run_scoped3A : memref<!tpu.dma_semaphore, #tpu.memory_space<semaphore_mem>>)
      %dma_wait3A = arith.constant 0 : i32
      %dma_wait3A_25 = arith.constant 0 : i32
      %dma_wait3A_26 = tpu.memref_slice %arg4[%arg1, %dma_wait3A, %dma_wait3A_25] : memref<16x80x128xi32, #tpu.memory_space<hbm>> -> memref<1x80x128xi32, #tpu.memory_space<hbm>>
      %dma_wait3A_27 = tpu.memref_squeeze %dma_wait3A_26 : memref<1x80x128xi32, #tpu.memory_space<hbm>> -> memref<80x128xi32, #tpu.memory_space<hbm>>
      %dma_wait3A_28 = arith.constant 0 : i32
      %dma_wait3A_29 = arith.constant 0 : i32
      %dma_wait3A_30 = tpu.memref_slice %arg4[%arg1, %dma_wait3A_28, %dma_wait3A_29] : memref<16x80x128xi32, #tpu.memory_space<hbm>> -> memref<1x80x128xi32, #tpu.memory_space<hbm>>
      %dma_wait3A_31 = tpu.memref_squeeze %dma_wait3A_30 : memref<1x80x128xi32, #tpu.memory_space<hbm>> -> memref<80x128xi32, #tpu.memory_space<hbm>>
      tpu.wait_dma2 semaphore(%run_scoped3A : memref<!tpu.dma_semaphore, #tpu.memory_space<semaphore_mem>>) src(%dma_wait3A_31 : memref<80x128xi32, #tpu.memory_space<hbm>>) dst(%arg7 : memref<80x128xi32, #tpu.memory_space<vmem>>)
      tpu.yield
    }) : () -> ()
    %mul3A = arith.constant 10240 : i32
    %mul3A_0 = arith.muli %arg0, %mul3A : i32
    %mul3A_1 = arith.constant 640 : i32
    %mul3A_2 = arith.muli %arg1, %mul3A_1 : i32
    %add3A = arith.addi %mul3A_0, %mul3A_2 : i32
    %mul3A_3 = arith.constant 640 : i32
    %mul3A_4 = arith.muli %arg1, %mul3A_3 : i32
    "tpu.region"() ({
      %run_scoped3A = tpu.sem_alloc : memref<!tpu.dma_semaphore, #tpu.memory_space<semaphore_mem>>
      %dma_start3A = arith.constant 0 : i32
      %dma_start3A_18 = tpu.memref_slice %arg10[%mul3A_4, %dma_start3A] : memref<10240x128xf32, #tpu.memory_space<vmem_shared>> -> memref<640x128xf32, #tpu.memory_space<vmem_shared>>
      %dma_start3A_19 = arith.constant 0 : i32
      %dma_start3A_20 = tpu.memref_slice %arg2[%add3A, %dma_start3A_19] : memref<20480x128xf32, #tpu.memory_space<hbm>> -> memref<640x128xf32, #tpu.memory_space<hbm>>
      tpu.enqueue_dma source(%dma_start3A_20 : memref<640x128xf32, #tpu.memory_space<hbm>>) target(%dma_start3A_18 : memref<640x128xf32, #tpu.memory_space<vmem_shared>>) target_semaphore(%run_scoped3A : memref<!tpu.dma_semaphore, #tpu.memory_space<semaphore_mem>>)
      %dma_wait3A = arith.constant 0 : i32
      %dma_wait3A_21 = tpu.memref_slice %arg10[%mul3A_4, %dma_wait3A] : memref<10240x128xf32, #tpu.memory_space<vmem_shared>> -> memref<640x128xf32, #tpu.memory_space<vmem_shared>>
      %dma_wait3A_22 = arith.constant 0 : i32
      %dma_wait3A_23 = tpu.memref_slice %arg2[%add3A, %dma_wait3A_22] : memref<20480x128xf32, #tpu.memory_space<hbm>> -> memref<640x128xf32, #tpu.memory_space<hbm>>
      tpu.wait_dma2 semaphore(%run_scoped3A : memref<!tpu.dma_semaphore, #tpu.memory_space<semaphore_mem>>) src(%dma_wait3A_23 : memref<640x128xf32, #tpu.memory_space<hbm>>) dst(%dma_wait3A_21 : memref<640x128xf32, #tpu.memory_space<vmem_shared>>)
      tpu.yield
    }) : () -> ()
    %barrier3A = arith.constant 0 : index
    tpu.barrier barrier_id(%barrier3A)
    %scan3A = arith.constant 0 : i32
    %scan3A_5 = arith.constant 0 : i32
    %scan3A_6 = arith.constant 80 : i32
    %scan3A_7 = arith.addi %scan3A_5, %scan3A_6 : i32
    %scan3A_8 = arith.constant 1 : i32
    scf.for %scan3A_18 = %scan3A_5 to %scan3A_7 step %scan3A_8  : i32 {
      %dma_start3A = arith.constant 0 : i32
      %dma_start3A_19 = tpu.memref_slice %arg6[%scan3A_18, %dma_start3A] : memref<80x128xi32, #tpu.memory_space<vmem>> -> memref<1x128xi32, #tpu.memory_space<vmem>>
      %dma_start3A_20 = tpu.memref_squeeze %dma_start3A_19 : memref<1x128xi32, #tpu.memory_space<vmem>> -> memref<128xi32, #tpu.memory_space<vmem>>
      %dma_start3A_21 = arith.constant 0 : i32
      %dma_start3A_22 = arith.constant 0 : i32
      %dma_start3A_23 = tpu.memref_slice %arg2[%dma_start3A_21, %dma_start3A_22] : memref<20480x128xf32, #tpu.memory_space<hbm>> -> memref<20480x128xf32, #tpu.memory_space<hbm>>
      tpu.enqueue_indirect_dma source(%dma_start3A_23 : memref<20480x128xf32, #tpu.memory_space<hbm>>) target(%arg8 : memref<128x128xf32, #tpu.memory_space<vmem>>) offsets(%dma_start3A_20 : memref<128xi32, #tpu.memory_space<vmem>>) semaphore(%arg9 : memref<!tpu.dma_semaphore, #tpu.memory_space<semaphore_mem>>)
      %dma_wait3A = arith.constant 0 : i32
      %dma_wait3A_24 = tpu.memref_slice %arg6[%scan3A_18, %dma_wait3A] : memref<80x128xi32, #tpu.memory_space<vmem>> -> memref<1x128xi32, #tpu.memory_space<vmem>>
      %dma_wait3A_25 = tpu.memref_squeeze %dma_wait3A_24 : memref<1x128xi32, #tpu.memory_space<vmem>> -> memref<128xi32, #tpu.memory_space<vmem>>
      %dma_wait3A_26 = arith.constant 0 : i32
      %dma_wait3A_27 = arith.constant 0 : i32
      %dma_wait3A_28 = tpu.memref_slice %arg2[%dma_wait3A_26, %dma_wait3A_27] : memref<20480x128xf32, #tpu.memory_space<hbm>> -> memref<20480x128xf32, #tpu.memory_space<hbm>>
      tpu.wait_indirect_dma semaphore(%arg9 : memref<!tpu.dma_semaphore, #tpu.memory_space<semaphore_mem>>) src(%dma_wait3A_28 : memref<20480x128xf32, #tpu.memory_space<hbm>>) dst(%arg8 : memref<128x128xf32, #tpu.memory_space<vmem>>)
      "tpu.region"() ({
        %run_scoped3A = tpu.sem_alloc : memref<!tpu.dma_semaphore, #tpu.memory_space<semaphore_mem>>
        %dma_start3A_29 = arith.constant 0 : i32
        %dma_start3A_30 = tpu.memref_slice %arg7[%scan3A_18, %dma_start3A_29] : memref<80x128xi32, #tpu.memory_space<vmem>> -> memref<1x128xi32, #tpu.memory_space<vmem>>
        %dma_start3A_31 = tpu.memref_squeeze %dma_start3A_30 : memref<1x128xi32, #tpu.memory_space<vmem>> -> memref<128xi32, #tpu.memory_space<vmem>>
        %dma_start3A_32 = arith.constant 0 : i32
        %dma_start3A_33 = arith.constant 0 : i32
        %dma_start3A_34 = tpu.memref_slice %arg10[%dma_start3A_32, %dma_start3A_33] : memref<10240x128xf32, #tpu.memory_space<vmem_shared>> -> memref<10240x128xf32, #tpu.memory_space<vmem_shared>>
        tpu.enqueue_indirect_dma source(%arg8 : memref<128x128xf32, #tpu.memory_space<vmem>>) target(%dma_start3A_34 : memref<10240x128xf32, #tpu.memory_space<vmem_shared>>) offsets(%dma_start3A_31 : memref<128xi32, #tpu.memory_space<vmem>>) semaphore(%run_scoped3A : memref<!tpu.dma_semaphore, #tpu.memory_space<semaphore_mem>>) {add = true}
        %dma_wait3A_35 = arith.constant 0 : i32
        %dma_wait3A_36 = tpu.memref_slice %arg7[%scan3A_18, %dma_wait3A_35] : memref<80x128xi32, #tpu.memory_space<vmem>> -> memref<1x128xi32, #tpu.memory_space<vmem>>
        %dma_wait3A_37 = tpu.memref_squeeze %dma_wait3A_36 : memref<1x128xi32, #tpu.memory_space<vmem>> -> memref<128xi32, #tpu.memory_space<vmem>>
        %dma_wait3A_38 = arith.constant 0 : i32
        %dma_wait3A_39 = arith.constant 0 : i32
        %dma_wait3A_40 = tpu.memref_slice %arg10[%dma_wait3A_38, %dma_wait3A_39] : memref<10240x128xf32, #tpu.memory_space<vmem_shared>> -> memref<10240x128xf32, #tpu.memory_space<vmem_shared>>
        tpu.wait_indirect_dma semaphore(%run_scoped3A : memref<!tpu.dma_semaphore, #tpu.memory_space<semaphore_mem>>) src(%arg8 : memref<128x128xf32, #tpu.memory_space<vmem>>) dst(%dma_wait3A_40 : memref<10240x128xf32, #tpu.memory_space<vmem_shared>>)
        tpu.yield
      }) : () -> ()
    }
    %scan3A_9 = arith.constant 80 : i32
    %barrier3A_10 = arith.constant 0 : index
    tpu.barrier barrier_id(%barrier3A_10)
    %mul3A_11 = arith.constant 640 : i32
    %mul3A_12 = arith.muli %arg1, %mul3A_11 : i32
    %mul3A_13 = arith.constant 10240 : i32
    %mul3A_14 = arith.muli %arg0, %mul3A_13 : i32
    %mul3A_15 = arith.constant 640 : i32
    %mul3A_16 = arith.muli %arg1, %mul3A_15 : i32
    %add3A_17 = arith.addi %mul3A_14, %mul3A_16 : i32
    "tpu.region"() ({
      %run_scoped3A = tpu.sem_alloc : memref<!tpu.dma_semaphore, #tpu.memory_space<semaphore_mem>>
      %dma_start3A = arith.constant 0 : i32
      %dma_start3A_18 = tpu.memref_slice %arg5[%add3A_17, %dma_start3A] : memref<20480x128xf32, #tpu.memory_space<hbm>> -> memref<640x128xf32, #tpu.memory_space<hbm>>
      %dma_start3A_19 = arith.constant 0 : i32
      %dma_start3A_20 = tpu.memref_slice %arg10[%mul3A_12, %dma_start3A_19] : memref<10240x128xf32, #tpu.memory_space<vmem_shared>> -> memref<640x128xf32, #tpu.memory_space<vmem_shared>>
      tpu.enqueue_dma source(%dma_start3A_20 : memref<640x128xf32, #tpu.memory_space<vmem_shared>>) target(%dma_start3A_18 : memref<640x128xf32, #tpu.memory_space<hbm>>) target_semaphore(%run_scoped3A : memref<!tpu.dma_semaphore, #tpu.memory_space<semaphore_mem>>)
      %dma_wait3A = arith.constant 0 : i32
      %dma_wait3A_21 = tpu.memref_slice %arg5[%add3A_17, %dma_wait3A] : memref<20480x128xf32, #tpu.memory_space<hbm>> -> memref<640x128xf32, #tpu.memory_space<hbm>>
      %dma_wait3A_22 = arith.constant 0 : i32
      %dma_wait3A_23 = tpu.memref_slice %arg10[%mul3A_12, %dma_wait3A_22] : memref<10240x128xf32, #tpu.memory_space<vmem_shared>> -> memref<640x128xf32, #tpu.memory_space<vmem_shared>>
      tpu.wait_dma2 semaphore(%run_scoped3A : memref<!tpu.dma_semaphore, #tpu.memory_space<semaphore_mem>>) src(%dma_wait3A_23 : memref<640x128xf32, #tpu.memory_space<vmem_shared>>) dst(%dma_wait3A_21 : memref<640x128xf32, #tpu.memory_space<hbm>>)
      tpu.yield
    }) : () -> ()
    return
  }
}

#map = affine_map<(d0, d1) -> (0, 0)>
#map1 = affine_map<(d0, d1) -> (0, 0, 0, 0)>
#map2 = affine_map<(d0, d1) -> (0, 0, 0)>
module attributes {stable_mosaic.version = 14 : i64} {
  func.func @k(%arg0: i32, %arg1: i32, %arg2: memref<20480x128xf32, #tpu.memory_space<hbm>>, %arg3: memref<2x16x80x128xi32, #tpu.memory_space<hbm>>, %arg4: memref<16x80x128xi32, #tpu.memory_space<hbm>>, %arg5: memref<20480x128xf32, #tpu.memory_space<hbm>>, %arg6: memref<80x128xi32, #tpu.memory_space<vmem>>, %arg7: memref<80x128xi32, #tpu.memory_space<vmem>>, %arg8: memref<128x128xf32, #tpu.memory_space<vmem>>, %arg9: memref<!tpu.dma_semaphore, #tpu.memory_space<semaphore_mem>>, %arg10: memref<10240x128xf32, #tpu.memory_space<vmem_shared>>) attributes {dimension_semantics = [#tpu.dimension_semantics<core_parallel>, #tpu.dimension_semantics<subcore_parallel>], iteration_bounds = array<i64: 2, 16>, scalar_prefetch = 0 : i64, scratch_operands = 5 : i64, tpu.core_type = #tpu.core_type<sc_vector_subcore>, window_params = [{transform_indices = #map}, {transform_indices = #map1}, {transform_indices = #map2}, {transform_indices = #map}]} {
    "tpu.region"() ({
      %run_scoped3A = tpu.sem_alloc : memref<!tpu.dma_semaphore, #tpu.memory_space<semaphore_mem>>
      %dma_start3A = arith.constant 0 : i32
      %dma_start3A_18 = arith.constant 0 : i32
      %dma_start3A_19 = tpu.memref_slice %arg3[%arg0, %arg1, %dma_start3A, %dma_start3A_18] : memref<2x16x80x128xi32, #tpu.memory_space<hbm>> -> memref<1x1x80x128xi32, #tpu.memory_space<hbm>>
      %dma_start3A_20 = tpu.memref_squeeze %dma_start3A_19 : memref<1x1x80x128xi32, #tpu.memory_space<hbm>> -> memref<80x128xi32, #tpu.memory_space<hbm>>
      %dma_start3A_21 = arith.constant 0 : i32
      %dma_start3A_22 = arith.constant 0 : i32
      %dma_start3A_23 = tpu.memref_slice %arg3[%arg0, %arg1, %dma_start3A_21, %dma_start3A_22] : memref<2x16x80x128xi32, #tpu.memory_space<hbm>> -> memref<1x1x80x128xi32, #tpu.memory_space<hbm>>
      %dma_start3A_24 = tpu.memref_squeeze %dma_start3A_23 : memref<1x1x80x128xi32, #tpu.memory_space<hbm>> -> memref<80x128xi32, #tpu.memory_space<hbm>>
      tpu.enqueue_dma source(%dma_start3A_24 : memref<80x128xi32, #tpu.memory_space<hbm>>) target(%arg6 : memref<80x128xi32, #tpu.memory_space<vmem>>) target_semaphore(%run_scoped3A : memref<!tpu.dma_semaphore, #tpu.memory_space<semaphore_mem>>)
      %dma_wait3A = arith.constant 0 : i32
      %dma_wait3A_25 = arith.constant 0 : i32
      %dma_wait3A_26 = tpu.memref_slice %arg3[%arg0, %arg1, %dma_wait3A, %dma_wait3A_25] : memref<2x16x80x128xi32, #tpu.memory_space<hbm>> -> memref<1x1x80x128xi32, #tpu.memory_space<hbm>>
      %dma_wait3A_27 = tpu.memref_squeeze %dma_wait3A_26 : memref<1x1x80x128xi32, #tpu.memory_space<hbm>> -> memref<80x128xi32, #tpu.memory_space<hbm>>
      %dma_wait3A_28 = arith.constant 0 : i32
      %dma_wait3A_29 = arith.constant 0 : i32
      %dma_wait3A_30 = tpu.memref_slice %arg3[%arg0, %arg1, %dma_wait3A_28, %dma_wait3A_29] : memref<2x16x80x128xi32, #tpu.memory_space<hbm>> -> memref<1x1x80x128xi32, #tpu.memory_space<hbm>>
      %dma_wait3A_31 = tpu.memref_squeeze %dma_wait3A_30 : memref<1x1x80x128xi32, #tpu.memory_space<hbm>> -> memref<80x128xi32, #tpu.memory_space<hbm>>
      tpu.wait_dma2 semaphore(%run_scoped3A : memref<!tpu.dma_semaphore, #tpu.memory_space<semaphore_mem>>) src(%dma_wait3A_31 : memref<80x128xi32, #tpu.memory_space<hbm>>) dst(%arg6 : memref<80x128xi32, #tpu.memory_space<vmem>>)
      tpu.yield
    }) : () -> ()
    "tpu.region"() ({
      %run_scoped3A = tpu.sem_alloc : memref<!tpu.dma_semaphore, #tpu.memory_space<semaphore_mem>>
      %dma_start3A = arith.constant 0 : i32
      %dma_start3A_18 = arith.constant 0 : i32
      %dma_start3A_19 = tpu.memref_slice %arg4[%arg1, %dma_start3A, %dma_start3A_18] : memref<16x80x128xi32, #tpu.memory_space<hbm>> -> memref<1x80x128xi32, #tpu.memory_space<hbm>>
      %dma_start3A_20 = tpu.memref_squeeze %dma_start3A_19 : memref<1x80x128xi32, #tpu.memory_space<hbm>> -> memref<80x128xi32, #tpu.memory_space<hbm>>
      %dma_start3A_21 = arith.constant 0 : i32
      %dma_start3A_22 = arith.constant 0 : i32
      %dma_start3A_23 = tpu.memref_slice %arg4[%arg1, %dma_start3A_21, %dma_start3A_22] : memref<16x80x128xi32, #tpu.memory_space<hbm>> -> memref<1x80x128xi32, #tpu.memory_space<hbm>>
      %dma_start3A_24 = tpu.memref_squeeze %dma_start3A_23 : memref<1x80x128xi32, #tpu.memory_space<hbm>> -> memref<80x128xi32, #tpu.memory_space<hbm>>
      tpu.enqueue_dma source(%dma_start3A_24 : memref<80x128xi32, #tpu.memory_space<hbm>>) target(%arg7 : memref<80x128xi32, #tpu.memory_space<vmem>>) target_semaphore(%run_scoped3A : memref<!tpu.dma_semaphore, #tpu.memory_space<semaphore_mem>>)
      %dma_wait3A = arith.constant 0 : i32
      %dma_wait3A_25 = arith.constant 0 : i32
      %dma_wait3A_26 = tpu.memref_slice %arg4[%arg1, %dma_wait3A, %dma_wait3A_25] : memref<16x80x128xi32, #tpu.memory_space<hbm>> -> memref<1x80x128xi32, #tpu.memory_space<hbm>>
      %dma_wait3A_27 = tpu.memref_squeeze %dma_wait3A_26 : memref<1x80x128xi32, #tpu.memory_space<hbm>> -> memref<80x128xi32, #tpu.memory_space<hbm>>
      %dma_wait3A_28 = arith.constant 0 : i32
      %dma_wait3A_29 = arith.constant 0 : i32
      %dma_wait3A_30 = tpu.memref_slice %arg4[%arg1, %dma_wait3A_28, %dma_wait3A_29] : memref<16x80x128xi32, #tpu.memory_space<hbm>> -> memref<1x80x128xi32, #tpu.memory_space<hbm>>
      %dma_wait3A_31 = tpu.memref_squeeze %dma_wait3A_30 : memref<1x80x128xi32, #tpu.memory_space<hbm>> -> memref<80x128xi32, #tpu.memory_space<hbm>>
      tpu.wait_dma2 semaphore(%run_scoped3A : memref<!tpu.dma_semaphore, #tpu.memory_space<semaphore_mem>>) src(%dma_wait3A_31 : memref<80x128xi32, #tpu.memory_space<hbm>>) dst(%arg7 : memref<80x128xi32, #tpu.memory_space<vmem>>)
      tpu.yield
    }) : () -> ()
    %mul3A = arith.constant 10240 : i32
    %mul3A_0 = arith.muli %arg0, %mul3A : i32
    %mul3A_1 = arith.constant 640 : i32
    %mul3A_2 = arith.muli %arg1, %mul3A_1 : i32
    %add3A = arith.addi %mul3A_0, %mul3A_2 : i32
    %mul3A_3 = arith.constant 640 : i32
    %mul3A_4 = arith.muli %arg1, %mul3A_3 : i32
    "tpu.region"() ({
      %run_scoped3A = tpu.sem_alloc : memref<!tpu.dma_semaphore, #tpu.memory_space<semaphore_mem>>
      %dma_start3A = arith.constant 0 : i32
      %dma_start3A_18 = tpu.memref_slice %arg10[%mul3A_4, %dma_start3A] : memref<10240x128xf32, #tpu.memory_space<vmem_shared>> -> memref<640x128xf32, #tpu.memory_space<vmem_shared>>
      %dma_start3A_19 = arith.constant 0 : i32
      %dma_start3A_20 = tpu.memref_slice %arg2[%add3A, %dma_start3A_19] : memref<20480x128xf32, #tpu.memory_space<hbm>> -> memref<640x128xf32, #tpu.memory_space<hbm>>
      tpu.enqueue_dma source(%dma_start3A_20 : memref<640x128xf32, #tpu.memory_space<hbm>>) target(%dma_start3A_18 : memref<640x128xf32, #tpu.memory_space<vmem_shared>>) target_semaphore(%run_scoped3A : memref<!tpu.dma_semaphore, #tpu.memory_space<semaphore_mem>>)
      %dma_wait3A = arith.constant 0 : i32
      %dma_wait3A_21 = tpu.memref_slice %arg10[%mul3A_4, %dma_wait3A] : memref<10240x128xf32, #tpu.memory_space<vmem_shared>> -> memref<640x128xf32, #tpu.memory_space<vmem_shared>>
      %dma_wait3A_22 = arith.constant 0 : i32
      %dma_wait3A_23 = tpu.memref_slice %arg2[%add3A, %dma_wait3A_22] : memref<20480x128xf32, #tpu.memory_space<hbm>> -> memref<640x128xf32, #tpu.memory_space<hbm>>
      tpu.wait_dma2 semaphore(%run_scoped3A : memref<!tpu.dma_semaphore, #tpu.memory_space<semaphore_mem>>) src(%dma_wait3A_23 : memref<640x128xf32, #tpu.memory_space<hbm>>) dst(%dma_wait3A_21 : memref<640x128xf32, #tpu.memory_space<vmem_shared>>)
      tpu.yield
    }) : () -> ()
    %barrier3A = arith.constant 0 : index
    tpu.barrier barrier_id(%barrier3A)
    %scan3A = arith.constant 0 : i32
    %scan3A_5 = arith.constant 0 : i32
    %scan3A_6 = arith.constant 80 : i32
    %scan3A_7 = arith.addi %scan3A_5, %scan3A_6 : i32
    %scan3A_8 = arith.constant 1 : i32
    scf.for %scan3A_18 = %scan3A_5 to %scan3A_7 step %scan3A_8  : i32 {
      %dma_start3A = arith.constant 0 : i32
      %dma_start3A_19 = tpu.memref_slice %arg6[%scan3A_18, %dma_start3A] : memref<80x128xi32, #tpu.memory_space<vmem>> -> memref<1x128xi32, #tpu.memory_space<vmem>>
      %dma_start3A_20 = tpu.memref_squeeze %dma_start3A_19 : memref<1x128xi32, #tpu.memory_space<vmem>> -> memref<128xi32, #tpu.memory_space<vmem>>
      %dma_start3A_21 = arith.constant 0 : i32
      %dma_start3A_22 = arith.constant 0 : i32
      %dma_start3A_23 = tpu.memref_slice %arg2[%dma_start3A_21, %dma_start3A_22] : memref<20480x128xf32, #tpu.memory_space<hbm>> -> memref<20480x128xf32, #tpu.memory_space<hbm>>
      tpu.enqueue_indirect_dma source(%dma_start3A_23 : memref<20480x128xf32, #tpu.memory_space<hbm>>) target(%arg8 : memref<128x128xf32, #tpu.memory_space<vmem>>) offsets(%dma_start3A_20 : memref<128xi32, #tpu.memory_space<vmem>>) semaphore(%arg9 : memref<!tpu.dma_semaphore, #tpu.memory_space<semaphore_mem>>)
      %dma_wait3A = arith.constant 0 : i32
      %dma_wait3A_24 = tpu.memref_slice %arg6[%scan3A_18, %dma_wait3A] : memref<80x128xi32, #tpu.memory_space<vmem>> -> memref<1x128xi32, #tpu.memory_space<vmem>>
      %dma_wait3A_25 = tpu.memref_squeeze %dma_wait3A_24 : memref<1x128xi32, #tpu.memory_space<vmem>> -> memref<128xi32, #tpu.memory_space<vmem>>
      %dma_wait3A_26 = arith.constant 0 : i32
      %dma_wait3A_27 = arith.constant 0 : i32
      %dma_wait3A_28 = tpu.memref_slice %arg2[%dma_wait3A_26, %dma_wait3A_27] : memref<20480x128xf32, #tpu.memory_space<hbm>> -> memref<20480x128xf32, #tpu.memory_space<hbm>>
      tpu.wait_indirect_dma semaphore(%arg9 : memref<!tpu.dma_semaphore, #tpu.memory_space<semaphore_mem>>) src(%dma_wait3A_28 : memref<20480x128xf32, #tpu.memory_space<hbm>>) dst(%arg8 : memref<128x128xf32, #tpu.memory_space<vmem>>)
      "tpu.region"() ({
        %run_scoped3A = tpu.sem_alloc : memref<!tpu.dma_semaphore, #tpu.memory_space<semaphore_mem>>
        %dma_start3A_29 = arith.constant 0 : i32
        %dma_start3A_30 = tpu.memref_slice %arg7[%scan3A_18, %dma_start3A_29] : memref<80x128xi32, #tpu.memory_space<vmem>> -> memref<1x128xi32, #tpu.memory_space<vmem>>
        %dma_start3A_31 = tpu.memref_squeeze %dma_start3A_30 : memref<1x128xi32, #tpu.memory_space<vmem>> -> memref<128xi32, #tpu.memory_space<vmem>>
        %dma_start3A_32 = arith.constant 0 : i32
        %dma_start3A_33 = arith.constant 0 : i32
        %dma_start3A_34 = tpu.memref_slice %arg10[%dma_start3A_32, %dma_start3A_33] : memref<10240x128xf32, #tpu.memory_space<vmem_shared>> -> memref<10240x128xf32, #tpu.memory_space<vmem_shared>>
        tpu.enqueue_indirect_dma source(%arg8 : memref<128x128xf32, #tpu.memory_space<vmem>>) target(%dma_start3A_34 : memref<10240x128xf32, #tpu.memory_space<vmem_shared>>) offsets(%dma_start3A_31 : memref<128xi32, #tpu.memory_space<vmem>>) semaphore(%run_scoped3A : memref<!tpu.dma_semaphore, #tpu.memory_space<semaphore_mem>>) {add = true}
        %dma_wait3A_35 = arith.constant 0 : i32
        %dma_wait3A_36 = tpu.memref_slice %arg7[%scan3A_18, %dma_wait3A_35] : memref<80x128xi32, #tpu.memory_space<vmem>> -> memref<1x128xi32, #tpu.memory_space<vmem>>
        %dma_wait3A_37 = tpu.memref_squeeze %dma_wait3A_36 : memref<1x128xi32, #tpu.memory_space<vmem>> -> memref<128xi32, #tpu.memory_space<vmem>>
        %dma_wait3A_38 = arith.constant 0 : i32
        %dma_wait3A_39 = arith.constant 0 : i32
        %dma_wait3A_40 = tpu.memref_slice %arg10[%dma_wait3A_38, %dma_wait3A_39] : memref<10240x128xf32, #tpu.memory_space<vmem_shared>> -> memref<10240x128xf32, #tpu.memory_space<vmem_shared>>
        tpu.wait_indirect_dma semaphore(%run_scoped3A : memref<!tpu.dma_semaphore, #tpu.memory_space<semaphore_mem>>) src(%arg8 : memref<128x128xf32, #tpu.memory_space<vmem>>) dst(%dma_wait3A_40 : memref<10240x128xf32, #tpu.memory_space<vmem_shared>>)
        tpu.yield
      }) : () -> ()
    }
    %scan3A_9 = arith.constant 80 : i32
    %barrier3A_10 = arith.constant 0 : index
    tpu.barrier barrier_id(%barrier3A_10)
    %mul3A_11 = arith.constant 640 : i32
    %mul3A_12 = arith.muli %arg1, %mul3A_11 : i32
    %mul3A_13 = arith.constant 10240 : i32
    %mul3A_14 = arith.muli %arg0, %mul3A_13 : i32
    %mul3A_15 = arith.constant 640 : i32
    %mul3A_16 = arith.muli %arg1, %mul3A_15 : i32
    %add3A_17 = arith.addi %mul3A_14, %mul3A_16 : i32
    "tpu.region"() ({
      %run_scoped3A = tpu.sem_alloc : memref<!tpu.dma_semaphore, #tpu.memory_space<semaphore_mem>>
      %dma_start3A = arith.constant 0 : i32
      %dma_start3A_18 = tpu.memref_slice %arg5[%add3A_17, %dma_start3A] : memref<20480x128xf32, #tpu.memory_space<hbm>> -> memref<640x128xf32, #tpu.memory_space<hbm>>
      %dma_start3A_19 = arith.constant 0 : i32
      %dma_start3A_20 = tpu.memref_slice %arg10[%mul3A_12, %dma_start3A_19] : memref<10240x128xf32, #tpu.memory_space<vmem_shared>> -> memref<640x128xf32, #tpu.memory_space<vmem_shared>>
      tpu.enqueue_dma source(%dma_start3A_20 : memref<640x128xf32, #tpu.memory_space<vmem_shared>>) target(%dma_start3A_18 : memref<640x128xf32, #tpu.memory_space<hbm>>) target_semaphore(%run_scoped3A : memref<!tpu.dma_semaphore, #tpu.memory_space<semaphore_mem>>)
      %dma_wait3A = arith.constant 0 : i32
      %dma_wait3A_21 = tpu.memref_slice %arg5[%add3A_17, %dma_wait3A] : memref<20480x128xf32, #tpu.memory_space<hbm>> -> memref<640x128xf32, #tpu.memory_space<hbm>>
      %dma_wait3A_22 = arith.constant 0 : i32
      %dma_wait3A_23 = tpu.memref_slice %arg10[%mul3A_12, %dma_wait3A_22] : memref<10240x128xf32, #tpu.memory_space<vmem_shared>> -> memref<640x128xf32, #tpu.memory_space<vmem_shared>>
      tpu.wait_dma2 semaphore(%run_scoped3A : memref<!tpu.dma_semaphore, #tpu.memory_space<semaphore_mem>>) src(%dma_wait3A_23 : memref<640x128xf32, #tpu.memory_space<vmem_shared>>) dst(%dma_wait3A_21 : memref<640x128xf32, #tpu.memory_space<hbm>>)
      tpu.yield
    }) : () -> ()
    return
  }
}

module attributes {stable_mosaic.version = 14 : i64} {
  func.func @body(%arg0: i32, %arg1: memref<2x1280x128xf32, #tpu.memory_space<vmem>>, %arg2: memref<256x256xf32, #tpu.memory_space<vmem>>, %arg3: memref<1x256xf32, #tpu.memory_space<vmem>>, %arg4: memref<256x256xf32, #tpu.memory_space<vmem>>, %arg5: memref<1x256xf32, #tpu.memory_space<vmem>>, %arg6: memref<2x1280x128xf32, #tpu.memory_space<vmem>>) attributes {dimension_semantics = [#tpu.dimension_semantics<arbitrary>], iteration_bounds = array<i64: 8>, scalar_prefetch = 0 : i64, scratch_operands = 0 : i64, tpu.core_type = #tpu.core_type<tc>, window_params = [{transform_indices = @transform_0, window_bounds = array<i64: 2, 1280, 128>}, {pipeline_mode = #tpu.pipeline_mode<synchronous>, transform_indices = @transform_1, window_bounds = array<i64: 256, 256>}, {pipeline_mode = #tpu.pipeline_mode<synchronous>, transform_indices = @transform_2, window_bounds = array<i64: 1, 256>}, {pipeline_mode = #tpu.pipeline_mode<synchronous>, transform_indices = @transform_3, window_bounds = array<i64: 256, 256>}, {pipeline_mode = #tpu.pipeline_mode<synchronous>, transform_indices = @transform_4, window_bounds = array<i64: 1, 256>}, {transform_indices = @transform_5, window_bounds = array<i64: 2, 1280, 128>}]} {
    %get3A = arith.constant 0 : index
    %get3A_0 = arith.constant 0 : index
    %get3A_1 = arith.constant 0 : index
    %get3A_2 = vector.load %arg1[%get3A, %get3A_0, %get3A_1] : memref<2x1280x128xf32, #tpu.memory_space<vmem>>, vector<1x1280x128xf32>
    %get3A_3 = vector.shape_cast %get3A_2 : vector<1x1280x128xf32> to vector<1280x128xf32>
    %get3A_4 = arith.constant 1 : index
    %get3A_5 = arith.constant 0 : index
    %get3A_6 = arith.constant 0 : index
    %get3A_7 = vector.load %arg1[%get3A_4, %get3A_5, %get3A_6] : memref<2x1280x128xf32, #tpu.memory_space<vmem>>, vector<1x1280x128xf32>
    %get3A_8 = vector.shape_cast %get3A_7 : vector<1x1280x128xf32> to vector<1280x128xf32>
    %concatenate3A = tpu.concatenate %get3A_3, %get3A_8 in 1 : vector<1280x128xf32>, vector<1280x128xf32> -> vector<1280x256xf32>
    %get3A_9 = arith.constant 0 : index
    %get3A_10 = arith.constant 0 : index
    %get3A_11 = vector.load %arg2[%get3A_9, %get3A_10] : memref<256x256xf32, #tpu.memory_space<vmem>>, vector<256x256xf32>
    %dot_general3A = arith.constant dense<0.000000e+00> : vector<1280x256xf32>
    %dot_general3A_12 = tpu.matmul %concatenate3A, %get3A_11, %dot_general3A {dimension_numbers = #tpu.dot_dimension_numbers<[1], [0], [0], [1], [0, 0, 1, 1], [], []>, transpose_lhs_hint = false} : vector<1280x256xf32>, vector<256x256xf32>, vector<1280x256xf32> -> vector<1280x256xf32>
    %get3A_13 = arith.constant 0 : index
    %get3A_14 = arith.constant 0 : index
    %get3A_15 = vector.load %arg3[%get3A_13, %get3A_14] : memref<1x256xf32, #tpu.memory_space<vmem>>, vector<1x256xf32>
    %add3A = vector.broadcast %get3A_15 : vector<1x256xf32> to vector<1280x256xf32>
    %add3A_16 = arith.addf %dot_general3A_12, %add3A : vector<1280x256xf32>
    %max3A = arith.constant 0.000000e+00 : f32
    %max3A_17 = vector.broadcast %max3A : f32 to vector<1280x256xf32>
    %max3A_18 = arith.maximumf %add3A_16, %max3A_17 : vector<1280x256xf32>
    %get3A_19 = arith.constant 0 : index
    %get3A_20 = arith.constant 0 : index
    %get3A_21 = vector.load %arg4[%get3A_19, %get3A_20] : memref<256x256xf32, #tpu.memory_space<vmem>>, vector<256x256xf32>
    %dot_general3A_22 = arith.constant dense<0.000000e+00> : vector<1280x256xf32>
    %dot_general3A_23 = tpu.matmul %max3A_18, %get3A_21, %dot_general3A_22 {dimension_numbers = #tpu.dot_dimension_numbers<[1], [0], [0], [1], [0, 0, 1, 1], [], []>, transpose_lhs_hint = false} : vector<1280x256xf32>, vector<256x256xf32>, vector<1280x256xf32> -> vector<1280x256xf32>
    %get3A_24 = arith.constant 0 : index
    %get3A_25 = arith.constant 0 : index
    %get3A_26 = vector.load %arg5[%get3A_24, %get3A_25] : memref<1x256xf32, #tpu.memory_space<vmem>>, vector<1x256xf32>
    %add3A_27 = vector.broadcast %get3A_26 : vector<1x256xf32> to vector<1280x256xf32>
    %add3A_28 = arith.addf %dot_general3A_23, %add3A_27 : vector<1280x256xf32>
    %max3A_29 = arith.constant 0.000000e+00 : f32
    %max3A_30 = vector.broadcast %max3A_29 : f32 to vector<1280x256xf32>
    %max3A_31 = arith.maximumf %add3A_28, %max3A_30 : vector<1280x256xf32>
    %slice3A = vector.extract_strided_slice %max3A_31 {offsets = [0, 0], sizes = [1280, 128], strides = [1, 1]} : vector<1280x256xf32> to vector<1280x128xf32>
    %swap3A = arith.constant 0 : index
    %swap3A_32 = arith.constant 0 : index
    %swap3A_33 = arith.constant 0 : index
    %swap3A_34 = vector.load %arg6[%swap3A, %swap3A_32, %swap3A_33] : memref<2x1280x128xf32, #tpu.memory_space<vmem>>, vector<1x1280x128xf32>
    %swap3A_35 = vector.shape_cast %swap3A_34 : vector<1x1280x128xf32> to vector<1280x128xf32>
    %swap3A_36 = vector.shape_cast %slice3A : vector<1280x128xf32> to vector<1x1280x128xf32>
    tpu.vector_store %arg6[%swap3A, %swap3A_32, %swap3A_33], %swap3A_36 {strides = array<i32>} : memref<2x1280x128xf32, #tpu.memory_space<vmem>>, vector<1x1280x128xf32>,
    %slice3A_37 = vector.extract_strided_slice %max3A_31 {offsets = [0, 128], sizes = [1280, 128], strides = [1, 1]} : vector<1280x256xf32> to vector<1280x128xf32>
    %swap3A_38 = arith.constant 1 : index
    %swap3A_39 = arith.constant 0 : index
    %swap3A_40 = arith.constant 0 : index
    %swap3A_41 = vector.load %arg6[%swap3A_38, %swap3A_39, %swap3A_40] : memref<2x1280x128xf32, #tpu.memory_space<vmem>>, vector<1x1280x128xf32>
    %swap3A_42 = vector.shape_cast %swap3A_41 : vector<1x1280x128xf32> to vector<1280x128xf32>
    %swap3A_43 = vector.shape_cast %slice3A_37 : vector<1280x128xf32> to vector<1x1280x128xf32>
    tpu.vector_store %arg6[%swap3A_38, %swap3A_39, %swap3A_40], %swap3A_43 {strides = array<i32>} : memref<2x1280x128xf32, #tpu.memory_space<vmem>>, vector<1x1280x128xf32>,
    return
  }
  func.func @transform_0(%arg0: i32) -> (i32, i32, i32) {
    %c0_i32 = arith.constant 0 : i32
    %c0_i32_0 = arith.constant 0 : i32
    %c0_i32_1 = arith.constant 0 : i32
    return %c0_i32, %arg0, %c0_i32_0 : i32, i32, i32
  }
  func.func @transform_1(%arg0: i32) -> (i32, i32) {
    %c0_i32 = arith.constant 0 : i32
    %c0_i32_0 = arith.constant 0 : i32
    %c0_i32_1 = arith.constant 0 : i32
    return %c0_i32, %c0_i32_0 : i32, i32
  }
  func.func @transform_2(%arg0: i32) -> (i32, i32) {
    %c0_i32 = arith.constant 0 : i32
    %c0_i32_0 = arith.constant 0 : i32
    %c0_i32_1 = arith.constant 0 : i32
    return %c0_i32, %c0_i32_0 : i32, i32
  }
  func.func @transform_3(%arg0: i32) -> (i32, i32) {
    %c0_i32 = arith.constant 0 : i32
    %c0_i32_0 = arith.constant 0 : i32
    %c0_i32_1 = arith.constant 0 : i32
    return %c0_i32, %c0_i32_0 : i32, i32
  }
  func.func @transform_4(%arg0: i32) -> (i32, i32) {
    %c0_i32 = arith.constant 0 : i32
    %c0_i32_0 = arith.constant 0 : i32
    %c0_i32_1 = arith.constant 0 : i32
    return %c0_i32, %c0_i32_0 : i32, i32
  }
  func.func @transform_5(%arg0: i32) -> (i32, i32, i32) {
    %c0_i32 = arith.constant 0 : i32
    %c0_i32_0 = arith.constant 0 : i32
    %c0_i32_1 = arith.constant 0 : i32
    return %c0_i32, %arg0, %c0_i32_0 : i32, i32, i32
  }
}

module attributes {stable_mosaic.version = 14 : i64} {
  func.func @body(%arg0: i32, %arg1: memref<2x1280x128xf32, #tpu.memory_space<vmem>>, %arg2: memref<256x256xf32, #tpu.memory_space<vmem>>, %arg3: memref<1x256xf32, #tpu.memory_space<vmem>>, %arg4: memref<256x256xf32, #tpu.memory_space<vmem>>, %arg5: memref<1x256xf32, #tpu.memory_space<vmem>>, %arg6: memref<2x1280x128xf32, #tpu.memory_space<vmem>>) attributes {dimension_semantics = [#tpu.dimension_semantics<arbitrary>], iteration_bounds = array<i64: 8>, scalar_prefetch = 0 : i64, scratch_operands = 0 : i64, tpu.core_type = #tpu.core_type<tc>, window_params = [{transform_indices = @transform_0, window_bounds = array<i64: 2, 1280, 128>}, {pipeline_mode = #tpu.pipeline_mode<synchronous>, transform_indices = @transform_1, window_bounds = array<i64: 256, 256>}, {pipeline_mode = #tpu.pipeline_mode<synchronous>, transform_indices = @transform_2, window_bounds = array<i64: 1, 256>}, {pipeline_mode = #tpu.pipeline_mode<synchronous>, transform_indices = @transform_3, window_bounds = array<i64: 256, 256>}, {pipeline_mode = #tpu.pipeline_mode<synchronous>, transform_indices = @transform_4, window_bounds = array<i64: 1, 256>}, {transform_indices = @transform_5, window_bounds = array<i64: 2, 1280, 128>}]} {
    %get3A = arith.constant 0 : index
    %get3A_0 = arith.constant 0 : index
    %get3A_1 = arith.constant 0 : index
    %get3A_2 = vector.load %arg1[%get3A, %get3A_0, %get3A_1] : memref<2x1280x128xf32, #tpu.memory_space<vmem>>, vector<1x1280x128xf32>
    %get3A_3 = vector.shape_cast %get3A_2 : vector<1x1280x128xf32> to vector<1280x128xf32>
    %get3A_4 = arith.constant 1 : index
    %get3A_5 = arith.constant 0 : index
    %get3A_6 = arith.constant 0 : index
    %get3A_7 = vector.load %arg1[%get3A_4, %get3A_5, %get3A_6] : memref<2x1280x128xf32, #tpu.memory_space<vmem>>, vector<1x1280x128xf32>
    %get3A_8 = vector.shape_cast %get3A_7 : vector<1x1280x128xf32> to vector<1280x128xf32>
    %concatenate3A = tpu.concatenate %get3A_3, %get3A_8 in 1 : vector<1280x128xf32>, vector<1280x128xf32> -> vector<1280x256xf32>
    %get3A_9 = arith.constant 0 : index
    %get3A_10 = arith.constant 0 : index
    %get3A_11 = vector.load %arg2[%get3A_9, %get3A_10] : memref<256x256xf32, #tpu.memory_space<vmem>>, vector<256x256xf32>
    %dot_general3A = arith.constant dense<0.000000e+00> : vector<1280x256xf32>
    %dot_general3A_12 = tpu.matmul %concatenate3A, %get3A_11, %dot_general3A {dimension_numbers = #tpu.dot_dimension_numbers<[1], [0], [0], [1], [0, 0, 1, 1], [], []>, transpose_lhs_hint = false} : vector<1280x256xf32>, vector<256x256xf32>, vector<1280x256xf32> -> vector<1280x256xf32>
    %get3A_13 = arith.constant 0 : index
    %get3A_14 = arith.constant 0 : index
    %get3A_15 = vector.load %arg3[%get3A_13, %get3A_14] : memref<1x256xf32, #tpu.memory_space<vmem>>, vector<1x256xf32>
    %add3A = vector.broadcast %get3A_15 : vector<1x256xf32> to vector<1280x256xf32>
    %add3A_16 = arith.addf %dot_general3A_12, %add3A : vector<1280x256xf32>
    %max3A = arith.constant 0.000000e+00 : f32
    %max3A_17 = vector.broadcast %max3A : f32 to vector<1280x256xf32>
    %max3A_18 = arith.maximumf %add3A_16, %max3A_17 : vector<1280x256xf32>
    %get3A_19 = arith.constant 0 : index
    %get3A_20 = arith.constant 0 : index
    %get3A_21 = vector.load %arg4[%get3A_19, %get3A_20] : memref<256x256xf32, #tpu.memory_space<vmem>>, vector<256x256xf32>
    %dot_general3A_22 = arith.constant dense<0.000000e+00> : vector<1280x256xf32>
    %dot_general3A_23 = tpu.matmul %max3A_18, %get3A_21, %dot_general3A_22 {dimension_numbers = #tpu.dot_dimension_numbers<[1], [0], [0], [1], [0, 0, 1, 1], [], []>, transpose_lhs_hint = false} : vector<1280x256xf32>, vector<256x256xf32>, vector<1280x256xf32> -> vector<1280x256xf32>
    %get3A_24 = arith.constant 0 : index
    %get3A_25 = arith.constant 0 : index
    %get3A_26 = vector.load %arg5[%get3A_24, %get3A_25] : memref<1x256xf32, #tpu.memory_space<vmem>>, vector<1x256xf32>
    %add3A_27 = vector.broadcast %get3A_26 : vector<1x256xf32> to vector<1280x256xf32>
    %add3A_28 = arith.addf %dot_general3A_23, %add3A_27 : vector<1280x256xf32>
    %slice3A = vector.extract_strided_slice %add3A_28 {offsets = [0, 0], sizes = [1280, 128], strides = [1, 1]} : vector<1280x256xf32> to vector<1280x128xf32>
    %swap3A = arith.constant 0 : index
    %swap3A_29 = arith.constant 0 : index
    %swap3A_30 = arith.constant 0 : index
    %swap3A_31 = vector.load %arg6[%swap3A, %swap3A_29, %swap3A_30] : memref<2x1280x128xf32, #tpu.memory_space<vmem>>, vector<1x1280x128xf32>
    %swap3A_32 = vector.shape_cast %swap3A_31 : vector<1x1280x128xf32> to vector<1280x128xf32>
    %swap3A_33 = vector.shape_cast %slice3A : vector<1280x128xf32> to vector<1x1280x128xf32>
    tpu.vector_store %arg6[%swap3A, %swap3A_29, %swap3A_30], %swap3A_33 {strides = array<i32>} : memref<2x1280x128xf32, #tpu.memory_space<vmem>>, vector<1x1280x128xf32>,
    %slice3A_34 = vector.extract_strided_slice %add3A_28 {offsets = [0, 128], sizes = [1280, 128], strides = [1, 1]} : vector<1280x256xf32> to vector<1280x128xf32>
    %swap3A_35 = arith.constant 1 : index
    %swap3A_36 = arith.constant 0 : index
    %swap3A_37 = arith.constant 0 : index
    %swap3A_38 = vector.load %arg6[%swap3A_35, %swap3A_36, %swap3A_37] : memref<2x1280x128xf32, #tpu.memory_space<vmem>>, vector<1x1280x128xf32>
    %swap3A_39 = vector.shape_cast %swap3A_38 : vector<1x1280x128xf32> to vector<1280x128xf32>
    %swap3A_40 = vector.shape_cast %slice3A_34 : vector<1280x128xf32> to vector<1x1280x128xf32>
    tpu.vector_store %arg6[%swap3A_35, %swap3A_36, %swap3A_37], %swap3A_40 {strides = array<i32>} : memref<2x1280x128xf32, #tpu.memory_space<vmem>>, vector<1x1280x128xf32>,
    return
  }
  func.func @transform_0(%arg0: i32) -> (i32, i32, i32) {
    %c0_i32 = arith.constant 0 : i32
    %c0_i32_0 = arith.constant 0 : i32
    %c0_i32_1 = arith.constant 0 : i32
    return %c0_i32, %arg0, %c0_i32_0 : i32, i32, i32
  }
  func.func @transform_1(%arg0: i32) -> (i32, i32) {
    %c0_i32 = arith.constant 0 : i32
    %c0_i32_0 = arith.constant 0 : i32
    %c0_i32_1 = arith.constant 0 : i32
    return %c0_i32, %c0_i32_0 : i32, i32
  }
  func.func @transform_2(%arg0: i32) -> (i32, i32) {
    %c0_i32 = arith.constant 0 : i32
    %c0_i32_0 = arith.constant 0 : i32
    %c0_i32_1 = arith.constant 0 : i32
    return %c0_i32, %c0_i32_0 : i32, i32
  }
  func.func @transform_3(%arg0: i32) -> (i32, i32) {
    %c0_i32 = arith.constant 0 : i32
    %c0_i32_0 = arith.constant 0 : i32
    %c0_i32_1 = arith.constant 0 : i32
    return %c0_i32, %c0_i32_0 : i32, i32
  }
  func.func @transform_4(%arg0: i32) -> (i32, i32) {
    %c0_i32 = arith.constant 0 : i32
    %c0_i32_0 = arith.constant 0 : i32
    %c0_i32_1 = arith.constant 0 : i32
    return %c0_i32, %c0_i32_0 : i32, i32
  }
  func.func @transform_5(%arg0: i32) -> (i32, i32, i32) {
    %c0_i32 = arith.constant 0 : i32
    %c0_i32_0 = arith.constant 0 : i32
    %c0_i32_1 = arith.constant 0 : i32
    return %c0_i32, %arg0, %c0_i32_0 : i32, i32, i32
  }
}

module attributes {stable_mosaic.version = 14 : i64} {
  func.func @body(%arg0: i32, %arg1: memref<2x1280x128xf32, #tpu.memory_space<vmem>>, %arg2: memref<256x128xf32, #tpu.memory_space<vmem>>, %arg3: memref<1x128xf32, #tpu.memory_space<vmem>>, %arg4: memref<1280x128xf32, #tpu.memory_space<vmem>>) attributes {dimension_semantics = [#tpu.dimension_semantics<arbitrary>], iteration_bounds = array<i64: 8>, scalar_prefetch = 0 : i64, scratch_operands = 0 : i64, tpu.core_type = #tpu.core_type<tc>, window_params = [{transform_indices = @transform_0, window_bounds = array<i64: 2, 1280, 128>}, {pipeline_mode = #tpu.pipeline_mode<synchronous>, transform_indices = @transform_1, window_bounds = array<i64: 256, 128>}, {pipeline_mode = #tpu.pipeline_mode<synchronous>, transform_indices = @transform_2, window_bounds = array<i64: 1, 128>}, {transform_indices = @transform_3, window_bounds = array<i64: 1280, 128>}]} {
    %get3A = arith.constant 0 : index
    %get3A_0 = arith.constant 0 : index
    %get3A_1 = arith.constant 0 : index
    %get3A_2 = vector.load %arg1[%get3A, %get3A_0, %get3A_1] : memref<2x1280x128xf32, #tpu.memory_space<vmem>>, vector<1x1280x128xf32>
    %get3A_3 = vector.shape_cast %get3A_2 : vector<1x1280x128xf32> to vector<1280x128xf32>
    %get3A_4 = arith.constant 1 : index
    %get3A_5 = arith.constant 0 : index
    %get3A_6 = arith.constant 0 : index
    %get3A_7 = vector.load %arg1[%get3A_4, %get3A_5, %get3A_6] : memref<2x1280x128xf32, #tpu.memory_space<vmem>>, vector<1x1280x128xf32>
    %get3A_8 = vector.shape_cast %get3A_7 : vector<1x1280x128xf32> to vector<1280x128xf32>
    %concatenate3A = tpu.concatenate %get3A_3, %get3A_8 in 1 : vector<1280x128xf32>, vector<1280x128xf32> -> vector<1280x256xf32>
    %get3A_9 = arith.constant 0 : index
    %get3A_10 = arith.constant 0 : index
    %get3A_11 = vector.load %arg2[%get3A_9, %get3A_10] : memref<256x128xf32, #tpu.memory_space<vmem>>, vector<256x128xf32>
    %dot_general3A = arith.constant dense<0.000000e+00> : vector<1280x128xf32>
    %dot_general3A_12 = tpu.matmul %concatenate3A, %get3A_11, %dot_general3A {dimension_numbers = #tpu.dot_dimension_numbers<[1], [0], [0], [1], [0, 0, 1, 1], [], []>, transpose_lhs_hint = false} : vector<1280x256xf32>, vector<256x128xf32>, vector<1280x128xf32> -> vector<1280x128xf32>
    %get3A_13 = arith.constant 0 : index
    %get3A_14 = arith.constant 0 : index
    %get3A_15 = vector.load %arg3[%get3A_13, %get3A_14] : memref<1x128xf32, #tpu.memory_space<vmem>>, vector<1x128xf32>
    %add3A = vector.broadcast %get3A_15 : vector<1x128xf32> to vector<1280x128xf32>
    %add3A_16 = arith.addf %dot_general3A_12, %add3A : vector<1280x128xf32>
    %slice3A = vector.extract_strided_slice %add3A_16 {offsets = [0, 0], sizes = [1280, 64], strides = [1, 1]} : vector<1280x128xf32> to vector<1280x64xf32>
    %slice3A_17 = vector.extract_strided_slice %add3A_16 {offsets = [0, 64], sizes = [1280, 64], strides = [1, 1]} : vector<1280x128xf32> to vector<1280x64xf32>
    %max3A = arith.constant 0.000000e+00 : f32
    %max3A_18 = vector.broadcast %max3A : f32 to vector<1280x64xf32>
    %max3A_19 = arith.maximumf %slice3A_17, %max3A_18 : vector<1280x64xf32>
    %abs3A = math.absf %slice3A_17 : vector<1280x64xf32>
    %neg3A = arith.constant 0.000000e+00 : f32
    %neg3A_20 = vector.broadcast %neg3A : f32 to vector<1280x64xf32>
    %neg3A_21 = arith.subf %neg3A_20, %abs3A : vector<1280x64xf32>
    %exp3A = math.exp %neg3A_21 : vector<1280x64xf32>
    %add3A_22 = arith.constant 1.000000e+00 : f32
    %add3A_23 = vector.broadcast %add3A_22 : f32 to vector<1280x64xf32>
    %add3A_24 = arith.addf %add3A_23, %exp3A : vector<1280x64xf32>
    %log3A = math.log %add3A_24 : vector<1280x64xf32>
    %add3A_25 = arith.addf %max3A_19, %log3A : vector<1280x64xf32>
    %concatenate3A_26 = tpu.concatenate %slice3A, %add3A_25 in 1 : vector<1280x64xf32>, vector<1280x64xf32> -> vector<1280x128xf32>
    %swap3A = arith.constant 0 : index
    %swap3A_27 = arith.constant 0 : index
    %swap3A_28 = vector.load %arg4[%swap3A, %swap3A_27] : memref<1280x128xf32, #tpu.memory_space<vmem>>, vector<1280x128xf32>
    tpu.vector_store %arg4[%swap3A, %swap3A_27], %concatenate3A_26 {strides = array<i32>} : memref<1280x128xf32, #tpu.memory_space<vmem>>, vector<1280x128xf32>,
    return
  }
  func.func @transform_0(%arg0: i32) -> (i32, i32, i32) {
    %c0_i32 = arith.constant 0 : i32
    %c0_i32_0 = arith.constant 0 : i32
    %c0_i32_1 = arith.constant 0 : i32
    return %c0_i32, %arg0, %c0_i32_0 : i32, i32, i32
  }
  func.func @transform_1(%arg0: i32) -> (i32, i32) {
    %c0_i32 = arith.constant 0 : i32
    %c0_i32_0 = arith.constant 0 : i32
    %c0_i32_1 = arith.constant 0 : i32
    return %c0_i32, %c0_i32_0 : i32, i32
  }
  func.func @transform_2(%arg0: i32) -> (i32, i32) {
    %c0_i32 = arith.constant 0 : i32
    %c0_i32_0 = arith.constant 0 : i32
    %c0_i32_1 = arith.constant 0 : i32
    return %c0_i32, %c0_i32_0 : i32, i32
  }
  func.func @transform_3(%arg0: i32) -> (i32, i32) {
    %c0_i32 = arith.constant 0 : i32
    %c0_i32_0 = arith.constant 0 : i32
    return %arg0, %c0_i32 : i32, i32
  }
}

</mosaic_0001>

<sc_bundles>
// kernel: gather_offload_async_start.1
scs
__scs_entry_jumppad:
0x0: {  	(pc) =	sbr.rel $0x88, $3  }
0x1: {  	(tag) =	ssettag $0x0;
	lr =	simm.s32 $0x1  }
0x2: {  	[smem:$0x3F97] =	sst lr;
	_ =	strace $0xD0000000  }
0x3: {  	_ = 	snop  }
0x4: {  	_ = 	snop  }
0x5: {  	_ = 	snop  }
0x6: {  	_ = 	snop  }
0x7: {  	_ = 	snop  }
__scs_overlays_trampoline_lowered:
0x8: {  	[smem:$0x3FA6] =	sst s0  }
0x9: {  	[smem:$0x3FA7] =	sst s1  }
0xa: {  	[smem:$0x3FA8] =	sst s2  }
0xb: {  	[smem:$0x3FA9] =	sst s3  }
0xc: {  	[smem:$0x3FAA] =	sst s4  }
0xd: {  	[smem:$0x3FAB] =	sst s5  }
0xe: {  	[smem:$0x3FAC] =	sst s6  }
0xf: {  	[smem:$0x3FAD] =	sst s7  }
0x10: {  	[smem:$0x3FAE] =	sst s8  }
0x11: {  	[smem:$0x3FAF] =	sst s9;
	s0 =	simm.s32 @!p0 $0x0  }
0x12: {  	s1 =	sld [smem:$0x3F95];
	s0 =	simm.s32 @p0 $0x1  }
0x13: {  	[smem:$0x3FB0] =	sst s0;
	s0 =	simm.s32 @!p1 $0x0  }
0x14: {  	s2 =	sld [smem:$0x3F94];
	s0 =	simm.s32 @p1 $0x1  }
0x15: {  	[smem:$0x3FB1] =	sst s0;
	s0 =	simm.s32 @!p2 $0x0  }
0x16: {  	s3 =	sld [smem:$0x3FDB];
	s0 =	simm.s32 @p2 $0x1  }
0x17: {  	s4 =	simm.s32 $0x1BF5;
	[smem:$0x3FB3] =	sst s0  }
0x18: {  	s0 =	sld [smem:$0x3F96];
	_ =	swait.ge [sflag:s4], $0x0  }
0x19: {  	s7 =	sld [smem:$0x3F97]  }
0x1a: {  	s8 =	sadd.s32 $0xFFFFE003, lr  }
0x1b: {  	s9 =	sadd.s32 $0xFFFFFEF7, lr;
	s5 =	simm.s32 $0xFFFFFFFF;
	p2 =	slt.u32 s8, $0xFFFFF086  }
0x1c: {  	p1 =	slt.u32 s9, $0xF7A;
	s5 =	simm.s32 @!p2 $0x0  }
0x1d: {  	s5 =	simm.s32 @p1 $0x1;
	p0 =	seq.s32 s7, s2  }
0x1e: {  	s7 =	smul.u32 @!p0 $0xF7A, s2;
	p2 =	seq.s32 @!p0 s5, $0x0  }
0x1f: {  	s9 =	smul.u32 $0xF7A, s1;
	s8 =	simm.s32 @!p0 $0x1BF5;
	p2 =	por !p2, p0  }
0x20: {  	[sflag:s8] =	ssyncset.s32 @!p0 $0xFFFFF086;
	s6 =	sadd.s32 @!p0 s3, s7;
	s7 =	simm.s32 @!p0 $0x108  }
0x21: {  	s3 =	sadd.s32 s3, s9;
	s6 =	sadd.s32 @!p0 $0x88, s6;
	s7 =	simm.s32 @p2 $0x1082  }
0x22: {  	[simem:s7], [sflag:s8] =	dma.local @!p0 [hbm:s6], $0xF7A  }
0x23: {  	s9 =	sor.u32 $0xD0000000, s2;
	s6 =	simm.s32 $0x108;
	_ =	swait.ge @!p0 [sflag:s8], $0x0  }
0x24: {  	s3 =	sadd.s32 $0x88, s3;
	s6 =	simm.s32 @!p1 $0x1082;
	[sflag:s4] =	ssyncset.s32 $0xFFFFF086  }
0x25: {  	[simem:s6], [sflag:s4] =	dma.local [hbm:s3], $0xF7A  }
0x26: {  	[smem:$0x3F97] =	sst s1;
	(tag) =	ssettag s2;
	_ =	strace s9  }
0x27: {  	s1 =	sld [smem:$0x3FA7]  }
0x28: {  	s2 =	sld [smem:$0x3FA8]  }
0x29: {  	s4 =	sld [smem:$0x3FAA]  }
0x2a: {  	p0 =	seq.s32 s5, $0x0;
	s5 =	sld [smem:$0x3FAB]  }
0x2b: {  	s6 =	sld [smem:$0x3FAC]  }
0x2c: {  	s7 =	sld [smem:$0x3FAD]  }
0x2d: {  	s3 =	simm.s32 $0x108;
	s8 =	sld [smem:$0x3FAE]  }
0x2e: {  	s3 =	simm.s32 @!p0 $0x1082;
	s9 =	sld [smem:$0x3FAF]  }
0x2f: {  	lr =	sadd.s32 s0, s3;
	s0 =	sld [smem:$0x3FA6]  }
0x30: {  	s3 =	sld [smem:$0x3FA9]  }
0x31: {  	[smem:$0x3FB2] =	sst s10  }
0x32: {  	s10 =	sld [smem:$0x3FB0];
	_ =	sdelay $0x3  }
0x33: {  	p0 =	seq.s32 s10, $0x1;
	s10 =	sld [smem:$0x3FB2];
	_ =	sdelay $0x3  }
0x34: {  	[smem:$0x3FB2] =	sst s10  }
0x35: {  	s10 =	sld [smem:$0x3FB1];
	_ =	sdelay $0x3  }
0x36: {  	p1 =	seq.s32 s10, $0x1;
	s10 =	sld [smem:$0x3FB2];
	_ =	sdelay $0x3  }
0x37: {  	[smem:$0x3FB2] =	sst s10  }
0x38: {  	s10 =	sld [smem:$0x3FB3]  }
0x39: {  	_ = 	snop;
	(pc) =	sbr.ind lr, $3  }
0x3a: {  	_ = 	snop  }
0x3b: {  	_ = 	snop  }
0x3c: {  	p2 =	seq.s32 s10, $0x1;
	s10 =	sld [smem:$0x3FB2]  }
0x3d: {  	_ =	shalt  }
0x3e: {  	_ =	shalt  }
0x3f: {  	_ =	shalt  }
0x40: {  	_ =	shalt  }
0x41: {  	_ =	shalt  }
0x42: {  	_ =	shalt  }
0x43: {  	_ =	shalt  }
0x44: {  	_ =	shalt  }
0x45: {  	_ =	shalt  }
0x46: {  	_ =	shalt  }
0x47: {  	_ =	shalt  }
0x48: {  	_ =	shalt  }
0x49: {  	_ =	shalt  }
0x4a: {  	_ =	shalt  }
0x4b: {  	_ =	shalt  }
0x4c: {  	_ =	shalt  }
0x4d: {  	_ =	shalt  }
0x4e: {  	_ =	shalt  }
0x4f: {  	_ =	shalt  }
0x50: {  	_ =	shalt  }
0x51: {  	_ =	shalt  }
0x52: {  	_ =	shalt  }
0x53: {  	_ =	shalt  }
0x54: {  	_ =	shalt  }
0x55: {  	_ =	shalt  }
0x56: {  	_ =	shalt  }
0x57: {  	_ =	shalt  }
0x58: {  	_ =	shalt  }
0x59: {  	_ =	shalt  }
0x5a: {  	_ =	shalt  }
0x5b: {  	_ =	shalt  }
0x5c: {  	_ =	shalt  }
0x5d: {  	_ =	shalt  }
0x5e: {  	_ =	shalt  }
0x5f: {  	_ =	shalt  }
0x60: {  	_ =	shalt  }
0x61: {  	_ =	shalt  }
0x62: {  	_ =	shalt  }
0x63: {  	_ =	shalt  }
0x64: {  	_ =	shalt  }
0x65: {  	_ =	shalt  }
0x66: {  	_ =	shalt  }
0x67: {  	_ =	shalt  }
0x68: {  	_ =	shalt  }
0x69: {  	_ =	shalt  }
0x6a: {  	_ =	shalt  }
0x6b: {  	_ =	shalt  }
0x6c: {  	_ =	shalt  }
0x6d: {  	_ =	shalt  }
0x6e: {  	_ =	shalt  }
0x6f: {  	_ =	shalt  }
0x70: {  	_ =	shalt  }
0x71: {  	_ =	shalt  }
0x72: {  	_ =	shalt  }
0x73: {  	_ =	shalt  }
0x74: {  	_ =	shalt  }
0x75: {  	_ =	shalt  }
0x76: {  	_ =	shalt  }
0x77: {  	_ =	shalt  }
0x78: {  	_ =	shalt  }
0x79: {  	_ =	shalt  }
0x7a: {  	_ =	shalt  }
0x7b: {  	_ =	shalt  }
0x7c: {  	_ =	shalt  }
0x7d: {  	_ =	shalt  }
0x7e: {  	_ =	shalt  }
0x7f: {  	_ =	shalt  }
0x80: {  	_ =	shalt  }
0x81: {  	_ =	shalt  }
0x82: {  	_ =	shalt  }
0x83: {  	_ =	shalt  }
0x84: {  	_ =	shalt  }
0x85: {  	_ =	shalt  }
0x86: {  	_ =	shalt  }
0x87: {  	_ =	shalt  }
.Lfunc_end0:
.L_simem_size_0:
called_computation.1_lowered:
.L_overlay_start_0:
0x88: {  	s2 =	sld [smem:$0x3FD9]  }
0x89: {  	s3 =	sld [smem:$0x3FFE];
	_ =	sdelay $0x1  }
0x8a: {  	s1 =	srdreg.scid  }
0x8b: {  	s0 =	sand.u32 $0x1, s1  }
0x8c: {  	s16 =	sshll.u32 s0, $0xA;
	s2 =	sadd.s32 s3, s2  }
0x8d: {  	s2 =	sadd.s32 s2, s16  }
0x8e: {  	[smem:$0x3FBE] =	sst s2  }
0x8f: {  	_ = 	snop  }
0x90: {  	(tm) =	ssettm $0x1  }
0x91: {  	s17 =	sld [smem:$0x3FFB];
	_ =	sdelay $0x3  }
0x92: {  	_ =	strace s17  }
0x93: {  	s2 =	sld [smem:$0x3FFC];
	_ =	sdelay $0x3  }
0x94: {  	_ =	strace s2  }
0x95: {  	s2 =	sld [smem:$0x3FFD];
	_ =	sdelay $0x3  }
0x96: {  	_ =	strace s2  }
0x97: {  	_ =	strace $0x8FFFFFFF  }
0x98: {  	s18 =	sld [smem:$0x3FDB];
	_ =	sdelay $0x1  }
0x99: {  	s19 =	simm.s32 $_scs_section_size  }
0x9a: {  	s4 =	simm.s32 $_size__tile_overlayer_lowered;
	s5 =	simm.s32 $_tile_overlayer_lowered  }
0x9b: {  	s22 =	simm.s32 $0x1BFF;
	s21 =	sshll.u32 s5, $0x1;
	s2 =	sadd.s32 s19, s18  }
0x9c: {  	s6 =	simm.s32 $0x0;
	s20 =	sshll.u32 s4, $0x1;
	s4 =	sadd.s32 s21, s2  }
0x9d: {  	[timem:s6], [sflag:s22] =	dma.local [hbm:s4], s20  }
0x9e: {  	_ =	swait.ge [sflag:s22], s20  }
0x9f: {  	s3 =	ssub.s32 $0x0, s20;
	[sflag:s22] =	ssyncset.done $0x0  }
0xa0: {  	[sflag:s22] =	ssyncadd.s32 s3;
	_ =	sdelay $0x1  }
0xa1: {  	s23 =	simm.s32 $0x1B8B  }
0xa2: {  	_ =	swait.ge [sflag:s23], $0x1  }
0xa3: {  	[sflag:s23] =	ssyncset.done $0x0  }
0xa4: {  	s25 =	simm.s32 $0x1B8E;
	s24 =	sld [smem:$0x3FFE];
	[sflag:s23] =	ssyncadd.s32 $0xFFFFFFFF  }
0xa5: {  	s26 =	simm.s32 $execute0_lowered;
	[smem:$0x3FD2] =	sst s25  }
0xa6: {  	s4 =	sshll.u32 s26, $0x1;
	_ =	strace $0x80000049;
	[dreg:$0x1] =	wrdreg $0xFFFFFFFF  }
0xa7: {  	s28 =	simm.s32 $_size_execute0_lowered;
	s2 =	sadd.s32 s2, s4;
	[dreg:$0x0] =	wrdreg $0x0  }
0xa8: {  	s4 =	sshll.u32 s28, $0x1;
	[dreg:$0x2] =	wrdreg s2  }
0xa9: {  	[dreg:$0x3] =	wrdreg s4  }
0xaa: {  	[dreg:$0x4] =	wrdreg $0xC0  }
0xab: {  	_ =	task [dreg:s6], $0x5FFFF  }
0xac: {  	[dreg:$0x1] =	wrdreg $0xFFFFFFFF  }
0xad: {  	[dreg:$0x0] =	wrdreg $0x60  }
0xae: {  	[dreg:$0x2] =	wrdreg s24  }
0xaf: {  	[dreg:$0x3] =	wrdreg $0x9  }
0xb0: {  	_ =	task.clear_ibuf [dreg:s6], $0x4FFFF;
	_ =	strace $0x90000049  }
0xb1: {  	s29 =	simm.s32 $0x9;
	_ =	strace $0x8000004B  }
0xb2: {  	_ =	swait.ge [sflag:s29], $0x1  }
0xb3: {  	[sflag:s29] =	ssyncadd.s32 $0xFFFFFFFF  }
0xb4: {  	_ =	strace $0x9000004B  }
0xb5: {  	_ =	sfence  }
0xb6: {  	s30 =	sld [smem:$0x0];
	_ =	sdelay $0x2  }
0xb7: {  	s31 =	sshll.u32 s1, $0xD;
	s1 =	sshrl.u32 s1, $0x2  }
0xb8: {  	s3 =	sand.u32 $0x4000, s31;
	s1 =	sadd.s32 s1, s30  }
0xb9: {  	s0 =	sor.u32 s3, s0;
	s1 =	sshll.u32 s1, $0x11  }
0xba: {  	s0 =	sor.u32 s1, s0  }
0xbb: {  	s0 =	sadd.s32 $0x8F2B, s0  }
0xbc: {  	[sflag:s0] =	ssyncadd.remote.s32 $0x1  }
0xbd: {  	_ =	sfence.sel $0xFFFF  }
0xbe: {  	[dreg:$0x0] =	wrdreg $0xFFFFFFFF;
	(pc) =	sbr.abs _section_cstart, $3  }
0xbf: {  	[dreg:$0x1] =	wrdreg $0xFFFFFFFF  }
0xc0: {  	_ =	task.clear_ibuf [dreg:s6], $0x2FFFF;
	_ =	strace $0x9FFFFFFF  }
0xc1: {  	(tm) =	ssettm $0x7FFFFFFF  }
tec
execute0_lowered:
.L_overlay_start_1:
0x0: {  	(tag) =	ssettag $0x1  }
0x1: {  	s8 =	rddreg [dreg:$0x0]  }
0x2: {  	s0 =	rddreg [dreg:$0x1];
	_ =	strace $0x8000004A;
	s1 =	stileid.u32  }
0x3: {  	s3 =	srdreg.scid;
	s4 =	simm.s32 $0x1;
	s7 =	simm.s32 $0x1  }
0x4: {  	s9 =	simm.s32 $0x1;
	s10 =	simm.s32 $0x3;
	s13 =	simm.s32 $0x0  }
0x5: {  	s12 =	simm.s32 $0x0;
	s5 =	sand.u32 $0x1, s3;
	s6 =	sshll.u32 s1, $0x1  }
0x6: {  	s2 =	sadd.s32 $0x8000, s8;
	s3 =	sadd.s32 $0xD000, s8;
	s5 =	sor.u32 s6, s5  }
.Ltmp0:
0x7: {  	[sflag:s4] =	ssyncpa.u1 $0x0;
	p0 =	slt.u32 s5, $0x9;
	(pc) =	sbr.rel .LBB2_1-.Ltmp0, $4  }
0x8: {  	s6 =	simm.s32 $0x2;
	s7 =	simm.s32 @!p0 $0x0;
	p0 =	sne.s32 s5, $0x8  }
0x9: {  	[sflag:s6] =	ssyncpa.u1 $0x0;
	s5 =	smul.u32 $0xFA0, s5;
	s9 =	simm.s32 @!p0 $0x0  }
0xa: {  	s8 =	sadd.s32 $0x62000, s8;
	[sflag:s10] =	ssyncpa.u1 $0x0;
	s7 =	sadd.s32 s9, s7  }
0xb: {  	vm0 =	vmmov $0xffff;
	s10 =	simm.s32 $0x0;
	s11 =	smov.u32 s5;
	s9 =	sadd.s32 $0x1, s7  }
.LBB2_4:
0xc: {  	v2 =	vnsel vm1, $0x0, v2  }
0xd: {  	vm1 =	vgt.s32 v0, $0x0;
	v2 =	vmin.u32 v2, $0x270FF  }
0xe: {  	v0 =	vnsel vm1, $0x0, v0  }
0xf: {  	v0 =	vmin.u32 v0, $0x270FF  }
0x10: {  	[tilespmem:s18], [sflag:$0x1] =	stream.indirect_vreg.gather [hbm4b:s2+s10], $0x1, v1, vm0, $0x4038;
	[tilespmem:$0x3E80] =	vst v63  }
0x11: {  	(ifvalue) =	ssetifvalue $0x7FFFFFFF  }
0x12: {  	[tilespmem:s15], [sflag:$0x1] =	stream.indirect_vreg.gather [hbm4b:s2+s10], $0x1, v2, vm0, $0x4038;
	[tilespmem:$0x3E80] =	vst v63  }
0x13: {  	s29 =	sadd.s32 $0x10, s15;
	(ifvalue) =	ssetifvalue $0x7FFFFFFF  }
0x14: {  	[tilespmem:s29], [sflag:$0x1] =	stream.indirect_vreg.gather [hbm4b:s2+s10], $0x1, v0, vm0, $0x4038;
	[tilespmem:$0x3E80] =	vst v63  }
0x15: {  	_ =	swait.ge [sflag:s4], $0xFA0  }
0x16: {  	s30 =	sshrl.u32 s13, $0x3;
	[sflag:s4] =	ssyncset.done $0x0  }
0x17: {  	s31 =	sand.u32 $0x7, s13;
	s15 =	sadd.s32 s8, s30;
	[sflag:s4] =	ssyncadd.s32 $0xFFFFF060  }
0x18: {  	[hbm4b:s15+s31] =	stream.linear.scatter [tilespmem:s14], [sflag:$0x3], $0xFA0, $0x38;
	[tilespmem:$0x3E80] =	vst v63  }
.LBB2_5:
0x19: {  	s15 =	sadd.s32 $0x1F400, s11  }
0x1a: {  	p1 =	sgt.s32 s15, $0x270FF  }
0x1b: {  	s15 =	smov.u32 @p1 s5;
	p1 =	sne.s32 s12, s9  }
.Ltmp1:
0x1c: {  	p0 =	slt.u32 s12, $0x2;
	(pc) =	sbr.rel @!p1 .LBB2_6-.Ltmp1, $4  }
0x1d: {  	s14 =	simm.s32 @!p0 $0x3  }
0x1e: {  	_ =	swait.ge @!p0 [sflag:s14], $0xFA0  }
0x1f: {  	s16 =	sadd.s32 $0x1, s12;
	s13 =	smov.u32 s11;
	[sflag:s14] =	ssyncset.done @!p0 $0x0  }
0x20: {  	s12 =	smov.u32 s16;
	s11 =	smov.u32 s15;
	[sflag:s14] =	ssyncadd.s32 @!p0 $0xFFFFF060  }
.LBB2_1:
0x21: {  	p0 =	sge.u32 s12, s7  }
0x22: {  	s14 =	sxor.u32 @!p0 $0x1, s12  }
0x23: {  	s14 =	smul.u32 @!p0 $0x3E80, s14  }
0x24: {  	s31 =	sadd.s32 $0xFFFFFFFF, s12;
	s15 =	sshrl.u32 @!p0 s11, $0x3  }
0x25: {  	s16 =	sand.u32 @!p0 $0x7, s11;
	s15 =	sadd.s32 @!p0 s3, s15;
	s14 =	sshra.s32 @!p0 s14, $0x2  }
0x26: {  	[tilespmem:s14], [sflag:$0x2] =	stream.linear.gather @!p0 [hbm4b:s15+s16], $0xFA0, $0x38;
	[tilespmem:$0x3E80] =	vst v63  }
0x27: {  	p0 =	sge.u32 s31, s7  }
.Ltmp2:
0x28: {  	_ = 	snop;
	(pc) =	sbr.rel @p0 .LBB2_5-.Ltmp2, $1  }
0x29: {  	_ =	sdelay $0x3  }
0x2a: {  	s14 =	sand.u32 $0x1, s12  }
0x2b: {  	_ =	swait.ge [sflag:s6], $0xFA0;
	p0 =	seq.s32 s14, $0x1;
	s14 =	simm.s32 $0xFA0  }
0x2c: {  	[sflag:s6] =	ssyncset.done $0x0;
	s14 =	simm.s32 @!p0 $0x0  }
0x2d: {  	[sflag:s6] =	ssyncadd.s32 $0xFFFFF060;
	(ifvalue) =	ssetifvalue $0x7FFFFFFF;
	v0 =	vld.msk [tilespmem:s14+$0x0 ss:$0x1], $0xffff;
	_ =	sdelay $0x4  }
0x2e: {  	s15 =	sadd.s32 $0x10, s14;
	vm1 =	vgt.s32 v0, $0x0  }
0x2f: {  	v2 =	vld.msk [tilespmem:s15+$0x0 ss:$0x1], $0xffff;
	v1 =	vnsel vm1, $0x0, v0  }
0x30: {  	v1 =	vmin.u32 v1, $0x270FF;
	_ =	sdelay $0x2  }
0x31: {  	s17 =	simm.s32 $0x20;
	s14 =	sadd.s32 $0x1F40, s14;
	s16 =	sadd.s32 $0x10, s15  }
0x32: {  	s15 =	sadd.s32 $0x10, s14;
	s18 =	smov.u32 s14;
	v0 =	vld.msk [tilespmem:s16+$0x0 ss:$0x1], $0xffff;
	vm1 =	vgt.s32 v2, $0x0;
	(ifvalue) =	ssetifvalue $0x7FFFFFFF  }
.LBB2_3:
0x33: {  	[tilespmem:s18], [sflag:$0x1] =	stream.indirect_vreg.gather [hbm4b:s2+s10], $0x1, v1, vm0, $0x4038;
	[tilespmem:$0x3E80] =	vst v63  }
0x34: {  	s17 =	sadd.s32 $0x10, s17  }
0x35: {  	v2 =	vnsel vm1, $0x0, v2;
	p0 =	slt.u32 s17, $0xF90  }
.Ltmp3:
0x36: {  	s18 =	smov.u32 s15;
	v1 =	vmin.u32 v2, $0x270FF;
	(pc) =	sbr.rel @p0 .LBB2_3-.Ltmp3, $3  }
0x37: {  	_ =	sdelay $0x1  }
0x38: {  	s16 =	sadd.s32 $0x10, s16  }
0x39: {  	vm1 =	vgt.s32 v0, $0x0;
	s15 =	sadd.s32 $0x10, s15;
	v2 =	vmov v0;
	(ifvalue) =	ssetifvalue $0x7FFFFFFF;
	v0 =	vld.msk [tilespmem:s16+$0x0 ss:$0x1], $0xffff  }
.Ltmp4:
0x3a: {  	_ = 	snop;
	(pc) =	sbr.rel .LBB2_4-.Ltmp4, $1  }
0x3b: {  	_ =	sdelay $0x3  }
.LBB2_6:
0x3c: {  	_ =	sfence.sel $0x180000  }
0x3d: {  	s2 =	simm.s32 $0x2;
	[bflag:$0x0] =	sbarrier.arrive $0xFFFF  }
0x3e: {  	s30 =	simm.s32 $0x3;
	[sflag:s2] =	ssyncpa.u1 $0x1  }
0x3f: {  	s31 =	simm.s32 $0x1;
	[sflag:s30] =	ssyncpa.u1 $0x1  }
0x40: {  	[sflag:s31] =	ssyncpa.u1 $0x1  }
0x41: {  	p0 =	sne.s32 s1, $0x0;
	_ =	strace $0x9000004A  }
0x42: {  	s0 =	sadd.s32 @!p0 $0x100000, s0;
	[bflag:$0x2] =	sbarrier.arrive $0xFFFF  }
0x43: {  	[sflag:s0] =	ssyncadd.tile.s32 @!p0 $0x1;
	_ =	shalt  }
.Lfunc_end2:
_tile_overlayer_lowered:
.L_overlay_start_2:
0x44: {  	(tag) =	ssettag $0x2  }
0x45: {  	s0 =	rddreg [dreg:$0x0];
	s2 =	stileid.u32  }
0x46: {  	s1 =	rddreg [dreg:$0x1];
	p0 =	sne.s32 s2, $0x0  }
0x47: {  	s3 =	rddreg [dreg:$0x2];
	[bflag:$0x3] =	sbarrier.arrive $0xFFFF;
	s2 =	simm.s32 @!p0 $0x1C01  }
0x48: {  	[timem:s3], [sflag:s2] =	dma.local @!p0 [hbm:s0], s1  }
0x49: {  	s0 =	simm.s32 @!p0 $0x1  }
0x4a: {  	_ =	swait.ge @!p0 [sflag:s0], s1  }
0x4b: {  	s1 =	ssub.s32 @!p0 $0x0, s1;
	[sflag:s0] =	ssyncset.done @!p0 $0x0  }
0x4c: {  	[sflag:s0] =	ssyncadd.s32 @!p0 s1  }
0x4d: {  	[bflag:$0x3] =	sbarrier.arrive $0xFFFF  }
0x4e: {  	_ =	shalt  }

// kernel: gather_offload_async_start
scs
__scs_entry_jumppad:
0x0: {  	(pc) =	sbr.rel $0x88, $3  }
0x1: {  	(tag) =	ssettag $0x0;
	lr =	simm.s32 $0x1  }
0x2: {  	[smem:$0x3F97] =	sst lr;
	_ =	strace $0xD0000000  }
0x3: {  	_ = 	snop  }
0x4: {  	_ = 	snop  }
0x5: {  	_ = 	snop  }
0x6: {  	_ = 	snop  }
0x7: {  	_ = 	snop  }
__scs_overlays_trampoline_lowered:
0x8: {  	[smem:$0x3FA6] =	sst s0  }
0x9: {  	[smem:$0x3FA7] =	sst s1  }
0xa: {  	[smem:$0x3FA8] =	sst s2  }
0xb: {  	[smem:$0x3FA9] =	sst s3  }
0xc: {  	[smem:$0x3FAA] =	sst s4  }
0xd: {  	[smem:$0x3FAB] =	sst s5  }
0xe: {  	[smem:$0x3FAC] =	sst s6  }
0xf: {  	[smem:$0x3FAD] =	sst s7  }
0x10: {  	[smem:$0x3FAE] =	sst s8  }
0x11: {  	[smem:$0x3FAF] =	sst s9;
	s0 =	simm.s32 @!p0 $0x0  }
0x12: {  	s1 =	sld [smem:$0x3F95];
	s0 =	simm.s32 @p0 $0x1  }
0x13: {  	[smem:$0x3FB0] =	sst s0;
	s0 =	simm.s32 @!p1 $0x0  }
0x14: {  	s2 =	sld [smem:$0x3F94];
	s0 =	simm.s32 @p1 $0x1  }
0x15: {  	[smem:$0x3FB1] =	sst s0;
	s0 =	simm.s32 @!p2 $0x0  }
0x16: {  	s3 =	sld [smem:$0x3FDB];
	s0 =	simm.s32 @p2 $0x1  }
0x17: {  	s4 =	simm.s32 $0x1BF5;
	[smem:$0x3FB3] =	sst s0  }
0x18: {  	s0 =	sld [smem:$0x3F96];
	_ =	swait.ge [sflag:s4], $0x0  }
0x19: {  	s7 =	sld [smem:$0x3F97]  }
0x1a: {  	s8 =	sadd.s32 $0xFFFFE003, lr  }
0x1b: {  	s9 =	sadd.s32 $0xFFFFFEF7, lr;
	s5 =	simm.s32 $0xFFFFFFFF;
	p2 =	slt.u32 s8, $0xFFFFF086  }
0x1c: {  	p1 =	slt.u32 s9, $0xF7A;
	s5 =	simm.s32 @!p2 $0x0  }
0x1d: {  	s5 =	simm.s32 @p1 $0x1;
	p0 =	seq.s32 s7, s2  }
0x1e: {  	s7 =	smul.u32 @!p0 $0xF7A, s2;
	p2 =	seq.s32 @!p0 s5, $0x0  }
0x1f: {  	s9 =	smul.u32 $0xF7A, s1;
	s8 =	simm.s32 @!p0 $0x1BF5;
	p2 =	por !p2, p0  }
0x20: {  	[sflag:s8] =	ssyncset.s32 @!p0 $0xFFFFF086;
	s6 =	sadd.s32 @!p0 s3, s7;
	s7 =	simm.s32 @!p0 $0x108  }
0x21: {  	s3 =	sadd.s32 s3, s9;
	s6 =	sadd.s32 @!p0 $0x88, s6;
	s7 =	simm.s32 @p2 $0x1082  }
0x22: {  	[simem:s7], [sflag:s8] =	dma.local @!p0 [hbm:s6], $0xF7A  }
0x23: {  	s9 =	sor.u32 $0xD0000000, s2;
	s6 =	simm.s32 $0x108;
	_ =	swait.ge @!p0 [sflag:s8], $0x0  }
0x24: {  	s3 =	sadd.s32 $0x88, s3;
	s6 =	simm.s32 @!p1 $0x1082;
	[sflag:s4] =	ssyncset.s32 $0xFFFFF086  }
0x25: {  	[simem:s6], [sflag:s4] =	dma.local [hbm:s3], $0xF7A  }
0x26: {  	[smem:$0x3F97] =	sst s1;
	(tag) =	ssettag s2;
	_ =	strace s9  }
0x27: {  	s1 =	sld [smem:$0x3FA7]  }
0x28: {  	s2 =	sld [smem:$0x3FA8]  }
0x29: {  	s4 =	sld [smem:$0x3FAA]  }
0x2a: {  	p0 =	seq.s32 s5, $0x0;
	s5 =	sld [smem:$0x3FAB]  }
0x2b: {  	s6 =	sld [smem:$0x3FAC]  }
0x2c: {  	s7 =	sld [smem:$0x3FAD]  }
0x2d: {  	s3 =	simm.s32 $0x108;
	s8 =	sld [smem:$0x3FAE]  }
0x2e: {  	s3 =	simm.s32 @!p0 $0x1082;
	s9 =	sld [smem:$0x3FAF]  }
0x2f: {  	lr =	sadd.s32 s0, s3;
	s0 =	sld [smem:$0x3FA6]  }
0x30: {  	s3 =	sld [smem:$0x3FA9]  }
0x31: {  	[smem:$0x3FB2] =	sst s10  }
0x32: {  	s10 =	sld [smem:$0x3FB0];
	_ =	sdelay $0x3  }
0x33: {  	p0 =	seq.s32 s10, $0x1;
	s10 =	sld [smem:$0x3FB2];
	_ =	sdelay $0x3  }
0x34: {  	[smem:$0x3FB2] =	sst s10  }
0x35: {  	s10 =	sld [smem:$0x3FB1];
	_ =	sdelay $0x3  }
0x36: {  	p1 =	seq.s32 s10, $0x1;
	s10 =	sld [smem:$0x3FB2];
	_ =	sdelay $0x3  }
0x37: {  	[smem:$0x3FB2] =	sst s10  }
0x38: {  	s10 =	sld [smem:$0x3FB3]  }
0x39: {  	_ = 	snop;
	(pc) =	sbr.ind lr, $3  }
0x3a: {  	_ = 	snop  }
0x3b: {  	_ = 	snop  }
0x3c: {  	p2 =	seq.s32 s10, $0x1;
	s10 =	sld [smem:$0x3FB2]  }
0x3d: {  	_ =	shalt  }
0x3e: {  	_ =	shalt  }
0x3f: {  	_ =	shalt  }
0x40: {  	_ =	shalt  }
0x41: {  	_ =	shalt  }
0x42: {  	_ =	shalt  }
0x43: {  	_ =	shalt  }
0x44: {  	_ =	shalt  }
0x45: {  	_ =	shalt  }
0x46: {  	_ =	shalt  }
0x47: {  	_ =	shalt  }
0x48: {  	_ =	shalt  }
0x49: {  	_ =	shalt  }
0x4a: {  	_ =	shalt  }
0x4b: {  	_ =	shalt  }
0x4c: {  	_ =	shalt  }
0x4d: {  	_ =	shalt  }
0x4e: {  	_ =	shalt  }
0x4f: {  	_ =	shalt  }
0x50: {  	_ =	shalt  }
0x51: {  	_ =	shalt  }
0x52: {  	_ =	shalt  }
0x53: {  	_ =	shalt  }
0x54: {  	_ =	shalt  }
0x55: {  	_ =	shalt  }
0x56: {  	_ =	shalt  }
0x57: {  	_ =	shalt  }
0x58: {  	_ =	shalt  }
0x59: {  	_ =	shalt  }
0x5a: {  	_ =	shalt  }
0x5b: {  	_ =	shalt  }
0x5c: {  	_ =	shalt  }
0x5d: {  	_ =	shalt  }
0x5e: {  	_ =	shalt  }
0x5f: {  	_ =	shalt  }
0x60: {  	_ =	shalt  }
0x61: {  	_ =	shalt  }
0x62: {  	_ =	shalt  }
0x63: {  	_ =	shalt  }
0x64: {  	_ =	shalt  }
0x65: {  	_ =	shalt  }
0x66: {  	_ =	shalt  }
0x67: {  	_ =	shalt  }
0x68: {  	_ =	shalt  }
0x69: {  	_ =	shalt  }
0x6a: {  	_ =	shalt  }
0x6b: {  	_ =	shalt  }
0x6c: {  	_ =	shalt  }
0x6d: {  	_ =	shalt  }
0x6e: {  	_ =	shalt  }
0x6f: {  	_ =	shalt  }
0x70: {  	_ =	shalt  }
0x71: {  	_ =	shalt  }
0x72: {  	_ =	shalt  }
0x73: {  	_ =	shalt  }
0x74: {  	_ =	shalt  }
0x75: {  	_ =	shalt  }
0x76: {  	_ =	shalt  }
0x77: {  	_ =	shalt  }
0x78: {  	_ =	shalt  }
0x79: {  	_ =	shalt  }
0x7a: {  	_ =	shalt  }
0x7b: {  	_ =	shalt  }
0x7c: {  	_ =	shalt  }
0x7d: {  	_ =	shalt  }
0x7e: {  	_ =	shalt  }
0x7f: {  	_ =	shalt  }
0x80: {  	_ =	shalt  }
0x81: {  	_ =	shalt  }
0x82: {  	_ =	shalt  }
0x83: {  	_ =	shalt  }
0x84: {  	_ =	shalt  }
0x85: {  	_ =	shalt  }
0x86: {  	_ =	shalt  }
0x87: {  	_ =	shalt  }
.Lfunc_end0:
.L_simem_size_0:
called_computation_lowered:
.L_overlay_start_0:
0x88: {  	s2 =	sld [smem:$0x3FD9]  }
0x89: {  	s3 =	sld [smem:$0x3FFE];
	_ =	sdelay $0x1  }
0x8a: {  	s1 =	srdreg.scid  }
0x8b: {  	s0 =	sand.u32 $0x1, s1  }
0x8c: {  	s14 =	sshll.u32 s0, $0xA;
	s2 =	sadd.s32 s3, s2  }
0x8d: {  	s2 =	sadd.s32 s2, s14  }
0x8e: {  	[smem:$0x3FBE] =	sst s2  }
0x8f: {  	_ = 	snop  }
0x90: {  	s2 =	sld [smem:$0x3FD0];
	_ =	sdelay $0x2  }
0x91: {  	s15 =	simm.s32 $0xA;
	s4 =	simm.s32 $0x10  }
0x92: {  	[smem:s4], [sflag:s15] =	dma.local [hbm:s2], $0x1  }
0x93: {  	_ =	swait.eq [sflag:s15], $0x1  }
0x94: {  	[sflag:s15] =	ssyncset.done $0x0  }
0x95: {  	s16 =	sld [smem:$0x10];
	[sflag:s15] =	ssyncadd.s32 $0xFFFFFFFF  }
0x96: {  	s17 =	sld [smem:$0x11];
	(tm) =	ssettm $0x1  }
0x97: {  	s18 =	sld [smem:$0x3FFB];
	_ =	sdelay $0x3  }
0x98: {  	_ =	strace s18  }
0x99: {  	s4 =	sld [smem:$0x3FFC];
	_ =	sdelay $0x3  }
0x9a: {  	_ =	strace s4  }
0x9b: {  	s4 =	sld [smem:$0x3FFD];
	_ =	sdelay $0x3  }
0x9c: {  	_ =	strace s4  }
0x9d: {  	_ =	strace $0x8FFFFFFF  }
0x9e: {  	s19 =	sld [smem:$0x3FDB];
	_ =	sdelay $0x1  }
0x9f: {  	s5 =	simm.s32 $_scs_section_size  }
0xa0: {  	s6 =	simm.s32 $_size__tile_overlayer_lowered;
	s7 =	simm.s32 $_tile_overlayer_lowered  }
0xa1: {  	s22 =	simm.s32 $0x1BFF;
	s21 =	sshll.u32 s7, $0x1;
	s4 =	sadd.s32 s5, s19  }
0xa2: {  	s8 =	simm.s32 $0x0;
	s20 =	sshll.u32 s6, $0x1;
	s6 =	sadd.s32 s21, s4  }
0xa3: {  	[timem:s8], [sflag:s22] =	dma.local [hbm:s6], s20  }
0xa4: {  	_ =	swait.ge [sflag:s22], s20  }
0xa5: {  	s5 =	ssub.s32 $0x0, s20;
	[sflag:s22] =	ssyncset.done $0x0  }
0xa6: {  	[sflag:s22] =	ssyncadd.s32 s5;
	_ =	sdelay $0x1  }
0xa7: {  	s23 =	simm.s32 $0x1B8B  }
0xa8: {  	_ =	swait.ge [sflag:s23], $0x1  }
0xa9: {  	[sflag:s23] =	ssyncset.done $0x0  }
0xaa: {  	s25 =	simm.s32 $0x1B8E;
	s24 =	sld [smem:$0x3FFE];
	[sflag:s23] =	ssyncadd.s32 $0xFFFFFFFF  }
0xab: {  	s26 =	simm.s32 $execute0_lowered;
	[smem:$0x3FD2] =	sst s25  }
0xac: {  	s6 =	sshll.u32 s26, $0x1;
	_ =	strace $0x80000046;
	[dreg:$0x1] =	wrdreg $0xFFFFFFFF  }
0xad: {  	s28 =	simm.s32 $_size_execute0_lowered;
	s4 =	sadd.s32 s4, s6;
	[dreg:$0x0] =	wrdreg $0x0  }
0xae: {  	s6 =	sshll.u32 s28, $0x1;
	[dreg:$0x2] =	wrdreg s4  }
0xaf: {  	[dreg:$0x3] =	wrdreg s6  }
0xb0: {  	[dreg:$0x4] =	wrdreg $0xC0  }
0xb1: {  	_ =	task [dreg:s8], $0x5FFFF  }
0xb2: {  	[dreg:$0x1] =	wrdreg $0xFFFFFFFF  }
0xb3: {  	[dreg:$0x0] =	wrdreg $0x60  }
0xb4: {  	[dreg:$0x2] =	wrdreg s17  }
0xb5: {  	[dreg:$0x3] =	wrdreg s24  }
0xb6: {  	[dreg:$0x4] =	wrdreg s16  }
0xb7: {  	[dreg:$0x5] =	wrdreg $0x9  }
0xb8: {  	_ =	task.clear_ibuf [dreg:s8], $0x6FFFF;
	_ =	strace $0x90000046  }
0xb9: {  	s29 =	simm.s32 $0x9;
	_ =	strace $0x80000048  }
0xba: {  	_ =	swait.ge [sflag:s29], $0x1  }
0xbb: {  	[sflag:s29] =	ssyncadd.s32 $0xFFFFFFFF  }
0xbc: {  	_ =	strace $0x90000048  }
0xbd: {  	_ =	sfence  }
0xbe: {  	s30 =	sld [smem:$0x0];
	_ =	sdelay $0x2  }
0xbf: {  	s31 =	sshll.u32 s1, $0xD;
	s1 =	sshrl.u32 s1, $0x2  }
0xc0: {  	s3 =	sand.u32 $0x4000, s31;
	s1 =	sadd.s32 s1, s30  }
0xc1: {  	s0 =	sor.u32 s3, s0;
	s1 =	sshll.u32 s1, $0x11  }
0xc2: {  	s0 =	sor.u32 s1, s0  }
0xc3: {  	s0 =	sadd.s32 $0x8F2B, s0  }
0xc4: {  	[sflag:s0] =	ssyncadd.remote.s32 $0x1  }
0xc5: {  	_ =	sfence.sel $0xFFFF  }
0xc6: {  	[dreg:$0x0] =	wrdreg $0xFFFFFFFF;
	(pc) =	sbr.abs _section_cstart, $3  }
0xc7: {  	[dreg:$0x1] =	wrdreg $0xFFFFFFFF  }
0xc8: {  	_ =	task.clear_ibuf [dreg:s8], $0x2FFFF;
	_ =	strace $0x9FFFFFFF  }
0xc9: {  	(tm) =	ssettm $0x7FFFFFFF  }
tec
execute0_lowered:
.L_overlay_start_1:
0x0: {  	(tag) =	ssettag $0x1  }
0x1: {  	s2 =	rddreg [dreg:$0x0]  }
0x2: {  	s8 =	rddreg [dreg:$0x1]  }
0x3: {  	s3 =	rddreg [dreg:$0x2];
	s1 =	stileid.u32  }
0x4: {  	s4 =	srdreg.scid;
	s0 =	rddreg [dreg:$0x3];
	_ =	strace $0x80000047  }
0x5: {  	s7 =	simm.s32 $0x1;
	s9 =	simm.s32 $0x1;
	s10 =	simm.s32 $0x3  }
0x6: {  	s13 =	simm.s32 $0x0;
	s5 =	sand.u32 $0x1, s4;
	s6 =	sshll.u32 s1, $0x1  }
0x7: {  	s12 =	simm.s32 $0x0;
	s4 =	simm.s32 $0x1;
	s5 =	sor.u32 s6, s5  }
.Ltmp0:
0x8: {  	[sflag:s4] =	ssyncpa.u1 $0x0;
	p0 =	slt.u32 s5, $0x9;
	(pc) =	sbr.rel .LBB2_1-.Ltmp0, $4  }
0x9: {  	s6 =	simm.s32 $0x2;
	s7 =	simm.s32 @!p0 $0x0;
	p0 =	sne.s32 s5, $0x8  }
0xa: {  	[sflag:s6] =	ssyncpa.u1 $0x0;
	s5 =	smul.u32 $0xFA0, s5;
	s9 =	simm.s32 @!p0 $0x0  }
0xb: {  	s8 =	sadd.s32 $0xD000, s8;
	[sflag:s10] =	ssyncpa.u1 $0x0;
	s7 =	sadd.s32 s9, s7  }
0xc: {  	vm0 =	vmmov $0xffff;
	s10 =	simm.s32 $0x0;
	s11 =	smov.u32 s5;
	s9 =	sadd.s32 $0x1, s7  }
.LBB2_4:
0xd: {  	v2 =	vnsel vm1, $0x0, v2  }
0xe: {  	vm1 =	vgt.s32 v0, $0x0;
	v2 =	vmin.u32 v2, $0x270FF  }
0xf: {  	v0 =	vnsel vm1, $0x0, v0  }
0x10: {  	v0 =	vmin.u32 v0, $0x270FF  }
0x11: {  	[tilespmem:s18], [sflag:$0x1] =	stream.indirect_vreg.gather [hbm4b:s2+s10], $0x1, v1, vm0, $0x4038;
	[tilespmem:$0x3E80] =	vst v63  }
0x12: {  	(ifvalue) =	ssetifvalue $0x7FFFFFFF  }
0x13: {  	[tilespmem:s15], [sflag:$0x1] =	stream.indirect_vreg.gather [hbm4b:s2+s10], $0x1, v2, vm0, $0x4038;
	[tilespmem:$0x3E80] =	vst v63  }
0x14: {  	s29 =	sadd.s32 $0x10, s15;
	(ifvalue) =	ssetifvalue $0x7FFFFFFF  }
0x15: {  	[tilespmem:s29], [sflag:$0x1] =	stream.indirect_vreg.gather [hbm4b:s2+s10], $0x1, v0, vm0, $0x4038;
	[tilespmem:$0x3E80] =	vst v63  }
0x16: {  	_ =	swait.ge [sflag:s4], $0xFA0  }
0x17: {  	s30 =	sshrl.u32 s13, $0x3;
	[sflag:s4] =	ssyncset.done $0x0  }
0x18: {  	s31 =	sand.u32 $0x7, s13;
	s15 =	sadd.s32 s3, s30;
	[sflag:s4] =	ssyncadd.s32 $0xFFFFF060  }
0x19: {  	[hbm4b:s15+s31] =	stream.linear.scatter [tilespmem:s14], [sflag:$0x3], $0xFA0, $0x38;
	[tilespmem:$0x3E80] =	vst v63  }
.LBB2_5:
0x1a: {  	s15 =	sadd.s32 $0x1F400, s11  }
0x1b: {  	p1 =	sgt.s32 s15, $0x270FF  }
0x1c: {  	s15 =	smov.u32 @p1 s5;
	p1 =	sne.s32 s12, s9  }
.Ltmp1:
0x1d: {  	p0 =	slt.u32 s12, $0x2;
	(pc) =	sbr.rel @!p1 .LBB2_6-.Ltmp1, $4  }
0x1e: {  	s14 =	simm.s32 @!p0 $0x3  }
0x1f: {  	_ =	swait.ge @!p0 [sflag:s14], $0xFA0  }
0x20: {  	s16 =	sadd.s32 $0x1, s12;
	s13 =	smov.u32 s11;
	[sflag:s14] =	ssyncset.done @!p0 $0x0  }
0x21: {  	s12 =	smov.u32 s16;
	s11 =	smov.u32 s15;
	[sflag:s14] =	ssyncadd.s32 @!p0 $0xFFFFF060  }
.LBB2_1:
0x22: {  	p0 =	sge.u32 s12, s7  }
0x23: {  	s14 =	sxor.u32 @!p0 $0x1, s12  }
0x24: {  	s14 =	smul.u32 @!p0 $0x3E80, s14  }
0x25: {  	s31 =	sadd.s32 $0xFFFFFFFF, s12;
	s15 =	sshrl.u32 @!p0 s11, $0x3  }
0x26: {  	s16 =	sand.u32 @!p0 $0x7, s11;
	s15 =	sadd.s32 @!p0 s8, s15;
	s14 =	sshra.s32 @!p0 s14, $0x2  }
0x27: {  	[tilespmem:s14], [sflag:$0x2] =	stream.linear.gather @!p0 [hbm4b:s15+s16], $0xFA0, $0x38;
	[tilespmem:$0x3E80] =	vst v63  }
0x28: {  	p0 =	sge.u32 s31, s7  }
.Ltmp2:
0x29: {  	_ = 	snop;
	(pc) =	sbr.rel @p0 .LBB2_5-.Ltmp2, $1  }
0x2a: {  	_ =	sdelay $0x3  }
0x2b: {  	s14 =	sand.u32 $0x1, s12  }
0x2c: {  	_ =	swait.ge [sflag:s6], $0xFA0;
	p0 =	seq.s32 s14, $0x1;
	s14 =	simm.s32 $0xFA0  }
0x2d: {  	[sflag:s6] =	ssyncset.done $0x0;
	s14 =	simm.s32 @!p0 $0x0  }
0x2e: {  	[sflag:s6] =	ssyncadd.s32 $0xFFFFF060;
	(ifvalue) =	ssetifvalue $0x7FFFFFFF;
	v0 =	vld.msk [tilespmem:s14+$0x0 ss:$0x1], $0xffff;
	_ =	sdelay $0x4  }
0x2f: {  	s15 =	sadd.s32 $0x10, s14;
	vm1 =	vgt.s32 v0, $0x0  }
0x30: {  	v2 =	vld.msk [tilespmem:s15+$0x0 ss:$0x1], $0xffff;
	v1 =	vnsel vm1, $0x0, v0  }
0x31: {  	v1 =	vmin.u32 v1, $0x270FF;
	_ =	sdelay $0x2  }
0x32: {  	s17 =	simm.s32 $0x20;
	s14 =	sadd.s32 $0x1F40, s14;
	s16 =	sadd.s32 $0x10, s15  }
0x33: {  	s15 =	sadd.s32 $0x10, s14;
	s18 =	smov.u32 s14;
	v0 =	vld.msk [tilespmem:s16+$0x0 ss:$0x1], $0xffff;
	vm1 =	vgt.s32 v2, $0x0;
	(ifvalue) =	ssetifvalue $0x7FFFFFFF  }
.LBB2_3:
0x34: {  	[tilespmem:s18], [sflag:$0x1] =	stream.indirect_vreg.gather [hbm4b:s2+s10], $0x1, v1, vm0, $0x4038;
	[tilespmem:$0x3E80] =	vst v63  }
0x35: {  	s17 =	sadd.s32 $0x10, s17  }
0x36: {  	v2 =	vnsel vm1, $0x0, v2;
	p0 =	slt.u32 s17, $0xF90  }
.Ltmp3:
0x37: {  	s18 =	smov.u32 s15;
	v1 =	vmin.u32 v2, $0x270FF;
	(pc) =	sbr.rel @p0 .LBB2_3-.Ltmp3, $3  }
0x38: {  	_ =	sdelay $0x1  }
0x39: {  	s16 =	sadd.s32 $0x10, s16  }
0x3a: {  	vm1 =	vgt.s32 v0, $0x0;
	s15 =	sadd.s32 $0x10, s15;
	v2 =	vmov v0;
	(ifvalue) =	ssetifvalue $0x7FFFFFFF;
	v0 =	vld.msk [tilespmem:s16+$0x0 ss:$0x1], $0xffff  }
.Ltmp4:
0x3b: {  	_ = 	snop;
	(pc) =	sbr.rel .LBB2_4-.Ltmp4, $1  }
0x3c: {  	_ =	sdelay $0x3  }
.LBB2_6:
0x3d: {  	_ =	sfence.sel $0x180000  }
0x3e: {  	s2 =	simm.s32 $0x2;
	[bflag:$0x0] =	sbarrier.arrive $0xFFFF  }
0x3f: {  	s30 =	simm.s32 $0x3;
	[sflag:s2] =	ssyncpa.u1 $0x1  }
0x40: {  	s31 =	simm.s32 $0x1;
	[sflag:s30] =	ssyncpa.u1 $0x1  }
0x41: {  	[sflag:s31] =	ssyncpa.u1 $0x1  }
0x42: {  	p0 =	sne.s32 s1, $0x0;
	_ =	strace $0x90000047  }
0x43: {  	s0 =	sadd.s32 @!p0 $0x100000, s0;
	[bflag:$0x2] =	sbarrier.arrive $0xFFFF  }
0x44: {  	[sflag:s0] =	ssyncadd.tile.s32 @!p0 $0x1;
	_ =	shalt  }
.Lfunc_end2:
_tile_overlayer_lowered:
.L_overlay_start_2:
0x45: {  	(tag) =	ssettag $0x2  }
0x46: {  	s0 =	rddreg [dreg:$0x0];
	s2 =	stileid.u32  }
0x47: {  	s1 =	rddreg [dreg:$0x1];
	p0 =	sne.s32 s2, $0x0  }
0x48: {  	s3 =	rddreg [dreg:$0x2];
	[bflag:$0x3] =	sbarrier.arrive $0xFFFF;
	s2 =	simm.s32 @!p0 $0x1C01  }
0x49: {  	[timem:s3], [sflag:s2] =	dma.local @!p0 [hbm:s0], s1  }
0x4a: {  	s0 =	simm.s32 @!p0 $0x1  }
0x4b: {  	_ =	swait.ge @!p0 [sflag:s0], s1  }
0x4c: {  	s1 =	ssub.s32 @!p0 $0x0, s1;
	[sflag:s0] =	ssyncset.done @!p0 $0x0  }
0x4d: {  	[sflag:s0] =	ssyncadd.s32 @!p0 s1  }
0x4e: {  	[bflag:$0x3] =	sbarrier.arrive $0xFFFF  }
0x4f: {  	_ =	shalt  }

// kernel: kernel.23.cloned.1.call-start
scs
__scs_entry_jumppad:
0x0: {  	(pc) =	sbr.rel $0x88, $3  }
0x1: {  	(tag) =	ssettag $0x0;
	lr =	simm.s32 $0x1  }
0x2: {  	[smem:$0x3F97] =	sst lr;
	_ =	strace $0xD0000000  }
0x3: {  	_ = 	snop  }
0x4: {  	_ = 	snop  }
0x5: {  	_ = 	snop  }
0x6: {  	_ = 	snop  }
0x7: {  	_ = 	snop  }
__scs_overlays_trampoline_lowered:
0x8: {  	[smem:$0x3FA6] =	sst s0  }
0x9: {  	[smem:$0x3FA7] =	sst s1  }
0xa: {  	[smem:$0x3FA8] =	sst s2  }
0xb: {  	[smem:$0x3FA9] =	sst s3  }
0xc: {  	[smem:$0x3FAA] =	sst s4  }
0xd: {  	[smem:$0x3FAB] =	sst s5  }
0xe: {  	[smem:$0x3FAC] =	sst s6  }
0xf: {  	[smem:$0x3FAD] =	sst s7  }
0x10: {  	[smem:$0x3FAE] =	sst s8  }
0x11: {  	[smem:$0x3FAF] =	sst s9;
	s0 =	simm.s32 @!p0 $0x0  }
0x12: {  	s1 =	sld [smem:$0x3F95];
	s0 =	simm.s32 @p0 $0x1  }
0x13: {  	[smem:$0x3FB0] =	sst s0;
	s0 =	simm.s32 @!p1 $0x0  }
0x14: {  	s2 =	sld [smem:$0x3F94];
	s0 =	simm.s32 @p1 $0x1  }
0x15: {  	[smem:$0x3FB1] =	sst s0;
	s0 =	simm.s32 @!p2 $0x0  }
0x16: {  	s3 =	sld [smem:$0x3FDB];
	s0 =	simm.s32 @p2 $0x1  }
0x17: {  	s4 =	simm.s32 $0x1BF5;
	[smem:$0x3FB3] =	sst s0  }
0x18: {  	s0 =	sld [smem:$0x3F96];
	_ =	swait.ge [sflag:s4], $0x0  }
0x19: {  	s7 =	sld [smem:$0x3F97]  }
0x1a: {  	s8 =	sadd.s32 $0xFFFFE003, lr  }
0x1b: {  	s9 =	sadd.s32 $0xFFFFFEF7, lr;
	s5 =	simm.s32 $0xFFFFFFFF;
	p2 =	slt.u32 s8, $0xFFFFF086  }
0x1c: {  	p1 =	slt.u32 s9, $0xF7A;
	s5 =	simm.s32 @!p2 $0x0  }
0x1d: {  	s5 =	simm.s32 @p1 $0x1;
	p0 =	seq.s32 s7, s2  }
0x1e: {  	s7 =	smul.u32 @!p0 $0xF7A, s2;
	p2 =	seq.s32 @!p0 s5, $0x0  }
0x1f: {  	s9 =	smul.u32 $0xF7A, s1;
	s8 =	simm.s32 @!p0 $0x1BF5;
	p2 =	por !p2, p0  }
0x20: {  	[sflag:s8] =	ssyncset.s32 @!p0 $0xFFFFF086;
	s6 =	sadd.s32 @!p0 s3, s7;
	s7 =	simm.s32 @!p0 $0x108  }
0x21: {  	s3 =	sadd.s32 s3, s9;
	s6 =	sadd.s32 @!p0 $0x88, s6;
	s7 =	simm.s32 @p2 $0x1082  }
0x22: {  	[simem:s7], [sflag:s8] =	dma.local @!p0 [hbm:s6], $0xF7A  }
0x23: {  	s9 =	sor.u32 $0xD0000000, s2;
	s6 =	simm.s32 $0x108;
	_ =	swait.ge @!p0 [sflag:s8], $0x0  }
0x24: {  	s3 =	sadd.s32 $0x88, s3;
	s6 =	simm.s32 @!p1 $0x1082;
	[sflag:s4] =	ssyncset.s32 $0xFFFFF086  }
0x25: {  	[simem:s6], [sflag:s4] =	dma.local [hbm:s3], $0xF7A  }
0x26: {  	[smem:$0x3F97] =	sst s1;
	(tag) =	ssettag s2;
	_ =	strace s9  }
0x27: {  	s1 =	sld [smem:$0x3FA7]  }
0x28: {  	s2 =	sld [smem:$0x3FA8]  }
0x29: {  	s4 =	sld [smem:$0x3FAA]  }
0x2a: {  	p0 =	seq.s32 s5, $0x0;
	s5 =	sld [smem:$0x3FAB]  }
0x2b: {  	s6 =	sld [smem:$0x3FAC]  }
0x2c: {  	s7 =	sld [smem:$0x3FAD]  }
0x2d: {  	s3 =	simm.s32 $0x108;
	s8 =	sld [smem:$0x3FAE]  }
0x2e: {  	s3 =	simm.s32 @!p0 $0x1082;
	s9 =	sld [smem:$0x3FAF]  }
0x2f: {  	lr =	sadd.s32 s0, s3;
	s0 =	sld [smem:$0x3FA6]  }
0x30: {  	s3 =	sld [smem:$0x3FA9]  }
0x31: {  	[smem:$0x3FB2] =	sst s10  }
0x32: {  	s10 =	sld [smem:$0x3FB0];
	_ =	sdelay $0x3  }
0x33: {  	p0 =	seq.s32 s10, $0x1;
	s10 =	sld [smem:$0x3FB2];
	_ =	sdelay $0x3  }
0x34: {  	[smem:$0x3FB2] =	sst s10  }
0x35: {  	s10 =	sld [smem:$0x3FB1];
	_ =	sdelay $0x3  }
0x36: {  	p1 =	seq.s32 s10, $0x1;
	s10 =	sld [smem:$0x3FB2];
	_ =	sdelay $0x3  }
0x37: {  	[smem:$0x3FB2] =	sst s10  }
0x38: {  	s10 =	sld [smem:$0x3FB3]  }
0x39: {  	_ = 	snop;
	(pc) =	sbr.ind lr, $3  }
0x3a: {  	_ = 	snop  }
0x3b: {  	_ = 	snop  }
0x3c: {  	p2 =	seq.s32 s10, $0x1;
	s10 =	sld [smem:$0x3FB2]  }
0x3d: {  	_ =	shalt  }
0x3e: {  	_ =	shalt  }
0x3f: {  	_ =	shalt  }
0x40: {  	_ =	shalt  }
0x41: {  	_ =	shalt  }
0x42: {  	_ =	shalt  }
0x43: {  	_ =	shalt  }
0x44: {  	_ =	shalt  }
0x45: {  	_ =	shalt  }
0x46: {  	_ =	shalt  }
0x47: {  	_ =	shalt  }
0x48: {  	_ =	shalt  }
0x49: {  	_ =	shalt  }
0x4a: {  	_ =	shalt  }
0x4b: {  	_ =	shalt  }
0x4c: {  	_ =	shalt  }
0x4d: {  	_ =	shalt  }
0x4e: {  	_ =	shalt  }
0x4f: {  	_ =	shalt  }
0x50: {  	_ =	shalt  }
0x51: {  	_ =	shalt  }
0x52: {  	_ =	shalt  }
0x53: {  	_ =	shalt  }
0x54: {  	_ =	shalt  }
0x55: {  	_ =	shalt  }
0x56: {  	_ =	shalt  }
0x57: {  	_ =	shalt  }
0x58: {  	_ =	shalt  }
0x59: {  	_ =	shalt  }
0x5a: {  	_ =	shalt  }
0x5b: {  	_ =	shalt  }
0x5c: {  	_ =	shalt  }
0x5d: {  	_ =	shalt  }
0x5e: {  	_ =	shalt  }
0x5f: {  	_ =	shalt  }
0x60: {  	_ =	shalt  }
0x61: {  	_ =	shalt  }
0x62: {  	_ =	shalt  }
0x63: {  	_ =	shalt  }
0x64: {  	_ =	shalt  }
0x65: {  	_ =	shalt  }
0x66: {  	_ =	shalt  }
0x67: {  	_ =	shalt  }
0x68: {  	_ =	shalt  }
0x69: {  	_ =	shalt  }
0x6a: {  	_ =	shalt  }
0x6b: {  	_ =	shalt  }
0x6c: {  	_ =	shalt  }
0x6d: {  	_ =	shalt  }
0x6e: {  	_ =	shalt  }
0x6f: {  	_ =	shalt  }
0x70: {  	_ =	shalt  }
0x71: {  	_ =	shalt  }
0x72: {  	_ =	shalt  }
0x73: {  	_ =	shalt  }
0x74: {  	_ =	shalt  }
0x75: {  	_ =	shalt  }
0x76: {  	_ =	shalt  }
0x77: {  	_ =	shalt  }
0x78: {  	_ =	shalt  }
0x79: {  	_ =	shalt  }
0x7a: {  	_ =	shalt  }
0x7b: {  	_ =	shalt  }
0x7c: {  	_ =	shalt  }
0x7d: {  	_ =	shalt  }
0x7e: {  	_ =	shalt  }
0x7f: {  	_ =	shalt  }
0x80: {  	_ =	shalt  }
0x81: {  	_ =	shalt  }
0x82: {  	_ =	shalt  }
0x83: {  	_ =	shalt  }
0x84: {  	_ =	shalt  }
0x85: {  	_ =	shalt  }
0x86: {  	_ =	shalt  }
0x87: {  	_ =	shalt  }
.Lfunc_end0:
.L_simem_size_0:
called_computation.2_lowered:
.L_overlay_start_0:
0x88: {  	s2 =	sld [smem:$0x3FD9]  }
0x89: {  	s3 =	sld [smem:$0x3FFE];
	_ =	sdelay $0x1  }
0x8a: {  	s1 =	srdreg.scid  }
0x8b: {  	s0 =	sand.u32 $0x1, s1  }
0x8c: {  	s14 =	sshll.u32 s0, $0xA;
	s2 =	sadd.s32 s3, s2  }
0x8d: {  	s2 =	sadd.s32 s2, s14  }
0x8e: {  	[smem:$0x3FBE] =	sst s2  }
0x8f: {  	_ = 	snop  }
0x90: {  	s2 =	sld [smem:$0x3FD0];
	_ =	sdelay $0x2  }
0x91: {  	s15 =	simm.s32 $0xA;
	s4 =	simm.s32 $0x10  }
0x92: {  	[smem:s4], [sflag:s15] =	dma.local [hbm:s2], $0x1  }
0x93: {  	_ =	swait.eq [sflag:s15], $0x1  }
0x94: {  	[sflag:s15] =	ssyncset.done $0x0  }
0x95: {  	s16 =	sld [smem:$0x10];
	[sflag:s15] =	ssyncadd.s32 $0xFFFFFFFF  }
0x96: {  	s17 =	sld [smem:$0x11];
	(tm) =	ssettm $0x1  }
0x97: {  	s18 =	sld [smem:$0x3FFB];
	_ =	sdelay $0x3  }
0x98: {  	_ =	strace s18  }
0x99: {  	s4 =	sld [smem:$0x3FFC];
	_ =	sdelay $0x3  }
0x9a: {  	_ =	strace s4  }
0x9b: {  	s4 =	sld [smem:$0x3FFD];
	_ =	sdelay $0x3  }
0x9c: {  	_ =	strace s4  }
0x9d: {  	_ =	strace $0x8FFFFFFF  }
0x9e: {  	s19 =	sld [smem:$0x3FDB];
	_ =	sdelay $0x1  }
0x9f: {  	s5 =	simm.s32 $_scs_section_size  }
0xa0: {  	s6 =	simm.s32 $_size__tile_overlayer_lowered;
	s7 =	simm.s32 $_tile_overlayer_lowered  }
0xa1: {  	s22 =	simm.s32 $0x1BFF;
	s21 =	sshll.u32 s7, $0x1;
	s4 =	sadd.s32 s5, s19  }
0xa2: {  	s8 =	simm.s32 $0x0;
	s20 =	sshll.u32 s6, $0x1;
	s6 =	sadd.s32 s21, s4  }
0xa3: {  	[timem:s8], [sflag:s22] =	dma.local [hbm:s6], s20  }
0xa4: {  	_ =	swait.ge [sflag:s22], s20  }
0xa5: {  	s5 =	ssub.s32 $0x0, s20;
	[sflag:s22] =	ssyncset.done $0x0  }
0xa6: {  	[sflag:s22] =	ssyncadd.s32 s5;
	_ =	sdelay $0x1  }
0xa7: {  	s23 =	simm.s32 $0x1B8B  }
0xa8: {  	_ =	swait.ge [sflag:s23], $0x1  }
0xa9: {  	[sflag:s23] =	ssyncset.done $0x0  }
0xaa: {  	s25 =	simm.s32 $0x1B8E;
	s24 =	sld [smem:$0x3FFE];
	[sflag:s23] =	ssyncadd.s32 $0xFFFFFFFF  }
0xab: {  	s26 =	simm.s32 $execute0_lowered;
	[smem:$0x3FD2] =	sst s25  }
0xac: {  	s6 =	sshll.u32 s26, $0x1;
	_ =	strace $0x8000004C;
	[dreg:$0x1] =	wrdreg $0xFFFFFFFF  }
0xad: {  	s28 =	simm.s32 $_size_execute0_lowered;
	s4 =	sadd.s32 s4, s6;
	[dreg:$0x0] =	wrdreg $0x0  }
0xae: {  	s6 =	sshll.u32 s28, $0x1;
	[dreg:$0x2] =	wrdreg s4  }
0xaf: {  	[dreg:$0x3] =	wrdreg s6  }
0xb0: {  	[dreg:$0x4] =	wrdreg $0xC0  }
0xb1: {  	_ =	task [dreg:s8], $0x5FFFF  }
0xb2: {  	[dreg:$0x1] =	wrdreg $0xFFFFFFFF  }
0xb3: {  	[dreg:$0x0] =	wrdreg $0x60  }
0xb4: {  	[dreg:$0x2] =	wrdreg s24  }
0xb5: {  	[dreg:$0x3] =	wrdreg s17  }
0xb6: {  	[dreg:$0x4] =	wrdreg s16  }
0xb7: {  	[dreg:$0x5] =	wrdreg $0x90000  }
0xb8: {  	[dreg:$0x6] =	wrdreg $0x9  }
0xb9: {  	_ =	task.clear_ibuf [dreg:s8], $0x7FFFF;
	_ =	strace $0x9000004C  }
0xba: {  	s29 =	simm.s32 $0x9;
	_ =	strace $0x8000004E  }
0xbb: {  	_ =	swait.ge [sflag:s29], $0x1  }
0xbc: {  	[sflag:s29] =	ssyncadd.s32 $0xFFFFFFFF  }
0xbd: {  	_ =	strace $0x9000004E  }
0xbe: {  	_ =	sfence  }
0xbf: {  	s30 =	sld [smem:$0x0];
	_ =	sdelay $0x2  }
0xc0: {  	s31 =	sshll.u32 s1, $0xD;
	s1 =	sshrl.u32 s1, $0x2  }
0xc1: {  	s3 =	sand.u32 $0x4000, s31;
	s1 =	sadd.s32 s1, s30  }
0xc2: {  	s0 =	sor.u32 s3, s0;
	s1 =	sshll.u32 s1, $0x11  }
0xc3: {  	s0 =	sor.u32 s1, s0  }
0xc4: {  	s0 =	sadd.s32 $0x8F2B, s0  }
0xc5: {  	[sflag:s0] =	ssyncadd.remote.s32 $0x1  }
0xc6: {  	_ =	sfence.sel $0xFFFF  }
0xc7: {  	[dreg:$0x0] =	wrdreg $0xFFFFFFFF;
	(pc) =	sbr.abs _section_cstart, $3  }
0xc8: {  	[dreg:$0x1] =	wrdreg $0xFFFFFFFF  }
0xc9: {  	_ =	task.clear_ibuf [dreg:s8], $0x2FFFF;
	_ =	strace $0x9FFFFFFF  }
0xca: {  	(tm) =	ssettm $0x7FFFFFFF  }
0xcb: {  	_ =	shalt  }
tec
execute0_lowered:
.L_overlay_start_1:
0x0: {  	(tag) =	ssettag $0x1  }
0x1: {  	s5 =	rddreg [dreg:$0x0]  }
0x2: {  	s6 =	rddreg [dreg:$0x1]  }
0x3: {  	s7 =	rddreg [dreg:$0x2]  }
0x4: {  	s1 =	rddreg [dreg:$0x3];
	s2 =	srdreg.scid  }
0x5: {  	s0 =	rddreg [dreg:$0x4];
	s8 =	sand.u32 $0x1, s2  }
0x6: {  	s2 =	stileid.u32;
	s9 =	smul.u32 $0x2800, s8  }
0x7: {  	s3 =	simm.s32 $0x0;
	s15 =	simm.s32 $0x5000;
	s10 =	smul.u32 $0x280, s2  }
0x8: {  	s16 =	simm.s32 $0x1;
	s17 =	simm.s32 $0x0;
	s11 =	smul.u32 $0x2800, s2  }
0x9: {  	[smem:$0x7FF] =	sst s3;
	s26 =	ssub.s32 $0x2, s8;
	s8 =	smul.u32 $0x28000, s8  }
0xa: {  	s4 =	sadd.s32 $0x12000, s5;
	_ =	strace $0x8000004D;
	s13 =	smul.u32 $0x50000, s2  }
0xb: {  	s31 =	sshll.u32 s2, $0x6;
	s12 =	sshrl.u32 s26, $0x1;
	s9 =	sadd.s32 s10, s9  }
0xc: {  	s10 =	ssub.s32 s26, s12;
	s28 =	sadd.s32 s11, s8;
	s29 =	sshrl.u32 s11, $0x3  }
0xd: {  	s30 =	sshrl.u32 s13, $0x2;
	s11 =	simm.s32 $0x2800;
	s9 =	sshll.u32 s9, $0x4  }
0xe: {  	s13 =	sadd.s32 s30, s1;
	s14 =	sadd.s32 s9, s5;
	s5 =	sshrl.u32 s28, $0x3  }
0xf: {  	s12 =	sor.u32 $0x1C02, s31;
	s13 =	sshrl.u32 s13, $0x3;
	s5 =	sadd.s32 s6, s5  }
0x10: {  	s6 =	sadd.s32 s7, s29;
	s7 =	sadd.s32 s4, s9;
	s8 =	sadd.s32 $0x62000, s14  }
0x11: {  	s9 =	smax.u32 s10, $0x1;
	s10 =	simm.s32 $0x2;
	s14 =	simm.s32 $0x80  }
.LBB2_1:
0x12: {  	[tilespmem:s3], [sflag:$0x2] =	stream.linear.gather [hbm4b:s5+s3], $0x2800, $0x38;
	[tilespmem:$0x1D000] =	vst v63  }
0x13: {  	_ =	swait.ge [sflag:s10], $0x2800  }
0x14: {  	[sflag:s10] =	ssyncset.done $0x0  }
0x15: {  	[sflag:s10] =	ssyncadd.s32 $0xFFFFD800  }
0x16: {  	[tilespmem:s11], [sflag:$0x2] =	stream.linear.gather [hbm4b:s6+s3], $0x2800, $0x38;
	[tilespmem:$0x1D000] =	vst v63  }
0x17: {  	_ =	swait.ge [sflag:s10], $0x2800  }
0x18: {  	[sflag:s10] =	ssyncset.done $0x0  }
0x19: {  	[sflag:s10] =	ssyncadd.s32 $0xFFFFD800  }
0x1a: {  	[spmem:s13], [sflag:s12] =	dma.local [hbm:s7], $0x2800  }
0x1b: {  	_ =	swait.ge [sflag:s10], $0x2800  }
0x1c: {  	[sflag:s10] =	ssyncset.done $0x0  }
0x1d: {  	[sflag:s10] =	ssyncadd.s32 $0xFFFFD800  }
0x1e: {  	s18 =	simm.s32 $0x0;
	[bflag:$0x0] =	sbarrier.arrive $0xFFFF  }
0x1f: {  	[tilespmem:s15], [sflag:$0x1] =	stream.indirect.gather [hbm4b:s4+s14], $0x80, s18, s14, $0xb8;
	[tilespmem:$0x1D000] =	vst v63  }
0x20: {  	_ =	swait.ge [sflag:s16], $0x4000  }
0x21: {  	[sflag:s16] =	ssyncset.done $0x0  }
0x22: {  	s31 =	simm.s32 $0x2800;
	[sflag:s16] =	ssyncadd.s32 $0xFFFFC000  }
0x23: {  	[spmem:s1] =	stream.indirect.scatter.add.f32 [tilespmem:s15], [sflag:$0x2], $0x80, s31, s14, $0xb8;
	[tilespmem:$0x1D000] =	vst v63  }
0x24: {  	_ =	swait.ge [sflag:s10], $0x4000  }
0x25: {  	s19 =	simm.s32 $0x400;
	s18 =	simm.s32 $0x200;
	[sflag:s10] =	ssyncset.done $0x0  }
.LBB2_2:
0x26: {  	s20 =	sshra.s32 s18, $0x2  }
0x27: {  	[sflag:s10] =	ssyncadd.s32 $0xFFFFC000;
	s18 =	smov.u32 s19;
	s21 =	sadd.s32 $0x200, s19  }
0x28: {  	[tilespmem:s15], [sflag:$0x1] =	stream.indirect.gather [hbm4b:s4+s14], $0x80, s20, s14, $0xb8;
	[tilespmem:$0x1D000] =	vst v63  }
0x29: {  	p0 =	sne.s32 s19, $0x9E00;
	_ =	swait.ge [sflag:s16], $0x4000  }
.Ltmp0:
0x2a: {  	[sflag:s16] =	ssyncset.done $0x0;
	(pc) =	sbr.rel @p0 .LBB2_2-.Ltmp0, $4  }
0x2b: {  	s19 =	sadd.s32 $0x2800, s20;
	[sflag:s16] =	ssyncadd.s32 $0xFFFFC000  }
0x2c: {  	[spmem:s1] =	stream.indirect.scatter.add.f32 [tilespmem:s15], [sflag:$0x2], $0x80, s19, s14, $0xb8;
	[tilespmem:$0x1D000] =	vst v63  }
0x2d: {  	_ =	swait.ge [sflag:s10], $0x4000  }
0x2e: {  	s19 =	smov.u32 s21;
	[sflag:s10] =	ssyncset.done $0x0  }
0x2f: {  	s18 =	sshra.s32 s18, $0x2;
	[sflag:s10] =	ssyncadd.s32 $0xFFFFC000  }
0x30: {  	[tilespmem:s15], [sflag:$0x1] =	stream.indirect.gather [hbm4b:s4+s14], $0x80, s18, s14, $0xb8;
	[tilespmem:$0x1D000] =	vst v63  }
0x31: {  	_ =	swait.ge [sflag:s16], $0x4000  }
0x32: {  	[sflag:s16] =	ssyncset.done $0x0  }
0x33: {  	s18 =	sadd.s32 $0x2800, s18;
	[sflag:s16] =	ssyncadd.s32 $0xFFFFC000  }
0x34: {  	[spmem:s1] =	stream.indirect.scatter.add.f32 [tilespmem:s15], [sflag:$0x2], $0x80, s18, s14, $0xb8;
	[tilespmem:$0x1D000] =	vst v63  }
0x35: {  	_ =	swait.ge [sflag:s10], $0x4000  }
0x36: {  	s17 =	sadd.s32 $0x1, s17;
	[sflag:s10] =	ssyncset.done $0x0  }
0x37: {  	p0 =	sne.s32 s17, s9;
	[sflag:s10] =	ssyncadd.s32 $0xFFFFC000  }
.Ltmp1:
0x38: {  	[bflag:$0x0] =	sbarrier.arrive $0xFFFF;
	(pc) =	sbr.rel @p0 .LBB2_1-.Ltmp1, $4  }
0x39: {  	[hbm:s8], [sflag:s12] =	dma.local [spmem:s13], $0x2800  }
0x3a: {  	_ =	swait.ge [sflag:s10], $0x2800  }
0x3b: {  	[sflag:s10] =	ssyncset.done $0x0  }
0x3c: {  	[sflag:s10] =	ssyncadd.s32 $0xFFFFD800  }
0x3d: {  	_ =	sfence.sel $0x180000  }
0x3e: {  	[bflag:$0x0] =	sbarrier.arrive $0xFFFF  }
0x3f: {  	p0 =	sne.s32 s2, $0x0;
	_ =	strace $0x9000004D  }
0x40: {  	s0 =	sadd.s32 @!p0 $0x100000, s0;
	[bflag:$0x2] =	sbarrier.arrive $0xFFFF  }
0x41: {  	[sflag:s0] =	ssyncadd.tile.s32 @!p0 $0x1;
	_ =	shalt  }
.Lfunc_end2:
_tile_overlayer_lowered:
.L_overlay_start_2:
0x42: {  	(tag) =	ssettag $0x2  }
0x43: {  	s0 =	rddreg [dreg:$0x0];
	s2 =	stileid.u32  }
0x44: {  	s1 =	rddreg [dreg:$0x1];
	p0 =	sne.s32 s2, $0x0  }
0x45: {  	s3 =	rddreg [dreg:$0x2];
	[bflag:$0x3] =	sbarrier.arrive $0xFFFF;
	s2 =	simm.s32 @!p0 $0x1C02  }
0x46: {  	[timem:s3], [sflag:s2] =	dma.local @!p0 [hbm:s0], s1  }
0x47: {  	s0 =	simm.s32 @!p0 $0x2  }
0x48: {  	_ =	swait.ge @!p0 [sflag:s0], s1  }
0x49: {  	s1 =	ssub.s32 @!p0 $0x0, s1;
	[sflag:s0] =	ssyncset.done @!p0 $0x0  }
0x4a: {  	[sflag:s0] =	ssyncadd.s32 @!p0 s1  }
0x4b: {  	[bflag:$0x3] =	sbarrier.arrive $0xFFFF  }
0x4c: {  	_ =	shalt  }

// kernel: kernel.26.cloned.1.call-start
scs
__scs_entry_jumppad:
0x0: {  	(pc) =	sbr.rel $0x88, $3  }
0x1: {  	(tag) =	ssettag $0x0;
	lr =	simm.s32 $0x1  }
0x2: {  	[smem:$0x3F97] =	sst lr;
	_ =	strace $0xD0000000  }
0x3: {  	_ = 	snop  }
0x4: {  	_ = 	snop  }
0x5: {  	_ = 	snop  }
0x6: {  	_ = 	snop  }
0x7: {  	_ = 	snop  }
__scs_overlays_trampoline_lowered:
0x8: {  	[smem:$0x3FA6] =	sst s0  }
0x9: {  	[smem:$0x3FA7] =	sst s1  }
0xa: {  	[smem:$0x3FA8] =	sst s2  }
0xb: {  	[smem:$0x3FA9] =	sst s3  }
0xc: {  	[smem:$0x3FAA] =	sst s4  }
0xd: {  	[smem:$0x3FAB] =	sst s5  }
0xe: {  	[smem:$0x3FAC] =	sst s6  }
0xf: {  	[smem:$0x3FAD] =	sst s7  }
0x10: {  	[smem:$0x3FAE] =	sst s8  }
0x11: {  	[smem:$0x3FAF] =	sst s9;
	s0 =	simm.s32 @!p0 $0x0  }
0x12: {  	s1 =	sld [smem:$0x3F95];
	s0 =	simm.s32 @p0 $0x1  }
0x13: {  	[smem:$0x3FB0] =	sst s0;
	s0 =	simm.s32 @!p1 $0x0  }
0x14: {  	s2 =	sld [smem:$0x3F94];
	s0 =	simm.s32 @p1 $0x1  }
0x15: {  	[smem:$0x3FB1] =	sst s0;
	s0 =	simm.s32 @!p2 $0x0  }
0x16: {  	s3 =	sld [smem:$0x3FDB];
	s0 =	simm.s32 @p2 $0x1  }
0x17: {  	s4 =	simm.s32 $0x1BF5;
	[smem:$0x3FB3] =	sst s0  }
0x18: {  	s0 =	sld [smem:$0x3F96];
	_ =	swait.ge [sflag:s4], $0x0  }
0x19: {  	s7 =	sld [smem:$0x3F97]  }
0x1a: {  	s8 =	sadd.s32 $0xFFFFE003, lr  }
0x1b: {  	s9 =	sadd.s32 $0xFFFFFEF7, lr;
	s5 =	simm.s32 $0xFFFFFFFF;
	p2 =	slt.u32 s8, $0xFFFFF086  }
0x1c: {  	p1 =	slt.u32 s9, $0xF7A;
	s5 =	simm.s32 @!p2 $0x0  }
0x1d: {  	s5 =	simm.s32 @p1 $0x1;
	p0 =	seq.s32 s7, s2  }
0x1e: {  	s7 =	smul.u32 @!p0 $0xF7A, s2;
	p2 =	seq.s32 @!p0 s5, $0x0  }
0x1f: {  	s9 =	smul.u32 $0xF7A, s1;
	s8 =	simm.s32 @!p0 $0x1BF5;
	p2 =	por !p2, p0  }
0x20: {  	[sflag:s8] =	ssyncset.s32 @!p0 $0xFFFFF086;
	s6 =	sadd.s32 @!p0 s3, s7;
	s7 =	simm.s32 @!p0 $0x108  }
0x21: {  	s3 =	sadd.s32 s3, s9;
	s6 =	sadd.s32 @!p0 $0x88, s6;
	s7 =	simm.s32 @p2 $0x1082  }
0x22: {  	[simem:s7], [sflag:s8] =	dma.local @!p0 [hbm:s6], $0xF7A  }
0x23: {  	s9 =	sor.u32 $0xD0000000, s2;
	s6 =	simm.s32 $0x108;
	_ =	swait.ge @!p0 [sflag:s8], $0x0  }
0x24: {  	s3 =	sadd.s32 $0x88, s3;
	s6 =	simm.s32 @!p1 $0x1082;
	[sflag:s4] =	ssyncset.s32 $0xFFFFF086  }
0x25: {  	[simem:s6], [sflag:s4] =	dma.local [hbm:s3], $0xF7A  }
0x26: {  	[smem:$0x3F97] =	sst s1;
	(tag) =	ssettag s2;
	_ =	strace s9  }
0x27: {  	s1 =	sld [smem:$0x3FA7]  }
0x28: {  	s2 =	sld [smem:$0x3FA8]  }
0x29: {  	s4 =	sld [smem:$0x3FAA]  }
0x2a: {  	p0 =	seq.s32 s5, $0x0;
	s5 =	sld [smem:$0x3FAB]  }
0x2b: {  	s6 =	sld [smem:$0x3FAC]  }
0x2c: {  	s7 =	sld [smem:$0x3FAD]  }
0x2d: {  	s3 =	simm.s32 $0x108;
	s8 =	sld [smem:$0x3FAE]  }
0x2e: {  	s3 =	simm.s32 @!p0 $0x1082;
	s9 =	sld [smem:$0x3FAF]  }
0x2f: {  	lr =	sadd.s32 s0, s3;
	s0 =	sld [smem:$0x3FA6]  }
0x30: {  	s3 =	sld [smem:$0x3FA9]  }
0x31: {  	[smem:$0x3FB2] =	sst s10  }
0x32: {  	s10 =	sld [smem:$0x3FB0];
	_ =	sdelay $0x3  }
0x33: {  	p0 =	seq.s32 s10, $0x1;
	s10 =	sld [smem:$0x3FB2];
	_ =	sdelay $0x3  }
0x34: {  	[smem:$0x3FB2] =	sst s10  }
0x35: {  	s10 =	sld [smem:$0x3FB1];
	_ =	sdelay $0x3  }
0x36: {  	p1 =	seq.s32 s10, $0x1;
	s10 =	sld [smem:$0x3FB2];
	_ =	sdelay $0x3  }
0x37: {  	[smem:$0x3FB2] =	sst s10  }
0x38: {  	s10 =	sld [smem:$0x3FB3]  }
0x39: {  	_ = 	snop;
	(pc) =	sbr.ind lr, $3  }
0x3a: {  	_ = 	snop  }
0x3b: {  	_ = 	snop  }
0x3c: {  	p2 =	seq.s32 s10, $0x1;
	s10 =	sld [smem:$0x3FB2]  }
0x3d: {  	_ =	shalt  }
0x3e: {  	_ =	shalt  }
0x3f: {  	_ =	shalt  }
0x40: {  	_ =	shalt  }
0x41: {  	_ =	shalt  }
0x42: {  	_ =	shalt  }
0x43: {  	_ =	shalt  }
0x44: {  	_ =	shalt  }
0x45: {  	_ =	shalt  }
0x46: {  	_ =	shalt  }
0x47: {  	_ =	shalt  }
0x48: {  	_ =	shalt  }
0x49: {  	_ =	shalt  }
0x4a: {  	_ =	shalt  }
0x4b: {  	_ =	shalt  }
0x4c: {  	_ =	shalt  }
0x4d: {  	_ =	shalt  }
0x4e: {  	_ =	shalt  }
0x4f: {  	_ =	shalt  }
0x50: {  	_ =	shalt  }
0x51: {  	_ =	shalt  }
0x52: {  	_ =	shalt  }
0x53: {  	_ =	shalt  }
0x54: {  	_ =	shalt  }
0x55: {  	_ =	shalt  }
0x56: {  	_ =	shalt  }
0x57: {  	_ =	shalt  }
0x58: {  	_ =	shalt  }
0x59: {  	_ =	shalt  }
0x5a: {  	_ =	shalt  }
0x5b: {  	_ =	shalt  }
0x5c: {  	_ =	shalt  }
0x5d: {  	_ =	shalt  }
0x5e: {  	_ =	shalt  }
0x5f: {  	_ =	shalt  }
0x60: {  	_ =	shalt  }
0x61: {  	_ =	shalt  }
0x62: {  	_ =	shalt  }
0x63: {  	_ =	shalt  }
0x64: {  	_ =	shalt  }
0x65: {  	_ =	shalt  }
0x66: {  	_ =	shalt  }
0x67: {  	_ =	shalt  }
0x68: {  	_ =	shalt  }
0x69: {  	_ =	shalt  }
0x6a: {  	_ =	shalt  }
0x6b: {  	_ =	shalt  }
0x6c: {  	_ =	shalt  }
0x6d: {  	_ =	shalt  }
0x6e: {  	_ =	shalt  }
0x6f: {  	_ =	shalt  }
0x70: {  	_ =	shalt  }
0x71: {  	_ =	shalt  }
0x72: {  	_ =	shalt  }
0x73: {  	_ =	shalt  }
0x74: {  	_ =	shalt  }
0x75: {  	_ =	shalt  }
0x76: {  	_ =	shalt  }
0x77: {  	_ =	shalt  }
0x78: {  	_ =	shalt  }
0x79: {  	_ =	shalt  }
0x7a: {  	_ =	shalt  }
0x7b: {  	_ =	shalt  }
0x7c: {  	_ =	shalt  }
0x7d: {  	_ =	shalt  }
0x7e: {  	_ =	shalt  }
0x7f: {  	_ =	shalt  }
0x80: {  	_ =	shalt  }
0x81: {  	_ =	shalt  }
0x82: {  	_ =	shalt  }
0x83: {  	_ =	shalt  }
0x84: {  	_ =	shalt  }
0x85: {  	_ =	shalt  }
0x86: {  	_ =	shalt  }
0x87: {  	_ =	shalt  }
.Lfunc_end0:
.L_simem_size_0:
called_computation.3_lowered:
.L_overlay_start_0:
0x88: {  	s2 =	sld [smem:$0x3FD9]  }
0x89: {  	s3 =	sld [smem:$0x3FFE];
	_ =	sdelay $0x1  }
0x8a: {  	s1 =	srdreg.scid  }
0x8b: {  	s0 =	sand.u32 $0x1, s1  }
0x8c: {  	s14 =	sshll.u32 s0, $0xA;
	s2 =	sadd.s32 s3, s2  }
0x8d: {  	s2 =	sadd.s32 s2, s14  }
0x8e: {  	[smem:$0x3FBE] =	sst s2  }
0x8f: {  	_ = 	snop  }
0x90: {  	s2 =	sld [smem:$0x3FD0];
	_ =	sdelay $0x2  }
0x91: {  	s15 =	simm.s32 $0xA;
	s4 =	simm.s32 $0x10  }
0x92: {  	[smem:s4], [sflag:s15] =	dma.local [hbm:s2], $0x1  }
0x93: {  	_ =	swait.eq [sflag:s15], $0x1  }
0x94: {  	[sflag:s15] =	ssyncset.done $0x0  }
0x95: {  	s16 =	sld [smem:$0x10];
	[sflag:s15] =	ssyncadd.s32 $0xFFFFFFFF  }
0x96: {  	s17 =	sld [smem:$0x11];
	(tm) =	ssettm $0x1  }
0x97: {  	s18 =	sld [smem:$0x3FFB];
	_ =	sdelay $0x3  }
0x98: {  	_ =	strace s18  }
0x99: {  	s4 =	sld [smem:$0x3FFC];
	_ =	sdelay $0x3  }
0x9a: {  	_ =	strace s4  }
0x9b: {  	s4 =	sld [smem:$0x3FFD];
	_ =	sdelay $0x3  }
0x9c: {  	_ =	strace s4  }
0x9d: {  	_ =	strace $0x8FFFFFFF  }
0x9e: {  	s19 =	sld [smem:$0x3FDB];
	_ =	sdelay $0x1  }
0x9f: {  	s5 =	simm.s32 $_scs_section_size  }
0xa0: {  	s6 =	simm.s32 $_size__tile_overlayer_lowered;
	s7 =	simm.s32 $_tile_overlayer_lowered  }
0xa1: {  	s22 =	simm.s32 $0x1BFF;
	s21 =	sshll.u32 s7, $0x1;
	s4 =	sadd.s32 s5, s19  }
0xa2: {  	s8 =	simm.s32 $0x0;
	s20 =	sshll.u32 s6, $0x1;
	s6 =	sadd.s32 s21, s4  }
0xa3: {  	[timem:s8], [sflag:s22] =	dma.local [hbm:s6], s20  }
0xa4: {  	_ =	swait.ge [sflag:s22], s20  }
0xa5: {  	s5 =	ssub.s32 $0x0, s20;
	[sflag:s22] =	ssyncset.done $0x0  }
0xa6: {  	[sflag:s22] =	ssyncadd.s32 s5;
	_ =	sdelay $0x1  }
0xa7: {  	s23 =	simm.s32 $0x1B8B  }
0xa8: {  	_ =	swait.ge [sflag:s23], $0x1  }
0xa9: {  	[sflag:s23] =	ssyncset.done $0x0  }
0xaa: {  	s25 =	simm.s32 $0x1B8E;
	s24 =	sld [smem:$0x3FFE];
	[sflag:s23] =	ssyncadd.s32 $0xFFFFFFFF  }
0xab: {  	s26 =	simm.s32 $execute0_lowered;
	[smem:$0x3FD2] =	sst s25  }
0xac: {  	s6 =	sshll.u32 s26, $0x1;
	_ =	strace $0x8000004F;
	[dreg:$0x1] =	wrdreg $0xFFFFFFFF  }
0xad: {  	s28 =	simm.s32 $_size_execute0_lowered;
	s4 =	sadd.s32 s4, s6;
	[dreg:$0x0] =	wrdreg $0x0  }
0xae: {  	s6 =	sshll.u32 s28, $0x1;
	[dreg:$0x2] =	wrdreg s4  }
0xaf: {  	[dreg:$0x3] =	wrdreg s6  }
0xb0: {  	[dreg:$0x4] =	wrdreg $0xC0  }
0xb1: {  	_ =	task [dreg:s8], $0x5FFFF  }
0xb2: {  	[dreg:$0x1] =	wrdreg $0xFFFFFFFF  }
0xb3: {  	[dreg:$0x0] =	wrdreg $0x60  }
0xb4: {  	[dreg:$0x2] =	wrdreg s24  }
0xb5: {  	[dreg:$0x3] =	wrdreg s17  }
0xb6: {  	[dreg:$0x4] =	wrdreg s16  }
0xb7: {  	[dreg:$0x5] =	wrdreg $0x90000  }
0xb8: {  	[dreg:$0x6] =	wrdreg $0x9  }
0xb9: {  	_ =	task.clear_ibuf [dreg:s8], $0x7FFFF;
	_ =	strace $0x9000004F  }
0xba: {  	s29 =	simm.s32 $0x9;
	_ =	strace $0x80000051  }
0xbb: {  	_ =	swait.ge [sflag:s29], $0x1  }
0xbc: {  	[sflag:s29] =	ssyncadd.s32 $0xFFFFFFFF  }
0xbd: {  	_ =	strace $0x90000051  }
0xbe: {  	_ =	sfence  }
0xbf: {  	s30 =	sld [smem:$0x0];
	_ =	sdelay $0x2  }
0xc0: {  	s31 =	sshll.u32 s1, $0xD;
	s1 =	sshrl.u32 s1, $0x2  }
0xc1: {  	s3 =	sand.u32 $0x4000, s31;
	s1 =	sadd.s32 s1, s30  }
0xc2: {  	s0 =	sor.u32 s3, s0;
	s1 =	sshll.u32 s1, $0x11  }
0xc3: {  	s0 =	sor.u32 s1, s0  }
0xc4: {  	s0 =	sadd.s32 $0x8F2B, s0  }
0xc5: {  	[sflag:s0] =	ssyncadd.remote.s32 $0x1  }
0xc6: {  	_ =	sfence.sel $0xFFFF  }
0xc7: {  	[dreg:$0x0] =	wrdreg $0xFFFFFFFF;
	(pc) =	sbr.abs _section_cstart, $3  }
0xc8: {  	[dreg:$0x1] =	wrdreg $0xFFFFFFFF  }
0xc9: {  	_ =	task.clear_ibuf [dreg:s8], $0x2FFFF;
	_ =	strace $0x9FFFFFFF  }
0xca: {  	(tm) =	ssettm $0x7FFFFFFF  }
0xcb: {  	_ =	shalt  }
tec
execute0_lowered:
.L_overlay_start_1:
0x0: {  	(tag) =	ssettag $0x1  }
0x1: {  	s5 =	rddreg [dreg:$0x0]  }
0x2: {  	s6 =	rddreg [dreg:$0x1]  }
0x3: {  	s7 =	rddreg [dreg:$0x2]  }
0x4: {  	s1 =	rddreg [dreg:$0x3];
	s2 =	srdreg.scid  }
0x5: {  	s0 =	rddreg [dreg:$0x4];
	s8 =	sand.u32 $0x1, s2  }
0x6: {  	s2 =	stileid.u32;
	s9 =	smul.u32 $0x2800, s8  }
0x7: {  	s3 =	simm.s32 $0x0;
	s15 =	simm.s32 $0x5000;
	s10 =	smul.u32 $0x280, s2  }
0x8: {  	s16 =	simm.s32 $0x1;
	s17 =	simm.s32 $0x0;
	s11 =	smul.u32 $0x2800, s2  }
0x9: {  	[smem:$0x7FF] =	sst s3;
	s26 =	ssub.s32 $0x2, s8;
	s8 =	smul.u32 $0x28000, s8  }
0xa: {  	s4 =	sadd.s32 $0x10000, s5;
	_ =	strace $0x80000050;
	s13 =	smul.u32 $0x50000, s2  }
0xb: {  	s31 =	sshll.u32 s2, $0x6;
	s12 =	sshrl.u32 s26, $0x1;
	s9 =	sadd.s32 s10, s9  }
0xc: {  	s10 =	ssub.s32 s26, s12;
	s28 =	sadd.s32 s11, s8;
	s29 =	sshrl.u32 s11, $0x3  }
0xd: {  	s30 =	sshrl.u32 s13, $0x2;
	s11 =	simm.s32 $0x2800;
	s9 =	sshll.u32 s9, $0x4  }
0xe: {  	s13 =	sadd.s32 s30, s1;
	s14 =	sadd.s32 s9, s5;
	s5 =	sshrl.u32 s28, $0x3  }
0xf: {  	s12 =	sor.u32 $0x1C02, s31;
	s13 =	sshrl.u32 s13, $0x3;
	s5 =	sadd.s32 s6, s5  }
0x10: {  	s6 =	sadd.s32 s7, s29;
	s7 =	sadd.s32 s4, s9;
	s8 =	sadd.s32 $0x60000, s14  }
0x11: {  	s9 =	smax.u32 s10, $0x1;
	s10 =	simm.s32 $0x2;
	s14 =	simm.s32 $0x80  }
.LBB2_1:
0x12: {  	[tilespmem:s3], [sflag:$0x2] =	stream.linear.gather [hbm4b:s5+s3], $0x2800, $0x38;
	[tilespmem:$0x1D000] =	vst v63  }
0x13: {  	_ =	swait.ge [sflag:s10], $0x2800  }
0x14: {  	[sflag:s10] =	ssyncset.done $0x0  }
0x15: {  	[sflag:s10] =	ssyncadd.s32 $0xFFFFD800  }
0x16: {  	[tilespmem:s11], [sflag:$0x2] =	stream.linear.gather [hbm4b:s6+s3], $0x2800, $0x38;
	[tilespmem:$0x1D000] =	vst v63  }
0x17: {  	_ =	swait.ge [sflag:s10], $0x2800  }
0x18: {  	[sflag:s10] =	ssyncset.done $0x0  }
0x19: {  	[sflag:s10] =	ssyncadd.s32 $0xFFFFD800  }
0x1a: {  	[spmem:s13], [sflag:s12] =	dma.local [hbm:s7], $0x2800  }
0x1b: {  	_ =	swait.ge [sflag:s10], $0x2800  }
0x1c: {  	[sflag:s10] =	ssyncset.done $0x0  }
0x1d: {  	[sflag:s10] =	ssyncadd.s32 $0xFFFFD800  }
0x1e: {  	s18 =	simm.s32 $0x0;
	[bflag:$0x0] =	sbarrier.arrive $0xFFFF  }
0x1f: {  	[tilespmem:s15], [sflag:$0x1] =	stream.indirect.gather [hbm4b:s4+s14], $0x80, s18, s14, $0xb8;
	[tilespmem:$0x1D000] =	vst v63  }
0x20: {  	_ =	swait.ge [sflag:s16], $0x4000  }
0x21: {  	[sflag:s16] =	ssyncset.done $0x0  }
0x22: {  	s31 =	simm.s32 $0x2800;
	[sflag:s16] =	ssyncadd.s32 $0xFFFFC000  }
0x23: {  	[spmem:s1] =	stream.indirect.scatter.add.f32 [tilespmem:s15], [sflag:$0x2], $0x80, s31, s14, $0xb8;
	[tilespmem:$0x1D000] =	vst v63  }
0x24: {  	_ =	swait.ge [sflag:s10], $0x4000  }
0x25: {  	s19 =	simm.s32 $0x400;
	s18 =	simm.s32 $0x200;
	[sflag:s10] =	ssyncset.done $0x0  }
.LBB2_2:
0x26: {  	s20 =	sshra.s32 s18, $0x2  }
0x27: {  	[sflag:s10] =	ssyncadd.s32 $0xFFFFC000;
	s18 =	smov.u32 s19;
	s21 =	sadd.s32 $0x200, s19  }
0x28: {  	[tilespmem:s15], [sflag:$0x1] =	stream.indirect.gather [hbm4b:s4+s14], $0x80, s20, s14, $0xb8;
	[tilespmem:$0x1D000] =	vst v63  }
0x29: {  	p0 =	sne.s32 s19, $0x9E00;
	_ =	swait.ge [sflag:s16], $0x4000  }
.Ltmp0:
0x2a: {  	[sflag:s16] =	ssyncset.done $0x0;
	(pc) =	sbr.rel @p0 .LBB2_2-.Ltmp0, $4  }
0x2b: {  	s19 =	sadd.s32 $0x2800, s20;
	[sflag:s16] =	ssyncadd.s32 $0xFFFFC000  }
0x2c: {  	[spmem:s1] =	stream.indirect.scatter.add.f32 [tilespmem:s15], [sflag:$0x2], $0x80, s19, s14, $0xb8;
	[tilespmem:$0x1D000] =	vst v63  }
0x2d: {  	_ =	swait.ge [sflag:s10], $0x4000  }
0x2e: {  	s19 =	smov.u32 s21;
	[sflag:s10] =	ssyncset.done $0x0  }
0x2f: {  	s18 =	sshra.s32 s18, $0x2;
	[sflag:s10] =	ssyncadd.s32 $0xFFFFC000  }
0x30: {  	[tilespmem:s15], [sflag:$0x1] =	stream.indirect.gather [hbm4b:s4+s14], $0x80, s18, s14, $0xb8;
	[tilespmem:$0x1D000] =	vst v63  }
0x31: {  	_ =	swait.ge [sflag:s16], $0x4000  }
0x32: {  	[sflag:s16] =	ssyncset.done $0x0  }
0x33: {  	s18 =	sadd.s32 $0x2800, s18;
	[sflag:s16] =	ssyncadd.s32 $0xFFFFC000  }
0x34: {  	[spmem:s1] =	stream.indirect.scatter.add.f32 [tilespmem:s15], [sflag:$0x2], $0x80, s18, s14, $0xb8;
	[tilespmem:$0x1D000] =	vst v63  }
0x35: {  	_ =	swait.ge [sflag:s10], $0x4000  }
0x36: {  	s17 =	sadd.s32 $0x1, s17;
	[sflag:s10] =	ssyncset.done $0x0  }
0x37: {  	p0 =	sne.s32 s17, s9;
	[sflag:s10] =	ssyncadd.s32 $0xFFFFC000  }
.Ltmp1:
0x38: {  	[bflag:$0x0] =	sbarrier.arrive $0xFFFF;
	(pc) =	sbr.rel @p0 .LBB2_1-.Ltmp1, $4  }
0x39: {  	[hbm:s8], [sflag:s12] =	dma.local [spmem:s13], $0x2800  }
0x3a: {  	_ =	swait.ge [sflag:s10], $0x2800  }
0x3b: {  	[sflag:s10] =	ssyncset.done $0x0  }
0x3c: {  	[sflag:s10] =	ssyncadd.s32 $0xFFFFD800  }
0x3d: {  	_ =	sfence.sel $0x180000  }
0x3e: {  	[bflag:$0x0] =	sbarrier.arrive $0xFFFF  }
0x3f: {  	p0 =	sne.s32 s2, $0x0;
	_ =	strace $0x90000050  }
0x40: {  	s0 =	sadd.s32 @!p0 $0x100000, s0;
	[bflag:$0x2] =	sbarrier.arrive $0xFFFF  }
0x41: {  	[sflag:s0] =	ssyncadd.tile.s32 @!p0 $0x1;
	_ =	shalt  }
.Lfunc_end2:
_tile_overlayer_lowered:
.L_overlay_start_2:
0x42: {  	(tag) =	ssettag $0x2  }
0x43: {  	s0 =	rddreg [dreg:$0x0];
	s2 =	stileid.u32  }
0x44: {  	s1 =	rddreg [dreg:$0x1];
	p0 =	sne.s32 s2, $0x0  }
0x45: {  	s3 =	rddreg [dreg:$0x2];
	[bflag:$0x3] =	sbarrier.arrive $0xFFFF;
	s2 =	simm.s32 @!p0 $0x1C02  }
0x46: {  	[timem:s3], [sflag:s2] =	dma.local @!p0 [hbm:s0], s1  }
0x47: {  	s0 =	simm.s32 @!p0 $0x2  }
0x48: {  	_ =	swait.ge @!p0 [sflag:s0], s1  }
0x49: {  	s1 =	ssub.s32 @!p0 $0x0, s1;
	[sflag:s0] =	ssyncset.done @!p0 $0x0  }
0x4a: {  	[sflag:s0] =	ssyncadd.s32 @!p0 s1  }
0x4b: {  	[bflag:$0x3] =	sbarrier.arrive $0xFFFF  }
0x4c: {  	_ =	shalt  }

// kernel: kernel.29.cloned.1.call-start
scs
__scs_entry_jumppad:
0x0: {  	(pc) =	sbr.rel $0x88, $3  }
0x1: {  	(tag) =	ssettag $0x0;
	lr =	simm.s32 $0x1  }
0x2: {  	[smem:$0x3F97] =	sst lr;
	_ =	strace $0xD0000000  }
0x3: {  	_ = 	snop  }
0x4: {  	_ = 	snop  }
0x5: {  	_ = 	snop  }
0x6: {  	_ = 	snop  }
0x7: {  	_ = 	snop  }
__scs_overlays_trampoline_lowered:
0x8: {  	[smem:$0x3FA6] =	sst s0  }
0x9: {  	[smem:$0x3FA7] =	sst s1  }
0xa: {  	[smem:$0x3FA8] =	sst s2  }
0xb: {  	[smem:$0x3FA9] =	sst s3  }
0xc: {  	[smem:$0x3FAA] =	sst s4  }
0xd: {  	[smem:$0x3FAB] =	sst s5  }
0xe: {  	[smem:$0x3FAC] =	sst s6  }
0xf: {  	[smem:$0x3FAD] =	sst s7  }
0x10: {  	[smem:$0x3FAE] =	sst s8  }
0x11: {  	[smem:$0x3FAF] =	sst s9;
	s0 =	simm.s32 @!p0 $0x0  }
0x12: {  	s1 =	sld [smem:$0x3F95];
	s0 =	simm.s32 @p0 $0x1  }
0x13: {  	[smem:$0x3FB0] =	sst s0;
	s0 =	simm.s32 @!p1 $0x0  }
0x14: {  	s2 =	sld [smem:$0x3F94];
	s0 =	simm.s32 @p1 $0x1  }
0x15: {  	[smem:$0x3FB1] =	sst s0;
	s0 =	simm.s32 @!p2 $0x0  }
0x16: {  	s3 =	sld [smem:$0x3FDB];
	s0 =	simm.s32 @p2 $0x1  }
0x17: {  	s4 =	simm.s32 $0x1BF5;
	[smem:$0x3FB3] =	sst s0  }
0x18: {  	s0 =	sld [smem:$0x3F96];
	_ =	swait.ge [sflag:s4], $0x0  }
0x19: {  	s7 =	sld [smem:$0x3F97]  }
0x1a: {  	s8 =	sadd.s32 $0xFFFFE003, lr  }
0x1b: {  	s9 =	sadd.s32 $0xFFFFFEF7, lr;
	s5 =	simm.s32 $0xFFFFFFFF;
	p2 =	slt.u32 s8, $0xFFFFF086  }
0x1c: {  	p1 =	slt.u32 s9, $0xF7A;
	s5 =	simm.s32 @!p2 $0x0  }
0x1d: {  	s5 =	simm.s32 @p1 $0x1;
	p0 =	seq.s32 s7, s2  }
0x1e: {  	s7 =	smul.u32 @!p0 $0xF7A, s2;
	p2 =	seq.s32 @!p0 s5, $0x0  }
0x1f: {  	s9 =	smul.u32 $0xF7A, s1;
	s8 =	simm.s32 @!p0 $0x1BF5;
	p2 =	por !p2, p0  }
0x20: {  	[sflag:s8] =	ssyncset.s32 @!p0 $0xFFFFF086;
	s6 =	sadd.s32 @!p0 s3, s7;
	s7 =	simm.s32 @!p0 $0x108  }
0x21: {  	s3 =	sadd.s32 s3, s9;
	s6 =	sadd.s32 @!p0 $0x88, s6;
	s7 =	simm.s32 @p2 $0x1082  }
0x22: {  	[simem:s7], [sflag:s8] =	dma.local @!p0 [hbm:s6], $0xF7A  }
0x23: {  	s9 =	sor.u32 $0xD0000000, s2;
	s6 =	simm.s32 $0x108;
	_ =	swait.ge @!p0 [sflag:s8], $0x0  }
0x24: {  	s3 =	sadd.s32 $0x88, s3;
	s6 =	simm.s32 @!p1 $0x1082;
	[sflag:s4] =	ssyncset.s32 $0xFFFFF086  }
0x25: {  	[simem:s6], [sflag:s4] =	dma.local [hbm:s3], $0xF7A  }
0x26: {  	[smem:$0x3F97] =	sst s1;
	(tag) =	ssettag s2;
	_ =	strace s9  }
0x27: {  	s1 =	sld [smem:$0x3FA7]  }
0x28: {  	s2 =	sld [smem:$0x3FA8]  }
0x29: {  	s4 =	sld [smem:$0x3FAA]  }
0x2a: {  	p0 =	seq.s32 s5, $0x0;
	s5 =	sld [smem:$0x3FAB]  }
0x2b: {  	s6 =	sld [smem:$0x3FAC]  }
0x2c: {  	s7 =	sld [smem:$0x3FAD]  }
0x2d: {  	s3 =	simm.s32 $0x108;
	s8 =	sld [smem:$0x3FAE]  }
0x2e: {  	s3 =	simm.s32 @!p0 $0x1082;
	s9 =	sld [smem:$0x3FAF]  }
0x2f: {  	lr =	sadd.s32 s0, s3;
	s0 =	sld [smem:$0x3FA6]  }
0x30: {  	s3 =	sld [smem:$0x3FA9]  }
0x31: {  	[smem:$0x3FB2] =	sst s10  }
0x32: {  	s10 =	sld [smem:$0x3FB0];
	_ =	sdelay $0x3  }
0x33: {  	p0 =	seq.s32 s10, $0x1;
	s10 =	sld [smem:$0x3FB2];
	_ =	sdelay $0x3  }
0x34: {  	[smem:$0x3FB2] =	sst s10  }
0x35: {  	s10 =	sld [smem:$0x3FB1];
	_ =	sdelay $0x3  }
0x36: {  	p1 =	seq.s32 s10, $0x1;
	s10 =	sld [smem:$0x3FB2];
	_ =	sdelay $0x3  }
0x37: {  	[smem:$0x3FB2] =	sst s10  }
0x38: {  	s10 =	sld [smem:$0x3FB3]  }
0x39: {  	_ = 	snop;
	(pc) =	sbr.ind lr, $3  }
0x3a: {  	_ = 	snop  }
0x3b: {  	_ = 	snop  }
0x3c: {  	p2 =	seq.s32 s10, $0x1;
	s10 =	sld [smem:$0x3FB2]  }
0x3d: {  	_ =	shalt  }
0x3e: {  	_ =	shalt  }
0x3f: {  	_ =	shalt  }
0x40: {  	_ =	shalt  }
0x41: {  	_ =	shalt  }
0x42: {  	_ =	shalt  }
0x43: {  	_ =	shalt  }
0x44: {  	_ =	shalt  }
0x45: {  	_ =	shalt  }
0x46: {  	_ =	shalt  }
0x47: {  	_ =	shalt  }
0x48: {  	_ =	shalt  }
0x49: {  	_ =	shalt  }
0x4a: {  	_ =	shalt  }
0x4b: {  	_ =	shalt  }
0x4c: {  	_ =	shalt  }
0x4d: {  	_ =	shalt  }
0x4e: {  	_ =	shalt  }
0x4f: {  	_ =	shalt  }
0x50: {  	_ =	shalt  }
0x51: {  	_ =	shalt  }
0x52: {  	_ =	shalt  }
0x53: {  	_ =	shalt  }
0x54: {  	_ =	shalt  }
0x55: {  	_ =	shalt  }
0x56: {  	_ =	shalt  }
0x57: {  	_ =	shalt  }
0x58: {  	_ =	shalt  }
0x59: {  	_ =	shalt  }
0x5a: {  	_ =	shalt  }
0x5b: {  	_ =	shalt  }
0x5c: {  	_ =	shalt  }
0x5d: {  	_ =	shalt  }
0x5e: {  	_ =	shalt  }
0x5f: {  	_ =	shalt  }
0x60: {  	_ =	shalt  }
0x61: {  	_ =	shalt  }
0x62: {  	_ =	shalt  }
0x63: {  	_ =	shalt  }
0x64: {  	_ =	shalt  }
0x65: {  	_ =	shalt  }
0x66: {  	_ =	shalt  }
0x67: {  	_ =	shalt  }
0x68: {  	_ =	shalt  }
0x69: {  	_ =	shalt  }
0x6a: {  	_ =	shalt  }
0x6b: {  	_ =	shalt  }
0x6c: {  	_ =	shalt  }
0x6d: {  	_ =	shalt  }
0x6e: {  	_ =	shalt  }
0x6f: {  	_ =	shalt  }
0x70: {  	_ =	shalt  }
0x71: {  	_ =	shalt  }
0x72: {  	_ =	shalt  }
0x73: {  	_ =	shalt  }
0x74: {  	_ =	shalt  }
0x75: {  	_ =	shalt  }
0x76: {  	_ =	shalt  }
0x77: {  	_ =	shalt  }
0x78: {  	_ =	shalt  }
0x79: {  	_ =	shalt  }
0x7a: {  	_ =	shalt  }
0x7b: {  	_ =	shalt  }
0x7c: {  	_ =	shalt  }
0x7d: {  	_ =	shalt  }
0x7e: {  	_ =	shalt  }
0x7f: {  	_ =	shalt  }
0x80: {  	_ =	shalt  }
0x81: {  	_ =	shalt  }
0x82: {  	_ =	shalt  }
0x83: {  	_ =	shalt  }
0x84: {  	_ =	shalt  }
0x85: {  	_ =	shalt  }
0x86: {  	_ =	shalt  }
0x87: {  	_ =	shalt  }
.Lfunc_end0:
.L_simem_size_0:
called_computation.4_lowered:
.L_overlay_start_0:
0x88: {  	s2 =	sld [smem:$0x3FD9]  }
0x89: {  	s3 =	sld [smem:$0x3FFE];
	_ =	sdelay $0x1  }
0x8a: {  	s1 =	srdreg.scid  }
0x8b: {  	s0 =	sand.u32 $0x1, s1  }
0x8c: {  	s14 =	sshll.u32 s0, $0xA;
	s2 =	sadd.s32 s3, s2  }
0x8d: {  	s2 =	sadd.s32 s2, s14  }
0x8e: {  	[smem:$0x3FBE] =	sst s2  }
0x8f: {  	_ = 	snop  }
0x90: {  	s2 =	sld [smem:$0x3FD0];
	_ =	sdelay $0x2  }
0x91: {  	s15 =	simm.s32 $0xA;
	s4 =	simm.s32 $0x10  }
0x92: {  	[smem:s4], [sflag:s15] =	dma.local [hbm:s2], $0x1  }
0x93: {  	_ =	swait.eq [sflag:s15], $0x1  }
0x94: {  	[sflag:s15] =	ssyncset.done $0x0  }
0x95: {  	s16 =	sld [smem:$0x10];
	[sflag:s15] =	ssyncadd.s32 $0xFFFFFFFF  }
0x96: {  	s17 =	sld [smem:$0x11];
	(tm) =	ssettm $0x1  }
0x97: {  	s18 =	sld [smem:$0x3FFB];
	_ =	sdelay $0x3  }
0x98: {  	_ =	strace s18  }
0x99: {  	s4 =	sld [smem:$0x3FFC];
	_ =	sdelay $0x3  }
0x9a: {  	_ =	strace s4  }
0x9b: {  	s4 =	sld [smem:$0x3FFD];
	_ =	sdelay $0x3  }
0x9c: {  	_ =	strace s4  }
0x9d: {  	_ =	strace $0x8FFFFFFF  }
0x9e: {  	s19 =	sld [smem:$0x3FDB];
	_ =	sdelay $0x1  }
0x9f: {  	s5 =	simm.s32 $_scs_section_size  }
0xa0: {  	s6 =	simm.s32 $_size__tile_overlayer_lowered;
	s7 =	simm.s32 $_tile_overlayer_lowered  }
0xa1: {  	s22 =	simm.s32 $0x1BFF;
	s21 =	sshll.u32 s7, $0x1;
	s4 =	sadd.s32 s5, s19  }
0xa2: {  	s8 =	simm.s32 $0x0;
	s20 =	sshll.u32 s6, $0x1;
	s6 =	sadd.s32 s21, s4  }
0xa3: {  	[timem:s8], [sflag:s22] =	dma.local [hbm:s6], s20  }
0xa4: {  	_ =	swait.ge [sflag:s22], s20  }
0xa5: {  	s5 =	ssub.s32 $0x0, s20;
	[sflag:s22] =	ssyncset.done $0x0  }
0xa6: {  	[sflag:s22] =	ssyncadd.s32 s5;
	_ =	sdelay $0x1  }
0xa7: {  	s23 =	simm.s32 $0x1B8B  }
0xa8: {  	_ =	swait.ge [sflag:s23], $0x1  }
0xa9: {  	[sflag:s23] =	ssyncset.done $0x0  }
0xaa: {  	s25 =	simm.s32 $0x1B8E;
	s24 =	sld [smem:$0x3FFE];
	[sflag:s23] =	ssyncadd.s32 $0xFFFFFFFF  }
0xab: {  	s26 =	simm.s32 $execute0_lowered;
	[smem:$0x3FD2] =	sst s25  }
0xac: {  	s6 =	sshll.u32 s26, $0x1;
	_ =	strace $0x80000052;
	[dreg:$0x1] =	wrdreg $0xFFFFFFFF  }
0xad: {  	s28 =	simm.s32 $_size_execute0_lowered;
	s4 =	sadd.s32 s4, s6;
	[dreg:$0x0] =	wrdreg $0x0  }
0xae: {  	s6 =	sshll.u32 s28, $0x1;
	[dreg:$0x2] =	wrdreg s4  }
0xaf: {  	[dreg:$0x3] =	wrdreg s6  }
0xb0: {  	[dreg:$0x4] =	wrdreg $0xC0  }
0xb1: {  	_ =	task [dreg:s8], $0x5FFFF  }
0xb2: {  	[dreg:$0x1] =	wrdreg $0xFFFFFFFF  }
0xb3: {  	[dreg:$0x0] =	wrdreg $0x60  }
0xb4: {  	[dreg:$0x2] =	wrdreg s24  }
0xb5: {  	[dreg:$0x3] =	wrdreg s17  }
0xb6: {  	[dreg:$0x4] =	wrdreg s16  }
0xb7: {  	[dreg:$0x5] =	wrdreg $0x90000  }
0xb8: {  	[dreg:$0x6] =	wrdreg $0x9  }
0xb9: {  	_ =	task.clear_ibuf [dreg:s8], $0x7FFFF;
	_ =	strace $0x90000052  }
0xba: {  	s29 =	simm.s32 $0x9;
	_ =	strace $0x80000054  }
0xbb: {  	_ =	swait.ge [sflag:s29], $0x1  }
0xbc: {  	[sflag:s29] =	ssyncadd.s32 $0xFFFFFFFF  }
0xbd: {  	_ =	strace $0x90000054  }
0xbe: {  	_ =	sfence  }
0xbf: {  	s30 =	sld [smem:$0x0];
	_ =	sdelay $0x2  }
0xc0: {  	s31 =	sshll.u32 s1, $0xD;
	s1 =	sshrl.u32 s1, $0x2  }
0xc1: {  	s3 =	sand.u32 $0x4000, s31;
	s1 =	sadd.s32 s1, s30  }
0xc2: {  	s0 =	sor.u32 s3, s0;
	s1 =	sshll.u32 s1, $0x11  }
0xc3: {  	s0 =	sor.u32 s1, s0  }
0xc4: {  	s0 =	sadd.s32 $0x8F2B, s0  }
0xc5: {  	[sflag:s0] =	ssyncadd.remote.s32 $0x1  }
0xc6: {  	_ =	sfence.sel $0xFFFF  }
0xc7: {  	[dreg:$0x0] =	wrdreg $0xFFFFFFFF;
	(pc) =	sbr.abs _section_cstart, $3  }
0xc8: {  	[dreg:$0x1] =	wrdreg $0xFFFFFFFF  }
0xc9: {  	_ =	task.clear_ibuf [dreg:s8], $0x2FFFF;
	_ =	strace $0x9FFFFFFF  }
0xca: {  	(tm) =	ssettm $0x7FFFFFFF  }
0xcb: {  	_ =	shalt  }
tec
execute0_lowered:
.L_overlay_start_1:
0x0: {  	(tag) =	ssettag $0x1  }
0x1: {  	s5 =	rddreg [dreg:$0x0]  }
0x2: {  	s6 =	rddreg [dreg:$0x1]  }
0x3: {  	s7 =	rddreg [dreg:$0x2]  }
0x4: {  	s1 =	rddreg [dreg:$0x3];
	s2 =	srdreg.scid  }
0x5: {  	s0 =	rddreg [dreg:$0x4];
	s8 =	sand.u32 $0x1, s2  }
0x6: {  	s2 =	stileid.u32;
	s9 =	smul.u32 $0x2800, s8  }
0x7: {  	s3 =	simm.s32 $0x0;
	s15 =	simm.s32 $0x5000;
	s10 =	smul.u32 $0x280, s2  }
0x8: {  	s16 =	simm.s32 $0x1;
	s17 =	simm.s32 $0x0;
	s11 =	smul.u32 $0x2800, s2  }
0x9: {  	[smem:$0x7FF] =	sst s3;
	s26 =	ssub.s32 $0x2, s8;
	s8 =	smul.u32 $0x28000, s8  }
0xa: {  	s4 =	sadd.s32 $0x10000, s5;
	_ =	strace $0x80000053;
	s13 =	smul.u32 $0x50000, s2  }
0xb: {  	s31 =	sshll.u32 s2, $0x6;
	s12 =	sshrl.u32 s26, $0x1;
	s9 =	sadd.s32 s10, s9  }
0xc: {  	s10 =	ssub.s32 s26, s12;
	s28 =	sadd.s32 s11, s8;
	s29 =	sshrl.u32 s11, $0x3  }
0xd: {  	s30 =	sshrl.u32 s13, $0x2;
	s11 =	simm.s32 $0x2800;
	s9 =	sshll.u32 s9, $0x4  }
0xe: {  	s13 =	sadd.s32 s30, s1;
	s14 =	sadd.s32 s9, s5;
	s5 =	sshrl.u32 s28, $0x3  }
0xf: {  	s12 =	sor.u32 $0x1C02, s31;
	s13 =	sshrl.u32 s13, $0x3;
	s5 =	sadd.s32 s6, s5  }
0x10: {  	s6 =	sadd.s32 s7, s29;
	s7 =	sadd.s32 s4, s9;
	s8 =	sadd.s32 $0x60000, s14  }
0x11: {  	s9 =	smax.u32 s10, $0x1;
	s10 =	simm.s32 $0x2;
	s14 =	simm.s32 $0x80  }
.LBB2_1:
0x12: {  	[tilespmem:s3], [sflag:$0x2] =	stream.linear.gather [hbm4b:s5+s3], $0x2800, $0x38;
	[tilespmem:$0x1D000] =	vst v63  }
0x13: {  	_ =	swait.ge [sflag:s10], $0x2800  }
0x14: {  	[sflag:s10] =	ssyncset.done $0x0  }
0x15: {  	[sflag:s10] =	ssyncadd.s32 $0xFFFFD800  }
0x16: {  	[tilespmem:s11], [sflag:$0x2] =	stream.linear.gather [hbm4b:s6+s3], $0x2800, $0x38;
	[tilespmem:$0x1D000] =	vst v63  }
0x17: {  	_ =	swait.ge [sflag:s10], $0x2800  }
0x18: {  	[sflag:s10] =	ssyncset.done $0x0  }
0x19: {  	[sflag:s10] =	ssyncadd.s32 $0xFFFFD800  }
0x1a: {  	[spmem:s13], [sflag:s12] =	dma.local [hbm:s7], $0x2800  }
0x1b: {  	_ =	swait.ge [sflag:s10], $0x2800  }
0x1c: {  	[sflag:s10] =	ssyncset.done $0x0  }
0x1d: {  	[sflag:s10] =	ssyncadd.s32 $0xFFFFD800  }
0x1e: {  	s18 =	simm.s32 $0x0;
	[bflag:$0x0] =	sbarrier.arrive $0xFFFF  }
0x1f: {  	[tilespmem:s15], [sflag:$0x1] =	stream.indirect.gather [hbm4b:s4+s14], $0x80, s18, s14, $0xb8;
	[tilespmem:$0x1D000] =	vst v63  }
0x20: {  	_ =	swait.ge [sflag:s16], $0x4000  }
0x21: {  	[sflag:s16] =	ssyncset.done $0x0  }
0x22: {  	s31 =	simm.s32 $0x2800;
	[sflag:s16] =	ssyncadd.s32 $0xFFFFC000  }
0x23: {  	[spmem:s1] =	stream.indirect.scatter.add.f32 [tilespmem:s15], [sflag:$0x2], $0x80, s31, s14, $0xb8;
	[tilespmem:$0x1D000] =	vst v63  }
0x24: {  	_ =	swait.ge [sflag:s10], $0x4000  }
0x25: {  	s19 =	simm.s32 $0x400;
	s18 =	simm.s32 $0x200;
	[sflag:s10] =	ssyncset.done $0x0  }
.LBB2_2:
0x26: {  	s20 =	sshra.s32 s18, $0x2  }
0x27: {  	[sflag:s10] =	ssyncadd.s32 $0xFFFFC000;
	s18 =	smov.u32 s19;
	s21 =	sadd.s32 $0x200, s19  }
0x28: {  	[tilespmem:s15], [sflag:$0x1] =	stream.indirect.gather [hbm4b:s4+s14], $0x80, s20, s14, $0xb8;
	[tilespmem:$0x1D000] =	vst v63  }
0x29: {  	p0 =	sne.s32 s19, $0x9E00;
	_ =	swait.ge [sflag:s16], $0x4000  }
.Ltmp0:
0x2a: {  	[sflag:s16] =	ssyncset.done $0x0;
	(pc) =	sbr.rel @p0 .LBB2_2-.Ltmp0, $4  }
0x2b: {  	s19 =	sadd.s32 $0x2800, s20;
	[sflag:s16] =	ssyncadd.s32 $0xFFFFC000  }
0x2c: {  	[spmem:s1] =	stream.indirect.scatter.add.f32 [tilespmem:s15], [sflag:$0x2], $0x80, s19, s14, $0xb8;
	[tilespmem:$0x1D000] =	vst v63  }
0x2d: {  	_ =	swait.ge [sflag:s10], $0x4000  }
0x2e: {  	s19 =	smov.u32 s21;
	[sflag:s10] =	ssyncset.done $0x0  }
0x2f: {  	s18 =	sshra.s32 s18, $0x2;
	[sflag:s10] =	ssyncadd.s32 $0xFFFFC000  }
0x30: {  	[tilespmem:s15], [sflag:$0x1] =	stream.indirect.gather [hbm4b:s4+s14], $0x80, s18, s14, $0xb8;
	[tilespmem:$0x1D000] =	vst v63  }
0x31: {  	_ =	swait.ge [sflag:s16], $0x4000  }
0x32: {  	[sflag:s16] =	ssyncset.done $0x0  }
0x33: {  	s18 =	sadd.s32 $0x2800, s18;
	[sflag:s16] =	ssyncadd.s32 $0xFFFFC000  }
0x34: {  	[spmem:s1] =	stream.indirect.scatter.add.f32 [tilespmem:s15], [sflag:$0x2], $0x80, s18, s14, $0xb8;
	[tilespmem:$0x1D000] =	vst v63  }
0x35: {  	_ =	swait.ge [sflag:s10], $0x4000  }
0x36: {  	s17 =	sadd.s32 $0x1, s17;
	[sflag:s10] =	ssyncset.done $0x0  }
0x37: {  	p0 =	sne.s32 s17, s9;
	[sflag:s10] =	ssyncadd.s32 $0xFFFFC000  }
.Ltmp1:
0x38: {  	[bflag:$0x0] =	sbarrier.arrive $0xFFFF;
	(pc) =	sbr.rel @p0 .LBB2_1-.Ltmp1, $4  }
0x39: {  	[hbm:s8], [sflag:s12] =	dma.local [spmem:s13], $0x2800  }
0x3a: {  	_ =	swait.ge [sflag:s10], $0x2800  }
0x3b: {  	[sflag:s10] =	ssyncset.done $0x0  }
0x3c: {  	[sflag:s10] =	ssyncadd.s32 $0xFFFFD800  }
0x3d: {  	_ =	sfence.sel $0x180000  }
0x3e: {  	[bflag:$0x0] =	sbarrier.arrive $0xFFFF  }
0x3f: {  	p0 =	sne.s32 s2, $0x0;
	_ =	strace $0x90000053  }
0x40: {  	s0 =	sadd.s32 @!p0 $0x100000, s0;
	[bflag:$0x2] =	sbarrier.arrive $0xFFFF  }
0x41: {  	[sflag:s0] =	ssyncadd.tile.s32 @!p0 $0x1;
	_ =	shalt  }
.Lfunc_end2:
_tile_overlayer_lowered:
.L_overlay_start_2:
0x42: {  	(tag) =	ssettag $0x2  }
0x43: {  	s0 =	rddreg [dreg:$0x0];
	s2 =	stileid.u32  }
0x44: {  	s1 =	rddreg [dreg:$0x1];
	p0 =	sne.s32 s2, $0x0  }
0x45: {  	s3 =	rddreg [dreg:$0x2];
	[bflag:$0x3] =	sbarrier.arrive $0xFFFF;
	s2 =	simm.s32 @!p0 $0x1C02  }
0x46: {  	[timem:s3], [sflag:s2] =	dma.local @!p0 [hbm:s0], s1  }
0x47: {  	s0 =	simm.s32 @!p0 $0x2  }
0x48: {  	_ =	swait.ge @!p0 [sflag:s0], s1  }
0x49: {  	s1 =	ssub.s32 @!p0 $0x0, s1;
	[sflag:s0] =	ssyncset.done @!p0 $0x0  }
0x4a: {  	[sflag:s0] =	ssyncadd.s32 @!p0 s1  }
0x4b: {  	[bflag:$0x3] =	sbarrier.arrive $0xFFFF  }
0x4c: {  	_ =	shalt  }

// kernel: kernel.32.cloned.1.call-start
scs
__scs_entry_jumppad:
0x0: {  	(pc) =	sbr.rel $0x88, $3  }
0x1: {  	(tag) =	ssettag $0x0;
	lr =	simm.s32 $0x1  }
0x2: {  	[smem:$0x3F97] =	sst lr;
	_ =	strace $0xD0000000  }
0x3: {  	_ = 	snop  }
0x4: {  	_ = 	snop  }
0x5: {  	_ = 	snop  }
0x6: {  	_ = 	snop  }
0x7: {  	_ = 	snop  }
__scs_overlays_trampoline_lowered:
0x8: {  	[smem:$0x3FA6] =	sst s0  }
0x9: {  	[smem:$0x3FA7] =	sst s1  }
0xa: {  	[smem:$0x3FA8] =	sst s2  }
0xb: {  	[smem:$0x3FA9] =	sst s3  }
0xc: {  	[smem:$0x3FAA] =	sst s4  }
0xd: {  	[smem:$0x3FAB] =	sst s5  }
0xe: {  	[smem:$0x3FAC] =	sst s6  }
0xf: {  	[smem:$0x3FAD] =	sst s7  }
0x10: {  	[smem:$0x3FAE] =	sst s8  }
0x11: {  	[smem:$0x3FAF] =	sst s9;
	s0 =	simm.s32 @!p0 $0x0  }
0x12: {  	s1 =	sld [smem:$0x3F95];
	s0 =	simm.s32 @p0 $0x1  }
0x13: {  	[smem:$0x3FB0] =	sst s0;
	s0 =	simm.s32 @!p1 $0x0  }
0x14: {  	s2 =	sld [smem:$0x3F94];
	s0 =	simm.s32 @p1 $0x1  }
0x15: {  	[smem:$0x3FB1] =	sst s0;
	s0 =	simm.s32 @!p2 $0x0  }
0x16: {  	s3 =	sld [smem:$0x3FDB];
	s0 =	simm.s32 @p2 $0x1  }
0x17: {  	s4 =	simm.s32 $0x1BF5;
	[smem:$0x3FB3] =	sst s0  }
0x18: {  	s0 =	sld [smem:$0x3F96];
	_ =	swait.ge [sflag:s4], $0x0  }
0x19: {  	s7 =	sld [smem:$0x3F97]  }
0x1a: {  	s8 =	sadd.s32 $0xFFFFE003, lr  }
0x1b: {  	s9 =	sadd.s32 $0xFFFFFEF7, lr;
	s5 =	simm.s32 $0xFFFFFFFF;
	p2 =	slt.u32 s8, $0xFFFFF086  }
0x1c: {  	p1 =	slt.u32 s9, $0xF7A;
	s5 =	simm.s32 @!p2 $0x0  }
0x1d: {  	s5 =	simm.s32 @p1 $0x1;
	p0 =	seq.s32 s7, s2  }
0x1e: {  	s7 =	smul.u32 @!p0 $0xF7A, s2;
	p2 =	seq.s32 @!p0 s5, $0x0  }
0x1f: {  	s9 =	smul.u32 $0xF7A, s1;
	s8 =	simm.s32 @!p0 $0x1BF5;
	p2 =	por !p2, p0  }
0x20: {  	[sflag:s8] =	ssyncset.s32 @!p0 $0xFFFFF086;
	s6 =	sadd.s32 @!p0 s3, s7;
	s7 =	simm.s32 @!p0 $0x108  }
0x21: {  	s3 =	sadd.s32 s3, s9;
	s6 =	sadd.s32 @!p0 $0x88, s6;
	s7 =	simm.s32 @p2 $0x1082  }
0x22: {  	[simem:s7], [sflag:s8] =	dma.local @!p0 [hbm:s6], $0xF7A  }
0x23: {  	s9 =	sor.u32 $0xD0000000, s2;
	s6 =	simm.s32 $0x108;
	_ =	swait.ge @!p0 [sflag:s8], $0x0  }
0x24: {  	s3 =	sadd.s32 $0x88, s3;
	s6 =	simm.s32 @!p1 $0x1082;
	[sflag:s4] =	ssyncset.s32 $0xFFFFF086  }
0x25: {  	[simem:s6], [sflag:s4] =	dma.local [hbm:s3], $0xF7A  }
0x26: {  	[smem:$0x3F97] =	sst s1;
	(tag) =	ssettag s2;
	_ =	strace s9  }
0x27: {  	s1 =	sld [smem:$0x3FA7]  }
0x28: {  	s2 =	sld [smem:$0x3FA8]  }
0x29: {  	s4 =	sld [smem:$0x3FAA]  }
0x2a: {  	p0 =	seq.s32 s5, $0x0;
	s5 =	sld [smem:$0x3FAB]  }
0x2b: {  	s6 =	sld [smem:$0x3FAC]  }
0x2c: {  	s7 =	sld [smem:$0x3FAD]  }
0x2d: {  	s3 =	simm.s32 $0x108;
	s8 =	sld [smem:$0x3FAE]  }
0x2e: {  	s3 =	simm.s32 @!p0 $0x1082;
	s9 =	sld [smem:$0x3FAF]  }
0x2f: {  	lr =	sadd.s32 s0, s3;
	s0 =	sld [smem:$0x3FA6]  }
0x30: {  	s3 =	sld [smem:$0x3FA9]  }
0x31: {  	[smem:$0x3FB2] =	sst s10  }
0x32: {  	s10 =	sld [smem:$0x3FB0];
	_ =	sdelay $0x3  }
0x33: {  	p0 =	seq.s32 s10, $0x1;
	s10 =	sld [smem:$0x3FB2];
	_ =	sdelay $0x3  }
0x34: {  	[smem:$0x3FB2] =	sst s10  }
0x35: {  	s10 =	sld [smem:$0x3FB1];
	_ =	sdelay $0x3  }
0x36: {  	p1 =	seq.s32 s10, $0x1;
	s10 =	sld [smem:$0x3FB2];
	_ =	sdelay $0x3  }
0x37: {  	[smem:$0x3FB2] =	sst s10  }
0x38: {  	s10 =	sld [smem:$0x3FB3]  }
0x39: {  	_ = 	snop;
	(pc) =	sbr.ind lr, $3  }
0x3a: {  	_ = 	snop  }
0x3b: {  	_ = 	snop  }
0x3c: {  	p2 =	seq.s32 s10, $0x1;
	s10 =	sld [smem:$0x3FB2]  }
0x3d: {  	_ =	shalt  }
0x3e: {  	_ =	shalt  }
0x3f: {  	_ =	shalt  }
0x40: {  	_ =	shalt  }
0x41: {  	_ =	shalt  }
0x42: {  	_ =	shalt  }
0x43: {  	_ =	shalt  }
0x44: {  	_ =	shalt  }
0x45: {  	_ =	shalt  }
0x46: {  	_ =	shalt  }
0x47: {  	_ =	shalt  }
0x48: {  	_ =	shalt  }
0x49: {  	_ =	shalt  }
0x4a: {  	_ =	shalt  }
0x4b: {  	_ =	shalt  }
0x4c: {  	_ =	shalt  }
0x4d: {  	_ =	shalt  }
0x4e: {  	_ =	shalt  }
0x4f: {  	_ =	shalt  }
0x50: {  	_ =	shalt  }
0x51: {  	_ =	shalt  }
0x52: {  	_ =	shalt  }
0x53: {  	_ =	shalt  }
0x54: {  	_ =	shalt  }
0x55: {  	_ =	shalt  }
0x56: {  	_ =	shalt  }
0x57: {  	_ =	shalt  }
0x58: {  	_ =	shalt  }
0x59: {  	_ =	shalt  }
0x5a: {  	_ =	shalt  }
0x5b: {  	_ =	shalt  }
0x5c: {  	_ =	shalt  }
0x5d: {  	_ =	shalt  }
0x5e: {  	_ =	shalt  }
0x5f: {  	_ =	shalt  }
0x60: {  	_ =	shalt  }
0x61: {  	_ =	shalt  }
0x62: {  	_ =	shalt  }
0x63: {  	_ =	shalt  }
0x64: {  	_ =	shalt  }
0x65: {  	_ =	shalt  }
0x66: {  	_ =	shalt  }
0x67: {  	_ =	shalt  }
0x68: {  	_ =	shalt  }
0x69: {  	_ =	shalt  }
0x6a: {  	_ =	shalt  }
0x6b: {  	_ =	shalt  }
0x6c: {  	_ =	shalt  }
0x6d: {  	_ =	shalt  }
0x6e: {  	_ =	shalt  }
0x6f: {  	_ =	shalt  }
0x70: {  	_ =	shalt  }
0x71: {  	_ =	shalt  }
0x72: {  	_ =	shalt  }
0x73: {  	_ =	shalt  }
0x74: {  	_ =	shalt  }
0x75: {  	_ =	shalt  }
0x76: {  	_ =	shalt  }
0x77: {  	_ =	shalt  }
0x78: {  	_ =	shalt  }
0x79: {  	_ =	shalt  }
0x7a: {  	_ =	shalt  }
0x7b: {  	_ =	shalt  }
0x7c: {  	_ =	shalt  }
0x7d: {  	_ =	shalt  }
0x7e: {  	_ =	shalt  }
0x7f: {  	_ =	shalt  }
0x80: {  	_ =	shalt  }
0x81: {  	_ =	shalt  }
0x82: {  	_ =	shalt  }
0x83: {  	_ =	shalt  }
0x84: {  	_ =	shalt  }
0x85: {  	_ =	shalt  }
0x86: {  	_ =	shalt  }
0x87: {  	_ =	shalt  }
.Lfunc_end0:
.L_simem_size_0:
called_computation.5_lowered:
.L_overlay_start_0:
0x88: {  	s2 =	sld [smem:$0x3FD9]  }
0x89: {  	s3 =	sld [smem:$0x3FFE];
	_ =	sdelay $0x1  }
0x8a: {  	s1 =	srdreg.scid  }
0x8b: {  	s0 =	sand.u32 $0x1, s1  }
0x8c: {  	s14 =	sshll.u32 s0, $0xA;
	s2 =	sadd.s32 s3, s2  }
0x8d: {  	s2 =	sadd.s32 s2, s14  }
0x8e: {  	[smem:$0x3FBE] =	sst s2  }
0x8f: {  	_ = 	snop  }
0x90: {  	s2 =	sld [smem:$0x3FD0];
	_ =	sdelay $0x2  }
0x91: {  	s15 =	simm.s32 $0xA;
	s4 =	simm.s32 $0x10  }
0x92: {  	[smem:s4], [sflag:s15] =	dma.local [hbm:s2], $0x1  }
0x93: {  	_ =	swait.eq [sflag:s15], $0x1  }
0x94: {  	[sflag:s15] =	ssyncset.done $0x0  }
0x95: {  	s16 =	sld [smem:$0x10];
	[sflag:s15] =	ssyncadd.s32 $0xFFFFFFFF  }
0x96: {  	s17 =	sld [smem:$0x11];
	(tm) =	ssettm $0x1  }
0x97: {  	s18 =	sld [smem:$0x3FFB];
	_ =	sdelay $0x3  }
0x98: {  	_ =	strace s18  }
0x99: {  	s4 =	sld [smem:$0x3FFC];
	_ =	sdelay $0x3  }
0x9a: {  	_ =	strace s4  }
0x9b: {  	s4 =	sld [smem:$0x3FFD];
	_ =	sdelay $0x3  }
0x9c: {  	_ =	strace s4  }
0x9d: {  	_ =	strace $0x8FFFFFFF  }
0x9e: {  	s19 =	sld [smem:$0x3FDB];
	_ =	sdelay $0x1  }
0x9f: {  	s5 =	simm.s32 $_scs_section_size  }
0xa0: {  	s6 =	simm.s32 $_size__tile_overlayer_lowered;
	s7 =	simm.s32 $_tile_overlayer_lowered  }
0xa1: {  	s22 =	simm.s32 $0x1BFF;
	s21 =	sshll.u32 s7, $0x1;
	s4 =	sadd.s32 s5, s19  }
0xa2: {  	s8 =	simm.s32 $0x0;
	s20 =	sshll.u32 s6, $0x1;
	s6 =	sadd.s32 s21, s4  }
0xa3: {  	[timem:s8], [sflag:s22] =	dma.local [hbm:s6], s20  }
0xa4: {  	_ =	swait.ge [sflag:s22], s20  }
0xa5: {  	s5 =	ssub.s32 $0x0, s20;
	[sflag:s22] =	ssyncset.done $0x0  }
0xa6: {  	[sflag:s22] =	ssyncadd.s32 s5;
	_ =	sdelay $0x1  }
0xa7: {  	s23 =	simm.s32 $0x1B8B  }
0xa8: {  	_ =	swait.ge [sflag:s23], $0x1  }
0xa9: {  	[sflag:s23] =	ssyncset.done $0x0  }
0xaa: {  	s25 =	simm.s32 $0x1B8E;
	s24 =	sld [smem:$0x3FFE];
	[sflag:s23] =	ssyncadd.s32 $0xFFFFFFFF  }
0xab: {  	s26 =	simm.s32 $execute0_lowered;
	[smem:$0x3FD2] =	sst s25  }
0xac: {  	s6 =	sshll.u32 s26, $0x1;
	_ =	strace $0x80000055;
	[dreg:$0x1] =	wrdreg $0xFFFFFFFF  }
0xad: {  	s28 =	simm.s32 $_size_execute0_lowered;
	s4 =	sadd.s32 s4, s6;
	[dreg:$0x0] =	wrdreg $0x0  }
0xae: {  	s6 =	sshll.u32 s28, $0x1;
	[dreg:$0x2] =	wrdreg s4  }
0xaf: {  	[dreg:$0x3] =	wrdreg s6  }
0xb0: {  	[dreg:$0x4] =	wrdreg $0xC0  }
0xb1: {  	_ =	task [dreg:s8], $0x5FFFF  }
0xb2: {  	[dreg:$0x1] =	wrdreg $0xFFFFFFFF  }
0xb3: {  	[dreg:$0x0] =	wrdreg $0x60  }
0xb4: {  	[dreg:$0x2] =	wrdreg s24  }
0xb5: {  	[dreg:$0x3] =	wrdreg s17  }
0xb6: {  	[dreg:$0x4] =	wrdreg s16  }
0xb7: {  	[dreg:$0x5] =	wrdreg $0x90000  }
0xb8: {  	[dreg:$0x6] =	wrdreg $0x9  }
0xb9: {  	_ =	task.clear_ibuf [dreg:s8], $0x7FFFF;
	_ =	strace $0x90000055  }
0xba: {  	s29 =	simm.s32 $0x9;
	_ =	strace $0x80000057  }
0xbb: {  	_ =	swait.ge [sflag:s29], $0x1  }
0xbc: {  	[sflag:s29] =	ssyncadd.s32 $0xFFFFFFFF  }
0xbd: {  	_ =	strace $0x90000057  }
0xbe: {  	_ =	sfence  }
0xbf: {  	s30 =	sld [smem:$0x0];
	_ =	sdelay $0x2  }
0xc0: {  	s31 =	sshll.u32 s1, $0xD;
	s1 =	sshrl.u32 s1, $0x2  }
0xc1: {  	s3 =	sand.u32 $0x4000, s31;
	s1 =	sadd.s32 s1, s30  }
0xc2: {  	s0 =	sor.u32 s3, s0;
	s1 =	sshll.u32 s1, $0x11  }
0xc3: {  	s0 =	sor.u32 s1, s0  }
0xc4: {  	s0 =	sadd.s32 $0x8F2B, s0  }
0xc5: {  	[sflag:s0] =	ssyncadd.remote.s32 $0x1  }
0xc6: {  	_ =	sfence.sel $0xFFFF  }
0xc7: {  	[dreg:$0x0] =	wrdreg $0xFFFFFFFF;
	(pc) =	sbr.abs _section_cstart, $3  }
0xc8: {  	[dreg:$0x1] =	wrdreg $0xFFFFFFFF  }
0xc9: {  	_ =	task.clear_ibuf [dreg:s8], $0x2FFFF;
	_ =	strace $0x9FFFFFFF  }
0xca: {  	(tm) =	ssettm $0x7FFFFFFF  }
0xcb: {  	_ =	shalt  }
tec
execute0_lowered:
.L_overlay_start_1:
0x0: {  	(tag) =	ssettag $0x1  }
0x1: {  	s5 =	rddreg [dreg:$0x0]  }
0x2: {  	s6 =	rddreg [dreg:$0x1]  }
0x3: {  	s7 =	rddreg [dreg:$0x2]  }
0x4: {  	s1 =	rddreg [dreg:$0x3];
	s2 =	srdreg.scid  }
0x5: {  	s0 =	rddreg [dreg:$0x4];
	s8 =	sand.u32 $0x1, s2  }
0x6: {  	s2 =	stileid.u32;
	s9 =	smul.u32 $0x2800, s8  }
0x7: {  	s3 =	simm.s32 $0x0;
	s15 =	simm.s32 $0x5000;
	s10 =	smul.u32 $0x280, s2  }
0x8: {  	s16 =	simm.s32 $0x1;
	s17 =	simm.s32 $0x0;
	s11 =	smul.u32 $0x2800, s2  }
0x9: {  	[smem:$0x7FF] =	sst s3;
	s26 =	ssub.s32 $0x2, s8;
	s8 =	smul.u32 $0x28000, s8  }
0xa: {  	s4 =	sadd.s32 $0x10000, s5;
	_ =	strace $0x80000056;
	s13 =	smul.u32 $0x50000, s2  }
0xb: {  	s31 =	sshll.u32 s2, $0x6;
	s12 =	sshrl.u32 s26, $0x1;
	s9 =	sadd.s32 s10, s9  }
0xc: {  	s10 =	ssub.s32 s26, s12;
	s28 =	sadd.s32 s11, s8;
	s29 =	sshrl.u32 s11, $0x3  }
0xd: {  	s30 =	sshrl.u32 s13, $0x2;
	s11 =	simm.s32 $0x2800;
	s9 =	sshll.u32 s9, $0x4  }
0xe: {  	s13 =	sadd.s32 s30, s1;
	s14 =	sadd.s32 s9, s5;
	s5 =	sshrl.u32 s28, $0x3  }
0xf: {  	s12 =	sor.u32 $0x1C02, s31;
	s13 =	sshrl.u32 s13, $0x3;
	s5 =	sadd.s32 s6, s5  }
0x10: {  	s6 =	sadd.s32 s7, s29;
	s7 =	sadd.s32 s4, s9;
	s8 =	sadd.s32 $0x60000, s14  }
0x11: {  	s9 =	smax.u32 s10, $0x1;
	s10 =	simm.s32 $0x2;
	s14 =	simm.s32 $0x80  }
.LBB2_1:
0x12: {  	[tilespmem:s3], [sflag:$0x2] =	stream.linear.gather [hbm4b:s5+s3], $0x2800, $0x38;
	[tilespmem:$0x1D000] =	vst v63  }
0x13: {  	_ =	swait.ge [sflag:s10], $0x2800  }
0x14: {  	[sflag:s10] =	ssyncset.done $0x0  }
0x15: {  	[sflag:s10] =	ssyncadd.s32 $0xFFFFD800  }
0x16: {  	[tilespmem:s11], [sflag:$0x2] =	stream.linear.gather [hbm4b:s6+s3], $0x2800, $0x38;
	[tilespmem:$0x1D000] =	vst v63  }
0x17: {  	_ =	swait.ge [sflag:s10], $0x2800  }
0x18: {  	[sflag:s10] =	ssyncset.done $0x0  }
0x19: {  	[sflag:s10] =	ssyncadd.s32 $0xFFFFD800  }
0x1a: {  	[spmem:s13], [sflag:s12] =	dma.local [hbm:s7], $0x2800  }
0x1b: {  	_ =	swait.ge [sflag:s10], $0x2800  }
0x1c: {  	[sflag:s10] =	ssyncset.done $0x0  }
0x1d: {  	[sflag:s10] =	ssyncadd.s32 $0xFFFFD800  }
0x1e: {  	s18 =	simm.s32 $0x0;
	[bflag:$0x0] =	sbarrier.arrive $0xFFFF  }
0x1f: {  	[tilespmem:s15], [sflag:$0x1] =	stream.indirect.gather [hbm4b:s4+s14], $0x80, s18, s14, $0xb8;
	[tilespmem:$0x1D000] =	vst v63  }
0x20: {  	_ =	swait.ge [sflag:s16], $0x4000  }
0x21: {  	[sflag:s16] =	ssyncset.done $0x0  }
0x22: {  	s31 =	simm.s32 $0x2800;
	[sflag:s16] =	ssyncadd.s32 $0xFFFFC000  }
0x23: {  	[spmem:s1] =	stream.indirect.scatter.add.f32 [tilespmem:s15], [sflag:$0x2], $0x80, s31, s14, $0xb8;
	[tilespmem:$0x1D000] =	vst v63  }
0x24: {  	_ =	swait.ge [sflag:s10], $0x4000  }
0x25: {  	s19 =	simm.s32 $0x400;
	s18 =	simm.s32 $0x200;
	[sflag:s10] =	ssyncset.done $0x0  }
.LBB2_2:
0x26: {  	s20 =	sshra.s32 s18, $0x2  }
0x27: {  	[sflag:s10] =	ssyncadd.s32 $0xFFFFC000;
	s18 =	smov.u32 s19;
	s21 =	sadd.s32 $0x200, s19  }
0x28: {  	[tilespmem:s15], [sflag:$0x1] =	stream.indirect.gather [hbm4b:s4+s14], $0x80, s20, s14, $0xb8;
	[tilespmem:$0x1D000] =	vst v63  }
0x29: {  	p0 =	sne.s32 s19, $0x9E00;
	_ =	swait.ge [sflag:s16], $0x4000  }
.Ltmp0:
0x2a: {  	[sflag:s16] =	ssyncset.done $0x0;
	(pc) =	sbr.rel @p0 .LBB2_2-.Ltmp0, $4  }
0x2b: {  	s19 =	sadd.s32 $0x2800, s20;
	[sflag:s16] =	ssyncadd.s32 $0xFFFFC000  }
0x2c: {  	[spmem:s1] =	stream.indirect.scatter.add.f32 [tilespmem:s15], [sflag:$0x2], $0x80, s19, s14, $0xb8;
	[tilespmem:$0x1D000] =	vst v63  }
0x2d: {  	_ =	swait.ge [sflag:s10], $0x4000  }
0x2e: {  	s19 =	smov.u32 s21;
	[sflag:s10] =	ssyncset.done $0x0  }
0x2f: {  	s18 =	sshra.s32 s18, $0x2;
	[sflag:s10] =	ssyncadd.s32 $0xFFFFC000  }
0x30: {  	[tilespmem:s15], [sflag:$0x1] =	stream.indirect.gather [hbm4b:s4+s14], $0x80, s18, s14, $0xb8;
	[tilespmem:$0x1D000] =	vst v63  }
0x31: {  	_ =	swait.ge [sflag:s16], $0x4000  }
0x32: {  	[sflag:s16] =	ssyncset.done $0x0  }
0x33: {  	s18 =	sadd.s32 $0x2800, s18;
	[sflag:s16] =	ssyncadd.s32 $0xFFFFC000  }
0x34: {  	[spmem:s1] =	stream.indirect.scatter.add.f32 [tilespmem:s15], [sflag:$0x2], $0x80, s18, s14, $0xb8;
	[tilespmem:$0x1D000] =	vst v63  }
0x35: {  	_ =	swait.ge [sflag:s10], $0x4000  }
0x36: {  	s17 =	sadd.s32 $0x1, s17;
	[sflag:s10] =	ssyncset.done $0x0  }
0x37: {  	p0 =	sne.s32 s17, s9;
	[sflag:s10] =	ssyncadd.s32 $0xFFFFC000  }
.Ltmp1:
0x38: {  	[bflag:$0x0] =	sbarrier.arrive $0xFFFF;
	(pc) =	sbr.rel @p0 .LBB2_1-.Ltmp1, $4  }
0x39: {  	[hbm:s8], [sflag:s12] =	dma.local [spmem:s13], $0x2800  }
0x3a: {  	_ =	swait.ge [sflag:s10], $0x2800  }
0x3b: {  	[sflag:s10] =	ssyncset.done $0x0  }
0x3c: {  	[sflag:s10] =	ssyncadd.s32 $0xFFFFD800  }
0x3d: {  	_ =	sfence.sel $0x180000  }
0x3e: {  	[bflag:$0x0] =	sbarrier.arrive $0xFFFF  }
0x3f: {  	p0 =	sne.s32 s2, $0x0;
	_ =	strace $0x90000056  }
0x40: {  	s0 =	sadd.s32 @!p0 $0x100000, s0;
	[bflag:$0x2] =	sbarrier.arrive $0xFFFF  }
0x41: {  	[sflag:s0] =	ssyncadd.tile.s32 @!p0 $0x1;
	_ =	shalt  }
.Lfunc_end2:
_tile_overlayer_lowered:
.L_overlay_start_2:
0x42: {  	(tag) =	ssettag $0x2  }
0x43: {  	s0 =	rddreg [dreg:$0x0];
	s2 =	stileid.u32  }
0x44: {  	s1 =	rddreg [dreg:$0x1];
	p0 =	sne.s32 s2, $0x0  }
0x45: {  	s3 =	rddreg [dreg:$0x2];
	[bflag:$0x3] =	sbarrier.arrive $0xFFFF;
	s2 =	simm.s32 @!p0 $0x1C02  }
0x46: {  	[timem:s3], [sflag:s2] =	dma.local @!p0 [hbm:s0], s1  }
0x47: {  	s0 =	simm.s32 @!p0 $0x2  }
0x48: {  	_ =	swait.ge @!p0 [sflag:s0], s1  }
0x49: {  	s1 =	ssub.s32 @!p0 $0x0, s1;
	[sflag:s0] =	ssyncset.done @!p0 $0x0  }
0x4a: {  	[sflag:s0] =	ssyncadd.s32 @!p0 s1  }
0x4b: {  	[bflag:$0x3] =	sbarrier.arrive $0xFFFF  }
0x4c: {  	_ =	shalt  }

// kernel: kernel.35.cloned.1.call-start
scs
__scs_entry_jumppad:
0x0: {  	(pc) =	sbr.rel $0x88, $3  }
0x1: {  	(tag) =	ssettag $0x0;
	lr =	simm.s32 $0x1  }
0x2: {  	[smem:$0x3F97] =	sst lr;
	_ =	strace $0xD0000000  }
0x3: {  	_ = 	snop  }
0x4: {  	_ = 	snop  }
0x5: {  	_ = 	snop  }
0x6: {  	_ = 	snop  }
0x7: {  	_ = 	snop  }
__scs_overlays_trampoline_lowered:
0x8: {  	[smem:$0x3FA6] =	sst s0  }
0x9: {  	[smem:$0x3FA7] =	sst s1  }
0xa: {  	[smem:$0x3FA8] =	sst s2  }
0xb: {  	[smem:$0x3FA9] =	sst s3  }
0xc: {  	[smem:$0x3FAA] =	sst s4  }
0xd: {  	[smem:$0x3FAB] =	sst s5  }
0xe: {  	[smem:$0x3FAC] =	sst s6  }
0xf: {  	[smem:$0x3FAD] =	sst s7  }
0x10: {  	[smem:$0x3FAE] =	sst s8  }
0x11: {  	[smem:$0x3FAF] =	sst s9;
	s0 =	simm.s32 @!p0 $0x0  }
0x12: {  	s1 =	sld [smem:$0x3F95];
	s0 =	simm.s32 @p0 $0x1  }
0x13: {  	[smem:$0x3FB0] =	sst s0;
	s0 =	simm.s32 @!p1 $0x0  }
0x14: {  	s2 =	sld [smem:$0x3F94];
	s0 =	simm.s32 @p1 $0x1  }
0x15: {  	[smem:$0x3FB1] =	sst s0;
	s0 =	simm.s32 @!p2 $0x0  }
0x16: {  	s3 =	sld [smem:$0x3FDB];
	s0 =	simm.s32 @p2 $0x1  }
0x17: {  	s4 =	simm.s32 $0x1BF5;
	[smem:$0x3FB3] =	sst s0  }
0x18: {  	s0 =	sld [smem:$0x3F96];
	_ =	swait.ge [sflag:s4], $0x0  }
0x19: {  	s7 =	sld [smem:$0x3F97]  }
0x1a: {  	s8 =	sadd.s32 $0xFFFFE003, lr  }
0x1b: {  	s9 =	sadd.s32 $0xFFFFFEF7, lr;
	s5 =	simm.s32 $0xFFFFFFFF;
	p2 =	slt.u32 s8, $0xFFFFF086  }
0x1c: {  	p1 =	slt.u32 s9, $0xF7A;
	s5 =	simm.s32 @!p2 $0x0  }
0x1d: {  	s5 =	simm.s32 @p1 $0x1;
	p0 =	seq.s32 s7, s2  }
0x1e: {  	s7 =	smul.u32 @!p0 $0xF7A, s2;
	p2 =	seq.s32 @!p0 s5, $0x0  }
0x1f: {  	s9 =	smul.u32 $0xF7A, s1;
	s8 =	simm.s32 @!p0 $0x1BF5;
	p2 =	por !p2, p0  }
0x20: {  	[sflag:s8] =	ssyncset.s32 @!p0 $0xFFFFF086;
	s6 =	sadd.s32 @!p0 s3, s7;
	s7 =	simm.s32 @!p0 $0x108  }
0x21: {  	s3 =	sadd.s32 s3, s9;
	s6 =	sadd.s32 @!p0 $0x88, s6;
	s7 =	simm.s32 @p2 $0x1082  }
0x22: {  	[simem:s7], [sflag:s8] =	dma.local @!p0 [hbm:s6], $0xF7A  }
0x23: {  	s9 =	sor.u32 $0xD0000000, s2;
	s6 =	simm.s32 $0x108;
	_ =	swait.ge @!p0 [sflag:s8], $0x0  }
0x24: {  	s3 =	sadd.s32 $0x88, s3;
	s6 =	simm.s32 @!p1 $0x1082;
	[sflag:s4] =	ssyncset.s32 $0xFFFFF086  }
0x25: {  	[simem:s6], [sflag:s4] =	dma.local [hbm:s3], $0xF7A  }
0x26: {  	[smem:$0x3F97] =	sst s1;
	(tag) =	ssettag s2;
	_ =	strace s9  }
0x27: {  	s1 =	sld [smem:$0x3FA7]  }
0x28: {  	s2 =	sld [smem:$0x3FA8]  }
0x29: {  	s4 =	sld [smem:$0x3FAA]  }
0x2a: {  	p0 =	seq.s32 s5, $0x0;
	s5 =	sld [smem:$0x3FAB]  }
0x2b: {  	s6 =	sld [smem:$0x3FAC]  }
0x2c: {  	s7 =	sld [smem:$0x3FAD]  }
0x2d: {  	s3 =	simm.s32 $0x108;
	s8 =	sld [smem:$0x3FAE]  }
0x2e: {  	s3 =	simm.s32 @!p0 $0x1082;
	s9 =	sld [smem:$0x3FAF]  }
0x2f: {  	lr =	sadd.s32 s0, s3;
	s0 =	sld [smem:$0x3FA6]  }
0x30: {  	s3 =	sld [smem:$0x3FA9]  }
0x31: {  	[smem:$0x3FB2] =	sst s10  }
0x32: {  	s10 =	sld [smem:$0x3FB0];
	_ =	sdelay $0x3  }
0x33: {  	p0 =	seq.s32 s10, $0x1;
	s10 =	sld [smem:$0x3FB2];
	_ =	sdelay $0x3  }
0x34: {  	[smem:$0x3FB2] =	sst s10  }
0x35: {  	s10 =	sld [smem:$0x3FB1];
	_ =	sdelay $0x3  }
0x36: {  	p1 =	seq.s32 s10, $0x1;
	s10 =	sld [smem:$0x3FB2];
	_ =	sdelay $0x3  }
0x37: {  	[smem:$0x3FB2] =	sst s10  }
0x38: {  	s10 =	sld [smem:$0x3FB3]  }
0x39: {  	_ = 	snop;
	(pc) =	sbr.ind lr, $3  }
0x3a: {  	_ = 	snop  }
0x3b: {  	_ = 	snop  }
0x3c: {  	p2 =	seq.s32 s10, $0x1;
	s10 =	sld [smem:$0x3FB2]  }
0x3d: {  	_ =	shalt  }
0x3e: {  	_ =	shalt  }
0x3f: {  	_ =	shalt  }
0x40: {  	_ =	shalt  }
0x41: {  	_ =	shalt  }
0x42: {  	_ =	shalt  }
0x43: {  	_ =	shalt  }
0x44: {  	_ =	shalt  }
0x45: {  	_ =	shalt  }
0x46: {  	_ =	shalt  }
0x47: {  	_ =	shalt  }
0x48: {  	_ =	shalt  }
0x49: {  	_ =	shalt  }
0x4a: {  	_ =	shalt  }
0x4b: {  	_ =	shalt  }
0x4c: {  	_ =	shalt  }
0x4d: {  	_ =	shalt  }
0x4e: {  	_ =	shalt  }
0x4f: {  	_ =	shalt  }
0x50: {  	_ =	shalt  }
0x51: {  	_ =	shalt  }
0x52: {  	_ =	shalt  }
0x53: {  	_ =	shalt  }
0x54: {  	_ =	shalt  }
0x55: {  	_ =	shalt  }
0x56: {  	_ =	shalt  }
0x57: {  	_ =	shalt  }
0x58: {  	_ =	shalt  }
0x59: {  	_ =	shalt  }
0x5a: {  	_ =	shalt  }
0x5b: {  	_ =	shalt  }
0x5c: {  	_ =	shalt  }
0x5d: {  	_ =	shalt  }
0x5e: {  	_ =	shalt  }
0x5f: {  	_ =	shalt  }
0x60: {  	_ =	shalt  }
0x61: {  	_ =	shalt  }
0x62: {  	_ =	shalt  }
0x63: {  	_ =	shalt  }
0x64: {  	_ =	shalt  }
0x65: {  	_ =	shalt  }
0x66: {  	_ =	shalt  }
0x67: {  	_ =	shalt  }
0x68: {  	_ =	shalt  }
0x69: {  	_ =	shalt  }
0x6a: {  	_ =	shalt  }
0x6b: {  	_ =	shalt  }
0x6c: {  	_ =	shalt  }
0x6d: {  	_ =	shalt  }
0x6e: {  	_ =	shalt  }
0x6f: {  	_ =	shalt  }
0x70: {  	_ =	shalt  }
0x71: {  	_ =	shalt  }
0x72: {  	_ =	shalt  }
0x73: {  	_ =	shalt  }
0x74: {  	_ =	shalt  }
0x75: {  	_ =	shalt  }
0x76: {  	_ =	shalt  }
0x77: {  	_ =	shalt  }
0x78: {  	_ =	shalt  }
0x79: {  	_ =	shalt  }
0x7a: {  	_ =	shalt  }
0x7b: {  	_ =	shalt  }
0x7c: {  	_ =	shalt  }
0x7d: {  	_ =	shalt  }
0x7e: {  	_ =	shalt  }
0x7f: {  	_ =	shalt  }
0x80: {  	_ =	shalt  }
0x81: {  	_ =	shalt  }
0x82: {  	_ =	shalt  }
0x83: {  	_ =	shalt  }
0x84: {  	_ =	shalt  }
0x85: {  	_ =	shalt  }
0x86: {  	_ =	shalt  }
0x87: {  	_ =	shalt  }
.Lfunc_end0:
.L_simem_size_0:
called_computation.6_lowered:
.L_overlay_start_0:
0x88: {  	s2 =	sld [smem:$0x3FD9]  }
0x89: {  	s3 =	sld [smem:$0x3FFE];
	_ =	sdelay $0x1  }
0x8a: {  	s1 =	srdreg.scid  }
0x8b: {  	s0 =	sand.u32 $0x1, s1  }
0x8c: {  	s14 =	sshll.u32 s0, $0xA;
	s2 =	sadd.s32 s3, s2  }
0x8d: {  	s2 =	sadd.s32 s2, s14  }
0x8e: {  	[smem:$0x3FBE] =	sst s2  }
0x8f: {  	_ = 	snop  }
0x90: {  	s2 =	sld [smem:$0x3FD0];
	_ =	sdelay $0x2  }
0x91: {  	s15 =	simm.s32 $0xA;
	s4 =	simm.s32 $0x10  }
0x92: {  	[smem:s4], [sflag:s15] =	dma.local [hbm:s2], $0x1  }
0x93: {  	_ =	swait.eq [sflag:s15], $0x1  }
0x94: {  	[sflag:s15] =	ssyncset.done $0x0  }
0x95: {  	s16 =	sld [smem:$0x10];
	[sflag:s15] =	ssyncadd.s32 $0xFFFFFFFF  }
0x96: {  	s17 =	sld [smem:$0x11];
	(tm) =	ssettm $0x1  }
0x97: {  	s18 =	sld [smem:$0x3FFB];
	_ =	sdelay $0x3  }
0x98: {  	_ =	strace s18  }
0x99: {  	s4 =	sld [smem:$0x3FFC];
	_ =	sdelay $0x3  }
0x9a: {  	_ =	strace s4  }
0x9b: {  	s4 =	sld [smem:$0x3FFD];
	_ =	sdelay $0x3  }
0x9c: {  	_ =	strace s4  }
0x9d: {  	_ =	strace $0x8FFFFFFF  }
0x9e: {  	s19 =	sld [smem:$0x3FDB];
	_ =	sdelay $0x1  }
0x9f: {  	s5 =	simm.s32 $_scs_section_size  }
0xa0: {  	s6 =	simm.s32 $_size__tile_overlayer_lowered;
	s7 =	simm.s32 $_tile_overlayer_lowered  }
0xa1: {  	s22 =	simm.s32 $0x1BFF;
	s21 =	sshll.u32 s7, $0x1;
	s4 =	sadd.s32 s5, s19  }
0xa2: {  	s8 =	simm.s32 $0x0;
	s20 =	sshll.u32 s6, $0x1;
	s6 =	sadd.s32 s21, s4  }
0xa3: {  	[timem:s8], [sflag:s22] =	dma.local [hbm:s6], s20  }
0xa4: {  	_ =	swait.ge [sflag:s22], s20  }
0xa5: {  	s5 =	ssub.s32 $0x0, s20;
	[sflag:s22] =	ssyncset.done $0x0  }
0xa6: {  	[sflag:s22] =	ssyncadd.s32 s5;
	_ =	sdelay $0x1  }
0xa7: {  	s23 =	simm.s32 $0x1B8B  }
0xa8: {  	_ =	swait.ge [sflag:s23], $0x1  }
0xa9: {  	[sflag:s23] =	ssyncset.done $0x0  }
0xaa: {  	s25 =	simm.s32 $0x1B8E;
	s24 =	sld [smem:$0x3FFE];
	[sflag:s23] =	ssyncadd.s32 $0xFFFFFFFF  }
0xab: {  	s26 =	simm.s32 $execute0_lowered;
	[smem:$0x3FD2] =	sst s25  }
0xac: {  	s6 =	sshll.u32 s26, $0x1;
	_ =	strace $0x80000058;
	[dreg:$0x1] =	wrdreg $0xFFFFFFFF  }
0xad: {  	s28 =	simm.s32 $_size_execute0_lowered;
	s4 =	sadd.s32 s4, s6;
	[dreg:$0x0] =	wrdreg $0x0  }
0xae: {  	s6 =	sshll.u32 s28, $0x1;
	[dreg:$0x2] =	wrdreg s4  }
0xaf: {  	[dreg:$0x3] =	wrdreg s6  }
0xb0: {  	[dreg:$0x4] =	wrdreg $0xC0  }
0xb1: {  	_ =	task [dreg:s8], $0x5FFFF  }
0xb2: {  	[dreg:$0x1] =	wrdreg $0xFFFFFFFF  }
0xb3: {  	[dreg:$0x0] =	wrdreg $0x60  }
0xb4: {  	[dreg:$0x2] =	wrdreg s24  }
0xb5: {  	[dreg:$0x3] =	wrdreg s17  }
0xb6: {  	[dreg:$0x4] =	wrdreg s16  }
0xb7: {  	[dreg:$0x5] =	wrdreg $0x90000  }
0xb8: {  	[dreg:$0x6] =	wrdreg $0x9  }
0xb9: {  	_ =	task.clear_ibuf [dreg:s8], $0x7FFFF;
	_ =	strace $0x90000058  }
0xba: {  	s29 =	simm.s32 $0x9;
	_ =	strace $0x8000005A  }
0xbb: {  	_ =	swait.ge [sflag:s29], $0x1  }
0xbc: {  	[sflag:s29] =	ssyncadd.s32 $0xFFFFFFFF  }
0xbd: {  	_ =	strace $0x9000005A  }
0xbe: {  	_ =	sfence  }
0xbf: {  	s30 =	sld [smem:$0x0];
	_ =	sdelay $0x2  }
0xc0: {  	s31 =	sshll.u32 s1, $0xD;
	s1 =	sshrl.u32 s1, $0x2  }
0xc1: {  	s3 =	sand.u32 $0x4000, s31;
	s1 =	sadd.s32 s1, s30  }
0xc2: {  	s0 =	sor.u32 s3, s0;
	s1 =	sshll.u32 s1, $0x11  }
0xc3: {  	s0 =	sor.u32 s1, s0  }
0xc4: {  	s0 =	sadd.s32 $0x8F2B, s0  }
0xc5: {  	[sflag:s0] =	ssyncadd.remote.s32 $0x1  }
0xc6: {  	_ =	sfence.sel $0xFFFF  }
0xc7: {  	[dreg:$0x0] =	wrdreg $0xFFFFFFFF;
	(pc) =	sbr.abs _section_cstart, $3  }
0xc8: {  	[dreg:$0x1] =	wrdreg $0xFFFFFFFF  }
0xc9: {  	_ =	task.clear_ibuf [dreg:s8], $0x2FFFF;
	_ =	strace $0x9FFFFFFF  }
0xca: {  	(tm) =	ssettm $0x7FFFFFFF  }
0xcb: {  	_ =	shalt  }
tec
execute0_lowered:
.L_overlay_start_1:
0x0: {  	(tag) =	ssettag $0x1  }
0x1: {  	s5 =	rddreg [dreg:$0x0]  }
0x2: {  	s6 =	rddreg [dreg:$0x1]  }
0x3: {  	s7 =	rddreg [dreg:$0x2]  }
0x4: {  	s1 =	rddreg [dreg:$0x3];
	s2 =	srdreg.scid  }
0x5: {  	s0 =	rddreg [dreg:$0x4];
	s8 =	sand.u32 $0x1, s2  }
0x6: {  	s2 =	stileid.u32;
	s9 =	smul.u32 $0x2800, s8  }
0x7: {  	s3 =	simm.s32 $0x0;
	s15 =	simm.s32 $0x5000;
	s10 =	smul.u32 $0x280, s2  }
0x8: {  	s16 =	simm.s32 $0x1;
	s17 =	simm.s32 $0x0;
	s11 =	smul.u32 $0x2800, s2  }
0x9: {  	[smem:$0x7FF] =	sst s3;
	s26 =	ssub.s32 $0x2, s8;
	s8 =	smul.u32 $0x28000, s8  }
0xa: {  	s4 =	sadd.s32 $0x10000, s5;
	_ =	strace $0x80000059;
	s13 =	smul.u32 $0x50000, s2  }
0xb: {  	s31 =	sshll.u32 s2, $0x6;
	s12 =	sshrl.u32 s26, $0x1;
	s9 =	sadd.s32 s10, s9  }
0xc: {  	s10 =	ssub.s32 s26, s12;
	s28 =	sadd.s32 s11, s8;
	s29 =	sshrl.u32 s11, $0x3  }
0xd: {  	s30 =	sshrl.u32 s13, $0x2;
	s11 =	simm.s32 $0x2800;
	s9 =	sshll.u32 s9, $0x4  }
0xe: {  	s13 =	sadd.s32 s30, s1;
	s14 =	sadd.s32 s9, s5;
	s5 =	sshrl.u32 s28, $0x3  }
0xf: {  	s12 =	sor.u32 $0x1C02, s31;
	s13 =	sshrl.u32 s13, $0x3;
	s5 =	sadd.s32 s6, s5  }
0x10: {  	s6 =	sadd.s32 s7, s29;
	s7 =	sadd.s32 s4, s9;
	s8 =	sadd.s32 $0x60000, s14  }
0x11: {  	s9 =	smax.u32 s10, $0x1;
	s10 =	simm.s32 $0x2;
	s14 =	simm.s32 $0x80  }
.LBB2_1:
0x12: {  	[tilespmem:s3], [sflag:$0x2] =	stream.linear.gather [hbm4b:s5+s3], $0x2800, $0x38;
	[tilespmem:$0x1D000] =	vst v63  }
0x13: {  	_ =	swait.ge [sflag:s10], $0x2800  }
0x14: {  	[sflag:s10] =	ssyncset.done $0x0  }
0x15: {  	[sflag:s10] =	ssyncadd.s32 $0xFFFFD800  }
0x16: {  	[tilespmem:s11], [sflag:$0x2] =	stream.linear.gather [hbm4b:s6+s3], $0x2800, $0x38;
	[tilespmem:$0x1D000] =	vst v63  }
0x17: {  	_ =	swait.ge [sflag:s10], $0x2800  }
0x18: {  	[sflag:s10] =	ssyncset.done $0x0  }
0x19: {  	[sflag:s10] =	ssyncadd.s32 $0xFFFFD800  }
0x1a: {  	[spmem:s13], [sflag:s12] =	dma.local [hbm:s7], $0x2800  }
0x1b: {  	_ =	swait.ge [sflag:s10], $0x2800  }
0x1c: {  	[sflag:s10] =	ssyncset.done $0x0  }
0x1d: {  	[sflag:s10] =	ssyncadd.s32 $0xFFFFD800  }
0x1e: {  	s18 =	simm.s32 $0x0;
	[bflag:$0x0] =	sbarrier.arrive $0xFFFF  }
0x1f: {  	[tilespmem:s15], [sflag:$0x1] =	stream.indirect.gather [hbm4b:s4+s14], $0x80, s18, s14, $0xb8;
	[tilespmem:$0x1D000] =	vst v63  }
0x20: {  	_ =	swait.ge [sflag:s16], $0x4000  }
0x21: {  	[sflag:s16] =	ssyncset.done $0x0  }
0x22: {  	s31 =	simm.s32 $0x2800;
	[sflag:s16] =	ssyncadd.s32 $0xFFFFC000  }
0x23: {  	[spmem:s1] =	stream.indirect.scatter.add.f32 [tilespmem:s15], [sflag:$0x2], $0x80, s31, s14, $0xb8;
	[tilespmem:$0x1D000] =	vst v63  }
0x24: {  	_ =	swait.ge [sflag:s10], $0x4000  }
0x25: {  	s19 =	simm.s32 $0x400;
	s18 =	simm.s32 $0x200;
	[sflag:s10] =	ssyncset.done $0x0  }
.LBB2_2:
0x26: {  	s20 =	sshra.s32 s18, $0x2  }
0x27: {  	[sflag:s10] =	ssyncadd.s32 $0xFFFFC000;
	s18 =	smov.u32 s19;
	s21 =	sadd.s32 $0x200, s19  }
0x28: {  	[tilespmem:s15], [sflag:$0x1] =	stream.indirect.gather [hbm4b:s4+s14], $0x80, s20, s14, $0xb8;
	[tilespmem:$0x1D000] =	vst v63  }
0x29: {  	p0 =	sne.s32 s19, $0x9E00;
	_ =	swait.ge [sflag:s16], $0x4000  }
.Ltmp0:
0x2a: {  	[sflag:s16] =	ssyncset.done $0x0;
	(pc) =	sbr.rel @p0 .LBB2_2-.Ltmp0, $4  }
0x2b: {  	s19 =	sadd.s32 $0x2800, s20;
	[sflag:s16] =	ssyncadd.s32 $0xFFFFC000  }
0x2c: {  	[spmem:s1] =	stream.indirect.scatter.add.f32 [tilespmem:s15], [sflag:$0x2], $0x80, s19, s14, $0xb8;
	[tilespmem:$0x1D000] =	vst v63  }
0x2d: {  	_ =	swait.ge [sflag:s10], $0x4000  }
0x2e: {  	s19 =	smov.u32 s21;
	[sflag:s10] =	ssyncset.done $0x0  }
0x2f: {  	s18 =	sshra.s32 s18, $0x2;
	[sflag:s10] =	ssyncadd.s32 $0xFFFFC000  }
0x30: {  	[tilespmem:s15], [sflag:$0x1] =	stream.indirect.gather [hbm4b:s4+s14], $0x80, s18, s14, $0xb8;
	[tilespmem:$0x1D000] =	vst v63  }
0x31: {  	_ =	swait.ge [sflag:s16], $0x4000  }
0x32: {  	[sflag:s16] =	ssyncset.done $0x0  }
0x33: {  	s18 =	sadd.s32 $0x2800, s18;
	[sflag:s16] =	ssyncadd.s32 $0xFFFFC000  }
0x34: {  	[spmem:s1] =	stream.indirect.scatter.add.f32 [tilespmem:s15], [sflag:$0x2], $0x80, s18, s14, $0xb8;
	[tilespmem:$0x1D000] =	vst v63  }
0x35: {  	_ =	swait.ge [sflag:s10], $0x4000  }
0x36: {  	s17 =	sadd.s32 $0x1, s17;
	[sflag:s10] =	ssyncset.done $0x0  }
0x37: {  	p0 =	sne.s32 s17, s9;
	[sflag:s10] =	ssyncadd.s32 $0xFFFFC000  }
.Ltmp1:
0x38: {  	[bflag:$0x0] =	sbarrier.arrive $0xFFFF;
	(pc) =	sbr.rel @p0 .LBB2_1-.Ltmp1, $4  }
0x39: {  	[hbm:s8], [sflag:s12] =	dma.local [spmem:s13], $0x2800  }
0x3a: {  	_ =	swait.ge [sflag:s10], $0x2800  }
0x3b: {  	[sflag:s10] =	ssyncset.done $0x0  }
0x3c: {  	[sflag:s10] =	ssyncadd.s32 $0xFFFFD800  }
0x3d: {  	_ =	sfence.sel $0x180000  }
0x3e: {  	[bflag:$0x0] =	sbarrier.arrive $0xFFFF  }
0x3f: {  	p0 =	sne.s32 s2, $0x0;
	_ =	strace $0x90000059  }
0x40: {  	s0 =	sadd.s32 @!p0 $0x100000, s0;
	[bflag:$0x2] =	sbarrier.arrive $0xFFFF  }
0x41: {  	[sflag:s0] =	ssyncadd.tile.s32 @!p0 $0x1;
	_ =	shalt  }
.Lfunc_end2:
_tile_overlayer_lowered:
.L_overlay_start_2:
0x42: {  	(tag) =	ssettag $0x2  }
0x43: {  	s0 =	rddreg [dreg:$0x0];
	s2 =	stileid.u32  }
0x44: {  	s1 =	rddreg [dreg:$0x1];
	p0 =	sne.s32 s2, $0x0  }
0x45: {  	s3 =	rddreg [dreg:$0x2];
	[bflag:$0x3] =	sbarrier.arrive $0xFFFF;
	s2 =	simm.s32 @!p0 $0x1C02  }
0x46: {  	[timem:s3], [sflag:s2] =	dma.local @!p0 [hbm:s0], s1  }
0x47: {  	s0 =	simm.s32 @!p0 $0x2  }
0x48: {  	_ =	swait.ge @!p0 [sflag:s0], s1  }
0x49: {  	s1 =	ssub.s32 @!p0 $0x0, s1;
	[sflag:s0] =	ssyncset.done @!p0 $0x0  }
0x4a: {  	[sflag:s0] =	ssyncadd.s32 @!p0 s1  }
0x4b: {  	[bflag:$0x3] =	sbarrier.arrive $0xFFFF  }
0x4c: {  	_ =	shalt  }

// kernel: kernel.38.cloned.1.call-start
scs
__scs_entry_jumppad:
0x0: {  	(pc) =	sbr.rel $0x88, $3  }
0x1: {  	(tag) =	ssettag $0x0;
	lr =	simm.s32 $0x1  }
0x2: {  	[smem:$0x3F97] =	sst lr;
	_ =	strace $0xD0000000  }
0x3: {  	_ = 	snop  }
0x4: {  	_ = 	snop  }
0x5: {  	_ = 	snop  }
0x6: {  	_ = 	snop  }
0x7: {  	_ = 	snop  }
__scs_overlays_trampoline_lowered:
0x8: {  	[smem:$0x3FA6] =	sst s0  }
0x9: {  	[smem:$0x3FA7] =	sst s1  }
0xa: {  	[smem:$0x3FA8] =	sst s2  }
0xb: {  	[smem:$0x3FA9] =	sst s3  }
0xc: {  	[smem:$0x3FAA] =	sst s4  }
0xd: {  	[smem:$0x3FAB] =	sst s5  }
0xe: {  	[smem:$0x3FAC] =	sst s6  }
0xf: {  	[smem:$0x3FAD] =	sst s7  }
0x10: {  	[smem:$0x3FAE] =	sst s8  }
0x11: {  	[smem:$0x3FAF] =	sst s9;
	s0 =	simm.s32 @!p0 $0x0  }
0x12: {  	s1 =	sld [smem:$0x3F95];
	s0 =	simm.s32 @p0 $0x1  }
0x13: {  	[smem:$0x3FB0] =	sst s0;
	s0 =	simm.s32 @!p1 $0x0  }
0x14: {  	s2 =	sld [smem:$0x3F94];
	s0 =	simm.s32 @p1 $0x1  }
0x15: {  	[smem:$0x3FB1] =	sst s0;
	s0 =	simm.s32 @!p2 $0x0  }
0x16: {  	s3 =	sld [smem:$0x3FDB];
	s0 =	simm.s32 @p2 $0x1  }
0x17: {  	s4 =	simm.s32 $0x1BF5;
	[smem:$0x3FB3] =	sst s0  }
0x18: {  	s0 =	sld [smem:$0x3F96];
	_ =	swait.ge [sflag:s4], $0x0  }
0x19: {  	s7 =	sld [smem:$0x3F97]  }
0x1a: {  	s8 =	sadd.s32 $0xFFFFE003, lr  }
0x1b: {  	s9 =	sadd.s32 $0xFFFFFEF7, lr;
	s5 =	simm.s32 $0xFFFFFFFF;
	p2 =	slt.u32 s8, $0xFFFFF086  }
0x1c: {  	p1 =	slt.u32 s9, $0xF7A;
	s5 =	simm.s32 @!p2 $0x0  }
0x1d: {  	s5 =	simm.s32 @p1 $0x1;
	p0 =	seq.s32 s7, s2  }
0x1e: {  	s7 =	smul.u32 @!p0 $0xF7A, s2;
	p2 =	seq.s32 @!p0 s5, $0x0  }
0x1f: {  	s9 =	smul.u32 $0xF7A, s1;
	s8 =	simm.s32 @!p0 $0x1BF5;
	p2 =	por !p2, p0  }
0x20: {  	[sflag:s8] =	ssyncset.s32 @!p0 $0xFFFFF086;
	s6 =	sadd.s32 @!p0 s3, s7;
	s7 =	simm.s32 @!p0 $0x108  }
0x21: {  	s3 =	sadd.s32 s3, s9;
	s6 =	sadd.s32 @!p0 $0x88, s6;
	s7 =	simm.s32 @p2 $0x1082  }
0x22: {  	[simem:s7], [sflag:s8] =	dma.local @!p0 [hbm:s6], $0xF7A  }
0x23: {  	s9 =	sor.u32 $0xD0000000, s2;
	s6 =	simm.s32 $0x108;
	_ =	swait.ge @!p0 [sflag:s8], $0x0  }
0x24: {  	s3 =	sadd.s32 $0x88, s3;
	s6 =	simm.s32 @!p1 $0x1082;
	[sflag:s4] =	ssyncset.s32 $0xFFFFF086  }
0x25: {  	[simem:s6], [sflag:s4] =	dma.local [hbm:s3], $0xF7A  }
0x26: {  	[smem:$0x3F97] =	sst s1;
	(tag) =	ssettag s2;
	_ =	strace s9  }
0x27: {  	s1 =	sld [smem:$0x3FA7]  }
0x28: {  	s2 =	sld [smem:$0x3FA8]  }
0x29: {  	s4 =	sld [smem:$0x3FAA]  }
0x2a: {  	p0 =	seq.s32 s5, $0x0;
	s5 =	sld [smem:$0x3FAB]  }
0x2b: {  	s6 =	sld [smem:$0x3FAC]  }
0x2c: {  	s7 =	sld [smem:$0x3FAD]  }
0x2d: {  	s3 =	simm.s32 $0x108;
	s8 =	sld [smem:$0x3FAE]  }
0x2e: {  	s3 =	simm.s32 @!p0 $0x1082;
	s9 =	sld [smem:$0x3FAF]  }
0x2f: {  	lr =	sadd.s32 s0, s3;
	s0 =	sld [smem:$0x3FA6]  }
0x30: {  	s3 =	sld [smem:$0x3FA9]  }
0x31: {  	[smem:$0x3FB2] =	sst s10  }
0x32: {  	s10 =	sld [smem:$0x3FB0];
	_ =	sdelay $0x3  }
0x33: {  	p0 =	seq.s32 s10, $0x1;
	s10 =	sld [smem:$0x3FB2];
	_ =	sdelay $0x3  }
0x34: {  	[smem:$0x3FB2] =	sst s10  }
0x35: {  	s10 =	sld [smem:$0x3FB1];
	_ =	sdelay $0x3  }
0x36: {  	p1 =	seq.s32 s10, $0x1;
	s10 =	sld [smem:$0x3FB2];
	_ =	sdelay $0x3  }
0x37: {  	[smem:$0x3FB2] =	sst s10  }
0x38: {  	s10 =	sld [smem:$0x3FB3]  }
0x39: {  	_ = 	snop;
	(pc) =	sbr.ind lr, $3  }
0x3a: {  	_ = 	snop  }
0x3b: {  	_ = 	snop  }
0x3c: {  	p2 =	seq.s32 s10, $0x1;
	s10 =	sld [smem:$0x3FB2]  }
0x3d: {  	_ =	shalt  }
0x3e: {  	_ =	shalt  }
0x3f: {  	_ =	shalt  }
0x40: {  	_ =	shalt  }
0x41: {  	_ =	shalt  }
0x42: {  	_ =	shalt  }
0x43: {  	_ =	shalt  }
0x44: {  	_ =	shalt  }
0x45: {  	_ =	shalt  }
0x46: {  	_ =	shalt  }
0x47: {  	_ =	shalt  }
0x48: {  	_ =	shalt  }
0x49: {  	_ =	shalt  }
0x4a: {  	_ =	shalt  }
0x4b: {  	_ =	shalt  }
0x4c: {  	_ =	shalt  }
0x4d: {  	_ =	shalt  }
0x4e: {  	_ =	shalt  }
0x4f: {  	_ =	shalt  }
0x50: {  	_ =	shalt  }
0x51: {  	_ =	shalt  }
0x52: {  	_ =	shalt  }
0x53: {  	_ =	shalt  }
0x54: {  	_ =	shalt  }
0x55: {  	_ =	shalt  }
0x56: {  	_ =	shalt  }
0x57: {  	_ =	shalt  }
0x58: {  	_ =	shalt  }
0x59: {  	_ =	shalt  }
0x5a: {  	_ =	shalt  }
0x5b: {  	_ =	shalt  }
0x5c: {  	_ =	shalt  }
0x5d: {  	_ =	shalt  }
0x5e: {  	_ =	shalt  }
0x5f: {  	_ =	shalt  }
0x60: {  	_ =	shalt  }
0x61: {  	_ =	shalt  }
0x62: {  	_ =	shalt  }
0x63: {  	_ =	shalt  }
0x64: {  	_ =	shalt  }
0x65: {  	_ =	shalt  }
0x66: {  	_ =	shalt  }
0x67: {  	_ =	shalt  }
0x68: {  	_ =	shalt  }
0x69: {  	_ =	shalt  }
0x6a: {  	_ =	shalt  }
0x6b: {  	_ =	shalt  }
0x6c: {  	_ =	shalt  }
0x6d: {  	_ =	shalt  }
0x6e: {  	_ =	shalt  }
0x6f: {  	_ =	shalt  }
0x70: {  	_ =	shalt  }
0x71: {  	_ =	shalt  }
0x72: {  	_ =	shalt  }
0x73: {  	_ =	shalt  }
0x74: {  	_ =	shalt  }
0x75: {  	_ =	shalt  }
0x76: {  	_ =	shalt  }
0x77: {  	_ =	shalt  }
0x78: {  	_ =	shalt  }
0x79: {  	_ =	shalt  }
0x7a: {  	_ =	shalt  }
0x7b: {  	_ =	shalt  }
0x7c: {  	_ =	shalt  }
0x7d: {  	_ =	shalt  }
0x7e: {  	_ =	shalt  }
0x7f: {  	_ =	shalt  }
0x80: {  	_ =	shalt  }
0x81: {  	_ =	shalt  }
0x82: {  	_ =	shalt  }
0x83: {  	_ =	shalt  }
0x84: {  	_ =	shalt  }
0x85: {  	_ =	shalt  }
0x86: {  	_ =	shalt  }
0x87: {  	_ =	shalt  }
.Lfunc_end0:
.L_simem_size_0:
called_computation.7_lowered:
.L_overlay_start_0:
0x88: {  	s2 =	sld [smem:$0x3FD9]  }
0x89: {  	s3 =	sld [smem:$0x3FFE];
	_ =	sdelay $0x1  }
0x8a: {  	s1 =	srdreg.scid  }
0x8b: {  	s0 =	sand.u32 $0x1, s1  }
0x8c: {  	s14 =	sshll.u32 s0, $0xA;
	s2 =	sadd.s32 s3, s2  }
0x8d: {  	s2 =	sadd.s32 s2, s14  }
0x8e: {  	[smem:$0x3FBE] =	sst s2  }
0x8f: {  	_ = 	snop  }
0x90: {  	s2 =	sld [smem:$0x3FD0];
	_ =	sdelay $0x2  }
0x91: {  	s15 =	simm.s32 $0xA;
	s4 =	simm.s32 $0x10  }
0x92: {  	[smem:s4], [sflag:s15] =	dma.local [hbm:s2], $0x1  }
0x93: {  	_ =	swait.eq [sflag:s15], $0x1  }
0x94: {  	[sflag:s15] =	ssyncset.done $0x0  }
0x95: {  	s16 =	sld [smem:$0x10];
	[sflag:s15] =	ssyncadd.s32 $0xFFFFFFFF  }
0x96: {  	s17 =	sld [smem:$0x11];
	(tm) =	ssettm $0x1  }
0x97: {  	s18 =	sld [smem:$0x3FFB];
	_ =	sdelay $0x3  }
0x98: {  	_ =	strace s18  }
0x99: {  	s4 =	sld [smem:$0x3FFC];
	_ =	sdelay $0x3  }
0x9a: {  	_ =	strace s4  }
0x9b: {  	s4 =	sld [smem:$0x3FFD];
	_ =	sdelay $0x3  }
0x9c: {  	_ =	strace s4  }
0x9d: {  	_ =	strace $0x8FFFFFFF  }
0x9e: {  	s19 =	sld [smem:$0x3FDB];
	_ =	sdelay $0x1  }
0x9f: {  	s5 =	simm.s32 $_scs_section_size  }
0xa0: {  	s6 =	simm.s32 $_size__tile_overlayer_lowered;
	s7 =	simm.s32 $_tile_overlayer_lowered  }
0xa1: {  	s22 =	simm.s32 $0x1BFF;
	s21 =	sshll.u32 s7, $0x1;
	s4 =	sadd.s32 s5, s19  }
0xa2: {  	s8 =	simm.s32 $0x0;
	s20 =	sshll.u32 s6, $0x1;
	s6 =	sadd.s32 s21, s4  }
0xa3: {  	[timem:s8], [sflag:s22] =	dma.local [hbm:s6], s20  }
0xa4: {  	_ =	swait.ge [sflag:s22], s20  }
0xa5: {  	s5 =	ssub.s32 $0x0, s20;
	[sflag:s22] =	ssyncset.done $0x0  }
0xa6: {  	[sflag:s22] =	ssyncadd.s32 s5;
	_ =	sdelay $0x1  }
0xa7: {  	s23 =	simm.s32 $0x1B8B  }
0xa8: {  	_ =	swait.ge [sflag:s23], $0x1  }
0xa9: {  	[sflag:s23] =	ssyncset.done $0x0  }
0xaa: {  	s25 =	simm.s32 $0x1B8E;
	s24 =	sld [smem:$0x3FFE];
	[sflag:s23] =	ssyncadd.s32 $0xFFFFFFFF  }
0xab: {  	s26 =	simm.s32 $execute0_lowered;
	[smem:$0x3FD2] =	sst s25  }
0xac: {  	s6 =	sshll.u32 s26, $0x1;
	_ =	strace $0x8000005B;
	[dreg:$0x1] =	wrdreg $0xFFFFFFFF  }
0xad: {  	s28 =	simm.s32 $_size_execute0_lowered;
	s4 =	sadd.s32 s4, s6;
	[dreg:$0x0] =	wrdreg $0x0  }
0xae: {  	s6 =	sshll.u32 s28, $0x1;
	[dreg:$0x2] =	wrdreg s4  }
0xaf: {  	[dreg:$0x3] =	wrdreg s6  }
0xb0: {  	[dreg:$0x4] =	wrdreg $0xC0  }
0xb1: {  	_ =	task [dreg:s8], $0x5FFFF  }
0xb2: {  	[dreg:$0x1] =	wrdreg $0xFFFFFFFF  }
0xb3: {  	[dreg:$0x0] =	wrdreg $0x60  }
0xb4: {  	[dreg:$0x2] =	wrdreg s24  }
0xb5: {  	[dreg:$0x3] =	wrdreg s17  }
0xb6: {  	[dreg:$0x4] =	wrdreg s16  }
0xb7: {  	[dreg:$0x5] =	wrdreg $0x90000  }
0xb8: {  	[dreg:$0x6] =	wrdreg $0x9  }
0xb9: {  	_ =	task.clear_ibuf [dreg:s8], $0x7FFFF;
	_ =	strace $0x9000005B  }
0xba: {  	s29 =	simm.s32 $0x9;
	_ =	strace $0x8000005D  }
0xbb: {  	_ =	swait.ge [sflag:s29], $0x1  }
0xbc: {  	[sflag:s29] =	ssyncadd.s32 $0xFFFFFFFF  }
0xbd: {  	_ =	strace $0x9000005D  }
0xbe: {  	_ =	sfence  }
0xbf: {  	s30 =	sld [smem:$0x0];
	_ =	sdelay $0x2  }
0xc0: {  	s31 =	sshll.u32 s1, $0xD;
	s1 =	sshrl.u32 s1, $0x2  }
0xc1: {  	s3 =	sand.u32 $0x4000, s31;
	s1 =	sadd.s32 s1, s30  }
0xc2: {  	s0 =	sor.u32 s3, s0;
	s1 =	sshll.u32 s1, $0x11  }
0xc3: {  	s0 =	sor.u32 s1, s0  }
0xc4: {  	s0 =	sadd.s32 $0x8F2B, s0  }
0xc5: {  	[sflag:s0] =	ssyncadd.remote.s32 $0x1  }
0xc6: {  	_ =	sfence.sel $0xFFFF  }
0xc7: {  	[dreg:$0x0] =	wrdreg $0xFFFFFFFF;
	(pc) =	sbr.abs _section_cstart, $3  }
0xc8: {  	[dreg:$0x1] =	wrdreg $0xFFFFFFFF  }
0xc9: {  	_ =	task.clear_ibuf [dreg:s8], $0x2FFFF;
	_ =	strace $0x9FFFFFFF  }
0xca: {  	(tm) =	ssettm $0x7FFFFFFF  }
0xcb: {  	_ =	shalt  }
tec
execute0_lowered:
.L_overlay_start_1:
0x0: {  	(tag) =	ssettag $0x1  }
0x1: {  	s5 =	rddreg [dreg:$0x0]  }
0x2: {  	s6 =	rddreg [dreg:$0x1]  }
0x3: {  	s7 =	rddreg [dreg:$0x2]  }
0x4: {  	s1 =	rddreg [dreg:$0x3];
	s2 =	srdreg.scid  }
0x5: {  	s0 =	rddreg [dreg:$0x4];
	s8 =	sand.u32 $0x1, s2  }
0x6: {  	s2 =	stileid.u32;
	s9 =	smul.u32 $0x2800, s8  }
0x7: {  	s3 =	simm.s32 $0x0;
	s15 =	simm.s32 $0x5000;
	s10 =	smul.u32 $0x280, s2  }
0x8: {  	s16 =	simm.s32 $0x1;
	s17 =	simm.s32 $0x0;
	s11 =	smul.u32 $0x2800, s2  }
0x9: {  	[smem:$0x7FF] =	sst s3;
	s26 =	ssub.s32 $0x2, s8;
	s8 =	smul.u32 $0x28000, s8  }
0xa: {  	s4 =	sadd.s32 $0x10000, s5;
	_ =	strace $0x8000005C;
	s13 =	smul.u32 $0x50000, s2  }
0xb: {  	s31 =	sshll.u32 s2, $0x6;
	s12 =	sshrl.u32 s26, $0x1;
	s9 =	sadd.s32 s10, s9  }
0xc: {  	s10 =	ssub.s32 s26, s12;
	s28 =	sadd.s32 s11, s8;
	s29 =	sshrl.u32 s11, $0x3  }
0xd: {  	s30 =	sshrl.u32 s13, $0x2;
	s11 =	simm.s32 $0x2800;
	s9 =	sshll.u32 s9, $0x4  }
0xe: {  	s13 =	sadd.s32 s30, s1;
	s14 =	sadd.s32 s9, s5;
	s5 =	sshrl.u32 s28, $0x3  }
0xf: {  	s12 =	sor.u32 $0x1C02, s31;
	s13 =	sshrl.u32 s13, $0x3;
	s5 =	sadd.s32 s6, s5  }
0x10: {  	s6 =	sadd.s32 s7, s29;
	s7 =	sadd.s32 s4, s9;
	s8 =	sadd.s32 $0x60000, s14  }
0x11: {  	s9 =	smax.u32 s10, $0x1;
	s10 =	simm.s32 $0x2;
	s14 =	simm.s32 $0x80  }
.LBB2_1:
0x12: {  	[tilespmem:s3], [sflag:$0x2] =	stream.linear.gather [hbm4b:s5+s3], $0x2800, $0x38;
	[tilespmem:$0x1D000] =	vst v63  }
0x13: {  	_ =	swait.ge [sflag:s10], $0x2800  }
0x14: {  	[sflag:s10] =	ssyncset.done $0x0  }
0x15: {  	[sflag:s10] =	ssyncadd.s32 $0xFFFFD800  }
0x16: {  	[tilespmem:s11], [sflag:$0x2] =	stream.linear.gather [hbm4b:s6+s3], $0x2800, $0x38;
	[tilespmem:$0x1D000] =	vst v63  }
0x17: {  	_ =	swait.ge [sflag:s10], $0x2800  }
0x18: {  	[sflag:s10] =	ssyncset.done $0x0  }
0x19: {  	[sflag:s10] =	ssyncadd.s32 $0xFFFFD800  }
0x1a: {  	[spmem:s13], [sflag:s12] =	dma.local [hbm:s7], $0x2800  }
0x1b: {  	_ =	swait.ge [sflag:s10], $0x2800  }
0x1c: {  	[sflag:s10] =	ssyncset.done $0x0  }
0x1d: {  	[sflag:s10] =	ssyncadd.s32 $0xFFFFD800  }
0x1e: {  	s18 =	simm.s32 $0x0;
	[bflag:$0x0] =	sbarrier.arrive $0xFFFF  }
0x1f: {  	[tilespmem:s15], [sflag:$0x1] =	stream.indirect.gather [hbm4b:s4+s14], $0x80, s18, s14, $0xb8;
	[tilespmem:$0x1D000] =	vst v63  }
0x20: {  	_ =	swait.ge [sflag:s16], $0x4000  }
0x21: {  	[sflag:s16] =	ssyncset.done $0x0  }
0x22: {  	s31 =	simm.s32 $0x2800;
	[sflag:s16] =	ssyncadd.s32 $0xFFFFC000  }
0x23: {  	[spmem:s1] =	stream.indirect.scatter.add.f32 [tilespmem:s15], [sflag:$0x2], $0x80, s31, s14, $0xb8;
	[tilespmem:$0x1D000] =	vst v63  }
0x24: {  	_ =	swait.ge [sflag:s10], $0x4000  }
0x25: {  	s19 =	simm.s32 $0x400;
	s18 =	simm.s32 $0x200;
	[sflag:s10] =	ssyncset.done $0x0  }
.LBB2_2:
0x26: {  	s20 =	sshra.s32 s18, $0x2  }
0x27: {  	[sflag:s10] =	ssyncadd.s32 $0xFFFFC000;
	s18 =	smov.u32 s19;
	s21 =	sadd.s32 $0x200, s19  }
0x28: {  	[tilespmem:s15], [sflag:$0x1] =	stream.indirect.gather [hbm4b:s4+s14], $0x80, s20, s14, $0xb8;
	[tilespmem:$0x1D000] =	vst v63  }
0x29: {  	p0 =	sne.s32 s19, $0x9E00;
	_ =	swait.ge [sflag:s16], $0x4000  }
.Ltmp0:
0x2a: {  	[sflag:s16] =	ssyncset.done $0x0;
	(pc) =	sbr.rel @p0 .LBB2_2-.Ltmp0, $4  }
0x2b: {  	s19 =	sadd.s32 $0x2800, s20;
	[sflag:s16] =	ssyncadd.s32 $0xFFFFC000  }
0x2c: {  	[spmem:s1] =	stream.indirect.scatter.add.f32 [tilespmem:s15], [sflag:$0x2], $0x80, s19, s14, $0xb8;
	[tilespmem:$0x1D000] =	vst v63  }
0x2d: {  	_ =	swait.ge [sflag:s10], $0x4000  }
0x2e: {  	s19 =	smov.u32 s21;
	[sflag:s10] =	ssyncset.done $0x0  }
0x2f: {  	s18 =	sshra.s32 s18, $0x2;
	[sflag:s10] =	ssyncadd.s32 $0xFFFFC000  }
0x30: {  	[tilespmem:s15], [sflag:$0x1] =	stream.indirect.gather [hbm4b:s4+s14], $0x80, s18, s14, $0xb8;
	[tilespmem:$0x1D000] =	vst v63  }
0x31: {  	_ =	swait.ge [sflag:s16], $0x4000  }
0x32: {  	[sflag:s16] =	ssyncset.done $0x0  }
0x33: {  	s18 =	sadd.s32 $0x2800, s18;
	[sflag:s16] =	ssyncadd.s32 $0xFFFFC000  }
0x34: {  	[spmem:s1] =	stream.indirect.scatter.add.f32 [tilespmem:s15], [sflag:$0x2], $0x80, s18, s14, $0xb8;
	[tilespmem:$0x1D000] =	vst v63  }
0x35: {  	_ =	swait.ge [sflag:s10], $0x4000  }
0x36: {  	s17 =	sadd.s32 $0x1, s17;
	[sflag:s10] =	ssyncset.done $0x0  }
0x37: {  	p0 =	sne.s32 s17, s9;
	[sflag:s10] =	ssyncadd.s32 $0xFFFFC000  }
.Ltmp1:
0x38: {  	[bflag:$0x0] =	sbarrier.arrive $0xFFFF;
	(pc) =	sbr.rel @p0 .LBB2_1-.Ltmp1, $4  }
0x39: {  	[hbm:s8], [sflag:s12] =	dma.local [spmem:s13], $0x2800  }
0x3a: {  	_ =	swait.ge [sflag:s10], $0x2800  }
0x3b: {  	[sflag:s10] =	ssyncset.done $0x0  }
0x3c: {  	[sflag:s10] =	ssyncadd.s32 $0xFFFFD800  }
0x3d: {  	_ =	sfence.sel $0x180000  }
0x3e: {  	[bflag:$0x0] =	sbarrier.arrive $0xFFFF  }
0x3f: {  	p0 =	sne.s32 s2, $0x0;
	_ =	strace $0x9000005C  }
0x40: {  	s0 =	sadd.s32 @!p0 $0x100000, s0;
	[bflag:$0x2] =	sbarrier.arrive $0xFFFF  }
0x41: {  	[sflag:s0] =	ssyncadd.tile.s32 @!p0 $0x1;
	_ =	shalt  }
.Lfunc_end2:
_tile_overlayer_lowered:
.L_overlay_start_2:
0x42: {  	(tag) =	ssettag $0x2  }
0x43: {  	s0 =	rddreg [dreg:$0x0];
	s2 =	stileid.u32  }
0x44: {  	s1 =	rddreg [dreg:$0x1];
	p0 =	sne.s32 s2, $0x0  }
0x45: {  	s3 =	rddreg [dreg:$0x2];
	[bflag:$0x3] =	sbarrier.arrive $0xFFFF;
	s2 =	simm.s32 @!p0 $0x1C02  }
0x46: {  	[timem:s3], [sflag:s2] =	dma.local @!p0 [hbm:s0], s1  }
0x47: {  	s0 =	simm.s32 @!p0 $0x2  }
0x48: {  	_ =	swait.ge @!p0 [sflag:s0], s1  }
0x49: {  	s1 =	ssub.s32 @!p0 $0x0, s1;
	[sflag:s0] =	ssyncset.done @!p0 $0x0  }
0x4a: {  	[sflag:s0] =	ssyncadd.s32 @!p0 s1  }
0x4b: {  	[bflag:$0x3] =	sbarrier.arrive $0xFFFF  }
0x4c: {  	_ =	shalt  }

// kernel: kernel.41.cloned.1.call-start
scs
__scs_entry_jumppad:
0x0: {  	(pc) =	sbr.rel $0x88, $3  }
0x1: {  	(tag) =	ssettag $0x0;
	lr =	simm.s32 $0x1  }
0x2: {  	[smem:$0x3F97] =	sst lr;
	_ =	strace $0xD0000000  }
0x3: {  	_ = 	snop  }
0x4: {  	_ = 	snop  }
0x5: {  	_ = 	snop  }
0x6: {  	_ = 	snop  }
0x7: {  	_ = 	snop  }
__scs_overlays_trampoline_lowered:
0x8: {  	[smem:$0x3FA6] =	sst s0  }
0x9: {  	[smem:$0x3FA7] =	sst s1  }
0xa: {  	[smem:$0x3FA8] =	sst s2  }
0xb: {  	[smem:$0x3FA9] =	sst s3  }
0xc: {  	[smem:$0x3FAA] =	sst s4  }
0xd: {  	[smem:$0x3FAB] =	sst s5  }
0xe: {  	[smem:$0x3FAC] =	sst s6  }
0xf: {  	[smem:$0x3FAD] =	sst s7  }
0x10: {  	[smem:$0x3FAE] =	sst s8  }
0x11: {  	[smem:$0x3FAF] =	sst s9;
	s0 =	simm.s32 @!p0 $0x0  }
0x12: {  	s1 =	sld [smem:$0x3F95];
	s0 =	simm.s32 @p0 $0x1  }
0x13: {  	[smem:$0x3FB0] =	sst s0;
	s0 =	simm.s32 @!p1 $0x0  }
0x14: {  	s2 =	sld [smem:$0x3F94];
	s0 =	simm.s32 @p1 $0x1  }
0x15: {  	[smem:$0x3FB1] =	sst s0;
	s0 =	simm.s32 @!p2 $0x0  }
0x16: {  	s3 =	sld [smem:$0x3FDB];
	s0 =	simm.s32 @p2 $0x1  }
0x17: {  	s4 =	simm.s32 $0x1BF5;
	[smem:$0x3FB3] =	sst s0  }
0x18: {  	s0 =	sld [smem:$0x3F96];
	_ =	swait.ge [sflag:s4], $0x0  }
0x19: {  	s7 =	sld [smem:$0x3F97]  }
0x1a: {  	s8 =	sadd.s32 $0xFFFFE003, lr  }
0x1b: {  	s9 =	sadd.s32 $0xFFFFFEF7, lr;
	s5 =	simm.s32 $0xFFFFFFFF;
	p2 =	slt.u32 s8, $0xFFFFF086  }
0x1c: {  	p1 =	slt.u32 s9, $0xF7A;
	s5 =	simm.s32 @!p2 $0x0  }
0x1d: {  	s5 =	simm.s32 @p1 $0x1;
	p0 =	seq.s32 s7, s2  }
0x1e: {  	s7 =	smul.u32 @!p0 $0xF7A, s2;
	p2 =	seq.s32 @!p0 s5, $0x0  }
0x1f: {  	s9 =	smul.u32 $0xF7A, s1;
	s8 =	simm.s32 @!p0 $0x1BF5;
	p2 =	por !p2, p0  }
0x20: {  	[sflag:s8] =	ssyncset.s32 @!p0 $0xFFFFF086;
	s6 =	sadd.s32 @!p0 s3, s7;
	s7 =	simm.s32 @!p0 $0x108  }
0x21: {  	s3 =	sadd.s32 s3, s9;
	s6 =	sadd.s32 @!p0 $0x88, s6;
	s7 =	simm.s32 @p2 $0x1082  }
0x22: {  	[simem:s7], [sflag:s8] =	dma.local @!p0 [hbm:s6], $0xF7A  }
0x23: {  	s9 =	sor.u32 $0xD0000000, s2;
	s6 =	simm.s32 $0x108;
	_ =	swait.ge @!p0 [sflag:s8], $0x0  }
0x24: {  	s3 =	sadd.s32 $0x88, s3;
	s6 =	simm.s32 @!p1 $0x1082;
	[sflag:s4] =	ssyncset.s32 $0xFFFFF086  }
0x25: {  	[simem:s6], [sflag:s4] =	dma.local [hbm:s3], $0xF7A  }
0x26: {  	[smem:$0x3F97] =	sst s1;
	(tag) =	ssettag s2;
	_ =	strace s9  }
0x27: {  	s1 =	sld [smem:$0x3FA7]  }
0x28: {  	s2 =	sld [smem:$0x3FA8]  }
0x29: {  	s4 =	sld [smem:$0x3FAA]  }
0x2a: {  	p0 =	seq.s32 s5, $0x0;
	s5 =	sld [smem:$0x3FAB]  }
0x2b: {  	s6 =	sld [smem:$0x3FAC]  }
0x2c: {  	s7 =	sld [smem:$0x3FAD]  }
0x2d: {  	s3 =	simm.s32 $0x108;
	s8 =	sld [smem:$0x3FAE]  }
0x2e: {  	s3 =	simm.s32 @!p0 $0x1082;
	s9 =	sld [smem:$0x3FAF]  }
0x2f: {  	lr =	sadd.s32 s0, s3;
	s0 =	sld [smem:$0x3FA6]  }
0x30: {  	s3 =	sld [smem:$0x3FA9]  }
0x31: {  	[smem:$0x3FB2] =	sst s10  }
0x32: {  	s10 =	sld [smem:$0x3FB0];
	_ =	sdelay $0x3  }
0x33: {  	p0 =	seq.s32 s10, $0x1;
	s10 =	sld [smem:$0x3FB2];
	_ =	sdelay $0x3  }
0x34: {  	[smem:$0x3FB2] =	sst s10  }
0x35: {  	s10 =	sld [smem:$0x3FB1];
	_ =	sdelay $0x3  }
0x36: {  	p1 =	seq.s32 s10, $0x1;
	s10 =	sld [smem:$0x3FB2];
	_ =	sdelay $0x3  }
0x37: {  	[smem:$0x3FB2] =	sst s10  }
0x38: {  	s10 =	sld [smem:$0x3FB3]  }
0x39: {  	_ = 	snop;
	(pc) =	sbr.ind lr, $3  }
0x3a: {  	_ = 	snop  }
0x3b: {  	_ = 	snop  }
0x3c: {  	p2 =	seq.s32 s10, $0x1;
	s10 =	sld [smem:$0x3FB2]  }
0x3d: {  	_ =	shalt  }
0x3e: {  	_ =	shalt  }
0x3f: {  	_ =	shalt  }
0x40: {  	_ =	shalt  }
0x41: {  	_ =	shalt  }
0x42: {  	_ =	shalt  }
0x43: {  	_ =	shalt  }
0x44: {  	_ =	shalt  }
0x45: {  	_ =	shalt  }
0x46: {  	_ =	shalt  }
0x47: {  	_ =	shalt  }
0x48: {  	_ =	shalt  }
0x49: {  	_ =	shalt  }
0x4a: {  	_ =	shalt  }
0x4b: {  	_ =	shalt  }
0x4c: {  	_ =	shalt  }
0x4d: {  	_ =	shalt  }
0x4e: {  	_ =	shalt  }
0x4f: {  	_ =	shalt  }
0x50: {  	_ =	shalt  }
0x51: {  	_ =	shalt  }
0x52: {  	_ =	shalt  }
0x53: {  	_ =	shalt  }
0x54: {  	_ =	shalt  }
0x55: {  	_ =	shalt  }
0x56: {  	_ =	shalt  }
0x57: {  	_ =	shalt  }
0x58: {  	_ =	shalt  }
0x59: {  	_ =	shalt  }
0x5a: {  	_ =	shalt  }
0x5b: {  	_ =	shalt  }
0x5c: {  	_ =	shalt  }
0x5d: {  	_ =	shalt  }
0x5e: {  	_ =	shalt  }
0x5f: {  	_ =	shalt  }
0x60: {  	_ =	shalt  }
0x61: {  	_ =	shalt  }
0x62: {  	_ =	shalt  }
0x63: {  	_ =	shalt  }
0x64: {  	_ =	shalt  }
0x65: {  	_ =	shalt  }
0x66: {  	_ =	shalt  }
0x67: {  	_ =	shalt  }
0x68: {  	_ =	shalt  }
0x69: {  	_ =	shalt  }
0x6a: {  	_ =	shalt  }
0x6b: {  	_ =	shalt  }
0x6c: {  	_ =	shalt  }
0x6d: {  	_ =	shalt  }
0x6e: {  	_ =	shalt  }
0x6f: {  	_ =	shalt  }
0x70: {  	_ =	shalt  }
0x71: {  	_ =	shalt  }
0x72: {  	_ =	shalt  }
0x73: {  	_ =	shalt  }
0x74: {  	_ =	shalt  }
0x75: {  	_ =	shalt  }
0x76: {  	_ =	shalt  }
0x77: {  	_ =	shalt  }
0x78: {  	_ =	shalt  }
0x79: {  	_ =	shalt  }
0x7a: {  	_ =	shalt  }
0x7b: {  	_ =	shalt  }
0x7c: {  	_ =	shalt  }
0x7d: {  	_ =	shalt  }
0x7e: {  	_ =	shalt  }
0x7f: {  	_ =	shalt  }
0x80: {  	_ =	shalt  }
0x81: {  	_ =	shalt  }
0x82: {  	_ =	shalt  }
0x83: {  	_ =	shalt  }
0x84: {  	_ =	shalt  }
0x85: {  	_ =	shalt  }
0x86: {  	_ =	shalt  }
0x87: {  	_ =	shalt  }
.Lfunc_end0:
.L_simem_size_0:
called_computation.8_lowered:
.L_overlay_start_0:
0x88: {  	s2 =	sld [smem:$0x3FD9]  }
0x89: {  	s3 =	sld [smem:$0x3FFE];
	_ =	sdelay $0x1  }
0x8a: {  	s1 =	srdreg.scid  }
0x8b: {  	s0 =	sand.u32 $0x1, s1  }
0x8c: {  	s14 =	sshll.u32 s0, $0xA;
	s2 =	sadd.s32 s3, s2  }
0x8d: {  	s2 =	sadd.s32 s2, s14  }
0x8e: {  	[smem:$0x3FBE] =	sst s2  }
0x8f: {  	_ = 	snop  }
0x90: {  	s2 =	sld [smem:$0x3FD0];
	_ =	sdelay $0x2  }
0x91: {  	s15 =	simm.s32 $0xA;
	s4 =	simm.s32 $0x10  }
0x92: {  	[smem:s4], [sflag:s15] =	dma.local [hbm:s2], $0x1  }
0x93: {  	_ =	swait.eq [sflag:s15], $0x1  }
0x94: {  	[sflag:s15] =	ssyncset.done $0x0  }
0x95: {  	s16 =	sld [smem:$0x10];
	[sflag:s15] =	ssyncadd.s32 $0xFFFFFFFF  }
0x96: {  	s17 =	sld [smem:$0x11];
	(tm) =	ssettm $0x1  }
0x97: {  	s18 =	sld [smem:$0x3FFB];
	_ =	sdelay $0x3  }
0x98: {  	_ =	strace s18  }
0x99: {  	s4 =	sld [smem:$0x3FFC];
	_ =	sdelay $0x3  }
0x9a: {  	_ =	strace s4  }
0x9b: {  	s4 =	sld [smem:$0x3FFD];
	_ =	sdelay $0x3  }
0x9c: {  	_ =	strace s4  }
0x9d: {  	_ =	strace $0x8FFFFFFF  }
0x9e: {  	s19 =	sld [smem:$0x3FDB];
	_ =	sdelay $0x1  }
0x9f: {  	s5 =	simm.s32 $_scs_section_size  }
0xa0: {  	s6 =	simm.s32 $_size__tile_overlayer_lowered;
	s7 =	simm.s32 $_tile_overlayer_lowered  }
0xa1: {  	s22 =	simm.s32 $0x1BFF;
	s21 =	sshll.u32 s7, $0x1;
	s4 =	sadd.s32 s5, s19  }
0xa2: {  	s8 =	simm.s32 $0x0;
	s20 =	sshll.u32 s6, $0x1;
	s6 =	sadd.s32 s21, s4  }
0xa3: {  	[timem:s8], [sflag:s22] =	dma.local [hbm:s6], s20  }
0xa4: {  	_ =	swait.ge [sflag:s22], s20  }
0xa5: {  	s5 =	ssub.s32 $0x0, s20;
	[sflag:s22] =	ssyncset.done $0x0  }
0xa6: {  	[sflag:s22] =	ssyncadd.s32 s5;
	_ =	sdelay $0x1  }
0xa7: {  	s23 =	simm.s32 $0x1B8B  }
0xa8: {  	_ =	swait.ge [sflag:s23], $0x1  }
0xa9: {  	[sflag:s23] =	ssyncset.done $0x0  }
0xaa: {  	s25 =	simm.s32 $0x1B8E;
	s24 =	sld [smem:$0x3FFE];
	[sflag:s23] =	ssyncadd.s32 $0xFFFFFFFF  }
0xab: {  	s26 =	simm.s32 $execute0_lowered;
	[smem:$0x3FD2] =	sst s25  }
0xac: {  	s6 =	sshll.u32 s26, $0x1;
	_ =	strace $0x8000005E;
	[dreg:$0x1] =	wrdreg $0xFFFFFFFF  }
0xad: {  	s28 =	simm.s32 $_size_execute0_lowered;
	s4 =	sadd.s32 s4, s6;
	[dreg:$0x0] =	wrdreg $0x0  }
0xae: {  	s6 =	sshll.u32 s28, $0x1;
	[dreg:$0x2] =	wrdreg s4  }
0xaf: {  	[dreg:$0x3] =	wrdreg s6  }
0xb0: {  	[dreg:$0x4] =	wrdreg $0xC0  }
0xb1: {  	_ =	task [dreg:s8], $0x5FFFF  }
0xb2: {  	[dreg:$0x1] =	wrdreg $0xFFFFFFFF  }
0xb3: {  	[dreg:$0x0] =	wrdreg $0x60  }
0xb4: {  	[dreg:$0x2] =	wrdreg s24  }
0xb5: {  	[dreg:$0x3] =	wrdreg s17  }
0xb6: {  	[dreg:$0x4] =	wrdreg s16  }
0xb7: {  	[dreg:$0x5] =	wrdreg $0x90000  }
0xb8: {  	[dreg:$0x6] =	wrdreg $0x9  }
0xb9: {  	_ =	task.clear_ibuf [dreg:s8], $0x7FFFF;
	_ =	strace $0x9000005E  }
0xba: {  	s29 =	simm.s32 $0x9;
	_ =	strace $0x80000060  }
0xbb: {  	_ =	swait.ge [sflag:s29], $0x1  }
0xbc: {  	[sflag:s29] =	ssyncadd.s32 $0xFFFFFFFF  }
0xbd: {  	_ =	strace $0x90000060  }
0xbe: {  	_ =	sfence  }
0xbf: {  	s30 =	sld [smem:$0x0];
	_ =	sdelay $0x2  }
0xc0: {  	s31 =	sshll.u32 s1, $0xD;
	s1 =	sshrl.u32 s1, $0x2  }
0xc1: {  	s3 =	sand.u32 $0x4000, s31;
	s1 =	sadd.s32 s1, s30  }
0xc2: {  	s0 =	sor.u32 s3, s0;
	s1 =	sshll.u32 s1, $0x11  }
0xc3: {  	s0 =	sor.u32 s1, s0  }
0xc4: {  	s0 =	sadd.s32 $0x8F2B, s0  }
0xc5: {  	[sflag:s0] =	ssyncadd.remote.s32 $0x1  }
0xc6: {  	_ =	sfence.sel $0xFFFF  }
0xc7: {  	[dreg:$0x0] =	wrdreg $0xFFFFFFFF;
	(pc) =	sbr.abs _section_cstart, $3  }
0xc8: {  	[dreg:$0x1] =	wrdreg $0xFFFFFFFF  }
0xc9: {  	_ =	task.clear_ibuf [dreg:s8], $0x2FFFF;
	_ =	strace $0x9FFFFFFF  }
0xca: {  	(tm) =	ssettm $0x7FFFFFFF  }
0xcb: {  	_ =	shalt  }
tec
execute0_lowered:
.L_overlay_start_1:
0x0: {  	(tag) =	ssettag $0x1  }
0x1: {  	s5 =	rddreg [dreg:$0x0]  }
0x2: {  	s6 =	rddreg [dreg:$0x1]  }
0x3: {  	s7 =	rddreg [dreg:$0x2]  }
0x4: {  	s1 =	rddreg [dreg:$0x3];
	s2 =	srdreg.scid  }
0x5: {  	s0 =	rddreg [dreg:$0x4];
	s8 =	sand.u32 $0x1, s2  }
0x6: {  	s2 =	stileid.u32;
	s9 =	smul.u32 $0x2800, s8  }
0x7: {  	s3 =	simm.s32 $0x0;
	s15 =	simm.s32 $0x5000;
	s10 =	smul.u32 $0x280, s2  }
0x8: {  	s16 =	simm.s32 $0x1;
	s17 =	simm.s32 $0x0;
	s11 =	smul.u32 $0x2800, s2  }
0x9: {  	[smem:$0x7FF] =	sst s3;
	s26 =	ssub.s32 $0x2, s8;
	s8 =	smul.u32 $0x28000, s8  }
0xa: {  	s4 =	sadd.s32 $0x10000, s5;
	_ =	strace $0x8000005F;
	s13 =	smul.u32 $0x50000, s2  }
0xb: {  	s31 =	sshll.u32 s2, $0x6;
	s12 =	sshrl.u32 s26, $0x1;
	s9 =	sadd.s32 s10, s9  }
0xc: {  	s10 =	ssub.s32 s26, s12;
	s28 =	sadd.s32 s11, s8;
	s29 =	sshrl.u32 s11, $0x3  }
0xd: {  	s30 =	sshrl.u32 s13, $0x2;
	s11 =	simm.s32 $0x2800;
	s9 =	sshll.u32 s9, $0x4  }
0xe: {  	s13 =	sadd.s32 s30, s1;
	s14 =	sadd.s32 s9, s5;
	s5 =	sshrl.u32 s28, $0x3  }
0xf: {  	s12 =	sor.u32 $0x1C02, s31;
	s13 =	sshrl.u32 s13, $0x3;
	s5 =	sadd.s32 s6, s5  }
0x10: {  	s6 =	sadd.s32 s7, s29;
	s7 =	sadd.s32 s4, s9;
	s8 =	sadd.s32 $0x60000, s14  }
0x11: {  	s9 =	smax.u32 s10, $0x1;
	s10 =	simm.s32 $0x2;
	s14 =	simm.s32 $0x80  }
.LBB2_1:
0x12: {  	[tilespmem:s3], [sflag:$0x2] =	stream.linear.gather [hbm4b:s5+s3], $0x2800, $0x38;
	[tilespmem:$0x1D000] =	vst v63  }
0x13: {  	_ =	swait.ge [sflag:s10], $0x2800  }
0x14: {  	[sflag:s10] =	ssyncset.done $0x0  }
0x15: {  	[sflag:s10] =	ssyncadd.s32 $0xFFFFD800  }
0x16: {  	[tilespmem:s11], [sflag:$0x2] =	stream.linear.gather [hbm4b:s6+s3], $0x2800, $0x38;
	[tilespmem:$0x1D000] =	vst v63  }
0x17: {  	_ =	swait.ge [sflag:s10], $0x2800  }
0x18: {  	[sflag:s10] =	ssyncset.done $0x0  }
0x19: {  	[sflag:s10] =	ssyncadd.s32 $0xFFFFD800  }
0x1a: {  	[spmem:s13], [sflag:s12] =	dma.local [hbm:s7], $0x2800  }
0x1b: {  	_ =	swait.ge [sflag:s10], $0x2800  }
0x1c: {  	[sflag:s10] =	ssyncset.done $0x0  }
0x1d: {  	[sflag:s10] =	ssyncadd.s32 $0xFFFFD800  }
0x1e: {  	s18 =	simm.s32 $0x0;
	[bflag:$0x0] =	sbarrier.arrive $0xFFFF  }
0x1f: {  	[tilespmem:s15], [sflag:$0x1] =	stream.indirect.gather [hbm4b:s4+s14], $0x80, s18, s14, $0xb8;
	[tilespmem:$0x1D000] =	vst v63  }
0x20: {  	_ =	swait.ge [sflag:s16], $0x4000  }
0x21: {  	[sflag:s16] =	ssyncset.done $0x0  }
0x22: {  	s31 =	simm.s32 $0x2800;
	[sflag:s16] =	ssyncadd.s32 $0xFFFFC000  }
0x23: {  	[spmem:s1] =	stream.indirect.scatter.add.f32 [tilespmem:s15], [sflag:$0x2], $0x80, s31, s14, $0xb8;
	[tilespmem:$0x1D000] =	vst v63  }
0x24: {  	_ =	swait.ge [sflag:s10], $0x4000  }
0x25: {  	s19 =	simm.s32 $0x400;
	s18 =	simm.s32 $0x200;
	[sflag:s10] =	ssyncset.done $0x0  }
.LBB2_2:
0x26: {  	s20 =	sshra.s32 s18, $0x2  }
0x27: {  	[sflag:s10] =	ssyncadd.s32 $0xFFFFC000;
	s18 =	smov.u32 s19;
	s21 =	sadd.s32 $0x200, s19  }
0x28: {  	[tilespmem:s15], [sflag:$0x1] =	stream.indirect.gather [hbm4b:s4+s14], $0x80, s20, s14, $0xb8;
	[tilespmem:$0x1D000] =	vst v63  }
0x29: {  	p0 =	sne.s32 s19, $0x9E00;
	_ =	swait.ge [sflag:s16], $0x4000  }
.Ltmp0:
0x2a: {  	[sflag:s16] =	ssyncset.done $0x0;
	(pc) =	sbr.rel @p0 .LBB2_2-.Ltmp0, $4  }
0x2b: {  	s19 =	sadd.s32 $0x2800, s20;
	[sflag:s16] =	ssyncadd.s32 $0xFFFFC000  }
0x2c: {  	[spmem:s1] =	stream.indirect.scatter.add.f32 [tilespmem:s15], [sflag:$0x2], $0x80, s19, s14, $0xb8;
	[tilespmem:$0x1D000] =	vst v63  }
0x2d: {  	_ =	swait.ge [sflag:s10], $0x4000  }
0x2e: {  	s19 =	smov.u32 s21;
	[sflag:s10] =	ssyncset.done $0x0  }
0x2f: {  	s18 =	sshra.s32 s18, $0x2;
	[sflag:s10] =	ssyncadd.s32 $0xFFFFC000  }
0x30: {  	[tilespmem:s15], [sflag:$0x1] =	stream.indirect.gather [hbm4b:s4+s14], $0x80, s18, s14, $0xb8;
	[tilespmem:$0x1D000] =	vst v63  }
0x31: {  	_ =	swait.ge [sflag:s16], $0x4000  }
0x32: {  	[sflag:s16] =	ssyncset.done $0x0  }
0x33: {  	s18 =	sadd.s32 $0x2800, s18;
	[sflag:s16] =	ssyncadd.s32 $0xFFFFC000  }
0x34: {  	[spmem:s1] =	stream.indirect.scatter.add.f32 [tilespmem:s15], [sflag:$0x2], $0x80, s18, s14, $0xb8;
	[tilespmem:$0x1D000] =	vst v63  }
0x35: {  	_ =	swait.ge [sflag:s10], $0x4000  }
0x36: {  	s17 =	sadd.s32 $0x1, s17;
	[sflag:s10] =	ssyncset.done $0x0  }
0x37: {  	p0 =	sne.s32 s17, s9;
	[sflag:s10] =	ssyncadd.s32 $0xFFFFC000  }
.Ltmp1:
0x38: {  	[bflag:$0x0] =	sbarrier.arrive $0xFFFF;
	(pc) =	sbr.rel @p0 .LBB2_1-.Ltmp1, $4  }
0x39: {  	[hbm:s8], [sflag:s12] =	dma.local [spmem:s13], $0x2800  }
0x3a: {  	_ =	swait.ge [sflag:s10], $0x2800  }
0x3b: {  	[sflag:s10] =	ssyncset.done $0x0  }
0x3c: {  	[sflag:s10] =	ssyncadd.s32 $0xFFFFD800  }
0x3d: {  	_ =	sfence.sel $0x180000  }
0x3e: {  	[bflag:$0x0] =	sbarrier.arrive $0xFFFF  }
0x3f: {  	p0 =	sne.s32 s2, $0x0;
	_ =	strace $0x9000005F  }
0x40: {  	s0 =	sadd.s32 @!p0 $0x100000, s0;
	[bflag:$0x2] =	sbarrier.arrive $0xFFFF  }
0x41: {  	[sflag:s0] =	ssyncadd.tile.s32 @!p0 $0x1;
	_ =	shalt  }
.Lfunc_end2:
_tile_overlayer_lowered:
.L_overlay_start_2:
0x42: {  	(tag) =	ssettag $0x2  }
0x43: {  	s0 =	rddreg [dreg:$0x0];
	s2 =	stileid.u32  }
0x44: {  	s1 =	rddreg [dreg:$0x1];
	p0 =	sne.s32 s2, $0x0  }
0x45: {  	s3 =	rddreg [dreg:$0x2];
	[bflag:$0x3] =	sbarrier.arrive $0xFFFF;
	s2 =	simm.s32 @!p0 $0x1C02  }
0x46: {  	[timem:s3], [sflag:s2] =	dma.local @!p0 [hbm:s0], s1  }
0x47: {  	s0 =	simm.s32 @!p0 $0x2  }
0x48: {  	_ =	swait.ge @!p0 [sflag:s0], s1  }
0x49: {  	s1 =	ssub.s32 @!p0 $0x0, s1;
	[sflag:s0] =	ssyncset.done @!p0 $0x0  }
0x4a: {  	[sflag:s0] =	ssyncadd.s32 @!p0 s1  }
0x4b: {  	[bflag:$0x3] =	sbarrier.arrive $0xFFFF  }
0x4c: {  	_ =	shalt  }

// kernel: kernel.44.cloned.1.call-start
scs
__scs_entry_jumppad:
0x0: {  	(pc) =	sbr.rel $0x88, $3  }
0x1: {  	(tag) =	ssettag $0x0;
	lr =	simm.s32 $0x1  }
0x2: {  	[smem:$0x3F97] =	sst lr;
	_ =	strace $0xD0000000  }
0x3: {  	_ = 	snop  }
0x4: {  	_ = 	snop  }
0x5: {  	_ = 	snop  }
0x6: {  	_ = 	snop  }
0x7: {  	_ = 	snop  }
__scs_overlays_trampoline_lowered:
0x8: {  	[smem:$0x3FA6] =	sst s0  }
0x9: {  	[smem:$0x3FA7] =	sst s1  }
0xa: {  	[smem:$0x3FA8] =	sst s2  }
0xb: {  	[smem:$0x3FA9] =	sst s3  }
0xc: {  	[smem:$0x3FAA] =	sst s4  }
0xd: {  	[smem:$0x3FAB] =	sst s5  }
0xe: {  	[smem:$0x3FAC] =	sst s6  }
0xf: {  	[smem:$0x3FAD] =	sst s7  }
0x10: {  	[smem:$0x3FAE] =	sst s8  }
0x11: {  	[smem:$0x3FAF] =	sst s9;
	s0 =	simm.s32 @!p0 $0x0  }
0x12: {  	s1 =	sld [smem:$0x3F95];
	s0 =	simm.s32 @p0 $0x1  }
0x13: {  	[smem:$0x3FB0] =	sst s0;
	s0 =	simm.s32 @!p1 $0x0  }
0x14: {  	s2 =	sld [smem:$0x3F94];
	s0 =	simm.s32 @p1 $0x1  }
0x15: {  	[smem:$0x3FB1] =	sst s0;
	s0 =	simm.s32 @!p2 $0x0  }
0x16: {  	s3 =	sld [smem:$0x3FDB];
	s0 =	simm.s32 @p2 $0x1  }
0x17: {  	s4 =	simm.s32 $0x1BF5;
	[smem:$0x3FB3] =	sst s0  }
0x18: {  	s0 =	sld [smem:$0x3F96];
	_ =	swait.ge [sflag:s4], $0x0  }
0x19: {  	s7 =	sld [smem:$0x3F97]  }
0x1a: {  	s8 =	sadd.s32 $0xFFFFE003, lr  }
0x1b: {  	s9 =	sadd.s32 $0xFFFFFEF7, lr;
	s5 =	simm.s32 $0xFFFFFFFF;
	p2 =	slt.u32 s8, $0xFFFFF086  }
0x1c: {  	p1 =	slt.u32 s9, $0xF7A;
	s5 =	simm.s32 @!p2 $0x0  }
0x1d: {  	s5 =	simm.s32 @p1 $0x1;
	p0 =	seq.s32 s7, s2  }
0x1e: {  	s7 =	smul.u32 @!p0 $0xF7A, s2;
	p2 =	seq.s32 @!p0 s5, $0x0  }
0x1f: {  	s9 =	smul.u32 $0xF7A, s1;
	s8 =	simm.s32 @!p0 $0x1BF5;
	p2 =	por !p2, p0  }
0x20: {  	[sflag:s8] =	ssyncset.s32 @!p0 $0xFFFFF086;
	s6 =	sadd.s32 @!p0 s3, s7;
	s7 =	simm.s32 @!p0 $0x108  }
0x21: {  	s3 =	sadd.s32 s3, s9;
	s6 =	sadd.s32 @!p0 $0x88, s6;
	s7 =	simm.s32 @p2 $0x1082  }
0x22: {  	[simem:s7], [sflag:s8] =	dma.local @!p0 [hbm:s6], $0xF7A  }
0x23: {  	s9 =	sor.u32 $0xD0000000, s2;
	s6 =	simm.s32 $0x108;
	_ =	swait.ge @!p0 [sflag:s8], $0x0  }
0x24: {  	s3 =	sadd.s32 $0x88, s3;
	s6 =	simm.s32 @!p1 $0x1082;
	[sflag:s4] =	ssyncset.s32 $0xFFFFF086  }
0x25: {  	[simem:s6], [sflag:s4] =	dma.local [hbm:s3], $0xF7A  }
0x26: {  	[smem:$0x3F97] =	sst s1;
	(tag) =	ssettag s2;
	_ =	strace s9  }
0x27: {  	s1 =	sld [smem:$0x3FA7]  }
0x28: {  	s2 =	sld [smem:$0x3FA8]  }
0x29: {  	s4 =	sld [smem:$0x3FAA]  }
0x2a: {  	p0 =	seq.s32 s5, $0x0;
	s5 =	sld [smem:$0x3FAB]  }
0x2b: {  	s6 =	sld [smem:$0x3FAC]  }
0x2c: {  	s7 =	sld [smem:$0x3FAD]  }
0x2d: {  	s3 =	simm.s32 $0x108;
	s8 =	sld [smem:$0x3FAE]  }
0x2e: {  	s3 =	simm.s32 @!p0 $0x1082;
	s9 =	sld [smem:$0x3FAF]  }
0x2f: {  	lr =	sadd.s32 s0, s3;
	s0 =	sld [smem:$0x3FA6]  }
0x30: {  	s3 =	sld [smem:$0x3FA9]  }
0x31: {  	[smem:$0x3FB2] =	sst s10  }
0x32: {  	s10 =	sld [smem:$0x3FB0];
	_ =	sdelay $0x3  }
0x33: {  	p0 =	seq.s32 s10, $0x1;
	s10 =	sld [smem:$0x3FB2];
	_ =	sdelay $0x3  }
0x34: {  	[smem:$0x3FB2] =	sst s10  }
0x35: {  	s10 =	sld [smem:$0x3FB1];
	_ =	sdelay $0x3  }
0x36: {  	p1 =	seq.s32 s10, $0x1;
	s10 =	sld [smem:$0x3FB2];
	_ =	sdelay $0x3  }
0x37: {  	[smem:$0x3FB2] =	sst s10  }
0x38: {  	s10 =	sld [smem:$0x3FB3]  }
0x39: {  	_ = 	snop;
	(pc) =	sbr.ind lr, $3  }
0x3a: {  	_ = 	snop  }
0x3b: {  	_ = 	snop  }
0x3c: {  	p2 =	seq.s32 s10, $0x1;
	s10 =	sld [smem:$0x3FB2]  }
0x3d: {  	_ =	shalt  }
0x3e: {  	_ =	shalt  }
0x3f: {  	_ =	shalt  }
0x40: {  	_ =	shalt  }
0x41: {  	_ =	shalt  }
0x42: {  	_ =	shalt  }
0x43: {  	_ =	shalt  }
0x44: {  	_ =	shalt  }
0x45: {  	_ =	shalt  }
0x46: {  	_ =	shalt  }
0x47: {  	_ =	shalt  }
0x48: {  	_ =	shalt  }
0x49: {  	_ =	shalt  }
0x4a: {  	_ =	shalt  }
0x4b: {  	_ =	shalt  }
0x4c: {  	_ =	shalt  }
0x4d: {  	_ =	shalt  }
0x4e: {  	_ =	shalt  }
0x4f: {  	_ =	shalt  }
0x50: {  	_ =	shalt  }
0x51: {  	_ =	shalt  }
0x52: {  	_ =	shalt  }
0x53: {  	_ =	shalt  }
0x54: {  	_ =	shalt  }
0x55: {  	_ =	shalt  }
0x56: {  	_ =	shalt  }
0x57: {  	_ =	shalt  }
0x58: {  	_ =	shalt  }
0x59: {  	_ =	shalt  }
0x5a: {  	_ =	shalt  }
0x5b: {  	_ =	shalt  }
0x5c: {  	_ =	shalt  }
0x5d: {  	_ =	shalt  }
0x5e: {  	_ =	shalt  }
0x5f: {  	_ =	shalt  }
0x60: {  	_ =	shalt  }
0x61: {  	_ =	shalt  }
0x62: {  	_ =	shalt  }
0x63: {  	_ =	shalt  }
0x64: {  	_ =	shalt  }
0x65: {  	_ =	shalt  }
0x66: {  	_ =	shalt  }
0x67: {  	_ =	shalt  }
0x68: {  	_ =	shalt  }
0x69: {  	_ =	shalt  }
0x6a: {  	_ =	shalt  }
0x6b: {  	_ =	shalt  }
0x6c: {  	_ =	shalt  }
0x6d: {  	_ =	shalt  }
0x6e: {  	_ =	shalt  }
0x6f: {  	_ =	shalt  }
0x70: {  	_ =	shalt  }
0x71: {  	_ =	shalt  }
0x72: {  	_ =	shalt  }
0x73: {  	_ =	shalt  }
0x74: {  	_ =	shalt  }
0x75: {  	_ =	shalt  }
0x76: {  	_ =	shalt  }
0x77: {  	_ =	shalt  }
0x78: {  	_ =	shalt  }
0x79: {  	_ =	shalt  }
0x7a: {  	_ =	shalt  }
0x7b: {  	_ =	shalt  }
0x7c: {  	_ =	shalt  }
0x7d: {  	_ =	shalt  }
0x7e: {  	_ =	shalt  }
0x7f: {  	_ =	shalt  }
0x80: {  	_ =	shalt  }
0x81: {  	_ =	shalt  }
0x82: {  	_ =	shalt  }
0x83: {  	_ =	shalt  }
0x84: {  	_ =	shalt  }
0x85: {  	_ =	shalt  }
0x86: {  	_ =	shalt  }
0x87: {  	_ =	shalt  }
.Lfunc_end0:
.L_simem_size_0:
called_computation.9_lowered:
.L_overlay_start_0:
0x88: {  	s2 =	sld [smem:$0x3FD9]  }
0x89: {  	s3 =	sld [smem:$0x3FFE];
	_ =	sdelay $0x1  }
0x8a: {  	s1 =	srdreg.scid  }
0x8b: {  	s0 =	sand.u32 $0x1, s1  }
0x8c: {  	s14 =	sshll.u32 s0, $0xA;
	s2 =	sadd.s32 s3, s2  }
0x8d: {  	s2 =	sadd.s32 s2, s14  }
0x8e: {  	[smem:$0x3FBE] =	sst s2  }
0x8f: {  	_ = 	snop  }
0x90: {  	s2 =	sld [smem:$0x3FD0];
	_ =	sdelay $0x2  }
0x91: {  	s15 =	simm.s32 $0xA;
	s4 =	simm.s32 $0x10  }
0x92: {  	[smem:s4], [sflag:s15] =	dma.local [hbm:s2], $0x1  }
0x93: {  	_ =	swait.eq [sflag:s15], $0x1  }
0x94: {  	[sflag:s15] =	ssyncset.done $0x0  }
0x95: {  	s16 =	sld [smem:$0x10];
	[sflag:s15] =	ssyncadd.s32 $0xFFFFFFFF  }
0x96: {  	s17 =	sld [smem:$0x11];
	(tm) =	ssettm $0x1  }
0x97: {  	s18 =	sld [smem:$0x3FFB];
	_ =	sdelay $0x3  }
0x98: {  	_ =	strace s18  }
0x99: {  	s4 =	sld [smem:$0x3FFC];
	_ =	sdelay $0x3  }
0x9a: {  	_ =	strace s4  }
0x9b: {  	s4 =	sld [smem:$0x3FFD];
	_ =	sdelay $0x3  }
0x9c: {  	_ =	strace s4  }
0x9d: {  	_ =	strace $0x8FFFFFFF  }
0x9e: {  	s19 =	sld [smem:$0x3FDB];
	_ =	sdelay $0x1  }
0x9f: {  	s5 =	simm.s32 $_scs_section_size  }
0xa0: {  	s6 =	simm.s32 $_size__tile_overlayer_lowered;
	s7 =	simm.s32 $_tile_overlayer_lowered  }
0xa1: {  	s22 =	simm.s32 $0x1BFF;
	s21 =	sshll.u32 s7, $0x1;
	s4 =	sadd.s32 s5, s19  }
0xa2: {  	s8 =	simm.s32 $0x0;
	s20 =	sshll.u32 s6, $0x1;
	s6 =	sadd.s32 s21, s4  }
0xa3: {  	[timem:s8], [sflag:s22] =	dma.local [hbm:s6], s20  }
0xa4: {  	_ =	swait.ge [sflag:s22], s20  }
0xa5: {  	s5 =	ssub.s32 $0x0, s20;
	[sflag:s22] =	ssyncset.done $0x0  }
0xa6: {  	[sflag:s22] =	ssyncadd.s32 s5;
	_ =	sdelay $0x1  }
0xa7: {  	s23 =	simm.s32 $0x1B8B  }
0xa8: {  	_ =	swait.ge [sflag:s23], $0x1  }
0xa9: {  	[sflag:s23] =	ssyncset.done $0x0  }
0xaa: {  	s25 =	simm.s32 $0x1B8E;
	s24 =	sld [smem:$0x3FFE];
	[sflag:s23] =	ssyncadd.s32 $0xFFFFFFFF  }
0xab: {  	s26 =	simm.s32 $execute0_lowered;
	[smem:$0x3FD2] =	sst s25  }
0xac: {  	s6 =	sshll.u32 s26, $0x1;
	_ =	strace $0x80000061;
	[dreg:$0x1] =	wrdreg $0xFFFFFFFF  }
0xad: {  	s28 =	simm.s32 $_size_execute0_lowered;
	s4 =	sadd.s32 s4, s6;
	[dreg:$0x0] =	wrdreg $0x0  }
0xae: {  	s6 =	sshll.u32 s28, $0x1;
	[dreg:$0x2] =	wrdreg s4  }
0xaf: {  	[dreg:$0x3] =	wrdreg s6  }
0xb0: {  	[dreg:$0x4] =	wrdreg $0xC0  }
0xb1: {  	_ =	task [dreg:s8], $0x5FFFF  }
0xb2: {  	[dreg:$0x1] =	wrdreg $0xFFFFFFFF  }
0xb3: {  	[dreg:$0x0] =	wrdreg $0x60  }
0xb4: {  	[dreg:$0x2] =	wrdreg s24  }
0xb5: {  	[dreg:$0x3] =	wrdreg s17  }
0xb6: {  	[dreg:$0x4] =	wrdreg s16  }
0xb7: {  	[dreg:$0x5] =	wrdreg $0x90000  }
0xb8: {  	[dreg:$0x6] =	wrdreg $0x9  }
0xb9: {  	_ =	task.clear_ibuf [dreg:s8], $0x7FFFF;
	_ =	strace $0x90000061  }
0xba: {  	s29 =	simm.s32 $0x9;
	_ =	strace $0x80000063  }
0xbb: {  	_ =	swait.ge [sflag:s29], $0x1  }
0xbc: {  	[sflag:s29] =	ssyncadd.s32 $0xFFFFFFFF  }
0xbd: {  	_ =	strace $0x90000063  }
0xbe: {  	_ =	sfence  }
0xbf: {  	s30 =	sld [smem:$0x0];
	_ =	sdelay $0x2  }
0xc0: {  	s31 =	sshll.u32 s1, $0xD;
	s1 =	sshrl.u32 s1, $0x2  }
0xc1: {  	s3 =	sand.u32 $0x4000, s31;
	s1 =	sadd.s32 s1, s30  }
0xc2: {  	s0 =	sor.u32 s3, s0;
	s1 =	sshll.u32 s1, $0x11  }
0xc3: {  	s0 =	sor.u32 s1, s0  }
0xc4: {  	s0 =	sadd.s32 $0x8F2B, s0  }
0xc5: {  	[sflag:s0] =	ssyncadd.remote.s32 $0x1  }
0xc6: {  	_ =	sfence.sel $0xFFFF  }
0xc7: {  	[dreg:$0x0] =	wrdreg $0xFFFFFFFF;
	(pc) =	sbr.abs _section_cstart, $3  }
0xc8: {  	[dreg:$0x1] =	wrdreg $0xFFFFFFFF  }
0xc9: {  	_ =	task.clear_ibuf [dreg:s8], $0x2FFFF;
	_ =	strace $0x9FFFFFFF  }
0xca: {  	(tm) =	ssettm $0x7FFFFFFF  }
0xcb: {  	_ =	shalt  }
tec
execute0_lowered:
.L_overlay_start_1:
0x0: {  	(tag) =	ssettag $0x1  }
0x1: {  	s5 =	rddreg [dreg:$0x0]  }
0x2: {  	s6 =	rddreg [dreg:$0x1]  }
0x3: {  	s7 =	rddreg [dreg:$0x2]  }
0x4: {  	s1 =	rddreg [dreg:$0x3];
	s2 =	srdreg.scid  }
0x5: {  	s0 =	rddreg [dreg:$0x4];
	s8 =	sand.u32 $0x1, s2  }
0x6: {  	s2 =	stileid.u32;
	s9 =	smul.u32 $0x2800, s8  }
0x7: {  	s3 =	simm.s32 $0x0;
	s15 =	simm.s32 $0x5000;
	s10 =	smul.u32 $0x280, s2  }
0x8: {  	s16 =	simm.s32 $0x1;
	s17 =	simm.s32 $0x0;
	s11 =	smul.u32 $0x2800, s2  }
0x9: {  	[smem:$0x7FF] =	sst s3;
	s26 =	ssub.s32 $0x2, s8;
	s8 =	smul.u32 $0x28000, s8  }
0xa: {  	s4 =	sadd.s32 $0x10000, s5;
	_ =	strace $0x80000062;
	s13 =	smul.u32 $0x50000, s2  }
0xb: {  	s31 =	sshll.u32 s2, $0x6;
	s12 =	sshrl.u32 s26, $0x1;
	s9 =	sadd.s32 s10, s9  }
0xc: {  	s10 =	ssub.s32 s26, s12;
	s28 =	sadd.s32 s11, s8;
	s29 =	sshrl.u32 s11, $0x3  }
0xd: {  	s30 =	sshrl.u32 s13, $0x2;
	s11 =	simm.s32 $0x2800;
	s9 =	sshll.u32 s9, $0x4  }
0xe: {  	s13 =	sadd.s32 s30, s1;
	s14 =	sadd.s32 s9, s5;
	s5 =	sshrl.u32 s28, $0x3  }
0xf: {  	s12 =	sor.u32 $0x1C02, s31;
	s13 =	sshrl.u32 s13, $0x3;
	s5 =	sadd.s32 s6, s5  }
0x10: {  	s6 =	sadd.s32 s7, s29;
	s7 =	sadd.s32 s4, s9;
	s8 =	sadd.s32 $0x60000, s14  }
0x11: {  	s9 =	smax.u32 s10, $0x1;
	s10 =	simm.s32 $0x2;
	s14 =	simm.s32 $0x80  }
.LBB2_1:
0x12: {  	[tilespmem:s3], [sflag:$0x2] =	stream.linear.gather [hbm4b:s5+s3], $0x2800, $0x38;
	[tilespmem:$0x1D000] =	vst v63  }
0x13: {  	_ =	swait.ge [sflag:s10], $0x2800  }
0x14: {  	[sflag:s10] =	ssyncset.done $0x0  }
0x15: {  	[sflag:s10] =	ssyncadd.s32 $0xFFFFD800  }
0x16: {  	[tilespmem:s11], [sflag:$0x2] =	stream.linear.gather [hbm4b:s6+s3], $0x2800, $0x38;
	[tilespmem:$0x1D000] =	vst v63  }
0x17: {  	_ =	swait.ge [sflag:s10], $0x2800  }
0x18: {  	[sflag:s10] =	ssyncset.done $0x0  }
0x19: {  	[sflag:s10] =	ssyncadd.s32 $0xFFFFD800  }
0x1a: {  	[spmem:s13], [sflag:s12] =	dma.local [hbm:s7], $0x2800  }
0x1b: {  	_ =	swait.ge [sflag:s10], $0x2800  }
0x1c: {  	[sflag:s10] =	ssyncset.done $0x0  }
0x1d: {  	[sflag:s10] =	ssyncadd.s32 $0xFFFFD800  }
0x1e: {  	s18 =	simm.s32 $0x0;
	[bflag:$0x0] =	sbarrier.arrive $0xFFFF  }
0x1f: {  	[tilespmem:s15], [sflag:$0x1] =	stream.indirect.gather [hbm4b:s4+s14], $0x80, s18, s14, $0xb8;
	[tilespmem:$0x1D000] =	vst v63  }
0x20: {  	_ =	swait.ge [sflag:s16], $0x4000  }
0x21: {  	[sflag:s16] =	ssyncset.done $0x0  }
0x22: {  	s31 =	simm.s32 $0x2800;
	[sflag:s16] =	ssyncadd.s32 $0xFFFFC000  }
0x23: {  	[spmem:s1] =	stream.indirect.scatter.add.f32 [tilespmem:s15], [sflag:$0x2], $0x80, s31, s14, $0xb8;
	[tilespmem:$0x1D000] =	vst v63  }
0x24: {  	_ =	swait.ge [sflag:s10], $0x4000  }
0x25: {  	s19 =	simm.s32 $0x400;
	s18 =	simm.s32 $0x200;
	[sflag:s10] =	ssyncset.done $0x0  }
.LBB2_2:
0x26: {  	s20 =	sshra.s32 s18, $0x2  }
0x27: {  	[sflag:s10] =	ssyncadd.s32 $0xFFFFC000;
	s18 =	smov.u32 s19;
	s21 =	sadd.s32 $0x200, s19  }
0x28: {  	[tilespmem:s15], [sflag:$0x1] =	stream.indirect.gather [hbm4b:s4+s14], $0x80, s20, s14, $0xb8;
	[tilespmem:$0x1D000] =	vst v63  }
0x29: {  	p0 =	sne.s32 s19, $0x9E00;
	_ =	swait.ge [sflag:s16], $0x4000  }
.Ltmp0:
0x2a: {  	[sflag:s16] =	ssyncset.done $0x0;
	(pc) =	sbr.rel @p0 .LBB2_2-.Ltmp0, $4  }
0x2b: {  	s19 =	sadd.s32 $0x2800, s20;
	[sflag:s16] =	ssyncadd.s32 $0xFFFFC000  }
0x2c: {  	[spmem:s1] =	stream.indirect.scatter.add.f32 [tilespmem:s15], [sflag:$0x2], $0x80, s19, s14, $0xb8;
	[tilespmem:$0x1D000] =	vst v63  }
0x2d: {  	_ =	swait.ge [sflag:s10], $0x4000  }
0x2e: {  	s19 =	smov.u32 s21;
	[sflag:s10] =	ssyncset.done $0x0  }
0x2f: {  	s18 =	sshra.s32 s18, $0x2;
	[sflag:s10] =	ssyncadd.s32 $0xFFFFC000  }
0x30: {  	[tilespmem:s15], [sflag:$0x1] =	stream.indirect.gather [hbm4b:s4+s14], $0x80, s18, s14, $0xb8;
	[tilespmem:$0x1D000] =	vst v63  }
0x31: {  	_ =	swait.ge [sflag:s16], $0x4000  }
0x32: {  	[sflag:s16] =	ssyncset.done $0x0  }
0x33: {  	s18 =	sadd.s32 $0x2800, s18;
	[sflag:s16] =	ssyncadd.s32 $0xFFFFC000  }
0x34: {  	[spmem:s1] =	stream.indirect.scatter.add.f32 [tilespmem:s15], [sflag:$0x2], $0x80, s18, s14, $0xb8;
	[tilespmem:$0x1D000] =	vst v63  }
0x35: {  	_ =	swait.ge [sflag:s10], $0x4000  }
0x36: {  	s17 =	sadd.s32 $0x1, s17;
	[sflag:s10] =	ssyncset.done $0x0  }
0x37: {  	p0 =	sne.s32 s17, s9;
	[sflag:s10] =	ssyncadd.s32 $0xFFFFC000  }
.Ltmp1:
0x38: {  	[bflag:$0x0] =	sbarrier.arrive $0xFFFF;
	(pc) =	sbr.rel @p0 .LBB2_1-.Ltmp1, $4  }
0x39: {  	[hbm:s8], [sflag:s12] =	dma.local [spmem:s13], $0x2800  }
0x3a: {  	_ =	swait.ge [sflag:s10], $0x2800  }
0x3b: {  	[sflag:s10] =	ssyncset.done $0x0  }
0x3c: {  	[sflag:s10] =	ssyncadd.s32 $0xFFFFD800  }
0x3d: {  	_ =	sfence.sel $0x180000  }
0x3e: {  	[bflag:$0x0] =	sbarrier.arrive $0xFFFF  }
0x3f: {  	p0 =	sne.s32 s2, $0x0;
	_ =	strace $0x90000062  }
0x40: {  	s0 =	sadd.s32 @!p0 $0x100000, s0;
	[bflag:$0x2] =	sbarrier.arrive $0xFFFF  }
0x41: {  	[sflag:s0] =	ssyncadd.tile.s32 @!p0 $0x1;
	_ =	shalt  }
.Lfunc_end2:
_tile_overlayer_lowered:
.L_overlay_start_2:
0x42: {  	(tag) =	ssettag $0x2  }
0x43: {  	s0 =	rddreg [dreg:$0x0];
	s2 =	stileid.u32  }
0x44: {  	s1 =	rddreg [dreg:$0x1];
	p0 =	sne.s32 s2, $0x0  }
0x45: {  	s3 =	rddreg [dreg:$0x2];
	[bflag:$0x3] =	sbarrier.arrive $0xFFFF;
	s2 =	simm.s32 @!p0 $0x1C02  }
0x46: {  	[timem:s3], [sflag:s2] =	dma.local @!p0 [hbm:s0], s1  }
0x47: {  	s0 =	simm.s32 @!p0 $0x2  }
0x48: {  	_ =	swait.ge @!p0 [sflag:s0], s1  }
0x49: {  	s1 =	ssub.s32 @!p0 $0x0, s1;
	[sflag:s0] =	ssyncset.done @!p0 $0x0  }
0x4a: {  	[sflag:s0] =	ssyncadd.s32 @!p0 s1  }
0x4b: {  	[bflag:$0x3] =	sbarrier.arrive $0xFFFF  }
0x4c: {  	_ =	shalt  }

// kernel: kernel.47.cloned.1.call-start
scs
__scs_entry_jumppad:
0x0: {  	(pc) =	sbr.rel $0x88, $3  }
0x1: {  	(tag) =	ssettag $0x0;
	lr =	simm.s32 $0x1  }
0x2: {  	[smem:$0x3F97] =	sst lr;
	_ =	strace $0xD0000000  }
0x3: {  	_ = 	snop  }
0x4: {  	_ = 	snop  }
0x5: {  	_ = 	snop  }
0x6: {  	_ = 	snop  }
0x7: {  	_ = 	snop  }
__scs_overlays_trampoline_lowered:
0x8: {  	[smem:$0x3FA6] =	sst s0  }
0x9: {  	[smem:$0x3FA7] =	sst s1  }
0xa: {  	[smem:$0x3FA8] =	sst s2  }
0xb: {  	[smem:$0x3FA9] =	sst s3  }
0xc: {  	[smem:$0x3FAA] =	sst s4  }
0xd: {  	[smem:$0x3FAB] =	sst s5  }
0xe: {  	[smem:$0x3FAC] =	sst s6  }
0xf: {  	[smem:$0x3FAD] =	sst s7  }
0x10: {  	[smem:$0x3FAE] =	sst s8  }
0x11: {  	[smem:$0x3FAF] =	sst s9;
	s0 =	simm.s32 @!p0 $0x0  }
0x12: {  	s1 =	sld [smem:$0x3F95];
	s0 =	simm.s32 @p0 $0x1  }
0x13: {  	[smem:$0x3FB0] =	sst s0;
	s0 =	simm.s32 @!p1 $0x0  }
0x14: {  	s2 =	sld [smem:$0x3F94];
	s0 =	simm.s32 @p1 $0x1  }
0x15: {  	[smem:$0x3FB1] =	sst s0;
	s0 =	simm.s32 @!p2 $0x0  }
0x16: {  	s3 =	sld [smem:$0x3FDB];
	s0 =	simm.s32 @p2 $0x1  }
0x17: {  	s4 =	simm.s32 $0x1BF5;
	[smem:$0x3FB3] =	sst s0  }
0x18: {  	s0 =	sld [smem:$0x3F96];
	_ =	swait.ge [sflag:s4], $0x0  }
0x19: {  	s7 =	sld [smem:$0x3F97]  }
0x1a: {  	s8 =	sadd.s32 $0xFFFFE003, lr  }
0x1b: {  	s9 =	sadd.s32 $0xFFFFFEF7, lr;
	s5 =	simm.s32 $0xFFFFFFFF;
	p2 =	slt.u32 s8, $0xFFFFF086  }
0x1c: {  	p1 =	slt.u32 s9, $0xF7A;
	s5 =	simm.s32 @!p2 $0x0  }
0x1d: {  	s5 =	simm.s32 @p1 $0x1;
	p0 =	seq.s32 s7, s2  }
0x1e: {  	s7 =	smul.u32 @!p0 $0xF7A, s2;
	p2 =	seq.s32 @!p0 s5, $0x0  }
0x1f: {  	s9 =	smul.u32 $0xF7A, s1;
	s8 =	simm.s32 @!p0 $0x1BF5;
	p2 =	por !p2, p0  }
0x20: {  	[sflag:s8] =	ssyncset.s32 @!p0 $0xFFFFF086;
	s6 =	sadd.s32 @!p0 s3, s7;
	s7 =	simm.s32 @!p0 $0x108  }
0x21: {  	s3 =	sadd.s32 s3, s9;
	s6 =	sadd.s32 @!p0 $0x88, s6;
	s7 =	simm.s32 @p2 $0x1082  }
0x22: {  	[simem:s7], [sflag:s8] =	dma.local @!p0 [hbm:s6], $0xF7A  }
0x23: {  	s9 =	sor.u32 $0xD0000000, s2;
	s6 =	simm.s32 $0x108;
	_ =	swait.ge @!p0 [sflag:s8], $0x0  }
0x24: {  	s3 =	sadd.s32 $0x88, s3;
	s6 =	simm.s32 @!p1 $0x1082;
	[sflag:s4] =	ssyncset.s32 $0xFFFFF086  }
0x25: {  	[simem:s6], [sflag:s4] =	dma.local [hbm:s3], $0xF7A  }
0x26: {  	[smem:$0x3F97] =	sst s1;
	(tag) =	ssettag s2;
	_ =	strace s9  }
0x27: {  	s1 =	sld [smem:$0x3FA7]  }
0x28: {  	s2 =	sld [smem:$0x3FA8]  }
0x29: {  	s4 =	sld [smem:$0x3FAA]  }
0x2a: {  	p0 =	seq.s32 s5, $0x0;
	s5 =	sld [smem:$0x3FAB]  }
0x2b: {  	s6 =	sld [smem:$0x3FAC]  }
0x2c: {  	s7 =	sld [smem:$0x3FAD]  }
0x2d: {  	s3 =	simm.s32 $0x108;
	s8 =	sld [smem:$0x3FAE]  }
0x2e: {  	s3 =	simm.s32 @!p0 $0x1082;
	s9 =	sld [smem:$0x3FAF]  }
0x2f: {  	lr =	sadd.s32 s0, s3;
	s0 =	sld [smem:$0x3FA6]  }
0x30: {  	s3 =	sld [smem:$0x3FA9]  }
0x31: {  	[smem:$0x3FB2] =	sst s10  }
0x32: {  	s10 =	sld [smem:$0x3FB0];
	_ =	sdelay $0x3  }
0x33: {  	p0 =	seq.s32 s10, $0x1;
	s10 =	sld [smem:$0x3FB2];
	_ =	sdelay $0x3  }
0x34: {  	[smem:$0x3FB2] =	sst s10  }
0x35: {  	s10 =	sld [smem:$0x3FB1];
	_ =	sdelay $0x3  }
0x36: {  	p1 =	seq.s32 s10, $0x1;
	s10 =	sld [smem:$0x3FB2];
	_ =	sdelay $0x3  }
0x37: {  	[smem:$0x3FB2] =	sst s10  }
0x38: {  	s10 =	sld [smem:$0x3FB3]  }
0x39: {  	_ = 	snop;
	(pc) =	sbr.ind lr, $3  }
0x3a: {  	_ = 	snop  }
0x3b: {  	_ = 	snop  }
0x3c: {  	p2 =	seq.s32 s10, $0x1;
	s10 =	sld [smem:$0x3FB2]  }
0x3d: {  	_ =	shalt  }
0x3e: {  	_ =	shalt  }
0x3f: {  	_ =	shalt  }
0x40: {  	_ =	shalt  }
0x41: {  	_ =	shalt  }
0x42: {  	_ =	shalt  }
0x43: {  	_ =	shalt  }
0x44: {  	_ =	shalt  }
0x45: {  	_ =	shalt  }
0x46: {  	_ =	shalt  }
0x47: {  	_ =	shalt  }
0x48: {  	_ =	shalt  }
0x49: {  	_ =	shalt  }
0x4a: {  	_ =	shalt  }
0x4b: {  	_ =	shalt  }
0x4c: {  	_ =	shalt  }
0x4d: {  	_ =	shalt  }
0x4e: {  	_ =	shalt  }
0x4f: {  	_ =	shalt  }
0x50: {  	_ =	shalt  }
0x51: {  	_ =	shalt  }
0x52: {  	_ =	shalt  }
0x53: {  	_ =	shalt  }
0x54: {  	_ =	shalt  }
0x55: {  	_ =	shalt  }
0x56: {  	_ =	shalt  }
0x57: {  	_ =	shalt  }
0x58: {  	_ =	shalt  }
0x59: {  	_ =	shalt  }
0x5a: {  	_ =	shalt  }
0x5b: {  	_ =	shalt  }
0x5c: {  	_ =	shalt  }
0x5d: {  	_ =	shalt  }
0x5e: {  	_ =	shalt  }
0x5f: {  	_ =	shalt  }
0x60: {  	_ =	shalt  }
0x61: {  	_ =	shalt  }
0x62: {  	_ =	shalt  }
0x63: {  	_ =	shalt  }
0x64: {  	_ =	shalt  }
0x65: {  	_ =	shalt  }
0x66: {  	_ =	shalt  }
0x67: {  	_ =	shalt  }
0x68: {  	_ =	shalt  }
0x69: {  	_ =	shalt  }
0x6a: {  	_ =	shalt  }
0x6b: {  	_ =	shalt  }
0x6c: {  	_ =	shalt  }
0x6d: {  	_ =	shalt  }
0x6e: {  	_ =	shalt  }
0x6f: {  	_ =	shalt  }
0x70: {  	_ =	shalt  }
0x71: {  	_ =	shalt  }
0x72: {  	_ =	shalt  }
0x73: {  	_ =	shalt  }
0x74: {  	_ =	shalt  }
0x75: {  	_ =	shalt  }
0x76: {  	_ =	shalt  }
0x77: {  	_ =	shalt  }
0x78: {  	_ =	shalt  }
0x79: {  	_ =	shalt  }
0x7a: {  	_ =	shalt  }
0x7b: {  	_ =	shalt  }
0x7c: {  	_ =	shalt  }
0x7d: {  	_ =	shalt  }
0x7e: {  	_ =	shalt  }
0x7f: {  	_ =	shalt  }
0x80: {  	_ =	shalt  }
0x81: {  	_ =	shalt  }
0x82: {  	_ =	shalt  }
0x83: {  	_ =	shalt  }
0x84: {  	_ =	shalt  }
0x85: {  	_ =	shalt  }
0x86: {  	_ =	shalt  }
0x87: {  	_ =	shalt  }
.Lfunc_end0:
.L_simem_size_0:
called_computation.10_lowered:
.L_overlay_start_0:
0x88: {  	s2 =	sld [smem:$0x3FD9]  }
0x89: {  	s3 =	sld [smem:$0x3FFE];
	_ =	sdelay $0x1  }
0x8a: {  	s1 =	srdreg.scid  }
0x8b: {  	s0 =	sand.u32 $0x1, s1  }
0x8c: {  	s14 =	sshll.u32 s0, $0xA;
	s2 =	sadd.s32 s3, s2  }
0x8d: {  	s2 =	sadd.s32 s2, s14  }
0x8e: {  	[smem:$0x3FBE] =	sst s2  }
0x8f: {  	_ = 	snop  }
0x90: {  	s2 =	sld [smem:$0x3FD0];
	_ =	sdelay $0x2  }
0x91: {  	s15 =	simm.s32 $0xA;
	s4 =	simm.s32 $0x10  }
0x92: {  	[smem:s4], [sflag:s15] =	dma.local [hbm:s2], $0x1  }
0x93: {  	_ =	swait.eq [sflag:s15], $0x1  }
0x94: {  	[sflag:s15] =	ssyncset.done $0x0  }
0x95: {  	s16 =	sld [smem:$0x10];
	[sflag:s15] =	ssyncadd.s32 $0xFFFFFFFF  }
0x96: {  	s17 =	sld [smem:$0x11];
	(tm) =	ssettm $0x1  }
0x97: {  	s18 =	sld [smem:$0x3FFB];
	_ =	sdelay $0x3  }
0x98: {  	_ =	strace s18  }
0x99: {  	s4 =	sld [smem:$0x3FFC];
	_ =	sdelay $0x3  }
0x9a: {  	_ =	strace s4  }
0x9b: {  	s4 =	sld [smem:$0x3FFD];
	_ =	sdelay $0x3  }
0x9c: {  	_ =	strace s4  }
0x9d: {  	_ =	strace $0x8FFFFFFF  }
0x9e: {  	s19 =	sld [smem:$0x3FDB];
	_ =	sdelay $0x1  }
0x9f: {  	s5 =	simm.s32 $_scs_section_size  }
0xa0: {  	s6 =	simm.s32 $_size__tile_overlayer_lowered;
	s7 =	simm.s32 $_tile_overlayer_lowered  }
0xa1: {  	s22 =	simm.s32 $0x1BFF;
	s21 =	sshll.u32 s7, $0x1;
	s4 =	sadd.s32 s5, s19  }
0xa2: {  	s8 =	simm.s32 $0x0;
	s20 =	sshll.u32 s6, $0x1;
	s6 =	sadd.s32 s21, s4  }
0xa3: {  	[timem:s8], [sflag:s22] =	dma.local [hbm:s6], s20  }
0xa4: {  	_ =	swait.ge [sflag:s22], s20  }
0xa5: {  	s5 =	ssub.s32 $0x0, s20;
	[sflag:s22] =	ssyncset.done $0x0  }
0xa6: {  	[sflag:s22] =	ssyncadd.s32 s5;
	_ =	sdelay $0x1  }
0xa7: {  	s23 =	simm.s32 $0x1B8B  }
0xa8: {  	_ =	swait.ge [sflag:s23], $0x1  }
0xa9: {  	[sflag:s23] =	ssyncset.done $0x0  }
0xaa: {  	s25 =	simm.s32 $0x1B8E;
	s24 =	sld [smem:$0x3FFE];
	[sflag:s23] =	ssyncadd.s32 $0xFFFFFFFF  }
0xab: {  	s26 =	simm.s32 $execute0_lowered;
	[smem:$0x3FD2] =	sst s25  }
0xac: {  	s6 =	sshll.u32 s26, $0x1;
	_ =	strace $0x80000064;
	[dreg:$0x1] =	wrdreg $0xFFFFFFFF  }
0xad: {  	s28 =	simm.s32 $_size_execute0_lowered;
	s4 =	sadd.s32 s4, s6;
	[dreg:$0x0] =	wrdreg $0x0  }
0xae: {  	s6 =	sshll.u32 s28, $0x1;
	[dreg:$0x2] =	wrdreg s4  }
0xaf: {  	[dreg:$0x3] =	wrdreg s6  }
0xb0: {  	[dreg:$0x4] =	wrdreg $0xC0  }
0xb1: {  	_ =	task [dreg:s8], $0x5FFFF  }
0xb2: {  	[dreg:$0x1] =	wrdreg $0xFFFFFFFF  }
0xb3: {  	[dreg:$0x0] =	wrdreg $0x60  }
0xb4: {  	[dreg:$0x2] =	wrdreg s24  }
0xb5: {  	[dreg:$0x3] =	wrdreg s17  }
0xb6: {  	[dreg:$0x4] =	wrdreg s16  }
0xb7: {  	[dreg:$0x5] =	wrdreg $0x90000  }
0xb8: {  	[dreg:$0x6] =	wrdreg $0x9  }
0xb9: {  	_ =	task.clear_ibuf [dreg:s8], $0x7FFFF;
	_ =	strace $0x90000064  }
0xba: {  	s29 =	simm.s32 $0x9;
	_ =	strace $0x80000066  }
0xbb: {  	_ =	swait.ge [sflag:s29], $0x1  }
0xbc: {  	[sflag:s29] =	ssyncadd.s32 $0xFFFFFFFF  }
0xbd: {  	_ =	strace $0x90000066  }
0xbe: {  	_ =	sfence  }
0xbf: {  	s30 =	sld [smem:$0x0];
	_ =	sdelay $0x2  }
0xc0: {  	s31 =	sshll.u32 s1, $0xD;
	s1 =	sshrl.u32 s1, $0x2  }
0xc1: {  	s3 =	sand.u32 $0x4000, s31;
	s1 =	sadd.s32 s1, s30  }
0xc2: {  	s0 =	sor.u32 s3, s0;
	s1 =	sshll.u32 s1, $0x11  }
0xc3: {  	s0 =	sor.u32 s1, s0  }
0xc4: {  	s0 =	sadd.s32 $0x8F2B, s0  }
0xc5: {  	[sflag:s0] =	ssyncadd.remote.s32 $0x1  }
0xc6: {  	_ =	sfence.sel $0xFFFF  }
0xc7: {  	[dreg:$0x0] =	wrdreg $0xFFFFFFFF;
	(pc) =	sbr.abs _section_cstart, $3  }
0xc8: {  	[dreg:$0x1] =	wrdreg $0xFFFFFFFF  }
0xc9: {  	_ =	task.clear_ibuf [dreg:s8], $0x2FFFF;
	_ =	strace $0x9FFFFFFF  }
0xca: {  	(tm) =	ssettm $0x7FFFFFFF  }
0xcb: {  	_ =	shalt  }
tec
execute0_lowered:
.L_overlay_start_1:
0x0: {  	(tag) =	ssettag $0x1  }
0x1: {  	s5 =	rddreg [dreg:$0x0]  }
0x2: {  	s6 =	rddreg [dreg:$0x1]  }
0x3: {  	s7 =	rddreg [dreg:$0x2]  }
0x4: {  	s1 =	rddreg [dreg:$0x3];
	s2 =	srdreg.scid  }
0x5: {  	s0 =	rddreg [dreg:$0x4];
	s8 =	sand.u32 $0x1, s2  }
0x6: {  	s2 =	stileid.u32;
	s9 =	smul.u32 $0x2800, s8  }
0x7: {  	s3 =	simm.s32 $0x0;
	s15 =	simm.s32 $0x5000;
	s10 =	smul.u32 $0x280, s2  }
0x8: {  	s16 =	simm.s32 $0x1;
	s17 =	simm.s32 $0x0;
	s11 =	smul.u32 $0x2800, s2  }
0x9: {  	[smem:$0x7FF] =	sst s3;
	s26 =	ssub.s32 $0x2, s8;
	s8 =	smul.u32 $0x28000, s8  }
0xa: {  	s4 =	sadd.s32 $0x10000, s5;
	_ =	strace $0x80000065;
	s13 =	smul.u32 $0x50000, s2  }
0xb: {  	s31 =	sshll.u32 s2, $0x6;
	s12 =	sshrl.u32 s26, $0x1;
	s9 =	sadd.s32 s10, s9  }
0xc: {  	s10 =	ssub.s32 s26, s12;
	s28 =	sadd.s32 s11, s8;
	s29 =	sshrl.u32 s11, $0x3  }
0xd: {  	s30 =	sshrl.u32 s13, $0x2;
	s11 =	simm.s32 $0x2800;
	s9 =	sshll.u32 s9, $0x4  }
0xe: {  	s13 =	sadd.s32 s30, s1;
	s14 =	sadd.s32 s9, s5;
	s5 =	sshrl.u32 s28, $0x3  }
0xf: {  	s12 =	sor.u32 $0x1C02, s31;
	s13 =	sshrl.u32 s13, $0x3;
	s5 =	sadd.s32 s6, s5  }
0x10: {  	s6 =	sadd.s32 s7, s29;
	s7 =	sadd.s32 s4, s9;
	s8 =	sadd.s32 $0x60000, s14  }
0x11: {  	s9 =	smax.u32 s10, $0x1;
	s10 =	simm.s32 $0x2;
	s14 =	simm.s32 $0x80  }
.LBB2_1:
0x12: {  	[tilespmem:s3], [sflag:$0x2] =	stream.linear.gather [hbm4b:s5+s3], $0x2800, $0x38;
	[tilespmem:$0x1D000] =	vst v63  }
0x13: {  	_ =	swait.ge [sflag:s10], $0x2800  }
0x14: {  	[sflag:s10] =	ssyncset.done $0x0  }
0x15: {  	[sflag:s10] =	ssyncadd.s32 $0xFFFFD800  }
0x16: {  	[tilespmem:s11], [sflag:$0x2] =	stream.linear.gather [hbm4b:s6+s3], $0x2800, $0x38;
	[tilespmem:$0x1D000] =	vst v63  }
0x17: {  	_ =	swait.ge [sflag:s10], $0x2800  }
0x18: {  	[sflag:s10] =	ssyncset.done $0x0  }
0x19: {  	[sflag:s10] =	ssyncadd.s32 $0xFFFFD800  }
0x1a: {  	[spmem:s13], [sflag:s12] =	dma.local [hbm:s7], $0x2800  }
0x1b: {  	_ =	swait.ge [sflag:s10], $0x2800  }
0x1c: {  	[sflag:s10] =	ssyncset.done $0x0  }
0x1d: {  	[sflag:s10] =	ssyncadd.s32 $0xFFFFD800  }
0x1e: {  	s18 =	simm.s32 $0x0;
	[bflag:$0x0] =	sbarrier.arrive $0xFFFF  }
0x1f: {  	[tilespmem:s15], [sflag:$0x1] =	stream.indirect.gather [hbm4b:s4+s14], $0x80, s18, s14, $0xb8;
	[tilespmem:$0x1D000] =	vst v63  }
0x20: {  	_ =	swait.ge [sflag:s16], $0x4000  }
0x21: {  	[sflag:s16] =	ssyncset.done $0x0  }
0x22: {  	s31 =	simm.s32 $0x2800;
	[sflag:s16] =	ssyncadd.s32 $0xFFFFC000  }
0x23: {  	[spmem:s1] =	stream.indirect.scatter.add.f32 [tilespmem:s15], [sflag:$0x2], $0x80, s31, s14, $0xb8;
	[tilespmem:$0x1D000] =	vst v63  }
0x24: {  	_ =	swait.ge [sflag:s10], $0x4000  }
0x25: {  	s19 =	simm.s32 $0x400;
	s18 =	simm.s32 $0x200;
	[sflag:s10] =	ssyncset.done $0x0  }
.LBB2_2:
0x26: {  	s20 =	sshra.s32 s18, $0x2  }
0x27: {  	[sflag:s10] =	ssyncadd.s32 $0xFFFFC000;
	s18 =	smov.u32 s19;
	s21 =	sadd.s32 $0x200, s19  }
0x28: {  	[tilespmem:s15], [sflag:$0x1] =	stream.indirect.gather [hbm4b:s4+s14], $0x80, s20, s14, $0xb8;
	[tilespmem:$0x1D000] =	vst v63  }
0x29: {  	p0 =	sne.s32 s19, $0x9E00;
	_ =	swait.ge [sflag:s16], $0x4000  }
.Ltmp0:
0x2a: {  	[sflag:s16] =	ssyncset.done $0x0;
	(pc) =	sbr.rel @p0 .LBB2_2-.Ltmp0, $4  }
0x2b: {  	s19 =	sadd.s32 $0x2800, s20;
	[sflag:s16] =	ssyncadd.s32 $0xFFFFC000  }
0x2c: {  	[spmem:s1] =	stream.indirect.scatter.add.f32 [tilespmem:s15], [sflag:$0x2], $0x80, s19, s14, $0xb8;
	[tilespmem:$0x1D000] =	vst v63  }
0x2d: {  	_ =	swait.ge [sflag:s10], $0x4000  }
0x2e: {  	s19 =	smov.u32 s21;
	[sflag:s10] =	ssyncset.done $0x0  }
0x2f: {  	s18 =	sshra.s32 s18, $0x2;
	[sflag:s10] =	ssyncadd.s32 $0xFFFFC000  }
0x30: {  	[tilespmem:s15], [sflag:$0x1] =	stream.indirect.gather [hbm4b:s4+s14], $0x80, s18, s14, $0xb8;
	[tilespmem:$0x1D000] =	vst v63  }
0x31: {  	_ =	swait.ge [sflag:s16], $0x4000  }
0x32: {  	[sflag:s16] =	ssyncset.done $0x0  }
0x33: {  	s18 =	sadd.s32 $0x2800, s18;
	[sflag:s16] =	ssyncadd.s32 $0xFFFFC000  }
0x34: {  	[spmem:s1] =	stream.indirect.scatter.add.f32 [tilespmem:s15], [sflag:$0x2], $0x80, s18, s14, $0xb8;
	[tilespmem:$0x1D000] =	vst v63  }
0x35: {  	_ =	swait.ge [sflag:s10], $0x4000  }
0x36: {  	s17 =	sadd.s32 $0x1, s17;
	[sflag:s10] =	ssyncset.done $0x0  }
0x37: {  	p0 =	sne.s32 s17, s9;
	[sflag:s10] =	ssyncadd.s32 $0xFFFFC000  }
.Ltmp1:
0x38: {  	[bflag:$0x0] =	sbarrier.arrive $0xFFFF;
	(pc) =	sbr.rel @p0 .LBB2_1-.Ltmp1, $4  }
0x39: {  	[hbm:s8], [sflag:s12] =	dma.local [spmem:s13], $0x2800  }
0x3a: {  	_ =	swait.ge [sflag:s10], $0x2800  }
0x3b: {  	[sflag:s10] =	ssyncset.done $0x0  }
0x3c: {  	[sflag:s10] =	ssyncadd.s32 $0xFFFFD800  }
0x3d: {  	_ =	sfence.sel $0x180000  }
0x3e: {  	[bflag:$0x0] =	sbarrier.arrive $0xFFFF  }
0x3f: {  	p0 =	sne.s32 s2, $0x0;
	_ =	strace $0x90000065  }
0x40: {  	s0 =	sadd.s32 @!p0 $0x100000, s0;
	[bflag:$0x2] =	sbarrier.arrive $0xFFFF  }
0x41: {  	[sflag:s0] =	ssyncadd.tile.s32 @!p0 $0x1;
	_ =	shalt  }
.Lfunc_end2:
_tile_overlayer_lowered:
.L_overlay_start_2:
0x42: {  	(tag) =	ssettag $0x2  }
0x43: {  	s0 =	rddreg [dreg:$0x0];
	s2 =	stileid.u32  }
0x44: {  	s1 =	rddreg [dreg:$0x1];
	p0 =	sne.s32 s2, $0x0  }
0x45: {  	s3 =	rddreg [dreg:$0x2];
	[bflag:$0x3] =	sbarrier.arrive $0xFFFF;
	s2 =	simm.s32 @!p0 $0x1C02  }
0x46: {  	[timem:s3], [sflag:s2] =	dma.local @!p0 [hbm:s0], s1  }
0x47: {  	s0 =	simm.s32 @!p0 $0x2  }
0x48: {  	_ =	swait.ge @!p0 [sflag:s0], s1  }
0x49: {  	s1 =	ssub.s32 @!p0 $0x0, s1;
	[sflag:s0] =	ssyncset.done @!p0 $0x0  }
0x4a: {  	[sflag:s0] =	ssyncadd.s32 @!p0 s1  }
0x4b: {  	[bflag:$0x3] =	sbarrier.arrive $0xFFFF  }
0x4c: {  	_ =	shalt  }

// kernel: kernel.50.cloned.1.call-start
scs
__scs_entry_jumppad:
0x0: {  	(pc) =	sbr.rel $0x88, $3  }
0x1: {  	(tag) =	ssettag $0x0;
	lr =	simm.s32 $0x1  }
0x2: {  	[smem:$0x3F97] =	sst lr;
	_ =	strace $0xD0000000  }
0x3: {  	_ = 	snop  }
0x4: {  	_ = 	snop  }
0x5: {  	_ = 	snop  }
0x6: {  	_ = 	snop  }
0x7: {  	_ = 	snop  }
__scs_overlays_trampoline_lowered:
0x8: {  	[smem:$0x3FA6] =	sst s0  }
0x9: {  	[smem:$0x3FA7] =	sst s1  }
0xa: {  	[smem:$0x3FA8] =	sst s2  }
0xb: {  	[smem:$0x3FA9] =	sst s3  }
0xc: {  	[smem:$0x3FAA] =	sst s4  }
0xd: {  	[smem:$0x3FAB] =	sst s5  }
0xe: {  	[smem:$0x3FAC] =	sst s6  }
0xf: {  	[smem:$0x3FAD] =	sst s7  }
0x10: {  	[smem:$0x3FAE] =	sst s8  }
0x11: {  	[smem:$0x3FAF] =	sst s9;
	s0 =	simm.s32 @!p0 $0x0  }
0x12: {  	s1 =	sld [smem:$0x3F95];
	s0 =	simm.s32 @p0 $0x1  }
0x13: {  	[smem:$0x3FB0] =	sst s0;
	s0 =	simm.s32 @!p1 $0x0  }
0x14: {  	s2 =	sld [smem:$0x3F94];
	s0 =	simm.s32 @p1 $0x1  }
0x15: {  	[smem:$0x3FB1] =	sst s0;
	s0 =	simm.s32 @!p2 $0x0  }
0x16: {  	s3 =	sld [smem:$0x3FDB];
	s0 =	simm.s32 @p2 $0x1  }
0x17: {  	s4 =	simm.s32 $0x1BF5;
	[smem:$0x3FB3] =	sst s0  }
0x18: {  	s0 =	sld [smem:$0x3F96];
	_ =	swait.ge [sflag:s4], $0x0  }
0x19: {  	s7 =	sld [smem:$0x3F97]  }
0x1a: {  	s8 =	sadd.s32 $0xFFFFE003, lr  }
0x1b: {  	s9 =	sadd.s32 $0xFFFFFEF7, lr;
	s5 =	simm.s32 $0xFFFFFFFF;
	p2 =	slt.u32 s8, $0xFFFFF086  }
0x1c: {  	p1 =	slt.u32 s9, $0xF7A;
	s5 =	simm.s32 @!p2 $0x0  }
0x1d: {  	s5 =	simm.s32 @p1 $0x1;
	p0 =	seq.s32 s7, s2  }
0x1e: {  	s7 =	smul.u32 @!p0 $0xF7A, s2;
	p2 =	seq.s32 @!p0 s5, $0x0  }
0x1f: {  	s9 =	smul.u32 $0xF7A, s1;
	s8 =	simm.s32 @!p0 $0x1BF5;
	p2 =	por !p2, p0  }
0x20: {  	[sflag:s8] =	ssyncset.s32 @!p0 $0xFFFFF086;
	s6 =	sadd.s32 @!p0 s3, s7;
	s7 =	simm.s32 @!p0 $0x108  }
0x21: {  	s3 =	sadd.s32 s3, s9;
	s6 =	sadd.s32 @!p0 $0x88, s6;
	s7 =	simm.s32 @p2 $0x1082  }
0x22: {  	[simem:s7], [sflag:s8] =	dma.local @!p0 [hbm:s6], $0xF7A  }
0x23: {  	s9 =	sor.u32 $0xD0000000, s2;
	s6 =	simm.s32 $0x108;
	_ =	swait.ge @!p0 [sflag:s8], $0x0  }
0x24: {  	s3 =	sadd.s32 $0x88, s3;
	s6 =	simm.s32 @!p1 $0x1082;
	[sflag:s4] =	ssyncset.s32 $0xFFFFF086  }
0x25: {  	[simem:s6], [sflag:s4] =	dma.local [hbm:s3], $0xF7A  }
0x26: {  	[smem:$0x3F97] =	sst s1;
	(tag) =	ssettag s2;
	_ =	strace s9  }
0x27: {  	s1 =	sld [smem:$0x3FA7]  }
0x28: {  	s2 =	sld [smem:$0x3FA8]  }
0x29: {  	s4 =	sld [smem:$0x3FAA]  }
0x2a: {  	p0 =	seq.s32 s5, $0x0;
	s5 =	sld [smem:$0x3FAB]  }
0x2b: {  	s6 =	sld [smem:$0x3FAC]  }
0x2c: {  	s7 =	sld [smem:$0x3FAD]  }
0x2d: {  	s3 =	simm.s32 $0x108;
	s8 =	sld [smem:$0x3FAE]  }
0x2e: {  	s3 =	simm.s32 @!p0 $0x1082;
	s9 =	sld [smem:$0x3FAF]  }
0x2f: {  	lr =	sadd.s32 s0, s3;
	s0 =	sld [smem:$0x3FA6]  }
0x30: {  	s3 =	sld [smem:$0x3FA9]  }
0x31: {  	[smem:$0x3FB2] =	sst s10  }
0x32: {  	s10 =	sld [smem:$0x3FB0];
	_ =	sdelay $0x3  }
0x33: {  	p0 =	seq.s32 s10, $0x1;
	s10 =	sld [smem:$0x3FB2];
	_ =	sdelay $0x3  }
0x34: {  	[smem:$0x3FB2] =	sst s10  }
0x35: {  	s10 =	sld [smem:$0x3FB1];
	_ =	sdelay $0x3  }
0x36: {  	p1 =	seq.s32 s10, $0x1;
	s10 =	sld [smem:$0x3FB2];
	_ =	sdelay $0x3  }
0x37: {  	[smem:$0x3FB2] =	sst s10  }
0x38: {  	s10 =	sld [smem:$0x3FB3]  }
0x39: {  	_ = 	snop;
	(pc) =	sbr.ind lr, $3  }
0x3a: {  	_ = 	snop  }
0x3b: {  	_ = 	snop  }
0x3c: {  	p2 =	seq.s32 s10, $0x1;
	s10 =	sld [smem:$0x3FB2]  }
0x3d: {  	_ =	shalt  }
0x3e: {  	_ =	shalt  }
0x3f: {  	_ =	shalt  }
0x40: {  	_ =	shalt  }
0x41: {  	_ =	shalt  }
0x42: {  	_ =	shalt  }
0x43: {  	_ =	shalt  }
0x44: {  	_ =	shalt  }
0x45: {  	_ =	shalt  }
0x46: {  	_ =	shalt  }
0x47: {  	_ =	shalt  }
0x48: {  	_ =	shalt  }
0x49: {  	_ =	shalt  }
0x4a: {  	_ =	shalt  }
0x4b: {  	_ =	shalt  }
0x4c: {  	_ =	shalt  }
0x4d: {  	_ =	shalt  }
0x4e: {  	_ =	shalt  }
0x4f: {  	_ =	shalt  }
0x50: {  	_ =	shalt  }
0x51: {  	_ =	shalt  }
0x52: {  	_ =	shalt  }
0x53: {  	_ =	shalt  }
0x54: {  	_ =	shalt  }
0x55: {  	_ =	shalt  }
0x56: {  	_ =	shalt  }
0x57: {  	_ =	shalt  }
0x58: {  	_ =	shalt  }
0x59: {  	_ =	shalt  }
0x5a: {  	_ =	shalt  }
0x5b: {  	_ =	shalt  }
0x5c: {  	_ =	shalt  }
0x5d: {  	_ =	shalt  }
0x5e: {  	_ =	shalt  }
0x5f: {  	_ =	shalt  }
0x60: {  	_ =	shalt  }
0x61: {  	_ =	shalt  }
0x62: {  	_ =	shalt  }
0x63: {  	_ =	shalt  }
0x64: {  	_ =	shalt  }
0x65: {  	_ =	shalt  }
0x66: {  	_ =	shalt  }
0x67: {  	_ =	shalt  }
0x68: {  	_ =	shalt  }
0x69: {  	_ =	shalt  }
0x6a: {  	_ =	shalt  }
0x6b: {  	_ =	shalt  }
0x6c: {  	_ =	shalt  }
0x6d: {  	_ =	shalt  }
0x6e: {  	_ =	shalt  }
0x6f: {  	_ =	shalt  }
0x70: {  	_ =	shalt  }
0x71: {  	_ =	shalt  }
0x72: {  	_ =	shalt  }
0x73: {  	_ =	shalt  }
0x74: {  	_ =	shalt  }
0x75: {  	_ =	shalt  }
0x76: {  	_ =	shalt  }
0x77: {  	_ =	shalt  }
0x78: {  	_ =	shalt  }
0x79: {  	_ =	shalt  }
0x7a: {  	_ =	shalt  }
0x7b: {  	_ =	shalt  }
0x7c: {  	_ =	shalt  }
0x7d: {  	_ =	shalt  }
0x7e: {  	_ =	shalt  }
0x7f: {  	_ =	shalt  }
0x80: {  	_ =	shalt  }
0x81: {  	_ =	shalt  }
0x82: {  	_ =	shalt  }
0x83: {  	_ =	shalt  }
0x84: {  	_ =	shalt  }
0x85: {  	_ =	shalt  }
0x86: {  	_ =	shalt  }
0x87: {  	_ =	shalt  }
.Lfunc_end0:
.L_simem_size_0:
called_computation.11_lowered:
.L_overlay_start_0:
0x88: {  	s2 =	sld [smem:$0x3FD9]  }
0x89: {  	s3 =	sld [smem:$0x3FFE];
	_ =	sdelay $0x1  }
0x8a: {  	s1 =	srdreg.scid  }
0x8b: {  	s0 =	sand.u32 $0x1, s1  }
0x8c: {  	s14 =	sshll.u32 s0, $0xA;
	s2 =	sadd.s32 s3, s2  }
0x8d: {  	s2 =	sadd.s32 s2, s14  }
0x8e: {  	[smem:$0x3FBE] =	sst s2  }
0x8f: {  	_ = 	snop  }
0x90: {  	s2 =	sld [smem:$0x3FD0];
	_ =	sdelay $0x2  }
0x91: {  	s15 =	simm.s32 $0xA;
	s4 =	simm.s32 $0x10  }
0x92: {  	[smem:s4], [sflag:s15] =	dma.local [hbm:s2], $0x1  }
0x93: {  	_ =	swait.eq [sflag:s15], $0x1  }
0x94: {  	[sflag:s15] =	ssyncset.done $0x0  }
0x95: {  	s16 =	sld [smem:$0x10];
	[sflag:s15] =	ssyncadd.s32 $0xFFFFFFFF  }
0x96: {  	s17 =	sld [smem:$0x11];
	(tm) =	ssettm $0x1  }
0x97: {  	s18 =	sld [smem:$0x3FFB];
	_ =	sdelay $0x3  }
0x98: {  	_ =	strace s18  }
0x99: {  	s4 =	sld [smem:$0x3FFC];
	_ =	sdelay $0x3  }
0x9a: {  	_ =	strace s4  }
0x9b: {  	s4 =	sld [smem:$0x3FFD];
	_ =	sdelay $0x3  }
0x9c: {  	_ =	strace s4  }
0x9d: {  	_ =	strace $0x8FFFFFFF  }
0x9e: {  	s19 =	sld [smem:$0x3FDB];
	_ =	sdelay $0x1  }
0x9f: {  	s5 =	simm.s32 $_scs_section_size  }
0xa0: {  	s6 =	simm.s32 $_size__tile_overlayer_lowered;
	s7 =	simm.s32 $_tile_overlayer_lowered  }
0xa1: {  	s22 =	simm.s32 $0x1BFF;
	s21 =	sshll.u32 s7, $0x1;
	s4 =	sadd.s32 s5, s19  }
0xa2: {  	s8 =	simm.s32 $0x0;
	s20 =	sshll.u32 s6, $0x1;
	s6 =	sadd.s32 s21, s4  }
0xa3: {  	[timem:s8], [sflag:s22] =	dma.local [hbm:s6], s20  }
0xa4: {  	_ =	swait.ge [sflag:s22], s20  }
0xa5: {  	s5 =	ssub.s32 $0x0, s20;
	[sflag:s22] =	ssyncset.done $0x0  }
0xa6: {  	[sflag:s22] =	ssyncadd.s32 s5;
	_ =	sdelay $0x1  }
0xa7: {  	s23 =	simm.s32 $0x1B8B  }
0xa8: {  	_ =	swait.ge [sflag:s23], $0x1  }
0xa9: {  	[sflag:s23] =	ssyncset.done $0x0  }
0xaa: {  	s25 =	simm.s32 $0x1B8E;
	s24 =	sld [smem:$0x3FFE];
	[sflag:s23] =	ssyncadd.s32 $0xFFFFFFFF  }
0xab: {  	s26 =	simm.s32 $execute0_lowered;
	[smem:$0x3FD2] =	sst s25  }
0xac: {  	s6 =	sshll.u32 s26, $0x1;
	_ =	strace $0x80000067;
	[dreg:$0x1] =	wrdreg $0xFFFFFFFF  }
0xad: {  	s28 =	simm.s32 $_size_execute0_lowered;
	s4 =	sadd.s32 s4, s6;
	[dreg:$0x0] =	wrdreg $0x0  }
0xae: {  	s6 =	sshll.u32 s28, $0x1;
	[dreg:$0x2] =	wrdreg s4  }
0xaf: {  	[dreg:$0x3] =	wrdreg s6  }
0xb0: {  	[dreg:$0x4] =	wrdreg $0xC0  }
0xb1: {  	_ =	task [dreg:s8], $0x5FFFF  }
0xb2: {  	[dreg:$0x1] =	wrdreg $0xFFFFFFFF  }
0xb3: {  	[dreg:$0x0] =	wrdreg $0x60  }
0xb4: {  	[dreg:$0x2] =	wrdreg s24  }
0xb5: {  	[dreg:$0x3] =	wrdreg s17  }
0xb6: {  	[dreg:$0x4] =	wrdreg s16  }
0xb7: {  	[dreg:$0x5] =	wrdreg $0x90000  }
0xb8: {  	[dreg:$0x6] =	wrdreg $0x9  }
0xb9: {  	_ =	task.clear_ibuf [dreg:s8], $0x7FFFF;
	_ =	strace $0x90000067  }
0xba: {  	s29 =	simm.s32 $0x9;
	_ =	strace $0x80000069  }
0xbb: {  	_ =	swait.ge [sflag:s29], $0x1  }
0xbc: {  	[sflag:s29] =	ssyncadd.s32 $0xFFFFFFFF  }
0xbd: {  	_ =	strace $0x90000069  }
0xbe: {  	_ =	sfence  }
0xbf: {  	s30 =	sld [smem:$0x0];
	_ =	sdelay $0x2  }
0xc0: {  	s31 =	sshll.u32 s1, $0xD;
	s1 =	sshrl.u32 s1, $0x2  }
0xc1: {  	s3 =	sand.u32 $0x4000, s31;
	s1 =	sadd.s32 s1, s30  }
0xc2: {  	s0 =	sor.u32 s3, s0;
	s1 =	sshll.u32 s1, $0x11  }
0xc3: {  	s0 =	sor.u32 s1, s0  }
0xc4: {  	s0 =	sadd.s32 $0x8F2B, s0  }
0xc5: {  	[sflag:s0] =	ssyncadd.remote.s32 $0x1  }
0xc6: {  	_ =	sfence.sel $0xFFFF  }
0xc7: {  	[dreg:$0x0] =	wrdreg $0xFFFFFFFF;
	(pc) =	sbr.abs _section_cstart, $3  }
0xc8: {  	[dreg:$0x1] =	wrdreg $0xFFFFFFFF  }
0xc9: {  	_ =	task.clear_ibuf [dreg:s8], $0x2FFFF;
	_ =	strace $0x9FFFFFFF  }
0xca: {  	(tm) =	ssettm $0x7FFFFFFF  }
0xcb: {  	_ =	shalt  }
tec
execute0_lowered:
.L_overlay_start_1:
0x0: {  	(tag) =	ssettag $0x1  }
0x1: {  	s5 =	rddreg [dreg:$0x0]  }
0x2: {  	s6 =	rddreg [dreg:$0x1]  }
0x3: {  	s7 =	rddreg [dreg:$0x2]  }
0x4: {  	s1 =	rddreg [dreg:$0x3];
	s2 =	srdreg.scid  }
0x5: {  	s0 =	rddreg [dreg:$0x4];
	s8 =	sand.u32 $0x1, s2  }
0x6: {  	s2 =	stileid.u32;
	s9 =	smul.u32 $0x2800, s8  }
0x7: {  	s3 =	simm.s32 $0x0;
	s15 =	simm.s32 $0x5000;
	s10 =	smul.u32 $0x280, s2  }
0x8: {  	s16 =	simm.s32 $0x1;
	s17 =	simm.s32 $0x0;
	s11 =	smul.u32 $0x2800, s2  }
0x9: {  	[smem:$0x7FF] =	sst s3;
	s26 =	ssub.s32 $0x2, s8;
	s8 =	smul.u32 $0x28000, s8  }
0xa: {  	s4 =	sadd.s32 $0x10000, s5;
	_ =	strace $0x80000068;
	s13 =	smul.u32 $0x50000, s2  }
0xb: {  	s31 =	sshll.u32 s2, $0x6;
	s12 =	sshrl.u32 s26, $0x1;
	s9 =	sadd.s32 s10, s9  }
0xc: {  	s10 =	ssub.s32 s26, s12;
	s28 =	sadd.s32 s11, s8;
	s29 =	sshrl.u32 s11, $0x3  }
0xd: {  	s30 =	sshrl.u32 s13, $0x2;
	s11 =	simm.s32 $0x2800;
	s9 =	sshll.u32 s9, $0x4  }
0xe: {  	s13 =	sadd.s32 s30, s1;
	s14 =	sadd.s32 s9, s5;
	s5 =	sshrl.u32 s28, $0x3  }
0xf: {  	s12 =	sor.u32 $0x1C02, s31;
	s13 =	sshrl.u32 s13, $0x3;
	s5 =	sadd.s32 s6, s5  }
0x10: {  	s6 =	sadd.s32 s7, s29;
	s7 =	sadd.s32 s4, s9;
	s8 =	sadd.s32 $0x60000, s14  }
0x11: {  	s9 =	smax.u32 s10, $0x1;
	s10 =	simm.s32 $0x2;
	s14 =	simm.s32 $0x80  }
.LBB2_1:
0x12: {  	[tilespmem:s3], [sflag:$0x2] =	stream.linear.gather [hbm4b:s5+s3], $0x2800, $0x38;
	[tilespmem:$0x1D000] =	vst v63  }
0x13: {  	_ =	swait.ge [sflag:s10], $0x2800  }
0x14: {  	[sflag:s10] =	ssyncset.done $0x0  }
0x15: {  	[sflag:s10] =	ssyncadd.s32 $0xFFFFD800  }
0x16: {  	[tilespmem:s11], [sflag:$0x2] =	stream.linear.gather [hbm4b:s6+s3], $0x2800, $0x38;
	[tilespmem:$0x1D000] =	vst v63  }
0x17: {  	_ =	swait.ge [sflag:s10], $0x2800  }
0x18: {  	[sflag:s10] =	ssyncset.done $0x0  }
0x19: {  	[sflag:s10] =	ssyncadd.s32 $0xFFFFD800  }
0x1a: {  	[spmem:s13], [sflag:s12] =	dma.local [hbm:s7], $0x2800  }
0x1b: {  	_ =	swait.ge [sflag:s10], $0x2800  }
0x1c: {  	[sflag:s10] =	ssyncset.done $0x0  }
0x1d: {  	[sflag:s10] =	ssyncadd.s32 $0xFFFFD800  }
0x1e: {  	s18 =	simm.s32 $0x0;
	[bflag:$0x0] =	sbarrier.arrive $0xFFFF  }
0x1f: {  	[tilespmem:s15], [sflag:$0x1] =	stream.indirect.gather [hbm4b:s4+s14], $0x80, s18, s14, $0xb8;
	[tilespmem:$0x1D000] =	vst v63  }
0x20: {  	_ =	swait.ge [sflag:s16], $0x4000  }
0x21: {  	[sflag:s16] =	ssyncset.done $0x0  }
0x22: {  	s31 =	simm.s32 $0x2800;
	[sflag:s16] =	ssyncadd.s32 $0xFFFFC000  }
0x23: {  	[spmem:s1] =	stream.indirect.scatter.add.f32 [tilespmem:s15], [sflag:$0x2], $0x80, s31, s14, $0xb8;
	[tilespmem:$0x1D000] =	vst v63  }
0x24: {  	_ =	swait.ge [sflag:s10], $0x4000  }
0x25: {  	s19 =	simm.s32 $0x400;
	s18 =	simm.s32 $0x200;
	[sflag:s10] =	ssyncset.done $0x0  }
.LBB2_2:
0x26: {  	s20 =	sshra.s32 s18, $0x2  }
0x27: {  	[sflag:s10] =	ssyncadd.s32 $0xFFFFC000;
	s18 =	smov.u32 s19;
	s21 =	sadd.s32 $0x200, s19  }
0x28: {  	[tilespmem:s15], [sflag:$0x1] =	stream.indirect.gather [hbm4b:s4+s14], $0x80, s20, s14, $0xb8;
	[tilespmem:$0x1D000] =	vst v63  }
0x29: {  	p0 =	sne.s32 s19, $0x9E00;
	_ =	swait.ge [sflag:s16], $0x4000  }
.Ltmp0:
0x2a: {  	[sflag:s16] =	ssyncset.done $0x0;
	(pc) =	sbr.rel @p0 .LBB2_2-.Ltmp0, $4  }
0x2b: {  	s19 =	sadd.s32 $0x2800, s20;
	[sflag:s16] =	ssyncadd.s32 $0xFFFFC000  }
0x2c: {  	[spmem:s1] =	stream.indirect.scatter.add.f32 [tilespmem:s15], [sflag:$0x2], $0x80, s19, s14, $0xb8;
	[tilespmem:$0x1D000] =	vst v63  }
0x2d: {  	_ =	swait.ge [sflag:s10], $0x4000  }
0x2e: {  	s19 =	smov.u32 s21;
	[sflag:s10] =	ssyncset.done $0x0  }
0x2f: {  	s18 =	sshra.s32 s18, $0x2;
	[sflag:s10] =	ssyncadd.s32 $0xFFFFC000  }
0x30: {  	[tilespmem:s15], [sflag:$0x1] =	stream.indirect.gather [hbm4b:s4+s14], $0x80, s18, s14, $0xb8;
	[tilespmem:$0x1D000] =	vst v63  }
0x31: {  	_ =	swait.ge [sflag:s16], $0x4000  }
0x32: {  	[sflag:s16] =	ssyncset.done $0x0  }
0x33: {  	s18 =	sadd.s32 $0x2800, s18;
	[sflag:s16] =	ssyncadd.s32 $0xFFFFC000  }
0x34: {  	[spmem:s1] =	stream.indirect.scatter.add.f32 [tilespmem:s15], [sflag:$0x2], $0x80, s18, s14, $0xb8;
	[tilespmem:$0x1D000] =	vst v63  }
0x35: {  	_ =	swait.ge [sflag:s10], $0x4000  }
0x36: {  	s17 =	sadd.s32 $0x1, s17;
	[sflag:s10] =	ssyncset.done $0x0  }
0x37: {  	p0 =	sne.s32 s17, s9;
	[sflag:s10] =	ssyncadd.s32 $0xFFFFC000  }
.Ltmp1:
0x38: {  	[bflag:$0x0] =	sbarrier.arrive $0xFFFF;
	(pc) =	sbr.rel @p0 .LBB2_1-.Ltmp1, $4  }
0x39: {  	[hbm:s8], [sflag:s12] =	dma.local [spmem:s13], $0x2800  }
0x3a: {  	_ =	swait.ge [sflag:s10], $0x2800  }
0x3b: {  	[sflag:s10] =	ssyncset.done $0x0  }
0x3c: {  	[sflag:s10] =	ssyncadd.s32 $0xFFFFD800  }
0x3d: {  	_ =	sfence.sel $0x180000  }
0x3e: {  	[bflag:$0x0] =	sbarrier.arrive $0xFFFF  }
0x3f: {  	p0 =	sne.s32 s2, $0x0;
	_ =	strace $0x90000068  }
0x40: {  	s0 =	sadd.s32 @!p0 $0x100000, s0;
	[bflag:$0x2] =	sbarrier.arrive $0xFFFF  }
0x41: {  	[sflag:s0] =	ssyncadd.tile.s32 @!p0 $0x1;
	_ =	shalt  }
.Lfunc_end2:
_tile_overlayer_lowered:
.L_overlay_start_2:
0x42: {  	(tag) =	ssettag $0x2  }
0x43: {  	s0 =	rddreg [dreg:$0x0];
	s2 =	stileid.u32  }
0x44: {  	s1 =	rddreg [dreg:$0x1];
	p0 =	sne.s32 s2, $0x0  }
0x45: {  	s3 =	rddreg [dreg:$0x2];
	[bflag:$0x3] =	sbarrier.arrive $0xFFFF;
	s2 =	simm.s32 @!p0 $0x1C02  }
0x46: {  	[timem:s3], [sflag:s2] =	dma.local @!p0 [hbm:s0], s1  }
0x47: {  	s0 =	simm.s32 @!p0 $0x2  }
0x48: {  	_ =	swait.ge @!p0 [sflag:s0], s1  }
0x49: {  	s1 =	ssub.s32 @!p0 $0x0, s1;
	[sflag:s0] =	ssyncset.done @!p0 $0x0  }
0x4a: {  	[sflag:s0] =	ssyncadd.s32 @!p0 s1  }
0x4b: {  	[bflag:$0x3] =	sbarrier.arrive $0xFFFF  }
0x4c: {  	_ =	shalt  }

</sc_bundles>
